<compile_context>
chip_gen: v7x
topology: tpu7x:2x2x1
jax: 0.10.2.dev20260603
libtpu: 0.0.44.dev20260713+nightly
codegen_flags: <defaults>
</compile_context>

<pallas_src>
import functools

import jax
import jax.numpy as jnp
import numpy as np
from jax import lax
from jax.experimental import pallas as pl
from jax.experimental.pallas import tpu as pltpu
from jax.experimental.pallas import tpu_sc as plsc

N = 10000
E = 320000
D = 128
D_EDGE = 16
D_DIST = 16
HID = 8
AVG_NUM_NEIGHBORS = 32.0

CH = 40
N_WORKERS = 32
EPW = E // N_WORKERS
CPW = EPW // CH
ROWS_PER_TILE = 624
ROWS_TAIL = N - 16 * ROWS_PER_TILE

_A_REP = np.kron(np.eye(HID, dtype=np.float32), np.ones((1, D_EDGE), np.float32))
_B_TILE = np.tile(np.eye(D_EDGE, dtype=np.float32), (1, HID))

EPW_A = 3400
EPW_B = EPW - EPW_A
E_A = N_WORKERS * EPW_A
E_B = E - E_A
CPW_A = EPW_A // CH
CPW_B = EPW_B // CH


def _ssp(x):
    return jnp.maximum(x, 0.0) + jnp.log(1.0 + jnp.exp(-jnp.abs(x))) - np.float32(np.log(2.0))


def _x_body(nf_ref, w1_ref, x_ref):
    x_ref[...] = jnp.dot(nf_ref[...], w1_ref[...], preferred_element_type=jnp.float32)


def _g_body(edist_ref, ediff_ref, wfc1t_ref, at_ref, bt_ref, wbig_ref, g_ref):
    ht = _ssp(jnp.dot(wfc1t_ref[...], edist_ref[...], preferred_element_type=jnp.float32))
    pt = jnp.dot(at_ref[...], ht, preferred_element_type=jnp.float32) * jnp.dot(
        bt_ref[...], ediff_ref[...], preferred_element_type=jnp.float32)
    g_ref[...] = jax.lax.dot_general(
        pt, wbig_ref[...], (((0,), (0,)), ((), ())),
        preferred_element_type=jnp.float32)




def _make_sc_body(ebase, epw, cpw):
    def _sc_body(x_hbm, g_hbm, idx_hbm, prev_hbm, out_hbm,
                 src_ring, dst_ring, xs2, gv2, ob2, acc_sh,
                 g0, g1, l0, l1, s0, s1,
                 is0, is1, is2, is3, id0, id1, id2, id3):
        gsem = [g0, g1]
        lsem = [l0, l1]
        ssem = [s0, s1]
        isem_s = [is0, is1, is2, is3]
        isem_d = [id0, id1, id2, id3]
        cid = lax.axis_index("c")
        sid = lax.axis_index("s")
        wid = sid * 2 + cid

        r0 = sid * ROWS_PER_TILE
        pltpu.sync_copy(prev_hbm.at[cid, pl.ds(r0, ROWS_PER_TILE), :],
                        acc_sh.at[pl.ds(r0, ROWS_PER_TILE), :])

        @pl.when(sid == 15)
        def _init_tail():
            pltpu.sync_copy(prev_hbm.at[cid, pl.ds(N - ROWS_TAIL, ROWS_TAIL), :],
                            acc_sh.at[pl.ds(N - ROWS_TAIL, ROWS_TAIL), :])

        e0 = ebase + wid * epw
        gl0 = wid * epw

        def issue_idx(cc, s4):
            pltpu.async_copy(idx_hbm.at[pl.ds(E + e0 + cc * CH, CH)],
                             src_ring.at[s4], isem_s[s4])
            pltpu.async_copy(idx_hbm.at[pl.ds(e0 + cc * CH, CH)],
                             dst_ring.at[s4], isem_d[s4])

        def wait_idx_s(cc, s4):
            pltpu.make_async_copy(idx_hbm.at[pl.ds(E + e0 + cc * CH, CH)],
                                  src_ring.at[s4], isem_s[s4]).wait()

        def issue_data(cc, s4, pb):
            pltpu.async_copy(x_hbm.at[src_ring.at[s4]], xs2.at[pb], gsem[pb])
            pltpu.async_copy(g_hbm.at[pl.ds(gl0 + cc * CH, CH), :], gv2.at[pb],
                             lsem[pb])

        for b in range(2):
            issue_idx(b, b)
        for b in range(2):
            wait_idx_s(b, b)
            issue_data(b, b, b)

        plsc.subcore_barrier()

        def quad_body(it, carry):
            for b in range(4):
                cc = it * 4 + b
                pb = b % 2
                nx = (b + 2) % 4

                @pl.when(cc < cpw)
                def _process():
                    pltpu.make_async_copy(x_hbm.at[src_ring.at[b]], xs2.at[pb],
                                          gsem[pb]).wait()
                    pltpu.make_async_copy(g_hbm.at[pl.ds(gl0 + cc * CH, CH), :],
                                          gv2.at[pb], lsem[pb]).wait()

                    @pl.when(cc >= 2)
                    def _drain_prev():
                        pltpu.make_async_copy(ob2.at[pb],
                                              acc_sh.at[dst_ring.at[nx]],
                                              ssem[pb]).wait()

                    @pl.when(cc + 2 < cpw)
                    def _pref_idx():
                        issue_idx(cc + 2, nx)

                    def mul_row(i, c2):
                        for j in range(D // 16):
                            sl = pl.ds(j * 16, 16)
                            ob2[pb, i, sl] = xs2[pb, i, sl] * gv2[pb, i, sl]
                        return c2

                    lax.fori_loop(0, CH, mul_row, 0)

                    @pl.when(cc + 2 < cpw)
                    def _pref_data():
                        wait_idx_s(cc + 2, nx)
                        issue_data(cc + 2, nx, pb)

                    pltpu.make_async_copy(idx_hbm.at[pl.ds(e0 + cc * CH, CH)],
                                          dst_ring.at[b], isem_d[b]).wait()
                    pltpu.async_copy(ob2.at[pb], acc_sh.at[dst_ring.at[b]],
                                     ssem[pb], add=True)
            return carry

        lax.fori_loop(0, (cpw + 3) // 4, quad_body, 0)

        for b in range(2):
            s4 = (cpw - 2 + b) % 4
            pltpu.make_async_copy(ob2.at[b], acc_sh.at[dst_ring.at[s4]],
                                  ssem[b]).wait()
        plsc.subcore_barrier()

        pltpu.sync_copy(acc_sh.at[pl.ds(r0, ROWS_PER_TILE), :],
                        out_hbm.at[cid, pl.ds(r0, ROWS_PER_TILE), :])

        @pl.when(sid == 15)
        def _drain_tail():
            pltpu.sync_copy(acc_sh.at[pl.ds(N - ROWS_TAIL, ROWS_TAIL), :],
                            out_hbm.at[cid, pl.ds(N - ROWS_TAIL, ROWS_TAIL), :])

    return _sc_body


def _out_body(agg_ref, nf_ref, attr_ref, w2_ref, wsc_ref, out_ref):
    agg = agg_ref[0, :, :] + agg_ref[1, :, :]
    sc = jnp.dot(nf_ref[...] * attr_ref[...], wsc_ref[...],
                 preferred_element_type=jnp.float32)
    out_ref[...] = jnp.dot(agg, w2_ref[...], preferred_element_type=jnp.float32) + sc


def kernel(node_feat, node_attr, edge_diff_embedding, edge_dist_embedding, edge_idx,
           W1, Wfc1, Wfc2, W2, Wsc):
    f32 = jnp.float32
    inv_sqrt_d = np.float32(1.0 / np.sqrt(D))

    w1s = (W1 * inv_sqrt_d).astype(f32)
    wfc1s = (Wfc1 / np.float32(np.sqrt(D_DIST))).astype(f32)
    wbig = (Wfc2.reshape(HID, D, D_EDGE).transpose(0, 2, 1).reshape(HID * D_EDGE, D)
            / np.float32(np.sqrt(HID * D_EDGE))).astype(f32)
    w2s = (W2 * inv_sqrt_d / np.float32(np.sqrt(AVG_NUM_NEIGHBORS))).astype(f32)
    wscs = (Wsc * inv_sqrt_d).astype(f32)

    x = pl.pallas_call(
        _x_body,
        out_shape=jax.ShapeDtypeStruct((N, D), f32),
    )(node_feat, w1s)

    BE = 3200

    def _g_part(blk0, ne):
        return pl.pallas_call(
            _g_body,
            grid=(ne // BE,),
            in_specs=[
                pl.BlockSpec((D_DIST, BE), lambda i: (0, blk0 + i)),
                pl.BlockSpec((D_EDGE, BE), lambda i: (0, blk0 + i)),
                pl.BlockSpec((HID, D_DIST), lambda i: (0, 0)),
                pl.BlockSpec((HID * D_EDGE, HID), lambda i: (0, 0)),
                pl.BlockSpec((HID * D_EDGE, D_EDGE), lambda i: (0, 0)),
                pl.BlockSpec((HID * D_EDGE, D), lambda i: (0, 0)),
            ],
            out_specs=pl.BlockSpec((BE, D), lambda i: (i, 0)),
            out_shape=jax.ShapeDtypeStruct((ne, D), f32),
        )(edge_dist_embedding.T, edge_diff_embedding.T, wfc1s.T,
          jnp.asarray(_A_REP.T), jnp.asarray(_B_TILE.T), wbig)

    g_a = _g_part(0, E_A)
    g_b = _g_part(E_A // BE, E_B)

    idxflat = jnp.reshape(edge_idx.astype(jnp.int32).T, (2 * E,))
    zeros = jnp.zeros((2, N, D), f32)

    def _sc_part(ebase, epw, cpw):
        return functools.partial(
            pl.kernel,
            mesh=plsc.VectorSubcoreMesh(core_axis_name="c", subcore_axis_name="s"),
            out_type=jax.ShapeDtypeStruct((2, N, D), f32),
            scratch_types=[
                pltpu.VMEM((4, CH), jnp.int32),
                pltpu.VMEM((4, CH), jnp.int32),
                pltpu.VMEM((2, CH, D), f32),
                pltpu.VMEM((2, CH, D), f32),
                pltpu.VMEM((2, CH, D), f32),
                pltpu.VMEM_SHARED((N, D), f32),
            ] + [pltpu.SemaphoreType.DMA] * 14,
        )(_make_sc_body(ebase, epw, cpw))

    agg_a = _sc_part(0, EPW_A, CPW_A)(x, g_a, idxflat, zeros)
    agg2 = _sc_part(E_A, EPW_B, CPW_B)(x, g_b, idxflat, agg_a)

    out = pl.pallas_call(
        _out_body,
        out_shape=jax.ShapeDtypeStruct((N, D), f32),
    )(agg2, node_feat, node_attr, w2s, wscs)
    return out

# --- scband reference (transcript-rebuilt; emitter-appended) ---
"""Pipeline reference for scband-conv-net-layer-40312563040424 (READ-ONLY COPY).

The authoritative reference and input builder live on the scoring server;
editing this copy changes nothing except your own understanding.
"""

import jax, jax.numpy as jnp
import numpy as np

N = 10000
E = 320000
D = 128        # feature_irreps_in / out: 128x0e
D_EDGE = 16    # edge_diff_embedding: 16x0e
D_DIST = 16    # edge_dist_embedding: 16x0e (num_irreps = 16)
HID = 8        # invariant_neurons
AVG_NUM_NEIGHBORS = 32.0


def ssp(x):
    # ShiftedSoftPlus
    return jax.nn.softplus(x) - jnp.log(2.0)


def setup_inputs(seed: int = 0) -> dict:
    key = jax.random.key(seed)
    ks = jax.random.split(key, 10)
    node_feat = jax.random.normal(ks[0], (N, D), dtype=jnp.float32)
    node_attr = jnp.ones((N, 1), dtype=jnp.float32)
    edge_diff_embedding = jax.random.normal(ks[1], (E, D_EDGE), dtype=jnp.float32)
    edge_dist_embedding = jax.random.uniform(ks[2], (E, D_DIST), dtype=jnp.float32)
    edge_idx = jax.random.randint(ks[3], (E, 2), 0, N, dtype=jnp.int64)
    # learned parameters
    W1 = jax.random.normal(ks[4], (D, D), dtype=jnp.float32)           # linear_1 (e3nn Linear on scalars)
    Wfc1 = jax.random.normal(ks[5], (D_DIST, HID), dtype=jnp.float32)  # fc hidden layer
    Wfc2 = jax.random.normal(ks[6], (HID, D * D_EDGE), dtype=jnp.float32)  # fc output -> tp.weight_numel = 128*16
    W2 = jax.random.normal(ks[7], (D, D), dtype=jnp.float32)           # linear_2
    Wsc = jax.random.normal(ks[8], (D, D), dtype=jnp.float32)          # self-connection FullyConnectedTensorProduct (node_attr is 1x0e)
    return {
        'node_feat': node_feat,
        'node_attr': node_attr,
        'edge_diff_embedding': edge_diff_embedding,
        'edge_dist_embedding': edge_dist_embedding,
        'edge_idx': edge_idx,
        'W1': W1,
        'Wfc1': Wfc1,
        'Wfc2': Wfc2,
        'W2': W2,
        'Wsc': Wsc,
    }


def reference(node_feat, node_attr, edge_diff_embedding, edge_dist_embedding, edge_idx,
              W1, Wfc1, Wfc2, W2, Wsc):
    # radial MLP producing tensor-product weights (FullyConnectedNet with ssp, e3nn fan-in normalization)
    h = ssp(edge_dist_embedding @ Wfc1 / jnp.sqrt(float(D_DIST)))
    weight = (h @ Wfc2) / jnp.sqrt(float(HID))  # [E, D*D_EDGE]

    # self-connection: FullyConnectedTensorProduct(128x0e, 1x0e -> 128x0e)
    sc = ((node_feat * node_attr) @ Wsc) / jnp.sqrt(float(D))

    # linear_1
    x = node_feat @ W1 / jnp.sqrt(float(D))

    src = edge_idx[:, 1]
    dst = edge_idx[:, 0]

    # gather source node features (memory-bound)
    x_src = jnp.take(x, src, axis=0)  # [E, D]

    # TensorProduct 'uvu' on scalar irreps with per-edge weights:
    # out[e,u] = sum_v w[e,u,v] * x1[e,u] * x2[e,v], normalized by sqrt(fan-in)
    w = weight.reshape(E, D, D_EDGE)
    edge_features = jnp.einsum('eu,ev,euv->eu', x_src, edge_diff_embedding, w) / jnp.sqrt(float(D_EDGE))

    # scatter_add to destination nodes
    agg = jax.ops.segment_sum(edge_features, dst, num_segments=N)
    agg = agg / jnp.sqrt(AVG_NUM_NEIGHBORS)

    # linear_2
    out = agg @ W2 / jnp.sqrt(float(D))

    # ResNet self-connection
    out = out + sc
    return out

if __name__ == "__main__":
    import jax
    _d = setup_inputs()
    print(jax.jit(kernel)(*tuple(_d.values())))

</pallas_src>

<mosaic_0001>
#map = affine_map<(d0, d1) -> (0, 0)>
#map1 = affine_map<(d0, d1) -> (0)>
#map2 = affine_map<(d0, d1) -> (0, 0, 0)>
module attributes {stable_mosaic.version = 14 : i64} {
  func.func @_sc_body(%arg0: i32, %arg1: i32, %arg2: memref<10000x128xf32, #tpu.memory_space<hbm>>, %arg3: memref<108800x128xf32, #tpu.memory_space<hbm>>, %arg4: memref<640000xi32, #tpu.memory_space<hbm>>, %arg5: memref<2x10000x128xf32, #tpu.memory_space<hbm>>, %arg6: memref<2x10000x128xf32, #tpu.memory_space<hbm>>, %arg7: memref<4x40xi32, #tpu.memory_space<vmem>>, %arg8: memref<4x40xi32, #tpu.memory_space<vmem>>, %arg9: memref<2x40x128xf32, #tpu.memory_space<vmem>>, %arg10: memref<2x40x128xf32, #tpu.memory_space<vmem>>, %arg11: memref<2x40x128xf32, #tpu.memory_space<vmem>>, %arg12: memref<10000x128xf32, #tpu.memory_space<vmem_shared>>, %arg13: memref<!tpu.dma_semaphore, #tpu.memory_space<semaphore_mem>>, %arg14: memref<!tpu.dma_semaphore, #tpu.memory_space<semaphore_mem>>, %arg15: memref<!tpu.dma_semaphore, #tpu.memory_space<semaphore_mem>>, %arg16: memref<!tpu.dma_semaphore, #tpu.memory_space<semaphore_mem>>, %arg17: memref<!tpu.dma_semaphore, #tpu.memory_space<semaphore_mem>>, %arg18: memref<!tpu.dma_semaphore, #tpu.memory_space<semaphore_mem>>, %arg19: memref<!tpu.dma_semaphore, #tpu.memory_space<semaphore_mem>>, %arg20: memref<!tpu.dma_semaphore, #tpu.memory_space<semaphore_mem>>, %arg21: memref<!tpu.dma_semaphore, #tpu.memory_space<semaphore_mem>>, %arg22: memref<!tpu.dma_semaphore, #tpu.memory_space<semaphore_mem>>, %arg23: memref<!tpu.dma_semaphore, #tpu.memory_space<semaphore_mem>>, %arg24: memref<!tpu.dma_semaphore, #tpu.memory_space<semaphore_mem>>, %arg25: memref<!tpu.dma_semaphore, #tpu.memory_space<semaphore_mem>>, %arg26: memref<!tpu.dma_semaphore, #tpu.memory_space<semaphore_mem>>) attributes {dimension_semantics = [#tpu.dimension_semantics<core_parallel>, #tpu.dimension_semantics<subcore_parallel>], iteration_bounds = array<i64: 2, 16>, scalar_prefetch = 0 : i64, scratch_operands = 20 : i64, tpu.core_type = #tpu.core_type<sc_vector_subcore>, window_params = [{transform_indices = #map}, {transform_indices = #map}, {transform_indices = #map1}, {transform_indices = #map2}, {transform_indices = #map2}]} {
    %mul3A = arith.constant 2 : i32
    %mul3A_0 = arith.muli %arg1, %mul3A : i32
    %add3A = arith.addi %mul3A_0, %arg0 : i32
    %mul3A_1 = arith.constant 624 : i32
    %mul3A_2 = arith.muli %arg1, %mul3A_1 : i32
    "tpu.region"() ({
      %run_scoped3A = tpu.sem_alloc : memref<!tpu.dma_semaphore, #tpu.memory_space<semaphore_mem>>
      %dma_start3A_172 = arith.constant 0 : i32
      %dma_start3A_173 = tpu.memref_slice %arg12[%mul3A_2, %dma_start3A_172] : memref<10000x128xf32, #tpu.memory_space<vmem_shared>> -> memref<624x128xf32, #tpu.memory_space<vmem_shared>>
      %dma_start3A_174 = arith.constant 0 : i32
      %dma_start3A_175 = tpu.memref_slice %arg5[%arg0, %mul3A_2, %dma_start3A_174] : memref<2x10000x128xf32, #tpu.memory_space<hbm>> -> memref<1x624x128xf32, #tpu.memory_space<hbm>>
      %dma_start3A_176 = tpu.memref_squeeze %dma_start3A_175 : memref<1x624x128xf32, #tpu.memory_space<hbm>> -> memref<624x128xf32, #tpu.memory_space<hbm>>
      tpu.enqueue_dma source(%dma_start3A_176 : memref<624x128xf32, #tpu.memory_space<hbm>>) target(%dma_start3A_173 : memref<624x128xf32, #tpu.memory_space<vmem_shared>>) target_semaphore(%run_scoped3A : memref<!tpu.dma_semaphore, #tpu.memory_space<semaphore_mem>>)
      %dma_wait3A_177 = arith.constant 0 : i32
      %dma_wait3A_178 = tpu.memref_slice %arg12[%mul3A_2, %dma_wait3A_177] : memref<10000x128xf32, #tpu.memory_space<vmem_shared>> -> memref<624x128xf32, #tpu.memory_space<vmem_shared>>
      %dma_wait3A_179 = arith.constant 0 : i32
      %dma_wait3A_180 = tpu.memref_slice %arg5[%arg0, %mul3A_2, %dma_wait3A_179] : memref<2x10000x128xf32, #tpu.memory_space<hbm>> -> memref<1x624x128xf32, #tpu.memory_space<hbm>>
      %dma_wait3A_181 = tpu.memref_squeeze %dma_wait3A_180 : memref<1x624x128xf32, #tpu.memory_space<hbm>> -> memref<624x128xf32, #tpu.memory_space<hbm>>
      tpu.wait_dma2 semaphore(%run_scoped3A : memref<!tpu.dma_semaphore, #tpu.memory_space<semaphore_mem>>) src(%dma_wait3A_181 : memref<624x128xf32, #tpu.memory_space<hbm>>) dst(%dma_wait3A_178 : memref<624x128xf32, #tpu.memory_space<vmem_shared>>)
      tpu.yield
    }) : () -> ()
    %eq3A = arith.constant 15 : i32
    %eq3A_3 = arith.cmpi eq, %arg1, %eq3A : i32
    %convert_element_type3A = arith.extui %eq3A_3 : i1 to i32
    %cond3A = arith.constant 0 : i32
    %cond3A_4 = arith.cmpi ne, %convert_element_type3A, %cond3A : i32
    scf.if %cond3A_4 {
      "tpu.region"() ({
        %run_scoped3A = tpu.sem_alloc : memref<!tpu.dma_semaphore, #tpu.memory_space<semaphore_mem>>
        %dma_start3A_172 = arith.constant 9984 : i32
        %dma_start3A_173 = arith.constant 0 : i32
        %dma_start3A_174 = tpu.memref_slice %arg12[%dma_start3A_172, %dma_start3A_173] : memref<10000x128xf32, #tpu.memory_space<vmem_shared>> -> memref<16x128xf32, #tpu.memory_space<vmem_shared>>
        %dma_start3A_175 = arith.constant 9984 : i32
        %dma_start3A_176 = arith.constant 0 : i32
        %dma_start3A_177 = tpu.memref_slice %arg5[%arg0, %dma_start3A_175, %dma_start3A_176] : memref<2x10000x128xf32, #tpu.memory_space<hbm>> -> memref<1x16x128xf32, #tpu.memory_space<hbm>>
        %dma_start3A_178 = tpu.memref_squeeze %dma_start3A_177 : memref<1x16x128xf32, #tpu.memory_space<hbm>> -> memref<16x128xf32, #tpu.memory_space<hbm>>
        tpu.enqueue_dma source(%dma_start3A_178 : memref<16x128xf32, #tpu.memory_space<hbm>>) target(%dma_start3A_174 : memref<16x128xf32, #tpu.memory_space<vmem_shared>>) target_semaphore(%run_scoped3A : memref<!tpu.dma_semaphore, #tpu.memory_space<semaphore_mem>>)
        %dma_wait3A_179 = arith.constant 9984 : i32
        %dma_wait3A_180 = arith.constant 0 : i32
        %dma_wait3A_181 = tpu.memref_slice %arg12[%dma_wait3A_179, %dma_wait3A_180] : memref<10000x128xf32, #tpu.memory_space<vmem_shared>> -> memref<16x128xf32, #tpu.memory_space<vmem_shared>>
        %dma_wait3A_182 = arith.constant 9984 : i32
        %dma_wait3A_183 = arith.constant 0 : i32
        %dma_wait3A_184 = tpu.memref_slice %arg5[%arg0, %dma_wait3A_182, %dma_wait3A_183] : memref<2x10000x128xf32, #tpu.memory_space<hbm>> -> memref<1x16x128xf32, #tpu.memory_space<hbm>>
        %dma_wait3A_185 = tpu.memref_squeeze %dma_wait3A_184 : memref<1x16x128xf32, #tpu.memory_space<hbm>> -> memref<16x128xf32, #tpu.memory_space<hbm>>
        tpu.wait_dma2 semaphore(%run_scoped3A : memref<!tpu.dma_semaphore, #tpu.memory_space<semaphore_mem>>) src(%dma_wait3A_185 : memref<16x128xf32, #tpu.memory_space<hbm>>) dst(%dma_wait3A_181 : memref<16x128xf32, #tpu.memory_space<vmem_shared>>)
        tpu.yield
      }) : () -> ()
    } else {
    }
    %mul3A_5 = arith.constant 3400 : i32
    %mul3A_6 = arith.muli %add3A, %mul3A_5 : i32
    %add3A_7 = arith.constant 0 : i32
    %add3A_8 = arith.addi %add3A_7, %mul3A_6 : i32
    %mul3A_9 = arith.constant 3400 : i32
    %mul3A_10 = arith.muli %add3A, %mul3A_9 : i32
    %add3A_11 = arith.constant 320000 : i32
    %add3A_12 = arith.addi %add3A_11, %add3A_8 : i32
    %add3A_13 = arith.constant 0 : i32
    %add3A_14 = arith.addi %add3A_12, %add3A_13 : i32
    %dma_start3A = arith.constant 0 : i32
    %dma_start3A_15 = arith.constant 0 : i32
    %dma_start3A_16 = tpu.memref_slice %arg7[%dma_start3A, %dma_start3A_15] : memref<4x40xi32, #tpu.memory_space<vmem>> -> memref<1x40xi32, #tpu.memory_space<vmem>>
    %dma_start3A_17 = tpu.memref_squeeze %dma_start3A_16 : memref<1x40xi32, #tpu.memory_space<vmem>> -> memref<40xi32, #tpu.memory_space<vmem>>
    %dma_start3A_18 = tpu.memref_slice %arg4[%add3A_14] : memref<640000xi32, #tpu.memory_space<hbm>> -> memref<40xi32, #tpu.memory_space<hbm>>
    %dma_start3A_19 = arith.constant 0 : i32
    %dma_start3A_20 = tpu.memref_slice %arg7[%dma_start3A, %dma_start3A_19] : memref<4x40xi32, #tpu.memory_space<vmem>> -> memref<1x40xi32, #tpu.memory_space<vmem>>
    %dma_start3A_21 = tpu.memref_squeeze %dma_start3A_20 : memref<1x40xi32, #tpu.memory_space<vmem>> -> memref<40xi32, #tpu.memory_space<vmem>>
    %dma_start3A_22 = tpu.memref_slice %arg4[%add3A_14] : memref<640000xi32, #tpu.memory_space<hbm>> -> memref<40xi32, #tpu.memory_space<hbm>>
    tpu.enqueue_dma source(%dma_start3A_22 : memref<40xi32, #tpu.memory_space<hbm>>) target(%dma_start3A_21 : memref<40xi32, #tpu.memory_space<vmem>>) target_semaphore(%arg19 : memref<!tpu.dma_semaphore, #tpu.memory_space<semaphore_mem>>)
    %add3A_23 = arith.constant 0 : i32
    %add3A_24 = arith.addi %add3A_8, %add3A_23 : i32
    %dma_start3A_25 = arith.constant 0 : i32
    %dma_start3A_26 = arith.constant 0 : i32
    %dma_start3A_27 = tpu.memref_slice %arg8[%dma_start3A_25, %dma_start3A_26] : memref<4x40xi32, #tpu.memory_space<vmem>> -> memref<1x40xi32, #tpu.memory_space<vmem>>
    %dma_start3A_28 = tpu.memref_squeeze %dma_start3A_27 : memref<1x40xi32, #tpu.memory_space<vmem>> -> memref<40xi32, #tpu.memory_space<vmem>>
    %dma_start3A_29 = tpu.memref_slice %arg4[%add3A_24] : memref<640000xi32, #tpu.memory_space<hbm>> -> memref<40xi32, #tpu.memory_space<hbm>>
    %dma_start3A_30 = arith.constant 0 : i32
    %dma_start3A_31 = tpu.memref_slice %arg8[%dma_start3A_25, %dma_start3A_30] : memref<4x40xi32, #tpu.memory_space<vmem>> -> memref<1x40xi32, #tpu.memory_space<vmem>>
    %dma_start3A_32 = tpu.memref_squeeze %dma_start3A_31 : memref<1x40xi32, #tpu.memory_space<vmem>> -> memref<40xi32, #tpu.memory_space<vmem>>
    %dma_start3A_33 = tpu.memref_slice %arg4[%add3A_24] : memref<640000xi32, #tpu.memory_space<hbm>> -> memref<40xi32, #tpu.memory_space<hbm>>
    tpu.enqueue_dma source(%dma_start3A_33 : memref<40xi32, #tpu.memory_space<hbm>>) target(%dma_start3A_32 : memref<40xi32, #tpu.memory_space<vmem>>) target_semaphore(%arg23 : memref<!tpu.dma_semaphore, #tpu.memory_space<semaphore_mem>>)
    %add3A_34 = arith.constant 320000 : i32
    %add3A_35 = arith.addi %add3A_34, %add3A_8 : i32
    %add3A_36 = arith.constant 40 : i32
    %add3A_37 = arith.addi %add3A_35, %add3A_36 : i32
    %dma_start3A_38 = arith.constant 1 : i32
    %dma_start3A_39 = arith.constant 0 : i32
    %dma_start3A_40 = tpu.memref_slice %arg7[%dma_start3A_38, %dma_start3A_39] : memref<4x40xi32, #tpu.memory_space<vmem>> -> memref<1x40xi32, #tpu.memory_space<vmem>>
    %dma_start3A_41 = tpu.memref_squeeze %dma_start3A_40 : memref<1x40xi32, #tpu.memory_space<vmem>> -> memref<40xi32, #tpu.memory_space<vmem>>
    %dma_start3A_42 = tpu.memref_slice %arg4[%add3A_37] : memref<640000xi32, #tpu.memory_space<hbm>> -> memref<40xi32, #tpu.memory_space<hbm>>
    %dma_start3A_43 = arith.constant 0 : i32
    %dma_start3A_44 = tpu.memref_slice %arg7[%dma_start3A_38, %dma_start3A_43] : memref<4x40xi32, #tpu.memory_space<vmem>> -> memref<1x40xi32, #tpu.memory_space<vmem>>
    %dma_start3A_45 = tpu.memref_squeeze %dma_start3A_44 : memref<1x40xi32, #tpu.memory_space<vmem>> -> memref<40xi32, #tpu.memory_space<vmem>>
    %dma_start3A_46 = tpu.memref_slice %arg4[%add3A_37] : memref<640000xi32, #tpu.memory_space<hbm>> -> memref<40xi32, #tpu.memory_space<hbm>>
    tpu.enqueue_dma source(%dma_start3A_46 : memref<40xi32, #tpu.memory_space<hbm>>) target(%dma_start3A_45 : memref<40xi32, #tpu.memory_space<vmem>>) target_semaphore(%arg20 : memref<!tpu.dma_semaphore, #tpu.memory_space<semaphore_mem>>)
    %add3A_47 = arith.constant 40 : i32
    %add3A_48 = arith.addi %add3A_8, %add3A_47 : i32
    %dma_start3A_49 = arith.constant 1 : i32
    %dma_start3A_50 = arith.constant 0 : i32
    %dma_start3A_51 = tpu.memref_slice %arg8[%dma_start3A_49, %dma_start3A_50] : memref<4x40xi32, #tpu.memory_space<vmem>> -> memref<1x40xi32, #tpu.memory_space<vmem>>
    %dma_start3A_52 = tpu.memref_squeeze %dma_start3A_51 : memref<1x40xi32, #tpu.memory_space<vmem>> -> memref<40xi32, #tpu.memory_space<vmem>>
    %dma_start3A_53 = tpu.memref_slice %arg4[%add3A_48] : memref<640000xi32, #tpu.memory_space<hbm>> -> memref<40xi32, #tpu.memory_space<hbm>>
    %dma_start3A_54 = arith.constant 0 : i32
    %dma_start3A_55 = tpu.memref_slice %arg8[%dma_start3A_49, %dma_start3A_54] : memref<4x40xi32, #tpu.memory_space<vmem>> -> memref<1x40xi32, #tpu.memory_space<vmem>>
    %dma_start3A_56 = tpu.memref_squeeze %dma_start3A_55 : memref<1x40xi32, #tpu.memory_space<vmem>> -> memref<40xi32, #tpu.memory_space<vmem>>
    %dma_start3A_57 = tpu.memref_slice %arg4[%add3A_48] : memref<640000xi32, #tpu.memory_space<hbm>> -> memref<40xi32, #tpu.memory_space<hbm>>
    tpu.enqueue_dma source(%dma_start3A_57 : memref<40xi32, #tpu.memory_space<hbm>>) target(%dma_start3A_56 : memref<40xi32, #tpu.memory_space<vmem>>) target_semaphore(%arg24 : memref<!tpu.dma_semaphore, #tpu.memory_space<semaphore_mem>>)
    %add3A_58 = arith.constant 320000 : i32
    %add3A_59 = arith.addi %add3A_58, %add3A_8 : i32
    %add3A_60 = arith.constant 0 : i32
    %add3A_61 = arith.addi %add3A_59, %add3A_60 : i32
    %dma_wait3A = arith.constant 0 : i32
    %dma_wait3A_62 = arith.constant 0 : i32
    %dma_wait3A_63 = tpu.memref_slice %arg7[%dma_wait3A, %dma_wait3A_62] : memref<4x40xi32, #tpu.memory_space<vmem>> -> memref<1x40xi32, #tpu.memory_space<vmem>>
    %dma_wait3A_64 = tpu.memref_squeeze %dma_wait3A_63 : memref<1x40xi32, #tpu.memory_space<vmem>> -> memref<40xi32, #tpu.memory_space<vmem>>
    %dma_wait3A_65 = tpu.memref_slice %arg4[%add3A_61] : memref<640000xi32, #tpu.memory_space<hbm>> -> memref<40xi32, #tpu.memory_space<hbm>>
    %dma_wait3A_66 = arith.constant 0 : i32
    %dma_wait3A_67 = tpu.memref_slice %arg7[%dma_wait3A, %dma_wait3A_66] : memref<4x40xi32, #tpu.memory_space<vmem>> -> memref<1x40xi32, #tpu.memory_space<vmem>>
    %dma_wait3A_68 = tpu.memref_squeeze %dma_wait3A_67 : memref<1x40xi32, #tpu.memory_space<vmem>> -> memref<40xi32, #tpu.memory_space<vmem>>
    %dma_wait3A_69 = tpu.memref_slice %arg4[%add3A_61] : memref<640000xi32, #tpu.memory_space<hbm>> -> memref<40xi32, #tpu.memory_space<hbm>>
    tpu.wait_dma2 semaphore(%arg19 : memref<!tpu.dma_semaphore, #tpu.memory_space<semaphore_mem>>) src(%dma_wait3A_69 : memref<40xi32, #tpu.memory_space<hbm>>) dst(%dma_wait3A_68 : memref<40xi32, #tpu.memory_space<vmem>>)
    %dma_start3A_70 = arith.constant 0 : i32
    %dma_start3A_71 = arith.constant 0 : i32
    %dma_start3A_72 = arith.constant 0 : i32
    %dma_start3A_73 = arith.constant 0 : i32
    %dma_start3A_74 = tpu.memref_slice %arg9[%dma_start3A_71, %dma_start3A_72, %dma_start3A_73] : memref<2x40x128xf32, #tpu.memory_space<vmem>> -> memref<1x40x128xf32, #tpu.memory_space<vmem>>
    %dma_start3A_75 = tpu.memref_squeeze %dma_start3A_74 : memref<1x40x128xf32, #tpu.memory_space<vmem>> -> memref<40x128xf32, #tpu.memory_space<vmem>>
    %dma_start3A_76 = arith.constant 0 : i32
    %dma_start3A_77 = tpu.memref_slice %arg7[%dma_start3A_70, %dma_start3A_76] : memref<4x40xi32, #tpu.memory_space<vmem>> -> memref<1x40xi32, #tpu.memory_space<vmem>>
    %dma_start3A_78 = tpu.memref_squeeze %dma_start3A_77 : memref<1x40xi32, #tpu.memory_space<vmem>> -> memref<40xi32, #tpu.memory_space<vmem>>
    %dma_start3A_79 = arith.constant 0 : i32
    %dma_start3A_80 = arith.constant 0 : i32
    %dma_start3A_81 = tpu.memref_slice %arg2[%dma_start3A_79, %dma_start3A_80] : memref<10000x128xf32, #tpu.memory_space<hbm>> -> memref<10000x128xf32, #tpu.memory_space<hbm>>
    tpu.enqueue_indirect_dma source(%dma_start3A_81 : memref<10000x128xf32, #tpu.memory_space<hbm>>) target(%dma_start3A_75 : memref<40x128xf32, #tpu.memory_space<vmem>>) offsets(%dma_start3A_78 : memref<40xi32, #tpu.memory_space<vmem>>) semaphore(%arg13 : memref<!tpu.dma_semaphore, #tpu.memory_space<semaphore_mem>>)
    %add3A_82 = arith.constant 0 : i32
    %add3A_83 = arith.addi %mul3A_10, %add3A_82 : i32
    %dma_start3A_84 = arith.constant 0 : i32
    %dma_start3A_85 = arith.constant 0 : i32
    %dma_start3A_86 = arith.constant 0 : i32
    %dma_start3A_87 = tpu.memref_slice %arg10[%dma_start3A_84, %dma_start3A_85, %dma_start3A_86] : memref<2x40x128xf32, #tpu.memory_space<vmem>> -> memref<1x40x128xf32, #tpu.memory_space<vmem>>
    %dma_start3A_88 = tpu.memref_squeeze %dma_start3A_87 : memref<1x40x128xf32, #tpu.memory_space<vmem>> -> memref<40x128xf32, #tpu.memory_space<vmem>>
    %dma_start3A_89 = arith.constant 0 : i32
    %dma_start3A_90 = tpu.memref_slice %arg3[%add3A_83, %dma_start3A_89] : memref<108800x128xf32, #tpu.memory_space<hbm>> -> memref<40x128xf32, #tpu.memory_space<hbm>>
    %dma_start3A_91 = arith.constant 0 : i32
    %dma_start3A_92 = arith.constant 0 : i32
    %dma_start3A_93 = tpu.memref_slice %arg10[%dma_start3A_84, %dma_start3A_91, %dma_start3A_92] : memref<2x40x128xf32, #tpu.memory_space<vmem>> -> memref<1x40x128xf32, #tpu.memory_space<vmem>>
    %dma_start3A_94 = tpu.memref_squeeze %dma_start3A_93 : memref<1x40x128xf32, #tpu.memory_space<vmem>> -> memref<40x128xf32, #tpu.memory_space<vmem>>
    %dma_start3A_95 = arith.constant 0 : i32
    %dma_start3A_96 = tpu.memref_slice %arg3[%add3A_83, %dma_start3A_95] : memref<108800x128xf32, #tpu.memory_space<hbm>> -> memref<40x128xf32, #tpu.memory_space<hbm>>
    tpu.enqueue_dma source(%dma_start3A_96 : memref<40x128xf32, #tpu.memory_space<hbm>>) target(%dma_start3A_94 : memref<40x128xf32, #tpu.memory_space<vmem>>) target_semaphore(%arg15 : memref<!tpu.dma_semaphore, #tpu.memory_space<semaphore_mem>>)
    %add3A_97 = arith.constant 320000 : i32
    %add3A_98 = arith.addi %add3A_97, %add3A_8 : i32
    %add3A_99 = arith.constant 40 : i32
    %add3A_100 = arith.addi %add3A_98, %add3A_99 : i32
    %dma_wait3A_101 = arith.constant 1 : i32
    %dma_wait3A_102 = arith.constant 0 : i32
    %dma_wait3A_103 = tpu.memref_slice %arg7[%dma_wait3A_101, %dma_wait3A_102] : memref<4x40xi32, #tpu.memory_space<vmem>> -> memref<1x40xi32, #tpu.memory_space<vmem>>
    %dma_wait3A_104 = tpu.memref_squeeze %dma_wait3A_103 : memref<1x40xi32, #tpu.memory_space<vmem>> -> memref<40xi32, #tpu.memory_space<vmem>>
    %dma_wait3A_105 = tpu.memref_slice %arg4[%add3A_100] : memref<640000xi32, #tpu.memory_space<hbm>> -> memref<40xi32, #tpu.memory_space<hbm>>
    %dma_wait3A_106 = arith.constant 0 : i32
    %dma_wait3A_107 = tpu.memref_slice %arg7[%dma_wait3A_101, %dma_wait3A_106] : memref<4x40xi32, #tpu.memory_space<vmem>> -> memref<1x40xi32, #tpu.memory_space<vmem>>
    %dma_wait3A_108 = tpu.memref_squeeze %dma_wait3A_107 : memref<1x40xi32, #tpu.memory_space<vmem>> -> memref<40xi32, #tpu.memory_space<vmem>>
    %dma_wait3A_109 = tpu.memref_slice %arg4[%add3A_100] : memref<640000xi32, #tpu.memory_space<hbm>> -> memref<40xi32, #tpu.memory_space<hbm>>
    tpu.wait_dma2 semaphore(%arg20 : memref<!tpu.dma_semaphore, #tpu.memory_space<semaphore_mem>>) src(%dma_wait3A_109 : memref<40xi32, #tpu.memory_space<hbm>>) dst(%dma_wait3A_108 : memref<40xi32, #tpu.memory_space<vmem>>)
    %dma_start3A_110 = arith.constant 1 : i32
    %dma_start3A_111 = arith.constant 1 : i32
    %dma_start3A_112 = arith.constant 0 : i32
    %dma_start3A_113 = arith.constant 0 : i32
    %dma_start3A_114 = tpu.memref_slice %arg9[%dma_start3A_111, %dma_start3A_112, %dma_start3A_113] : memref<2x40x128xf32, #tpu.memory_space<vmem>> -> memref<1x40x128xf32, #tpu.memory_space<vmem>>
    %dma_start3A_115 = tpu.memref_squeeze %dma_start3A_114 : memref<1x40x128xf32, #tpu.memory_space<vmem>> -> memref<40x128xf32, #tpu.memory_space<vmem>>
    %dma_start3A_116 = arith.constant 0 : i32
    %dma_start3A_117 = tpu.memref_slice %arg7[%dma_start3A_110, %dma_start3A_116] : memref<4x40xi32, #tpu.memory_space<vmem>> -> memref<1x40xi32, #tpu.memory_space<vmem>>
    %dma_start3A_118 = tpu.memref_squeeze %dma_start3A_117 : memref<1x40xi32, #tpu.memory_space<vmem>> -> memref<40xi32, #tpu.memory_space<vmem>>
    %dma_start3A_119 = arith.constant 0 : i32
    %dma_start3A_120 = arith.constant 0 : i32
    %dma_start3A_121 = tpu.memref_slice %arg2[%dma_start3A_119, %dma_start3A_120] : memref<10000x128xf32, #tpu.memory_space<hbm>> -> memref<10000x128xf32, #tpu.memory_space<hbm>>
    tpu.enqueue_indirect_dma source(%dma_start3A_121 : memref<10000x128xf32, #tpu.memory_space<hbm>>) target(%dma_start3A_115 : memref<40x128xf32, #tpu.memory_space<vmem>>) offsets(%dma_start3A_118 : memref<40xi32, #tpu.memory_space<vmem>>) semaphore(%arg14 : memref<!tpu.dma_semaphore, #tpu.memory_space<semaphore_mem>>)
    %add3A_122 = arith.constant 40 : i32
    %add3A_123 = arith.addi %mul3A_10, %add3A_122 : i32
    %dma_start3A_124 = arith.constant 1 : i32
    %dma_start3A_125 = arith.constant 0 : i32
    %dma_start3A_126 = arith.constant 0 : i32
    %dma_start3A_127 = tpu.memref_slice %arg10[%dma_start3A_124, %dma_start3A_125, %dma_start3A_126] : memref<2x40x128xf32, #tpu.memory_space<vmem>> -> memref<1x40x128xf32, #tpu.memory_space<vmem>>
    %dma_start3A_128 = tpu.memref_squeeze %dma_start3A_127 : memref<1x40x128xf32, #tpu.memory_space<vmem>> -> memref<40x128xf32, #tpu.memory_space<vmem>>
    %dma_start3A_129 = arith.constant 0 : i32
    %dma_start3A_130 = tpu.memref_slice %arg3[%add3A_123, %dma_start3A_129] : memref<108800x128xf32, #tpu.memory_space<hbm>> -> memref<40x128xf32, #tpu.memory_space<hbm>>
    %dma_start3A_131 = arith.constant 0 : i32
    %dma_start3A_132 = arith.constant 0 : i32
    %dma_start3A_133 = tpu.memref_slice %arg10[%dma_start3A_124, %dma_start3A_131, %dma_start3A_132] : memref<2x40x128xf32, #tpu.memory_space<vmem>> -> memref<1x40x128xf32, #tpu.memory_space<vmem>>
    %dma_start3A_134 = tpu.memref_squeeze %dma_start3A_133 : memref<1x40x128xf32, #tpu.memory_space<vmem>> -> memref<40x128xf32, #tpu.memory_space<vmem>>
    %dma_start3A_135 = arith.constant 0 : i32
    %dma_start3A_136 = tpu.memref_slice %arg3[%add3A_123, %dma_start3A_135] : memref<108800x128xf32, #tpu.memory_space<hbm>> -> memref<40x128xf32, #tpu.memory_space<hbm>>
    tpu.enqueue_dma source(%dma_start3A_136 : memref<40x128xf32, #tpu.memory_space<hbm>>) target(%dma_start3A_134 : memref<40x128xf32, #tpu.memory_space<vmem>>) target_semaphore(%arg16 : memref<!tpu.dma_semaphore, #tpu.memory_space<semaphore_mem>>)
    %barrier3A = arith.constant 0 : index
    tpu.barrier barrier_id(%barrier3A)
    %scan3A = arith.constant 0 : i32
    %scan3A_137 = arith.constant 0 : i32
    %scan3A_138 = arith.constant 22 : i32
    %scan3A_139 = arith.addi %scan3A_137, %scan3A_138 : i32
    %scan3A_140 = arith.constant 1 : i32
    scf.for %scan3A_172 = %scan3A_137 to %scan3A_139 step %scan3A_140  : i32 {
      %mul3A_173 = arith.constant 4 : i32
      %mul3A_174 = arith.muli %scan3A_172, %mul3A_173 : i32
      %add3A_175 = arith.constant 0 : i32
      %add3A_176 = arith.addi %mul3A_174, %add3A_175 : i32
      %lt3A = arith.constant 85 : i32
      %lt3A_177 = arith.cmpi slt, %add3A_176, %lt3A : i32
      %convert_element_type3A_178 = arith.extui %lt3A_177 : i1 to i32
      %cond3A_179 = arith.constant 0 : i32
      %cond3A_180 = arith.cmpi ne, %convert_element_type3A_178, %cond3A_179 : i32
      scf.if %cond3A_180 {
        %dma_wait3A_208 = arith.constant 0 : i32
        %dma_wait3A_209 = arith.constant 0 : i32
        %dma_wait3A_210 = arith.constant 0 : i32
        %dma_wait3A_211 = arith.constant 0 : i32
        %dma_wait3A_212 = tpu.memref_slice %arg9[%dma_wait3A_209, %dma_wait3A_210, %dma_wait3A_211] : memref<2x40x128xf32, #tpu.memory_space<vmem>> -> memref<1x40x128xf32, #tpu.memory_space<vmem>>
        %dma_wait3A_213 = tpu.memref_squeeze %dma_wait3A_212 : memref<1x40x128xf32, #tpu.memory_space<vmem>> -> memref<40x128xf32, #tpu.memory_space<vmem>>
        %dma_wait3A_214 = arith.constant 0 : i32
        %dma_wait3A_215 = tpu.memref_slice %arg7[%dma_wait3A_208, %dma_wait3A_214] : memref<4x40xi32, #tpu.memory_space<vmem>> -> memref<1x40xi32, #tpu.memory_space<vmem>>
        %dma_wait3A_216 = tpu.memref_squeeze %dma_wait3A_215 : memref<1x40xi32, #tpu.memory_space<vmem>> -> memref<40xi32, #tpu.memory_space<vmem>>
        %dma_wait3A_217 = arith.constant 0 : i32
        %dma_wait3A_218 = arith.constant 0 : i32
        %dma_wait3A_219 = tpu.memref_slice %arg2[%dma_wait3A_217, %dma_wait3A_218] : memref<10000x128xf32, #tpu.memory_space<hbm>> -> memref<10000x128xf32, #tpu.memory_space<hbm>>
        tpu.wait_indirect_dma semaphore(%arg13 : memref<!tpu.dma_semaphore, #tpu.memory_space<semaphore_mem>>) src(%dma_wait3A_219 : memref<10000x128xf32, #tpu.memory_space<hbm>>) dst(%dma_wait3A_213 : memref<40x128xf32, #tpu.memory_space<vmem>>)
        %mul3A_220 = arith.constant 40 : i32
        %mul3A_221 = arith.muli %add3A_176, %mul3A_220 : i32
        %add3A_222 = arith.addi %mul3A_10, %mul3A_221 : i32
        %dma_wait3A_223 = arith.constant 0 : i32
        %dma_wait3A_224 = arith.constant 0 : i32
        %dma_wait3A_225 = arith.constant 0 : i32
        %dma_wait3A_226 = tpu.memref_slice %arg10[%dma_wait3A_223, %dma_wait3A_224, %dma_wait3A_225] : memref<2x40x128xf32, #tpu.memory_space<vmem>> -> memref<1x40x128xf32, #tpu.memory_space<vmem>>
        %dma_wait3A_227 = tpu.memref_squeeze %dma_wait3A_226 : memref<1x40x128xf32, #tpu.memory_space<vmem>> -> memref<40x128xf32, #tpu.memory_space<vmem>>
        %dma_wait3A_228 = arith.constant 0 : i32
        %dma_wait3A_229 = tpu.memref_slice %arg3[%add3A_222, %dma_wait3A_228] : memref<108800x128xf32, #tpu.memory_space<hbm>> -> memref<40x128xf32, #tpu.memory_space<hbm>>
        %dma_wait3A_230 = arith.constant 0 : i32
        %dma_wait3A_231 = arith.constant 0 : i32
        %dma_wait3A_232 = tpu.memref_slice %arg10[%dma_wait3A_223, %dma_wait3A_230, %dma_wait3A_231] : memref<2x40x128xf32, #tpu.memory_space<vmem>> -> memref<1x40x128xf32, #tpu.memory_space<vmem>>
        %dma_wait3A_233 = tpu.memref_squeeze %dma_wait3A_232 : memref<1x40x128xf32, #tpu.memory_space<vmem>> -> memref<40x128xf32, #tpu.memory_space<vmem>>
        %dma_wait3A_234 = arith.constant 0 : i32
        %dma_wait3A_235 = tpu.memref_slice %arg3[%add3A_222, %dma_wait3A_234] : memref<108800x128xf32, #tpu.memory_space<hbm>> -> memref<40x128xf32, #tpu.memory_space<hbm>>
        tpu.wait_dma2 semaphore(%arg15 : memref<!tpu.dma_semaphore, #tpu.memory_space<semaphore_mem>>) src(%dma_wait3A_235 : memref<40x128xf32, #tpu.memory_space<hbm>>) dst(%dma_wait3A_233 : memref<40x128xf32, #tpu.memory_space<vmem>>)
        %ge3A = arith.constant 2 : i32
        %ge3A_236 = arith.cmpi sge, %add3A_176, %ge3A : i32
        %convert_element_type3A_237 = arith.extui %ge3A_236 : i1 to i32
        %cond3A_238 = arith.constant 0 : i32
        %cond3A_239 = arith.cmpi ne, %convert_element_type3A_237, %cond3A_238 : i32
        scf.if %cond3A_239 {
          %dma_wait3A_284 = arith.constant 0 : i32
          %dma_wait3A_285 = arith.constant 2 : i32
          %dma_wait3A_286 = arith.constant 0 : i32
          %dma_wait3A_287 = arith.constant 0 : i32
          %dma_wait3A_288 = tpu.memref_slice %arg11[%dma_wait3A_284, %dma_wait3A_286, %dma_wait3A_287] : memref<2x40x128xf32, #tpu.memory_space<vmem>> -> memref<1x40x128xf32, #tpu.memory_space<vmem>>
          %dma_wait3A_289 = tpu.memref_squeeze %dma_wait3A_288 : memref<1x40x128xf32, #tpu.memory_space<vmem>> -> memref<40x128xf32, #tpu.memory_space<vmem>>
          %dma_wait3A_290 = arith.constant 0 : i32
          %dma_wait3A_291 = tpu.memref_slice %arg8[%dma_wait3A_285, %dma_wait3A_290] : memref<4x40xi32, #tpu.memory_space<vmem>> -> memref<1x40xi32, #tpu.memory_space<vmem>>
          %dma_wait3A_292 = tpu.memref_squeeze %dma_wait3A_291 : memref<1x40xi32, #tpu.memory_space<vmem>> -> memref<40xi32, #tpu.memory_space<vmem>>
          %dma_wait3A_293 = arith.constant 0 : i32
          %dma_wait3A_294 = arith.constant 0 : i32
          %dma_wait3A_295 = tpu.memref_slice %arg12[%dma_wait3A_293, %dma_wait3A_294] : memref<10000x128xf32, #tpu.memory_space<vmem_shared>> -> memref<10000x128xf32, #tpu.memory_space<vmem_shared>>
          tpu.wait_indirect_dma semaphore(%arg17 : memref<!tpu.dma_semaphore, #tpu.memory_space<semaphore_mem>>) src(%dma_wait3A_289 : memref<40x128xf32, #tpu.memory_space<vmem>>) dst(%dma_wait3A_295 : memref<10000x128xf32, #tpu.memory_space<vmem_shared>>)
        } else {
        }
        %add3A_240 = arith.constant 2 : i32
        %add3A_241 = arith.addi %add3A_176, %add3A_240 : i32
        %lt3A_242 = arith.constant 85 : i32
        %lt3A_243 = arith.cmpi slt, %add3A_241, %lt3A_242 : i32
        %convert_element_type3A_244 = arith.extui %lt3A_243 : i1 to i32
        %cond3A_245 = arith.constant 0 : i32
        %cond3A_246 = arith.cmpi ne, %convert_element_type3A_244, %cond3A_245 : i32
        scf.if %cond3A_246 {
          %add3A_284 = arith.constant 2 : i32
          %add3A_285 = arith.addi %add3A_176, %add3A_284 : i32
          %add3A_286 = arith.constant 320000 : i32
          %add3A_287 = arith.addi %add3A_286, %add3A_8 : i32
          %mul3A_288 = arith.constant 40 : i32
          %mul3A_289 = arith.muli %add3A_285, %mul3A_288 : i32
          %add3A_290 = arith.addi %add3A_287, %mul3A_289 : i32
          %dma_start3A_291 = arith.constant 2 : i32
          %dma_start3A_292 = arith.constant 0 : i32
          %dma_start3A_293 = tpu.memref_slice %arg7[%dma_start3A_291, %dma_start3A_292] : memref<4x40xi32, #tpu.memory_space<vmem>> -> memref<1x40xi32, #tpu.memory_space<vmem>>
          %dma_start3A_294 = tpu.memref_squeeze %dma_start3A_293 : memref<1x40xi32, #tpu.memory_space<vmem>> -> memref<40xi32, #tpu.memory_space<vmem>>
          %dma_start3A_295 = tpu.memref_slice %arg4[%add3A_290] : memref<640000xi32, #tpu.memory_space<hbm>> -> memref<40xi32, #tpu.memory_space<hbm>>
          %dma_start3A_296 = arith.constant 0 : i32
          %dma_start3A_297 = tpu.memref_slice %arg7[%dma_start3A_291, %dma_start3A_296] : memref<4x40xi32, #tpu.memory_space<vmem>> -> memref<1x40xi32, #tpu.memory_space<vmem>>
          %dma_start3A_298 = tpu.memref_squeeze %dma_start3A_297 : memref<1x40xi32, #tpu.memory_space<vmem>> -> memref<40xi32, #tpu.memory_space<vmem>>
          %dma_start3A_299 = tpu.memref_slice %arg4[%add3A_290] : memref<640000xi32, #tpu.memory_space<hbm>> -> memref<40xi32, #tpu.memory_space<hbm>>
          tpu.enqueue_dma source(%dma_start3A_299 : memref<40xi32, #tpu.memory_space<hbm>>) target(%dma_start3A_298 : memref<40xi32, #tpu.memory_space<vmem>>) target_semaphore(%arg21 : memref<!tpu.dma_semaphore, #tpu.memory_space<semaphore_mem>>)
          %mul3A_300 = arith.constant 40 : i32
          %mul3A_301 = arith.muli %add3A_285, %mul3A_300 : i32
          %add3A_302 = arith.addi %add3A_8, %mul3A_301 : i32
          %dma_start3A_303 = arith.constant 2 : i32
          %dma_start3A_304 = arith.constant 0 : i32
          %dma_start3A_305 = tpu.memref_slice %arg8[%dma_start3A_303, %dma_start3A_304] : memref<4x40xi32, #tpu.memory_space<vmem>> -> memref<1x40xi32, #tpu.memory_space<vmem>>
          %dma_start3A_306 = tpu.memref_squeeze %dma_start3A_305 : memref<1x40xi32, #tpu.memory_space<vmem>> -> memref<40xi32, #tpu.memory_space<vmem>>
          %dma_start3A_307 = tpu.memref_slice %arg4[%add3A_302] : memref<640000xi32, #tpu.memory_space<hbm>> -> memref<40xi32, #tpu.memory_space<hbm>>
          %dma_start3A_308 = arith.constant 0 : i32
          %dma_start3A_309 = tpu.memref_slice %arg8[%dma_start3A_303, %dma_start3A_308] : memref<4x40xi32, #tpu.memory_space<vmem>> -> memref<1x40xi32, #tpu.memory_space<vmem>>
          %dma_start3A_310 = tpu.memref_squeeze %dma_start3A_309 : memref<1x40xi32, #tpu.memory_space<vmem>> -> memref<40xi32, #tpu.memory_space<vmem>>
          %dma_start3A_311 = tpu.memref_slice %arg4[%add3A_302] : memref<640000xi32, #tpu.memory_space<hbm>> -> memref<40xi32, #tpu.memory_space<hbm>>
          tpu.enqueue_dma source(%dma_start3A_311 : memref<40xi32, #tpu.memory_space<hbm>>) target(%dma_start3A_310 : memref<40xi32, #tpu.memory_space<vmem>>) target_semaphore(%arg25 : memref<!tpu.dma_semaphore, #tpu.memory_space<semaphore_mem>>)
        } else {
        }
        %scan3A_247 = arith.constant 0 : i32
        %scan3A_248 = arith.constant 0 : i32
        %scan3A_249 = arith.constant 40 : i32
        %scan3A_250 = arith.addi %scan3A_248, %scan3A_249 : i32
        %scan3A_251 = arith.constant 1 : i32
        scf.for %scan3A_284 = %scan3A_248 to %scan3A_250 step %scan3A_251  : i32 {
          %get3A = arith.constant 0 : i32
          %get3A_285 = arith.index_cast %get3A : i32 to index
          %get3A_286 = arith.index_cast %scan3A_284 : i32 to index
          %get3A_287 = arith.constant 0 : index
          %get3A_288 = tpu.vector_load %arg9[%get3A_285, %get3A_286, %get3A_287] {strides = array<i32>} : memref<2x40x128xf32, #tpu.memory_space<vmem>>, vector<1x1x16xf32>,
          %get3A_289 = vector.shape_cast %get3A_288 : vector<1x1x16xf32> to vector<16xf32>
          %get3A_290 = arith.constant 0 : i32
          %get3A_291 = arith.index_cast %get3A_290 : i32 to index
          %get3A_292 = arith.index_cast %scan3A_284 : i32 to index
          %get3A_293 = arith.constant 0 : index
          %get3A_294 = tpu.vector_load %arg10[%get3A_291, %get3A_292, %get3A_293] {strides = array<i32>} : memref<2x40x128xf32, #tpu.memory_space<vmem>>, vector<1x1x16xf32>,
          %get3A_295 = vector.shape_cast %get3A_294 : vector<1x1x16xf32> to vector<16xf32>
          %mul3A_296 = arith.mulf %get3A_289, %get3A_295 : vector<16xf32>
          %swap3A = arith.constant 0 : i32
          %swap3A_297 = arith.index_cast %swap3A : i32 to index
          %swap3A_298 = arith.index_cast %scan3A_284 : i32 to index
          %swap3A_299 = arith.constant 0 : index
          %swap3A_300 = tpu.vector_load %arg11[%swap3A_297, %swap3A_298, %swap3A_299] {strides = array<i32>} : memref<2x40x128xf32, #tpu.memory_space<vmem>>, vector<1x1x16xf32>,
          %swap3A_301 = vector.shape_cast %swap3A_300 : vector<1x1x16xf32> to vector<16xf32>
          %swap3A_302 = vector.shape_cast %mul3A_296 : vector<16xf32> to vector<1x1x16xf32>
          tpu.vector_store %arg11[%swap3A_297, %swap3A_298, %swap3A_299], %swap3A_302 {strides = array<i32>} : memref<2x40x128xf32, #tpu.memory_space<vmem>>, vector<1x1x16xf32>,
          %get3A_303 = arith.constant 0 : i32
          %get3A_304 = arith.index_cast %get3A_303 : i32 to index
          %get3A_305 = arith.index_cast %scan3A_284 : i32 to index
          %get3A_306 = arith.constant 16 : index
          %get3A_307 = tpu.vector_load %arg9[%get3A_304, %get3A_305, %get3A_306] {strides = array<i32>} : memref<2x40x128xf32, #tpu.memory_space<vmem>>, vector<1x1x16xf32>,
          %get3A_308 = vector.shape_cast %get3A_307 : vector<1x1x16xf32> to vector<16xf32>
          %get3A_309 = arith.constant 0 : i32
          %get3A_310 = arith.index_cast %get3A_309 : i32 to index
          %get3A_311 = arith.index_cast %scan3A_284 : i32 to index
          %get3A_312 = arith.constant 16 : index
          %get3A_313 = tpu.vector_load %arg10[%get3A_310, %get3A_311, %get3A_312] {strides = array<i32>} : memref<2x40x128xf32, #tpu.memory_space<vmem>>, vector<1x1x16xf32>,
          %get3A_314 = vector.shape_cast %get3A_313 : vector<1x1x16xf32> to vector<16xf32>
          %mul3A_315 = arith.mulf %get3A_308, %get3A_314 : vector<16xf32>
          %swap3A_316 = arith.constant 0 : i32
          %swap3A_317 = arith.index_cast %swap3A_316 : i32 to index
          %swap3A_318 = arith.index_cast %scan3A_284 : i32 to index
          %swap3A_319 = arith.constant 16 : index
          %swap3A_320 = tpu.vector_load %arg11[%swap3A_317, %swap3A_318, %swap3A_319] {strides = array<i32>} : memref<2x40x128xf32, #tpu.memory_space<vmem>>, vector<1x1x16xf32>,
          %swap3A_321 = vector.shape_cast %swap3A_320 : vector<1x1x16xf32> to vector<16xf32>
          %swap3A_322 = vector.shape_cast %mul3A_315 : vector<16xf32> to vector<1x1x16xf32>
          tpu.vector_store %arg11[%swap3A_317, %swap3A_318, %swap3A_319], %swap3A_322 {strides = array<i32>} : memref<2x40x128xf32, #tpu.memory_space<vmem>>, vector<1x1x16xf32>,
          %get3A_323 = arith.constant 0 : i32
          %get3A_324 = arith.index_cast %get3A_323 : i32 to index
          %get3A_325 = arith.index_cast %scan3A_284 : i32 to index
          %get3A_326 = arith.constant 32 : index
          %get3A_327 = tpu.vector_load %arg9[%get3A_324, %get3A_325, %get3A_326] {strides = array<i32>} : memref<2x40x128xf32, #tpu.memory_space<vmem>>, vector<1x1x16xf32>,
          %get3A_328 = vector.shape_cast %get3A_327 : vector<1x1x16xf32> to vector<16xf32>
          %get3A_329 = arith.constant 0 : i32
          %get3A_330 = arith.index_cast %get3A_329 : i32 to index
          %get3A_331 = arith.index_cast %scan3A_284 : i32 to index
          %get3A_332 = arith.constant 32 : index
          %get3A_333 = tpu.vector_load %arg10[%get3A_330, %get3A_331, %get3A_332] {strides = array<i32>} : memref<2x40x128xf32, #tpu.memory_space<vmem>>, vector<1x1x16xf32>,
          %get3A_334 = vector.shape_cast %get3A_333 : vector<1x1x16xf32> to vector<16xf32>
          %mul3A_335 = arith.mulf %get3A_328, %get3A_334 : vector<16xf32>
          %swap3A_336 = arith.constant 0 : i32
          %swap3A_337 = arith.index_cast %swap3A_336 : i32 to index
          %swap3A_338 = arith.index_cast %scan3A_284 : i32 to index
          %swap3A_339 = arith.constant 32 : index
          %swap3A_340 = tpu.vector_load %arg11[%swap3A_337, %swap3A_338, %swap3A_339] {strides = array<i32>} : memref<2x40x128xf32, #tpu.memory_space<vmem>>, vector<1x1x16xf32>,
          %swap3A_341 = vector.shape_cast %swap3A_340 : vector<1x1x16xf32> to vector<16xf32>
          %swap3A_342 = vector.shape_cast %mul3A_335 : vector<16xf32> to vector<1x1x16xf32>
          tpu.vector_store %arg11[%swap3A_337, %swap3A_338, %swap3A_339], %swap3A_342 {strides = array<i32>} : memref<2x40x128xf32, #tpu.memory_space<vmem>>, vector<1x1x16xf32>,
          %get3A_343 = arith.constant 0 : i32
          %get3A_344 = arith.index_cast %get3A_343 : i32 to index
          %get3A_345 = arith.index_cast %scan3A_284 : i32 to index
          %get3A_346 = arith.constant 48 : index
          %get3A_347 = tpu.vector_load %arg9[%get3A_344, %get3A_345, %get3A_346] {strides = array<i32>} : memref<2x40x128xf32, #tpu.memory_space<vmem>>, vector<1x1x16xf32>,
          %get3A_348 = vector.shape_cast %get3A_347 : vector<1x1x16xf32> to vector<16xf32>
          %get3A_349 = arith.constant 0 : i32
          %get3A_350 = arith.index_cast %get3A_349 : i32 to index
          %get3A_351 = arith.index_cast %scan3A_284 : i32 to index
          %get3A_352 = arith.constant 48 : index
          %get3A_353 = tpu.vector_load %arg10[%get3A_350, %get3A_351, %get3A_352] {strides = array<i32>} : memref<2x40x128xf32, #tpu.memory_space<vmem>>, vector<1x1x16xf32>,
          %get3A_354 = vector.shape_cast %get3A_353 : vector<1x1x16xf32> to vector<16xf32>
          %mul3A_355 = arith.mulf %get3A_348, %get3A_354 : vector<16xf32>
          %swap3A_356 = arith.constant 0 : i32
          %swap3A_357 = arith.index_cast %swap3A_356 : i32 to index
          %swap3A_358 = arith.index_cast %scan3A_284 : i32 to index
          %swap3A_359 = arith.constant 48 : index
          %swap3A_360 = tpu.vector_load %arg11[%swap3A_357, %swap3A_358, %swap3A_359] {strides = array<i32>} : memref<2x40x128xf32, #tpu.memory_space<vmem>>, vector<1x1x16xf32>,
          %swap3A_361 = vector.shape_cast %swap3A_360 : vector<1x1x16xf32> to vector<16xf32>
          %swap3A_362 = vector.shape_cast %mul3A_355 : vector<16xf32> to vector<1x1x16xf32>
          tpu.vector_store %arg11[%swap3A_357, %swap3A_358, %swap3A_359], %swap3A_362 {strides = array<i32>} : memref<2x40x128xf32, #tpu.memory_space<vmem>>, vector<1x1x16xf32>,
          %get3A_363 = arith.constant 0 : i32
          %get3A_364 = arith.index_cast %get3A_363 : i32 to index
          %get3A_365 = arith.index_cast %scan3A_284 : i32 to index
          %get3A_366 = arith.constant 64 : index
          %get3A_367 = tpu.vector_load %arg9[%get3A_364, %get3A_365, %get3A_366] {strides = array<i32>} : memref<2x40x128xf32, #tpu.memory_space<vmem>>, vector<1x1x16xf32>,
          %get3A_368 = vector.shape_cast %get3A_367 : vector<1x1x16xf32> to vector<16xf32>
          %get3A_369 = arith.constant 0 : i32
          %get3A_370 = arith.index_cast %get3A_369 : i32 to index
          %get3A_371 = arith.index_cast %scan3A_284 : i32 to index
          %get3A_372 = arith.constant 64 : index
          %get3A_373 = tpu.vector_load %arg10[%get3A_370, %get3A_371, %get3A_372] {strides = array<i32>} : memref<2x40x128xf32, #tpu.memory_space<vmem>>, vector<1x1x16xf32>,
          %get3A_374 = vector.shape_cast %get3A_373 : vector<1x1x16xf32> to vector<16xf32>
          %mul3A_375 = arith.mulf %get3A_368, %get3A_374 : vector<16xf32>
          %swap3A_376 = arith.constant 0 : i32
          %swap3A_377 = arith.index_cast %swap3A_376 : i32 to index
          %swap3A_378 = arith.index_cast %scan3A_284 : i32 to index
          %swap3A_379 = arith.constant 64 : index
          %swap3A_380 = tpu.vector_load %arg11[%swap3A_377, %swap3A_378, %swap3A_379] {strides = array<i32>} : memref<2x40x128xf32, #tpu.memory_space<vmem>>, vector<1x1x16xf32>,
          %swap3A_381 = vector.shape_cast %swap3A_380 : vector<1x1x16xf32> to vector<16xf32>
          %swap3A_382 = vector.shape_cast %mul3A_375 : vector<16xf32> to vector<1x1x16xf32>
          tpu.vector_store %arg11[%swap3A_377, %swap3A_378, %swap3A_379], %swap3A_382 {strides = array<i32>} : memref<2x40x128xf32, #tpu.memory_space<vmem>>, vector<1x1x16xf32>,
          %get3A_383 = arith.constant 0 : i32
          %get3A_384 = arith.index_cast %get3A_383 : i32 to index
          %get3A_385 = arith.index_cast %scan3A_284 : i32 to index
          %get3A_386 = arith.constant 80 : index
          %get3A_387 = tpu.vector_load %arg9[%get3A_384, %get3A_385, %get3A_386] {strides = array<i32>} : memref<2x40x128xf32, #tpu.memory_space<vmem>>, vector<1x1x16xf32>,
          %get3A_388 = vector.shape_cast %get3A_387 : vector<1x1x16xf32> to vector<16xf32>
          %get3A_389 = arith.constant 0 : i32
          %get3A_390 = arith.index_cast %get3A_389 : i32 to index
          %get3A_391 = arith.index_cast %scan3A_284 : i32 to index
          %get3A_392 = arith.constant 80 : index
          %get3A_393 = tpu.vector_load %arg10[%get3A_390, %get3A_391, %get3A_392] {strides = array<i32>} : memref<2x40x128xf32, #tpu.memory_space<vmem>>, vector<1x1x16xf32>,
          %get3A_394 = vector.shape_cast %get3A_393 : vector<1x1x16xf32> to vector<16xf32>
          %mul3A_395 = arith.mulf %get3A_388, %get3A_394 : vector<16xf32>
          %swap3A_396 = arith.constant 0 : i32
          %swap3A_397 = arith.index_cast %swap3A_396 : i32 to index
          %swap3A_398 = arith.index_cast %scan3A_284 : i32 to index
          %swap3A_399 = arith.constant 80 : index
          %swap3A_400 = tpu.vector_load %arg11[%swap3A_397, %swap3A_398, %swap3A_399] {strides = array<i32>} : memref<2x40x128xf32, #tpu.memory_space<vmem>>, vector<1x1x16xf32>,
          %swap3A_401 = vector.shape_cast %swap3A_400 : vector<1x1x16xf32> to vector<16xf32>
          %swap3A_402 = vector.shape_cast %mul3A_395 : vector<16xf32> to vector<1x1x16xf32>
          tpu.vector_store %arg11[%swap3A_397, %swap3A_398, %swap3A_399], %swap3A_402 {strides = array<i32>} : memref<2x40x128xf32, #tpu.memory_space<vmem>>, vector<1x1x16xf32>,
          %get3A_403 = arith.constant 0 : i32
          %get3A_404 = arith.index_cast %get3A_403 : i32 to index
          %get3A_405 = arith.index_cast %scan3A_284 : i32 to index
          %get3A_406 = arith.constant 96 : index
          %get3A_407 = tpu.vector_load %arg9[%get3A_404, %get3A_405, %get3A_406] {strides = array<i32>} : memref<2x40x128xf32, #tpu.memory_space<vmem>>, vector<1x1x16xf32>,
          %get3A_408 = vector.shape_cast %get3A_407 : vector<1x1x16xf32> to vector<16xf32>
          %get3A_409 = arith.constant 0 : i32
          %get3A_410 = arith.index_cast %get3A_409 : i32 to index
          %get3A_411 = arith.index_cast %scan3A_284 : i32 to index
          %get3A_412 = arith.constant 96 : index
          %get3A_413 = tpu.vector_load %arg10[%get3A_410, %get3A_411, %get3A_412] {strides = array<i32>} : memref<2x40x128xf32, #tpu.memory_space<vmem>>, vector<1x1x16xf32>,
          %get3A_414 = vector.shape_cast %get3A_413 : vector<1x1x16xf32> to vector<16xf32>
          %mul3A_415 = arith.mulf %get3A_408, %get3A_414 : vector<16xf32>
          %swap3A_416 = arith.constant 0 : i32
          %swap3A_417 = arith.index_cast %swap3A_416 : i32 to index
          %swap3A_418 = arith.index_cast %scan3A_284 : i32 to index
          %swap3A_419 = arith.constant 96 : index
          %swap3A_420 = tpu.vector_load %arg11[%swap3A_417, %swap3A_418, %swap3A_419] {strides = array<i32>} : memref<2x40x128xf32, #tpu.memory_space<vmem>>, vector<1x1x16xf32>,
          %swap3A_421 = vector.shape_cast %swap3A_420 : vector<1x1x16xf32> to vector<16xf32>
          %swap3A_422 = vector.shape_cast %mul3A_415 : vector<16xf32> to vector<1x1x16xf32>
          tpu.vector_store %arg11[%swap3A_417, %swap3A_418, %swap3A_419], %swap3A_422 {strides = array<i32>} : memref<2x40x128xf32, #tpu.memory_space<vmem>>, vector<1x1x16xf32>,
          %get3A_423 = arith.constant 0 : i32
          %get3A_424 = arith.index_cast %get3A_423 : i32 to index
          %get3A_425 = arith.index_cast %scan3A_284 : i32 to index
          %get3A_426 = arith.constant 112 : index
          %get3A_427 = tpu.vector_load %arg9[%get3A_424, %get3A_425, %get3A_426] {strides = array<i32>} : memref<2x40x128xf32, #tpu.memory_space<vmem>>, vector<1x1x16xf32>,
          %get3A_428 = vector.shape_cast %get3A_427 : vector<1x1x16xf32> to vector<16xf32>
          %get3A_429 = arith.constant 0 : i32
          %get3A_430 = arith.index_cast %get3A_429 : i32 to index
          %get3A_431 = arith.index_cast %scan3A_284 : i32 to index
          %get3A_432 = arith.constant 112 : index
          %get3A_433 = tpu.vector_load %arg10[%get3A_430, %get3A_431, %get3A_432] {strides = array<i32>} : memref<2x40x128xf32, #tpu.memory_space<vmem>>, vector<1x1x16xf32>,
          %get3A_434 = vector.shape_cast %get3A_433 : vector<1x1x16xf32> to vector<16xf32>
          %mul3A_435 = arith.mulf %get3A_428, %get3A_434 : vector<16xf32>
          %swap3A_436 = arith.constant 0 : i32
          %swap3A_437 = arith.index_cast %swap3A_436 : i32 to index
          %swap3A_438 = arith.index_cast %scan3A_284 : i32 to index
          %swap3A_439 = arith.constant 112 : index
          %swap3A_440 = tpu.vector_load %arg11[%swap3A_437, %swap3A_438, %swap3A_439] {strides = array<i32>} : memref<2x40x128xf32, #tpu.memory_space<vmem>>, vector<1x1x16xf32>,
          %swap3A_441 = vector.shape_cast %swap3A_440 : vector<1x1x16xf32> to vector<16xf32>
          %swap3A_442 = vector.shape_cast %mul3A_435 : vector<16xf32> to vector<1x1x16xf32>
          tpu.vector_store %arg11[%swap3A_437, %swap3A_438, %swap3A_439], %swap3A_442 {strides = array<i32>} : memref<2x40x128xf32, #tpu.memory_space<vmem>>, vector<1x1x16xf32>,
        }
        %scan3A_252 = arith.constant 40 : i32
        %add3A_253 = arith.constant 2 : i32
        %add3A_254 = arith.addi %add3A_176, %add3A_253 : i32
        %lt3A_255 = arith.constant 85 : i32
        %lt3A_256 = arith.cmpi slt, %add3A_254, %lt3A_255 : i32
        %convert_element_type3A_257 = arith.extui %lt3A_256 : i1 to i32
        %cond3A_258 = arith.constant 0 : i32
        %cond3A_259 = arith.cmpi ne, %convert_element_type3A_257, %cond3A_258 : i32
        scf.if %cond3A_259 {
          %add3A_284 = arith.constant 2 : i32
          %add3A_285 = arith.addi %add3A_176, %add3A_284 : i32
          %add3A_286 = arith.constant 320000 : i32
          %add3A_287 = arith.addi %add3A_286, %add3A_8 : i32
          %mul3A_288 = arith.constant 40 : i32
          %mul3A_289 = arith.muli %add3A_285, %mul3A_288 : i32
          %add3A_290 = arith.addi %add3A_287, %mul3A_289 : i32
          %dma_wait3A_291 = arith.constant 2 : i32
          %dma_wait3A_292 = arith.constant 0 : i32
          %dma_wait3A_293 = tpu.memref_slice %arg7[%dma_wait3A_291, %dma_wait3A_292] : memref<4x40xi32, #tpu.memory_space<vmem>> -> memref<1x40xi32, #tpu.memory_space<vmem>>
          %dma_wait3A_294 = tpu.memref_squeeze %dma_wait3A_293 : memref<1x40xi32, #tpu.memory_space<vmem>> -> memref<40xi32, #tpu.memory_space<vmem>>
          %dma_wait3A_295 = tpu.memref_slice %arg4[%add3A_290] : memref<640000xi32, #tpu.memory_space<hbm>> -> memref<40xi32, #tpu.memory_space<hbm>>
          %dma_wait3A_296 = arith.constant 0 : i32
          %dma_wait3A_297 = tpu.memref_slice %arg7[%dma_wait3A_291, %dma_wait3A_296] : memref<4x40xi32, #tpu.memory_space<vmem>> -> memref<1x40xi32, #tpu.memory_space<vmem>>
          %dma_wait3A_298 = tpu.memref_squeeze %dma_wait3A_297 : memref<1x40xi32, #tpu.memory_space<vmem>> -> memref<40xi32, #tpu.memory_space<vmem>>
          %dma_wait3A_299 = tpu.memref_slice %arg4[%add3A_290] : memref<640000xi32, #tpu.memory_space<hbm>> -> memref<40xi32, #tpu.memory_space<hbm>>
          tpu.wait_dma2 semaphore(%arg21 : memref<!tpu.dma_semaphore, #tpu.memory_space<semaphore_mem>>) src(%dma_wait3A_299 : memref<40xi32, #tpu.memory_space<hbm>>) dst(%dma_wait3A_298 : memref<40xi32, #tpu.memory_space<vmem>>)
          %add3A_300 = arith.constant 2 : i32
          %add3A_301 = arith.addi %add3A_176, %add3A_300 : i32
          %dma_start3A_302 = arith.constant 2 : i32
          %dma_start3A_303 = arith.constant 0 : i32
          %dma_start3A_304 = arith.constant 0 : i32
          %dma_start3A_305 = arith.constant 0 : i32
          %dma_start3A_306 = tpu.memref_slice %arg9[%dma_start3A_303, %dma_start3A_304, %dma_start3A_305] : memref<2x40x128xf32, #tpu.memory_space<vmem>> -> memref<1x40x128xf32, #tpu.memory_space<vmem>>
          %dma_start3A_307 = tpu.memref_squeeze %dma_start3A_306 : memref<1x40x128xf32, #tpu.memory_space<vmem>> -> memref<40x128xf32, #tpu.memory_space<vmem>>
          %dma_start3A_308 = arith.constant 0 : i32
          %dma_start3A_309 = tpu.memref_slice %arg7[%dma_start3A_302, %dma_start3A_308] : memref<4x40xi32, #tpu.memory_space<vmem>> -> memref<1x40xi32, #tpu.memory_space<vmem>>
          %dma_start3A_310 = tpu.memref_squeeze %dma_start3A_309 : memref<1x40xi32, #tpu.memory_space<vmem>> -> memref<40xi32, #tpu.memory_space<vmem>>
          %dma_start3A_311 = arith.constant 0 : i32
          %dma_start3A_312 = arith.constant 0 : i32
          %dma_start3A_313 = tpu.memref_slice %arg2[%dma_start3A_311, %dma_start3A_312] : memref<10000x128xf32, #tpu.memory_space<hbm>> -> memref<10000x128xf32, #tpu.memory_space<hbm>>
          tpu.enqueue_indirect_dma source(%dma_start3A_313 : memref<10000x128xf32, #tpu.memory_space<hbm>>) target(%dma_start3A_307 : memref<40x128xf32, #tpu.memory_space<vmem>>) offsets(%dma_start3A_310 : memref<40xi32, #tpu.memory_space<vmem>>) semaphore(%arg13 : memref<!tpu.dma_semaphore, #tpu.memory_space<semaphore_mem>>)
          %mul3A_314 = arith.constant 40 : i32
          %mul3A_315 = arith.muli %add3A_301, %mul3A_314 : i32
          %add3A_316 = arith.addi %mul3A_10, %mul3A_315 : i32
          %dma_start3A_317 = arith.constant 0 : i32
          %dma_start3A_318 = arith.constant 0 : i32
          %dma_start3A_319 = arith.constant 0 : i32
          %dma_start3A_320 = tpu.memref_slice %arg10[%dma_start3A_317, %dma_start3A_318, %dma_start3A_319] : memref<2x40x128xf32, #tpu.memory_space<vmem>> -> memref<1x40x128xf32, #tpu.memory_space<vmem>>
          %dma_start3A_321 = tpu.memref_squeeze %dma_start3A_320 : memref<1x40x128xf32, #tpu.memory_space<vmem>> -> memref<40x128xf32, #tpu.memory_space<vmem>>
          %dma_start3A_322 = arith.constant 0 : i32
          %dma_start3A_323 = tpu.memref_slice %arg3[%add3A_316, %dma_start3A_322] : memref<108800x128xf32, #tpu.memory_space<hbm>> -> memref<40x128xf32, #tpu.memory_space<hbm>>
          %dma_start3A_324 = arith.constant 0 : i32
          %dma_start3A_325 = arith.constant 0 : i32
          %dma_start3A_326 = tpu.memref_slice %arg10[%dma_start3A_317, %dma_start3A_324, %dma_start3A_325] : memref<2x40x128xf32, #tpu.memory_space<vmem>> -> memref<1x40x128xf32, #tpu.memory_space<vmem>>
          %dma_start3A_327 = tpu.memref_squeeze %dma_start3A_326 : memref<1x40x128xf32, #tpu.memory_space<vmem>> -> memref<40x128xf32, #tpu.memory_space<vmem>>
          %dma_start3A_328 = arith.constant 0 : i32
          %dma_start3A_329 = tpu.memref_slice %arg3[%add3A_316, %dma_start3A_328] : memref<108800x128xf32, #tpu.memory_space<hbm>> -> memref<40x128xf32, #tpu.memory_space<hbm>>
          tpu.enqueue_dma source(%dma_start3A_329 : memref<40x128xf32, #tpu.memory_space<hbm>>) target(%dma_start3A_327 : memref<40x128xf32, #tpu.memory_space<vmem>>) target_semaphore(%arg15 : memref<!tpu.dma_semaphore, #tpu.memory_space<semaphore_mem>>)
        } else {
        }
        %mul3A_260 = arith.constant 40 : i32
        %mul3A_261 = arith.muli %add3A_176, %mul3A_260 : i32
        %add3A_262 = arith.addi %add3A_8, %mul3A_261 : i32
        %dma_wait3A_263 = arith.constant 0 : i32
        %dma_wait3A_264 = arith.constant 0 : i32
        %dma_wait3A_265 = tpu.memref_slice %arg8[%dma_wait3A_263, %dma_wait3A_264] : memref<4x40xi32, #tpu.memory_space<vmem>> -> memref<1x40xi32, #tpu.memory_space<vmem>>
        %dma_wait3A_266 = tpu.memref_squeeze %dma_wait3A_265 : memref<1x40xi32, #tpu.memory_space<vmem>> -> memref<40xi32, #tpu.memory_space<vmem>>
        %dma_wait3A_267 = tpu.memref_slice %arg4[%add3A_262] : memref<640000xi32, #tpu.memory_space<hbm>> -> memref<40xi32, #tpu.memory_space<hbm>>
        %dma_wait3A_268 = arith.constant 0 : i32
        %dma_wait3A_269 = tpu.memref_slice %arg8[%dma_wait3A_263, %dma_wait3A_268] : memref<4x40xi32, #tpu.memory_space<vmem>> -> memref<1x40xi32, #tpu.memory_space<vmem>>
        %dma_wait3A_270 = tpu.memref_squeeze %dma_wait3A_269 : memref<1x40xi32, #tpu.memory_space<vmem>> -> memref<40xi32, #tpu.memory_space<vmem>>
        %dma_wait3A_271 = tpu.memref_slice %arg4[%add3A_262] : memref<640000xi32, #tpu.memory_space<hbm>> -> memref<40xi32, #tpu.memory_space<hbm>>
        tpu.wait_dma2 semaphore(%arg23 : memref<!tpu.dma_semaphore, #tpu.memory_space<semaphore_mem>>) src(%dma_wait3A_271 : memref<40xi32, #tpu.memory_space<hbm>>) dst(%dma_wait3A_270 : memref<40xi32, #tpu.memory_space<vmem>>)
        %dma_start3A_272 = arith.constant 0 : i32
        %dma_start3A_273 = arith.constant 0 : i32
        %dma_start3A_274 = arith.constant 0 : i32
        %dma_start3A_275 = arith.constant 0 : i32
        %dma_start3A_276 = tpu.memref_slice %arg11[%dma_start3A_272, %dma_start3A_274, %dma_start3A_275] : memref<2x40x128xf32, #tpu.memory_space<vmem>> -> memref<1x40x128xf32, #tpu.memory_space<vmem>>
        %dma_start3A_277 = tpu.memref_squeeze %dma_start3A_276 : memref<1x40x128xf32, #tpu.memory_space<vmem>> -> memref<40x128xf32, #tpu.memory_space<vmem>>
        %dma_start3A_278 = arith.constant 0 : i32
        %dma_start3A_279 = tpu.memref_slice %arg8[%dma_start3A_273, %dma_start3A_278] : memref<4x40xi32, #tpu.memory_space<vmem>> -> memref<1x40xi32, #tpu.memory_space<vmem>>
        %dma_start3A_280 = tpu.memref_squeeze %dma_start3A_279 : memref<1x40xi32, #tpu.memory_space<vmem>> -> memref<40xi32, #tpu.memory_space<vmem>>
        %dma_start3A_281 = arith.constant 0 : i32
        %dma_start3A_282 = arith.constant 0 : i32
        %dma_start3A_283 = tpu.memref_slice %arg12[%dma_start3A_281, %dma_start3A_282] : memref<10000x128xf32, #tpu.memory_space<vmem_shared>> -> memref<10000x128xf32, #tpu.memory_space<vmem_shared>>
        tpu.enqueue_indirect_dma source(%dma_start3A_277 : memref<40x128xf32, #tpu.memory_space<vmem>>) target(%dma_start3A_283 : memref<10000x128xf32, #tpu.memory_space<vmem_shared>>) offsets(%dma_start3A_280 : memref<40xi32, #tpu.memory_space<vmem>>) semaphore(%arg17 : memref<!tpu.dma_semaphore, #tpu.memory_space<semaphore_mem>>) {add = true}
      } else {
      }
      %mul3A_181 = arith.constant 4 : i32
      %mul3A_182 = arith.muli %scan3A_172, %mul3A_181 : i32
      %add3A_183 = arith.constant 1 : i32
      %add3A_184 = arith.addi %mul3A_182, %add3A_183 : i32
      %lt3A_185 = arith.constant 85 : i32
      %lt3A_186 = arith.cmpi slt, %add3A_184, %lt3A_185 : i32
      %convert_element_type3A_187 = arith.extui %lt3A_186 : i1 to i32
      %cond3A_188 = arith.constant 0 : i32
      %cond3A_189 = arith.cmpi ne, %convert_element_type3A_187, %cond3A_188 : i32
      scf.if %cond3A_189 {
        %dma_wait3A_208 = arith.constant 1 : i32
        %dma_wait3A_209 = arith.constant 1 : i32
        %dma_wait3A_210 = arith.constant 0 : i32
        %dma_wait3A_211 = arith.constant 0 : i32
        %dma_wait3A_212 = tpu.memref_slice %arg9[%dma_wait3A_209, %dma_wait3A_210, %dma_wait3A_211] : memref<2x40x128xf32, #tpu.memory_space<vmem>> -> memref<1x40x128xf32, #tpu.memory_space<vmem>>
        %dma_wait3A_213 = tpu.memref_squeeze %dma_wait3A_212 : memref<1x40x128xf32, #tpu.memory_space<vmem>> -> memref<40x128xf32, #tpu.memory_space<vmem>>
        %dma_wait3A_214 = arith.constant 0 : i32
        %dma_wait3A_215 = tpu.memref_slice %arg7[%dma_wait3A_208, %dma_wait3A_214] : memref<4x40xi32, #tpu.memory_space<vmem>> -> memref<1x40xi32, #tpu.memory_space<vmem>>
        %dma_wait3A_216 = tpu.memref_squeeze %dma_wait3A_215 : memref<1x40xi32, #tpu.memory_space<vmem>> -> memref<40xi32, #tpu.memory_space<vmem>>
        %dma_wait3A_217 = arith.constant 0 : i32
        %dma_wait3A_218 = arith.constant 0 : i32
        %dma_wait3A_219 = tpu.memref_slice %arg2[%dma_wait3A_217, %dma_wait3A_218] : memref<10000x128xf32, #tpu.memory_space<hbm>> -> memref<10000x128xf32, #tpu.memory_space<hbm>>
        tpu.wait_indirect_dma semaphore(%arg14 : memref<!tpu.dma_semaphore, #tpu.memory_space<semaphore_mem>>) src(%dma_wait3A_219 : memref<10000x128xf32, #tpu.memory_space<hbm>>) dst(%dma_wait3A_213 : memref<40x128xf32, #tpu.memory_space<vmem>>)
        %mul3A_220 = arith.constant 40 : i32
        %mul3A_221 = arith.muli %add3A_184, %mul3A_220 : i32
        %add3A_222 = arith.addi %mul3A_10, %mul3A_221 : i32
        %dma_wait3A_223 = arith.constant 1 : i32
        %dma_wait3A_224 = arith.constant 0 : i32
        %dma_wait3A_225 = arith.constant 0 : i32
        %dma_wait3A_226 = tpu.memref_slice %arg10[%dma_wait3A_223, %dma_wait3A_224, %dma_wait3A_225] : memref<2x40x128xf32, #tpu.memory_space<vmem>> -> memref<1x40x128xf32, #tpu.memory_space<vmem>>
        %dma_wait3A_227 = tpu.memref_squeeze %dma_wait3A_226 : memref<1x40x128xf32, #tpu.memory_space<vmem>> -> memref<40x128xf32, #tpu.memory_space<vmem>>
        %dma_wait3A_228 = arith.constant 0 : i32
        %dma_wait3A_229 = tpu.memref_slice %arg3[%add3A_222, %dma_wait3A_228] : memref<108800x128xf32, #tpu.memory_space<hbm>> -> memref<40x128xf32, #tpu.memory_space<hbm>>
        %dma_wait3A_230 = arith.constant 0 : i32
        %dma_wait3A_231 = arith.constant 0 : i32
        %dma_wait3A_232 = tpu.memref_slice %arg10[%dma_wait3A_223, %dma_wait3A_230, %dma_wait3A_231] : memref<2x40x128xf32, #tpu.memory_space<vmem>> -> memref<1x40x128xf32, #tpu.memory_space<vmem>>
        %dma_wait3A_233 = tpu.memref_squeeze %dma_wait3A_232 : memref<1x40x128xf32, #tpu.memory_space<vmem>> -> memref<40x128xf32, #tpu.memory_space<vmem>>
        %dma_wait3A_234 = arith.constant 0 : i32
        %dma_wait3A_235 = tpu.memref_slice %arg3[%add3A_222, %dma_wait3A_234] : memref<108800x128xf32, #tpu.memory_space<hbm>> -> memref<40x128xf32, #tpu.memory_space<hbm>>
        tpu.wait_dma2 semaphore(%arg16 : memref<!tpu.dma_semaphore, #tpu.memory_space<semaphore_mem>>) src(%dma_wait3A_235 : memref<40x128xf32, #tpu.memory_space<hbm>>) dst(%dma_wait3A_233 : memref<40x128xf32, #tpu.memory_space<vmem>>)
        %ge3A = arith.constant 2 : i32
        %ge3A_236 = arith.cmpi sge, %add3A_184, %ge3A : i32
        %convert_element_type3A_237 = arith.extui %ge3A_236 : i1 to i32
        %cond3A_238 = arith.constant 0 : i32
        %cond3A_239 = arith.cmpi ne, %convert_element_type3A_237, %cond3A_238 : i32
        scf.if %cond3A_239 {
          %dma_wait3A_284 = arith.constant 1 : i32
          %dma_wait3A_285 = arith.constant 3 : i32
          %dma_wait3A_286 = arith.constant 0 : i32
          %dma_wait3A_287 = arith.constant 0 : i32
          %dma_wait3A_288 = tpu.memref_slice %arg11[%dma_wait3A_284, %dma_wait3A_286, %dma_wait3A_287] : memref<2x40x128xf32, #tpu.memory_space<vmem>> -> memref<1x40x128xf32, #tpu.memory_space<vmem>>
          %dma_wait3A_289 = tpu.memref_squeeze %dma_wait3A_288 : memref<1x40x128xf32, #tpu.memory_space<vmem>> -> memref<40x128xf32, #tpu.memory_space<vmem>>
          %dma_wait3A_290 = arith.constant 0 : i32
          %dma_wait3A_291 = tpu.memref_slice %arg8[%dma_wait3A_285, %dma_wait3A_290] : memref<4x40xi32, #tpu.memory_space<vmem>> -> memref<1x40xi32, #tpu.memory_space<vmem>>
          %dma_wait3A_292 = tpu.memref_squeeze %dma_wait3A_291 : memref<1x40xi32, #tpu.memory_space<vmem>> -> memref<40xi32, #tpu.memory_space<vmem>>
          %dma_wait3A_293 = arith.constant 0 : i32
          %dma_wait3A_294 = arith.constant 0 : i32
          %dma_wait3A_295 = tpu.memref_slice %arg12[%dma_wait3A_293, %dma_wait3A_294] : memref<10000x128xf32, #tpu.memory_space<vmem_shared>> -> memref<10000x128xf32, #tpu.memory_space<vmem_shared>>
          tpu.wait_indirect_dma semaphore(%arg18 : memref<!tpu.dma_semaphore, #tpu.memory_space<semaphore_mem>>) src(%dma_wait3A_289 : memref<40x128xf32, #tpu.memory_space<vmem>>) dst(%dma_wait3A_295 : memref<10000x128xf32, #tpu.memory_space<vmem_shared>>)
        } else {
        }
        %add3A_240 = arith.constant 2 : i32
        %add3A_241 = arith.addi %add3A_184, %add3A_240 : i32
        %lt3A_242 = arith.constant 85 : i32
        %lt3A_243 = arith.cmpi slt, %add3A_241, %lt3A_242 : i32
        %convert_element_type3A_244 = arith.extui %lt3A_243 : i1 to i32
        %cond3A_245 = arith.constant 0 : i32
        %cond3A_246 = arith.cmpi ne, %convert_element_type3A_244, %cond3A_245 : i32
        scf.if %cond3A_246 {
          %add3A_284 = arith.constant 2 : i32
          %add3A_285 = arith.addi %add3A_184, %add3A_284 : i32
          %add3A_286 = arith.constant 320000 : i32
          %add3A_287 = arith.addi %add3A_286, %add3A_8 : i32
          %mul3A_288 = arith.constant 40 : i32
          %mul3A_289 = arith.muli %add3A_285, %mul3A_288 : i32
          %add3A_290 = arith.addi %add3A_287, %mul3A_289 : i32
          %dma_start3A_291 = arith.constant 3 : i32
          %dma_start3A_292 = arith.constant 0 : i32
          %dma_start3A_293 = tpu.memref_slice %arg7[%dma_start3A_291, %dma_start3A_292] : memref<4x40xi32, #tpu.memory_space<vmem>> -> memref<1x40xi32, #tpu.memory_space<vmem>>
          %dma_start3A_294 = tpu.memref_squeeze %dma_start3A_293 : memref<1x40xi32, #tpu.memory_space<vmem>> -> memref<40xi32, #tpu.memory_space<vmem>>
          %dma_start3A_295 = tpu.memref_slice %arg4[%add3A_290] : memref<640000xi32, #tpu.memory_space<hbm>> -> memref<40xi32, #tpu.memory_space<hbm>>
          %dma_start3A_296 = arith.constant 0 : i32
          %dma_start3A_297 = tpu.memref_slice %arg7[%dma_start3A_291, %dma_start3A_296] : memref<4x40xi32, #tpu.memory_space<vmem>> -> memref<1x40xi32, #tpu.memory_space<vmem>>
          %dma_start3A_298 = tpu.memref_squeeze %dma_start3A_297 : memref<1x40xi32, #tpu.memory_space<vmem>> -> memref<40xi32, #tpu.memory_space<vmem>>
          %dma_start3A_299 = tpu.memref_slice %arg4[%add3A_290] : memref<640000xi32, #tpu.memory_space<hbm>> -> memref<40xi32, #tpu.memory_space<hbm>>
          tpu.enqueue_dma source(%dma_start3A_299 : memref<40xi32, #tpu.memory_space<hbm>>) target(%dma_start3A_298 : memref<40xi32, #tpu.memory_space<vmem>>) target_semaphore(%arg22 : memref<!tpu.dma_semaphore, #tpu.memory_space<semaphore_mem>>)
          %mul3A_300 = arith.constant 40 : i32
          %mul3A_301 = arith.muli %add3A_285, %mul3A_300 : i32
          %add3A_302 = arith.addi %add3A_8, %mul3A_301 : i32
          %dma_start3A_303 = arith.constant 3 : i32
          %dma_start3A_304 = arith.constant 0 : i32
          %dma_start3A_305 = tpu.memref_slice %arg8[%dma_start3A_303, %dma_start3A_304] : memref<4x40xi32, #tpu.memory_space<vmem>> -> memref<1x40xi32, #tpu.memory_space<vmem>>
          %dma_start3A_306 = tpu.memref_squeeze %dma_start3A_305 : memref<1x40xi32, #tpu.memory_space<vmem>> -> memref<40xi32, #tpu.memory_space<vmem>>
          %dma_start3A_307 = tpu.memref_slice %arg4[%add3A_302] : memref<640000xi32, #tpu.memory_space<hbm>> -> memref<40xi32, #tpu.memory_space<hbm>>
          %dma_start3A_308 = arith.constant 0 : i32
          %dma_start3A_309 = tpu.memref_slice %arg8[%dma_start3A_303, %dma_start3A_308] : memref<4x40xi32, #tpu.memory_space<vmem>> -> memref<1x40xi32, #tpu.memory_space<vmem>>
          %dma_start3A_310 = tpu.memref_squeeze %dma_start3A_309 : memref<1x40xi32, #tpu.memory_space<vmem>> -> memref<40xi32, #tpu.memory_space<vmem>>
          %dma_start3A_311 = tpu.memref_slice %arg4[%add3A_302] : memref<640000xi32, #tpu.memory_space<hbm>> -> memref<40xi32, #tpu.memory_space<hbm>>
          tpu.enqueue_dma source(%dma_start3A_311 : memref<40xi32, #tpu.memory_space<hbm>>) target(%dma_start3A_310 : memref<40xi32, #tpu.memory_space<vmem>>) target_semaphore(%arg26 : memref<!tpu.dma_semaphore, #tpu.memory_space<semaphore_mem>>)
        } else {
        }
        %scan3A_247 = arith.constant 0 : i32
        %scan3A_248 = arith.constant 0 : i32
        %scan3A_249 = arith.constant 40 : i32
        %scan3A_250 = arith.addi %scan3A_248, %scan3A_249 : i32
        %scan3A_251 = arith.constant 1 : i32
        scf.for %scan3A_284 = %scan3A_248 to %scan3A_250 step %scan3A_251  : i32 {
          %get3A = arith.constant 1 : i32
          %get3A_285 = arith.index_cast %get3A : i32 to index
          %get3A_286 = arith.index_cast %scan3A_284 : i32 to index
          %get3A_287 = arith.constant 0 : index
          %get3A_288 = tpu.vector_load %arg9[%get3A_285, %get3A_286, %get3A_287] {strides = array<i32>} : memref<2x40x128xf32, #tpu.memory_space<vmem>>, vector<1x1x16xf32>,
          %get3A_289 = vector.shape_cast %get3A_288 : vector<1x1x16xf32> to vector<16xf32>
          %get3A_290 = arith.constant 1 : i32
          %get3A_291 = arith.index_cast %get3A_290 : i32 to index
          %get3A_292 = arith.index_cast %scan3A_284 : i32 to index
          %get3A_293 = arith.constant 0 : index
          %get3A_294 = tpu.vector_load %arg10[%get3A_291, %get3A_292, %get3A_293] {strides = array<i32>} : memref<2x40x128xf32, #tpu.memory_space<vmem>>, vector<1x1x16xf32>,
          %get3A_295 = vector.shape_cast %get3A_294 : vector<1x1x16xf32> to vector<16xf32>
          %mul3A_296 = arith.mulf %get3A_289, %get3A_295 : vector<16xf32>
          %swap3A = arith.constant 1 : i32
          %swap3A_297 = arith.index_cast %swap3A : i32 to index
          %swap3A_298 = arith.index_cast %scan3A_284 : i32 to index
          %swap3A_299 = arith.constant 0 : index
          %swap3A_300 = tpu.vector_load %arg11[%swap3A_297, %swap3A_298, %swap3A_299] {strides = array<i32>} : memref<2x40x128xf32, #tpu.memory_space<vmem>>, vector<1x1x16xf32>,
          %swap3A_301 = vector.shape_cast %swap3A_300 : vector<1x1x16xf32> to vector<16xf32>
          %swap3A_302 = vector.shape_cast %mul3A_296 : vector<16xf32> to vector<1x1x16xf32>
          tpu.vector_store %arg11[%swap3A_297, %swap3A_298, %swap3A_299], %swap3A_302 {strides = array<i32>} : memref<2x40x128xf32, #tpu.memory_space<vmem>>, vector<1x1x16xf32>,
          %get3A_303 = arith.constant 1 : i32
          %get3A_304 = arith.index_cast %get3A_303 : i32 to index
          %get3A_305 = arith.index_cast %scan3A_284 : i32 to index
          %get3A_306 = arith.constant 16 : index
          %get3A_307 = tpu.vector_load %arg9[%get3A_304, %get3A_305, %get3A_306] {strides = array<i32>} : memref<2x40x128xf32, #tpu.memory_space<vmem>>, vector<1x1x16xf32>,
          %get3A_308 = vector.shape_cast %get3A_307 : vector<1x1x16xf32> to vector<16xf32>
          %get3A_309 = arith.constant 1 : i32
          %get3A_310 = arith.index_cast %get3A_309 : i32 to index
          %get3A_311 = arith.index_cast %scan3A_284 : i32 to index
          %get3A_312 = arith.constant 16 : index
          %get3A_313 = tpu.vector_load %arg10[%get3A_310, %get3A_311, %get3A_312] {strides = array<i32>} : memref<2x40x128xf32, #tpu.memory_space<vmem>>, vector<1x1x16xf32>,
          %get3A_314 = vector.shape_cast %get3A_313 : vector<1x1x16xf32> to vector<16xf32>
          %mul3A_315 = arith.mulf %get3A_308, %get3A_314 : vector<16xf32>
          %swap3A_316 = arith.constant 1 : i32
          %swap3A_317 = arith.index_cast %swap3A_316 : i32 to index
          %swap3A_318 = arith.index_cast %scan3A_284 : i32 to index
          %swap3A_319 = arith.constant 16 : index
          %swap3A_320 = tpu.vector_load %arg11[%swap3A_317, %swap3A_318, %swap3A_319] {strides = array<i32>} : memref<2x40x128xf32, #tpu.memory_space<vmem>>, vector<1x1x16xf32>,
          %swap3A_321 = vector.shape_cast %swap3A_320 : vector<1x1x16xf32> to vector<16xf32>
          %swap3A_322 = vector.shape_cast %mul3A_315 : vector<16xf32> to vector<1x1x16xf32>
          tpu.vector_store %arg11[%swap3A_317, %swap3A_318, %swap3A_319], %swap3A_322 {strides = array<i32>} : memref<2x40x128xf32, #tpu.memory_space<vmem>>, vector<1x1x16xf32>,
          %get3A_323 = arith.constant 1 : i32
          %get3A_324 = arith.index_cast %get3A_323 : i32 to index
          %get3A_325 = arith.index_cast %scan3A_284 : i32 to index
          %get3A_326 = arith.constant 32 : index
          %get3A_327 = tpu.vector_load %arg9[%get3A_324, %get3A_325, %get3A_326] {strides = array<i32>} : memref<2x40x128xf32, #tpu.memory_space<vmem>>, vector<1x1x16xf32>,
          %get3A_328 = vector.shape_cast %get3A_327 : vector<1x1x16xf32> to vector<16xf32>
          %get3A_329 = arith.constant 1 : i32
          %get3A_330 = arith.index_cast %get3A_329 : i32 to index
          %get3A_331 = arith.index_cast %scan3A_284 : i32 to index
          %get3A_332 = arith.constant 32 : index
          %get3A_333 = tpu.vector_load %arg10[%get3A_330, %get3A_331, %get3A_332] {strides = array<i32>} : memref<2x40x128xf32, #tpu.memory_space<vmem>>, vector<1x1x16xf32>,
          %get3A_334 = vector.shape_cast %get3A_333 : vector<1x1x16xf32> to vector<16xf32>
          %mul3A_335 = arith.mulf %get3A_328, %get3A_334 : vector<16xf32>
          %swap3A_336 = arith.constant 1 : i32
          %swap3A_337 = arith.index_cast %swap3A_336 : i32 to index
          %swap3A_338 = arith.index_cast %scan3A_284 : i32 to index
          %swap3A_339 = arith.constant 32 : index
          %swap3A_340 = tpu.vector_load %arg11[%swap3A_337, %swap3A_338, %swap3A_339] {strides = array<i32>} : memref<2x40x128xf32, #tpu.memory_space<vmem>>, vector<1x1x16xf32>,
          %swap3A_341 = vector.shape_cast %swap3A_340 : vector<1x1x16xf32> to vector<16xf32>
          %swap3A_342 = vector.shape_cast %mul3A_335 : vector<16xf32> to vector<1x1x16xf32>
          tpu.vector_store %arg11[%swap3A_337, %swap3A_338, %swap3A_339], %swap3A_342 {strides = array<i32>} : memref<2x40x128xf32, #tpu.memory_space<vmem>>, vector<1x1x16xf32>,
          %get3A_343 = arith.constant 1 : i32
          %get3A_344 = arith.index_cast %get3A_343 : i32 to index
          %get3A_345 = arith.index_cast %scan3A_284 : i32 to index
          %get3A_346 = arith.constant 48 : index
          %get3A_347 = tpu.vector_load %arg9[%get3A_344, %get3A_345, %get3A_346] {strides = array<i32>} : memref<2x40x128xf32, #tpu.memory_space<vmem>>, vector<1x1x16xf32>,
          %get3A_348 = vector.shape_cast %get3A_347 : vector<1x1x16xf32> to vector<16xf32>
          %get3A_349 = arith.constant 1 : i32
          %get3A_350 = arith.index_cast %get3A_349 : i32 to index
          %get3A_351 = arith.index_cast %scan3A_284 : i32 to index
          %get3A_352 = arith.constant 48 : index
          %get3A_353 = tpu.vector_load %arg10[%get3A_350, %get3A_351, %get3A_352] {strides = array<i32>} : memref<2x40x128xf32, #tpu.memory_space<vmem>>, vector<1x1x16xf32>,
          %get3A_354 = vector.shape_cast %get3A_353 : vector<1x1x16xf32> to vector<16xf32>
          %mul3A_355 = arith.mulf %get3A_348, %get3A_354 : vector<16xf32>
          %swap3A_356 = arith.constant 1 : i32
          %swap3A_357 = arith.index_cast %swap3A_356 : i32 to index
          %swap3A_358 = arith.index_cast %scan3A_284 : i32 to index
          %swap3A_359 = arith.constant 48 : index
          %swap3A_360 = tpu.vector_load %arg11[%swap3A_357, %swap3A_358, %swap3A_359] {strides = array<i32>} : memref<2x40x128xf32, #tpu.memory_space<vmem>>, vector<1x1x16xf32>,
          %swap3A_361 = vector.shape_cast %swap3A_360 : vector<1x1x16xf32> to vector<16xf32>
          %swap3A_362 = vector.shape_cast %mul3A_355 : vector<16xf32> to vector<1x1x16xf32>
          tpu.vector_store %arg11[%swap3A_357, %swap3A_358, %swap3A_359], %swap3A_362 {strides = array<i32>} : memref<2x40x128xf32, #tpu.memory_space<vmem>>, vector<1x1x16xf32>,
          %get3A_363 = arith.constant 1 : i32
          %get3A_364 = arith.index_cast %get3A_363 : i32 to index
          %get3A_365 = arith.index_cast %scan3A_284 : i32 to index
          %get3A_366 = arith.constant 64 : index
          %get3A_367 = tpu.vector_load %arg9[%get3A_364, %get3A_365, %get3A_366] {strides = array<i32>} : memref<2x40x128xf32, #tpu.memory_space<vmem>>, vector<1x1x16xf32>,
          %get3A_368 = vector.shape_cast %get3A_367 : vector<1x1x16xf32> to vector<16xf32>
          %get3A_369 = arith.constant 1 : i32
          %get3A_370 = arith.index_cast %get3A_369 : i32 to index
          %get3A_371 = arith.index_cast %scan3A_284 : i32 to index
          %get3A_372 = arith.constant 64 : index
          %get3A_373 = tpu.vector_load %arg10[%get3A_370, %get3A_371, %get3A_372] {strides = array<i32>} : memref<2x40x128xf32, #tpu.memory_space<vmem>>, vector<1x1x16xf32>,
          %get3A_374 = vector.shape_cast %get3A_373 : vector<1x1x16xf32> to vector<16xf32>
          %mul3A_375 = arith.mulf %get3A_368, %get3A_374 : vector<16xf32>
          %swap3A_376 = arith.constant 1 : i32
          %swap3A_377 = arith.index_cast %swap3A_376 : i32 to index
          %swap3A_378 = arith.index_cast %scan3A_284 : i32 to index
          %swap3A_379 = arith.constant 64 : index
          %swap3A_380 = tpu.vector_load %arg11[%swap3A_377, %swap3A_378, %swap3A_379] {strides = array<i32>} : memref<2x40x128xf32, #tpu.memory_space<vmem>>, vector<1x1x16xf32>,
          %swap3A_381 = vector.shape_cast %swap3A_380 : vector<1x1x16xf32> to vector<16xf32>
          %swap3A_382 = vector.shape_cast %mul3A_375 : vector<16xf32> to vector<1x1x16xf32>
          tpu.vector_store %arg11[%swap3A_377, %swap3A_378, %swap3A_379], %swap3A_382 {strides = array<i32>} : memref<2x40x128xf32, #tpu.memory_space<vmem>>, vector<1x1x16xf32>,
          %get3A_383 = arith.constant 1 : i32
          %get3A_384 = arith.index_cast %get3A_383 : i32 to index
          %get3A_385 = arith.index_cast %scan3A_284 : i32 to index
          %get3A_386 = arith.constant 80 : index
          %get3A_387 = tpu.vector_load %arg9[%get3A_384, %get3A_385, %get3A_386] {strides = array<i32>} : memref<2x40x128xf32, #tpu.memory_space<vmem>>, vector<1x1x16xf32>,
          %get3A_388 = vector.shape_cast %get3A_387 : vector<1x1x16xf32> to vector<16xf32>
          %get3A_389 = arith.constant 1 : i32
          %get3A_390 = arith.index_cast %get3A_389 : i32 to index
          %get3A_391 = arith.index_cast %scan3A_284 : i32 to index
          %get3A_392 = arith.constant 80 : index
          %get3A_393 = tpu.vector_load %arg10[%get3A_390, %get3A_391, %get3A_392] {strides = array<i32>} : memref<2x40x128xf32, #tpu.memory_space<vmem>>, vector<1x1x16xf32>,
          %get3A_394 = vector.shape_cast %get3A_393 : vector<1x1x16xf32> to vector<16xf32>
          %mul3A_395 = arith.mulf %get3A_388, %get3A_394 : vector<16xf32>
          %swap3A_396 = arith.constant 1 : i32
          %swap3A_397 = arith.index_cast %swap3A_396 : i32 to index
          %swap3A_398 = arith.index_cast %scan3A_284 : i32 to index
          %swap3A_399 = arith.constant 80 : index
          %swap3A_400 = tpu.vector_load %arg11[%swap3A_397, %swap3A_398, %swap3A_399] {strides = array<i32>} : memref<2x40x128xf32, #tpu.memory_space<vmem>>, vector<1x1x16xf32>,
          %swap3A_401 = vector.shape_cast %swap3A_400 : vector<1x1x16xf32> to vector<16xf32>
          %swap3A_402 = vector.shape_cast %mul3A_395 : vector<16xf32> to vector<1x1x16xf32>
          tpu.vector_store %arg11[%swap3A_397, %swap3A_398, %swap3A_399], %swap3A_402 {strides = array<i32>} : memref<2x40x128xf32, #tpu.memory_space<vmem>>, vector<1x1x16xf32>,
          %get3A_403 = arith.constant 1 : i32
          %get3A_404 = arith.index_cast %get3A_403 : i32 to index
          %get3A_405 = arith.index_cast %scan3A_284 : i32 to index
          %get3A_406 = arith.constant 96 : index
          %get3A_407 = tpu.vector_load %arg9[%get3A_404, %get3A_405, %get3A_406] {strides = array<i32>} : memref<2x40x128xf32, #tpu.memory_space<vmem>>, vector<1x1x16xf32>,
          %get3A_408 = vector.shape_cast %get3A_407 : vector<1x1x16xf32> to vector<16xf32>
          %get3A_409 = arith.constant 1 : i32
          %get3A_410 = arith.index_cast %get3A_409 : i32 to index
          %get3A_411 = arith.index_cast %scan3A_284 : i32 to index
          %get3A_412 = arith.constant 96 : index
          %get3A_413 = tpu.vector_load %arg10[%get3A_410, %get3A_411, %get3A_412] {strides = array<i32>} : memref<2x40x128xf32, #tpu.memory_space<vmem>>, vector<1x1x16xf32>,
          %get3A_414 = vector.shape_cast %get3A_413 : vector<1x1x16xf32> to vector<16xf32>
          %mul3A_415 = arith.mulf %get3A_408, %get3A_414 : vector<16xf32>
          %swap3A_416 = arith.constant 1 : i32
          %swap3A_417 = arith.index_cast %swap3A_416 : i32 to index
          %swap3A_418 = arith.index_cast %scan3A_284 : i32 to index
          %swap3A_419 = arith.constant 96 : index
          %swap3A_420 = tpu.vector_load %arg11[%swap3A_417, %swap3A_418, %swap3A_419] {strides = array<i32>} : memref<2x40x128xf32, #tpu.memory_space<vmem>>, vector<1x1x16xf32>,
          %swap3A_421 = vector.shape_cast %swap3A_420 : vector<1x1x16xf32> to vector<16xf32>
          %swap3A_422 = vector.shape_cast %mul3A_415 : vector<16xf32> to vector<1x1x16xf32>
          tpu.vector_store %arg11[%swap3A_417, %swap3A_418, %swap3A_419], %swap3A_422 {strides = array<i32>} : memref<2x40x128xf32, #tpu.memory_space<vmem>>, vector<1x1x16xf32>,
          %get3A_423 = arith.constant 1 : i32
          %get3A_424 = arith.index_cast %get3A_423 : i32 to index
          %get3A_425 = arith.index_cast %scan3A_284 : i32 to index
          %get3A_426 = arith.constant 112 : index
          %get3A_427 = tpu.vector_load %arg9[%get3A_424, %get3A_425, %get3A_426] {strides = array<i32>} : memref<2x40x128xf32, #tpu.memory_space<vmem>>, vector<1x1x16xf32>,
          %get3A_428 = vector.shape_cast %get3A_427 : vector<1x1x16xf32> to vector<16xf32>
          %get3A_429 = arith.constant 1 : i32
          %get3A_430 = arith.index_cast %get3A_429 : i32 to index
          %get3A_431 = arith.index_cast %scan3A_284 : i32 to index
          %get3A_432 = arith.constant 112 : index
          %get3A_433 = tpu.vector_load %arg10[%get3A_430, %get3A_431, %get3A_432] {strides = array<i32>} : memref<2x40x128xf32, #tpu.memory_space<vmem>>, vector<1x1x16xf32>,
          %get3A_434 = vector.shape_cast %get3A_433 : vector<1x1x16xf32> to vector<16xf32>
          %mul3A_435 = arith.mulf %get3A_428, %get3A_434 : vector<16xf32>
          %swap3A_436 = arith.constant 1 : i32
          %swap3A_437 = arith.index_cast %swap3A_436 : i32 to index
          %swap3A_438 = arith.index_cast %scan3A_284 : i32 to index
          %swap3A_439 = arith.constant 112 : index
          %swap3A_440 = tpu.vector_load %arg11[%swap3A_437, %swap3A_438, %swap3A_439] {strides = array<i32>} : memref<2x40x128xf32, #tpu.memory_space<vmem>>, vector<1x1x16xf32>,
          %swap3A_441 = vector.shape_cast %swap3A_440 : vector<1x1x16xf32> to vector<16xf32>
          %swap3A_442 = vector.shape_cast %mul3A_435 : vector<16xf32> to vector<1x1x16xf32>
          tpu.vector_store %arg11[%swap3A_437, %swap3A_438, %swap3A_439], %swap3A_442 {strides = array<i32>} : memref<2x40x128xf32, #tpu.memory_space<vmem>>, vector<1x1x16xf32>,
        }
        %scan3A_252 = arith.constant 40 : i32
        %add3A_253 = arith.constant 2 : i32
        %add3A_254 = arith.addi %add3A_184, %add3A_253 : i32
        %lt3A_255 = arith.constant 85 : i32
        %lt3A_256 = arith.cmpi slt, %add3A_254, %lt3A_255 : i32
        %convert_element_type3A_257 = arith.extui %lt3A_256 : i1 to i32
        %cond3A_258 = arith.constant 0 : i32
        %cond3A_259 = arith.cmpi ne, %convert_element_type3A_257, %cond3A_258 : i32
        scf.if %cond3A_259 {
          %add3A_284 = arith.constant 2 : i32
          %add3A_285 = arith.addi %add3A_184, %add3A_284 : i32
          %add3A_286 = arith.constant 320000 : i32
          %add3A_287 = arith.addi %add3A_286, %add3A_8 : i32
          %mul3A_288 = arith.constant 40 : i32
          %mul3A_289 = arith.muli %add3A_285, %mul3A_288 : i32
          %add3A_290 = arith.addi %add3A_287, %mul3A_289 : i32
          %dma_wait3A_291 = arith.constant 3 : i32
          %dma_wait3A_292 = arith.constant 0 : i32
          %dma_wait3A_293 = tpu.memref_slice %arg7[%dma_wait3A_291, %dma_wait3A_292] : memref<4x40xi32, #tpu.memory_space<vmem>> -> memref<1x40xi32, #tpu.memory_space<vmem>>
          %dma_wait3A_294 = tpu.memref_squeeze %dma_wait3A_293 : memref<1x40xi32, #tpu.memory_space<vmem>> -> memref<40xi32, #tpu.memory_space<vmem>>
          %dma_wait3A_295 = tpu.memref_slice %arg4[%add3A_290] : memref<640000xi32, #tpu.memory_space<hbm>> -> memref<40xi32, #tpu.memory_space<hbm>>
          %dma_wait3A_296 = arith.constant 0 : i32
          %dma_wait3A_297 = tpu.memref_slice %arg7[%dma_wait3A_291, %dma_wait3A_296] : memref<4x40xi32, #tpu.memory_space<vmem>> -> memref<1x40xi32, #tpu.memory_space<vmem>>
          %dma_wait3A_298 = tpu.memref_squeeze %dma_wait3A_297 : memref<1x40xi32, #tpu.memory_space<vmem>> -> memref<40xi32, #tpu.memory_space<vmem>>
          %dma_wait3A_299 = tpu.memref_slice %arg4[%add3A_290] : memref<640000xi32, #tpu.memory_space<hbm>> -> memref<40xi32, #tpu.memory_space<hbm>>
          tpu.wait_dma2 semaphore(%arg22 : memref<!tpu.dma_semaphore, #tpu.memory_space<semaphore_mem>>) src(%dma_wait3A_299 : memref<40xi32, #tpu.memory_space<hbm>>) dst(%dma_wait3A_298 : memref<40xi32, #tpu.memory_space<vmem>>)
          %add3A_300 = arith.constant 2 : i32
          %add3A_301 = arith.addi %add3A_184, %add3A_300 : i32
          %dma_start3A_302 = arith.constant 3 : i32
          %dma_start3A_303 = arith.constant 1 : i32
          %dma_start3A_304 = arith.constant 0 : i32
          %dma_start3A_305 = arith.constant 0 : i32
          %dma_start3A_306 = tpu.memref_slice %arg9[%dma_start3A_303, %dma_start3A_304, %dma_start3A_305] : memref<2x40x128xf32, #tpu.memory_space<vmem>> -> memref<1x40x128xf32, #tpu.memory_space<vmem>>
          %dma_start3A_307 = tpu.memref_squeeze %dma_start3A_306 : memref<1x40x128xf32, #tpu.memory_space<vmem>> -> memref<40x128xf32, #tpu.memory_space<vmem>>
          %dma_start3A_308 = arith.constant 0 : i32
          %dma_start3A_309 = tpu.memref_slice %arg7[%dma_start3A_302, %dma_start3A_308] : memref<4x40xi32, #tpu.memory_space<vmem>> -> memref<1x40xi32, #tpu.memory_space<vmem>>
          %dma_start3A_310 = tpu.memref_squeeze %dma_start3A_309 : memref<1x40xi32, #tpu.memory_space<vmem>> -> memref<40xi32, #tpu.memory_space<vmem>>
          %dma_start3A_311 = arith.constant 0 : i32
          %dma_start3A_312 = arith.constant 0 : i32
          %dma_start3A_313 = tpu.memref_slice %arg2[%dma_start3A_311, %dma_start3A_312] : memref<10000x128xf32, #tpu.memory_space<hbm>> -> memref<10000x128xf32, #tpu.memory_space<hbm>>
          tpu.enqueue_indirect_dma source(%dma_start3A_313 : memref<10000x128xf32, #tpu.memory_space<hbm>>) target(%dma_start3A_307 : memref<40x128xf32, #tpu.memory_space<vmem>>) offsets(%dma_start3A_310 : memref<40xi32, #tpu.memory_space<vmem>>) semaphore(%arg14 : memref<!tpu.dma_semaphore, #tpu.memory_space<semaphore_mem>>)
          %mul3A_314 = arith.constant 40 : i32
          %mul3A_315 = arith.muli %add3A_301, %mul3A_314 : i32
          %add3A_316 = arith.addi %mul3A_10, %mul3A_315 : i32
          %dma_start3A_317 = arith.constant 1 : i32
          %dma_start3A_318 = arith.constant 0 : i32
          %dma_start3A_319 = arith.constant 0 : i32
          %dma_start3A_320 = tpu.memref_slice %arg10[%dma_start3A_317, %dma_start3A_318, %dma_start3A_319] : memref<2x40x128xf32, #tpu.memory_space<vmem>> -> memref<1x40x128xf32, #tpu.memory_space<vmem>>
          %dma_start3A_321 = tpu.memref_squeeze %dma_start3A_320 : memref<1x40x128xf32, #tpu.memory_space<vmem>> -> memref<40x128xf32, #tpu.memory_space<vmem>>
          %dma_start3A_322 = arith.constant 0 : i32
          %dma_start3A_323 = tpu.memref_slice %arg3[%add3A_316, %dma_start3A_322] : memref<108800x128xf32, #tpu.memory_space<hbm>> -> memref<40x128xf32, #tpu.memory_space<hbm>>
          %dma_start3A_324 = arith.constant 0 : i32
          %dma_start3A_325 = arith.constant 0 : i32
          %dma_start3A_326 = tpu.memref_slice %arg10[%dma_start3A_317, %dma_start3A_324, %dma_start3A_325] : memref<2x40x128xf32, #tpu.memory_space<vmem>> -> memref<1x40x128xf32, #tpu.memory_space<vmem>>
          %dma_start3A_327 = tpu.memref_squeeze %dma_start3A_326 : memref<1x40x128xf32, #tpu.memory_space<vmem>> -> memref<40x128xf32, #tpu.memory_space<vmem>>
          %dma_start3A_328 = arith.constant 0 : i32
          %dma_start3A_329 = tpu.memref_slice %arg3[%add3A_316, %dma_start3A_328] : memref<108800x128xf32, #tpu.memory_space<hbm>> -> memref<40x128xf32, #tpu.memory_space<hbm>>
          tpu.enqueue_dma source(%dma_start3A_329 : memref<40x128xf32, #tpu.memory_space<hbm>>) target(%dma_start3A_327 : memref<40x128xf32, #tpu.memory_space<vmem>>) target_semaphore(%arg16 : memref<!tpu.dma_semaphore, #tpu.memory_space<semaphore_mem>>)
        } else {
        }
        %mul3A_260 = arith.constant 40 : i32
        %mul3A_261 = arith.muli %add3A_184, %mul3A_260 : i32
        %add3A_262 = arith.addi %add3A_8, %mul3A_261 : i32
        %dma_wait3A_263 = arith.constant 1 : i32
        %dma_wait3A_264 = arith.constant 0 : i32
        %dma_wait3A_265 = tpu.memref_slice %arg8[%dma_wait3A_263, %dma_wait3A_264] : memref<4x40xi32, #tpu.memory_space<vmem>> -> memref<1x40xi32, #tpu.memory_space<vmem>>
        %dma_wait3A_266 = tpu.memref_squeeze %dma_wait3A_265 : memref<1x40xi32, #tpu.memory_space<vmem>> -> memref<40xi32, #tpu.memory_space<vmem>>
        %dma_wait3A_267 = tpu.memref_slice %arg4[%add3A_262] : memref<640000xi32, #tpu.memory_space<hbm>> -> memref<40xi32, #tpu.memory_space<hbm>>
        %dma_wait3A_268 = arith.constant 0 : i32
        %dma_wait3A_269 = tpu.memref_slice %arg8[%dma_wait3A_263, %dma_wait3A_268] : memref<4x40xi32, #tpu.memory_space<vmem>> -> memref<1x40xi32, #tpu.memory_space<vmem>>
        %dma_wait3A_270 = tpu.memref_squeeze %dma_wait3A_269 : memref<1x40xi32, #tpu.memory_space<vmem>> -> memref<40xi32, #tpu.memory_space<vmem>>
        %dma_wait3A_271 = tpu.memref_slice %arg4[%add3A_262] : memref<640000xi32, #tpu.memory_space<hbm>> -> memref<40xi32, #tpu.memory_space<hbm>>
        tpu.wait_dma2 semaphore(%arg24 : memref<!tpu.dma_semaphore, #tpu.memory_space<semaphore_mem>>) src(%dma_wait3A_271 : memref<40xi32, #tpu.memory_space<hbm>>) dst(%dma_wait3A_270 : memref<40xi32, #tpu.memory_space<vmem>>)
        %dma_start3A_272 = arith.constant 1 : i32
        %dma_start3A_273 = arith.constant 1 : i32
        %dma_start3A_274 = arith.constant 0 : i32
        %dma_start3A_275 = arith.constant 0 : i32
        %dma_start3A_276 = tpu.memref_slice %arg11[%dma_start3A_272, %dma_start3A_274, %dma_start3A_275] : memref<2x40x128xf32, #tpu.memory_space<vmem>> -> memref<1x40x128xf32, #tpu.memory_space<vmem>>
        %dma_start3A_277 = tpu.memref_squeeze %dma_start3A_276 : memref<1x40x128xf32, #tpu.memory_space<vmem>> -> memref<40x128xf32, #tpu.memory_space<vmem>>
        %dma_start3A_278 = arith.constant 0 : i32
        %dma_start3A_279 = tpu.memref_slice %arg8[%dma_start3A_273, %dma_start3A_278] : memref<4x40xi32, #tpu.memory_space<vmem>> -> memref<1x40xi32, #tpu.memory_space<vmem>>
        %dma_start3A_280 = tpu.memref_squeeze %dma_start3A_279 : memref<1x40xi32, #tpu.memory_space<vmem>> -> memref<40xi32, #tpu.memory_space<vmem>>
        %dma_start3A_281 = arith.constant 0 : i32
        %dma_start3A_282 = arith.constant 0 : i32
        %dma_start3A_283 = tpu.memref_slice %arg12[%dma_start3A_281, %dma_start3A_282] : memref<10000x128xf32, #tpu.memory_space<vmem_shared>> -> memref<10000x128xf32, #tpu.memory_space<vmem_shared>>
        tpu.enqueue_indirect_dma source(%dma_start3A_277 : memref<40x128xf32, #tpu.memory_space<vmem>>) target(%dma_start3A_283 : memref<10000x128xf32, #tpu.memory_space<vmem_shared>>) offsets(%dma_start3A_280 : memref<40xi32, #tpu.memory_space<vmem>>) semaphore(%arg18 : memref<!tpu.dma_semaphore, #tpu.memory_space<semaphore_mem>>) {add = true}
      } else {
      }
      %mul3A_190 = arith.constant 4 : i32
      %mul3A_191 = arith.muli %scan3A_172, %mul3A_190 : i32
      %add3A_192 = arith.constant 2 : i32
      %add3A_193 = arith.addi %mul3A_191, %add3A_192 : i32
      %lt3A_194 = arith.constant 85 : i32
      %lt3A_195 = arith.cmpi slt, %add3A_193, %lt3A_194 : i32
      %convert_element_type3A_196 = arith.extui %lt3A_195 : i1 to i32
      %cond3A_197 = arith.constant 0 : i32
      %cond3A_198 = arith.cmpi ne, %convert_element_type3A_196, %cond3A_197 : i32
      scf.if %cond3A_198 {
        %dma_wait3A_208 = arith.constant 2 : i32
        %dma_wait3A_209 = arith.constant 0 : i32
        %dma_wait3A_210 = arith.constant 0 : i32
        %dma_wait3A_211 = arith.constant 0 : i32
        %dma_wait3A_212 = tpu.memref_slice %arg9[%dma_wait3A_209, %dma_wait3A_210, %dma_wait3A_211] : memref<2x40x128xf32, #tpu.memory_space<vmem>> -> memref<1x40x128xf32, #tpu.memory_space<vmem>>
        %dma_wait3A_213 = tpu.memref_squeeze %dma_wait3A_212 : memref<1x40x128xf32, #tpu.memory_space<vmem>> -> memref<40x128xf32, #tpu.memory_space<vmem>>
        %dma_wait3A_214 = arith.constant 0 : i32
        %dma_wait3A_215 = tpu.memref_slice %arg7[%dma_wait3A_208, %dma_wait3A_214] : memref<4x40xi32, #tpu.memory_space<vmem>> -> memref<1x40xi32, #tpu.memory_space<vmem>>
        %dma_wait3A_216 = tpu.memref_squeeze %dma_wait3A_215 : memref<1x40xi32, #tpu.memory_space<vmem>> -> memref<40xi32, #tpu.memory_space<vmem>>
        %dma_wait3A_217 = arith.constant 0 : i32
        %dma_wait3A_218 = arith.constant 0 : i32
        %dma_wait3A_219 = tpu.memref_slice %arg2[%dma_wait3A_217, %dma_wait3A_218] : memref<10000x128xf32, #tpu.memory_space<hbm>> -> memref<10000x128xf32, #tpu.memory_space<hbm>>
        tpu.wait_indirect_dma semaphore(%arg13 : memref<!tpu.dma_semaphore, #tpu.memory_space<semaphore_mem>>) src(%dma_wait3A_219 : memref<10000x128xf32, #tpu.memory_space<hbm>>) dst(%dma_wait3A_213 : memref<40x128xf32, #tpu.memory_space<vmem>>)
        %mul3A_220 = arith.constant 40 : i32
        %mul3A_221 = arith.muli %add3A_193, %mul3A_220 : i32
        %add3A_222 = arith.addi %mul3A_10, %mul3A_221 : i32
        %dma_wait3A_223 = arith.constant 0 : i32
        %dma_wait3A_224 = arith.constant 0 : i32
        %dma_wait3A_225 = arith.constant 0 : i32
        %dma_wait3A_226 = tpu.memref_slice %arg10[%dma_wait3A_223, %dma_wait3A_224, %dma_wait3A_225] : memref<2x40x128xf32, #tpu.memory_space<vmem>> -> memref<1x40x128xf32, #tpu.memory_space<vmem>>
        %dma_wait3A_227 = tpu.memref_squeeze %dma_wait3A_226 : memref<1x40x128xf32, #tpu.memory_space<vmem>> -> memref<40x128xf32, #tpu.memory_space<vmem>>
        %dma_wait3A_228 = arith.constant 0 : i32
        %dma_wait3A_229 = tpu.memref_slice %arg3[%add3A_222, %dma_wait3A_228] : memref<108800x128xf32, #tpu.memory_space<hbm>> -> memref<40x128xf32, #tpu.memory_space<hbm>>
        %dma_wait3A_230 = arith.constant 0 : i32
        %dma_wait3A_231 = arith.constant 0 : i32
        %dma_wait3A_232 = tpu.memref_slice %arg10[%dma_wait3A_223, %dma_wait3A_230, %dma_wait3A_231] : memref<2x40x128xf32, #tpu.memory_space<vmem>> -> memref<1x40x128xf32, #tpu.memory_space<vmem>>
        %dma_wait3A_233 = tpu.memref_squeeze %dma_wait3A_232 : memref<1x40x128xf32, #tpu.memory_space<vmem>> -> memref<40x128xf32, #tpu.memory_space<vmem>>
        %dma_wait3A_234 = arith.constant 0 : i32
        %dma_wait3A_235 = tpu.memref_slice %arg3[%add3A_222, %dma_wait3A_234] : memref<108800x128xf32, #tpu.memory_space<hbm>> -> memref<40x128xf32, #tpu.memory_space<hbm>>
        tpu.wait_dma2 semaphore(%arg15 : memref<!tpu.dma_semaphore, #tpu.memory_space<semaphore_mem>>) src(%dma_wait3A_235 : memref<40x128xf32, #tpu.memory_space<hbm>>) dst(%dma_wait3A_233 : memref<40x128xf32, #tpu.memory_space<vmem>>)
        %ge3A = arith.constant 2 : i32
        %ge3A_236 = arith.cmpi sge, %add3A_193, %ge3A : i32
        %convert_element_type3A_237 = arith.extui %ge3A_236 : i1 to i32
        %cond3A_238 = arith.constant 0 : i32
        %cond3A_239 = arith.cmpi ne, %convert_element_type3A_237, %cond3A_238 : i32
        scf.if %cond3A_239 {
          %dma_wait3A_284 = arith.constant 0 : i32
          %dma_wait3A_285 = arith.constant 0 : i32
          %dma_wait3A_286 = arith.constant 0 : i32
          %dma_wait3A_287 = arith.constant 0 : i32
          %dma_wait3A_288 = tpu.memref_slice %arg11[%dma_wait3A_284, %dma_wait3A_286, %dma_wait3A_287] : memref<2x40x128xf32, #tpu.memory_space<vmem>> -> memref<1x40x128xf32, #tpu.memory_space<vmem>>
          %dma_wait3A_289 = tpu.memref_squeeze %dma_wait3A_288 : memref<1x40x128xf32, #tpu.memory_space<vmem>> -> memref<40x128xf32, #tpu.memory_space<vmem>>
          %dma_wait3A_290 = arith.constant 0 : i32
          %dma_wait3A_291 = tpu.memref_slice %arg8[%dma_wait3A_285, %dma_wait3A_290] : memref<4x40xi32, #tpu.memory_space<vmem>> -> memref<1x40xi32, #tpu.memory_space<vmem>>
          %dma_wait3A_292 = tpu.memref_squeeze %dma_wait3A_291 : memref<1x40xi32, #tpu.memory_space<vmem>> -> memref<40xi32, #tpu.memory_space<vmem>>
          %dma_wait3A_293 = arith.constant 0 : i32
          %dma_wait3A_294 = arith.constant 0 : i32
          %dma_wait3A_295 = tpu.memref_slice %arg12[%dma_wait3A_293, %dma_wait3A_294] : memref<10000x128xf32, #tpu.memory_space<vmem_shared>> -> memref<10000x128xf32, #tpu.memory_space<vmem_shared>>
          tpu.wait_indirect_dma semaphore(%arg17 : memref<!tpu.dma_semaphore, #tpu.memory_space<semaphore_mem>>) src(%dma_wait3A_289 : memref<40x128xf32, #tpu.memory_space<vmem>>) dst(%dma_wait3A_295 : memref<10000x128xf32, #tpu.memory_space<vmem_shared>>)
        } else {
        }
        %add3A_240 = arith.constant 2 : i32
        %add3A_241 = arith.addi %add3A_193, %add3A_240 : i32
        %lt3A_242 = arith.constant 85 : i32
        %lt3A_243 = arith.cmpi slt, %add3A_241, %lt3A_242 : i32
        %convert_element_type3A_244 = arith.extui %lt3A_243 : i1 to i32
        %cond3A_245 = arith.constant 0 : i32
        %cond3A_246 = arith.cmpi ne, %convert_element_type3A_244, %cond3A_245 : i32
        scf.if %cond3A_246 {
          %add3A_284 = arith.constant 2 : i32
          %add3A_285 = arith.addi %add3A_193, %add3A_284 : i32
          %add3A_286 = arith.constant 320000 : i32
          %add3A_287 = arith.addi %add3A_286, %add3A_8 : i32
          %mul3A_288 = arith.constant 40 : i32
          %mul3A_289 = arith.muli %add3A_285, %mul3A_288 : i32
          %add3A_290 = arith.addi %add3A_287, %mul3A_289 : i32
          %dma_start3A_291 = arith.constant 0 : i32
          %dma_start3A_292 = arith.constant 0 : i32
          %dma_start3A_293 = tpu.memref_slice %arg7[%dma_start3A_291, %dma_start3A_292] : memref<4x40xi32, #tpu.memory_space<vmem>> -> memref<1x40xi32, #tpu.memory_space<vmem>>
          %dma_start3A_294 = tpu.memref_squeeze %dma_start3A_293 : memref<1x40xi32, #tpu.memory_space<vmem>> -> memref<40xi32, #tpu.memory_space<vmem>>
          %dma_start3A_295 = tpu.memref_slice %arg4[%add3A_290] : memref<640000xi32, #tpu.memory_space<hbm>> -> memref<40xi32, #tpu.memory_space<hbm>>
          %dma_start3A_296 = arith.constant 0 : i32
          %dma_start3A_297 = tpu.memref_slice %arg7[%dma_start3A_291, %dma_start3A_296] : memref<4x40xi32, #tpu.memory_space<vmem>> -> memref<1x40xi32, #tpu.memory_space<vmem>>
          %dma_start3A_298 = tpu.memref_squeeze %dma_start3A_297 : memref<1x40xi32, #tpu.memory_space<vmem>> -> memref<40xi32, #tpu.memory_space<vmem>>
          %dma_start3A_299 = tpu.memref_slice %arg4[%add3A_290] : memref<640000xi32, #tpu.memory_space<hbm>> -> memref<40xi32, #tpu.memory_space<hbm>>
          tpu.enqueue_dma source(%dma_start3A_299 : memref<40xi32, #tpu.memory_space<hbm>>) target(%dma_start3A_298 : memref<40xi32, #tpu.memory_space<vmem>>) target_semaphore(%arg19 : memref<!tpu.dma_semaphore, #tpu.memory_space<semaphore_mem>>)
          %mul3A_300 = arith.constant 40 : i32
          %mul3A_301 = arith.muli %add3A_285, %mul3A_300 : i32
          %add3A_302 = arith.addi %add3A_8, %mul3A_301 : i32
          %dma_start3A_303 = arith.constant 0 : i32
          %dma_start3A_304 = arith.constant 0 : i32
          %dma_start3A_305 = tpu.memref_slice %arg8[%dma_start3A_303, %dma_start3A_304] : memref<4x40xi32, #tpu.memory_space<vmem>> -> memref<1x40xi32, #tpu.memory_space<vmem>>
          %dma_start3A_306 = tpu.memref_squeeze %dma_start3A_305 : memref<1x40xi32, #tpu.memory_space<vmem>> -> memref<40xi32, #tpu.memory_space<vmem>>
          %dma_start3A_307 = tpu.memref_slice %arg4[%add3A_302] : memref<640000xi32, #tpu.memory_space<hbm>> -> memref<40xi32, #tpu.memory_space<hbm>>
          %dma_start3A_308 = arith.constant 0 : i32
          %dma_start3A_309 = tpu.memref_slice %arg8[%dma_start3A_303, %dma_start3A_308] : memref<4x40xi32, #tpu.memory_space<vmem>> -> memref<1x40xi32, #tpu.memory_space<vmem>>
          %dma_start3A_310 = tpu.memref_squeeze %dma_start3A_309 : memref<1x40xi32, #tpu.memory_space<vmem>> -> memref<40xi32, #tpu.memory_space<vmem>>
          %dma_start3A_311 = tpu.memref_slice %arg4[%add3A_302] : memref<640000xi32, #tpu.memory_space<hbm>> -> memref<40xi32, #tpu.memory_space<hbm>>
          tpu.enqueue_dma source(%dma_start3A_311 : memref<40xi32, #tpu.memory_space<hbm>>) target(%dma_start3A_310 : memref<40xi32, #tpu.memory_space<vmem>>) target_semaphore(%arg23 : memref<!tpu.dma_semaphore, #tpu.memory_space<semaphore_mem>>)
        } else {
        }
        %scan3A_247 = arith.constant 0 : i32
        %scan3A_248 = arith.constant 0 : i32
        %scan3A_249 = arith.constant 40 : i32
        %scan3A_250 = arith.addi %scan3A_248, %scan3A_249 : i32
        %scan3A_251 = arith.constant 1 : i32
        scf.for %scan3A_284 = %scan3A_248 to %scan3A_250 step %scan3A_251  : i32 {
          %get3A = arith.constant 0 : i32
          %get3A_285 = arith.index_cast %get3A : i32 to index
          %get3A_286 = arith.index_cast %scan3A_284 : i32 to index
          %get3A_287 = arith.constant 0 : index
          %get3A_288 = tpu.vector_load %arg9[%get3A_285, %get3A_286, %get3A_287] {strides = array<i32>} : memref<2x40x128xf32, #tpu.memory_space<vmem>>, vector<1x1x16xf32>,
          %get3A_289 = vector.shape_cast %get3A_288 : vector<1x1x16xf32> to vector<16xf32>
          %get3A_290 = arith.constant 0 : i32
          %get3A_291 = arith.index_cast %get3A_290 : i32 to index
          %get3A_292 = arith.index_cast %scan3A_284 : i32 to index
          %get3A_293 = arith.constant 0 : index
          %get3A_294 = tpu.vector_load %arg10[%get3A_291, %get3A_292, %get3A_293] {strides = array<i32>} : memref<2x40x128xf32, #tpu.memory_space<vmem>>, vector<1x1x16xf32>,
          %get3A_295 = vector.shape_cast %get3A_294 : vector<1x1x16xf32> to vector<16xf32>
          %mul3A_296 = arith.mulf %get3A_289, %get3A_295 : vector<16xf32>
          %swap3A = arith.constant 0 : i32
          %swap3A_297 = arith.index_cast %swap3A : i32 to index
          %swap3A_298 = arith.index_cast %scan3A_284 : i32 to index
          %swap3A_299 = arith.constant 0 : index
          %swap3A_300 = tpu.vector_load %arg11[%swap3A_297, %swap3A_298, %swap3A_299] {strides = array<i32>} : memref<2x40x128xf32, #tpu.memory_space<vmem>>, vector<1x1x16xf32>,
          %swap3A_301 = vector.shape_cast %swap3A_300 : vector<1x1x16xf32> to vector<16xf32>
          %swap3A_302 = vector.shape_cast %mul3A_296 : vector<16xf32> to vector<1x1x16xf32>
          tpu.vector_store %arg11[%swap3A_297, %swap3A_298, %swap3A_299], %swap3A_302 {strides = array<i32>} : memref<2x40x128xf32, #tpu.memory_space<vmem>>, vector<1x1x16xf32>,
          %get3A_303 = arith.constant 0 : i32
          %get3A_304 = arith.index_cast %get3A_303 : i32 to index
          %get3A_305 = arith.index_cast %scan3A_284 : i32 to index
          %get3A_306 = arith.constant 16 : index
          %get3A_307 = tpu.vector_load %arg9[%get3A_304, %get3A_305, %get3A_306] {strides = array<i32>} : memref<2x40x128xf32, #tpu.memory_space<vmem>>, vector<1x1x16xf32>,
          %get3A_308 = vector.shape_cast %get3A_307 : vector<1x1x16xf32> to vector<16xf32>
          %get3A_309 = arith.constant 0 : i32
          %get3A_310 = arith.index_cast %get3A_309 : i32 to index
          %get3A_311 = arith.index_cast %scan3A_284 : i32 to index
          %get3A_312 = arith.constant 16 : index
          %get3A_313 = tpu.vector_load %arg10[%get3A_310, %get3A_311, %get3A_312] {strides = array<i32>} : memref<2x40x128xf32, #tpu.memory_space<vmem>>, vector<1x1x16xf32>,
          %get3A_314 = vector.shape_cast %get3A_313 : vector<1x1x16xf32> to vector<16xf32>
          %mul3A_315 = arith.mulf %get3A_308, %get3A_314 : vector<16xf32>
          %swap3A_316 = arith.constant 0 : i32
          %swap3A_317 = arith.index_cast %swap3A_316 : i32 to index
          %swap3A_318 = arith.index_cast %scan3A_284 : i32 to index
          %swap3A_319 = arith.constant 16 : index
          %swap3A_320 = tpu.vector_load %arg11[%swap3A_317, %swap3A_318, %swap3A_319] {strides = array<i32>} : memref<2x40x128xf32, #tpu.memory_space<vmem>>, vector<1x1x16xf32>,
          %swap3A_321 = vector.shape_cast %swap3A_320 : vector<1x1x16xf32> to vector<16xf32>
          %swap3A_322 = vector.shape_cast %mul3A_315 : vector<16xf32> to vector<1x1x16xf32>
          tpu.vector_store %arg11[%swap3A_317, %swap3A_318, %swap3A_319], %swap3A_322 {strides = array<i32>} : memref<2x40x128xf32, #tpu.memory_space<vmem>>, vector<1x1x16xf32>,
          %get3A_323 = arith.constant 0 : i32
          %get3A_324 = arith.index_cast %get3A_323 : i32 to index
          %get3A_325 = arith.index_cast %scan3A_284 : i32 to index
          %get3A_326 = arith.constant 32 : index
          %get3A_327 = tpu.vector_load %arg9[%get3A_324, %get3A_325, %get3A_326] {strides = array<i32>} : memref<2x40x128xf32, #tpu.memory_space<vmem>>, vector<1x1x16xf32>,
          %get3A_328 = vector.shape_cast %get3A_327 : vector<1x1x16xf32> to vector<16xf32>
          %get3A_329 = arith.constant 0 : i32
          %get3A_330 = arith.index_cast %get3A_329 : i32 to index
          %get3A_331 = arith.index_cast %scan3A_284 : i32 to index
          %get3A_332 = arith.constant 32 : index
          %get3A_333 = tpu.vector_load %arg10[%get3A_330, %get3A_331, %get3A_332] {strides = array<i32>} : memref<2x40x128xf32, #tpu.memory_space<vmem>>, vector<1x1x16xf32>,
          %get3A_334 = vector.shape_cast %get3A_333 : vector<1x1x16xf32> to vector<16xf32>
          %mul3A_335 = arith.mulf %get3A_328, %get3A_334 : vector<16xf32>
          %swap3A_336 = arith.constant 0 : i32
          %swap3A_337 = arith.index_cast %swap3A_336 : i32 to index
          %swap3A_338 = arith.index_cast %scan3A_284 : i32 to index
          %swap3A_339 = arith.constant 32 : index
          %swap3A_340 = tpu.vector_load %arg11[%swap3A_337, %swap3A_338, %swap3A_339] {strides = array<i32>} : memref<2x40x128xf32, #tpu.memory_space<vmem>>, vector<1x1x16xf32>,
          %swap3A_341 = vector.shape_cast %swap3A_340 : vector<1x1x16xf32> to vector<16xf32>
          %swap3A_342 = vector.shape_cast %mul3A_335 : vector<16xf32> to vector<1x1x16xf32>
          tpu.vector_store %arg11[%swap3A_337, %swap3A_338, %swap3A_339], %swap3A_342 {strides = array<i32>} : memref<2x40x128xf32, #tpu.memory_space<vmem>>, vector<1x1x16xf32>,
          %get3A_343 = arith.constant 0 : i32
          %get3A_344 = arith.index_cast %get3A_343 : i32 to index
          %get3A_345 = arith.index_cast %scan3A_284 : i32 to index
          %get3A_346 = arith.constant 48 : index
          %get3A_347 = tpu.vector_load %arg9[%get3A_344, %get3A_345, %get3A_346] {strides = array<i32>} : memref<2x40x128xf32, #tpu.memory_space<vmem>>, vector<1x1x16xf32>,
          %get3A_348 = vector.shape_cast %get3A_347 : vector<1x1x16xf32> to vector<16xf32>
          %get3A_349 = arith.constant 0 : i32
          %get3A_350 = arith.index_cast %get3A_349 : i32 to index
          %get3A_351 = arith.index_cast %scan3A_284 : i32 to index
          %get3A_352 = arith.constant 48 : index
          %get3A_353 = tpu.vector_load %arg10[%get3A_350, %get3A_351, %get3A_352] {strides = array<i32>} : memref<2x40x128xf32, #tpu.memory_space<vmem>>, vector<1x1x16xf32>,
          %get3A_354 = vector.shape_cast %get3A_353 : vector<1x1x16xf32> to vector<16xf32>
          %mul3A_355 = arith.mulf %get3A_348, %get3A_354 : vector<16xf32>
          %swap3A_356 = arith.constant 0 : i32
          %swap3A_357 = arith.index_cast %swap3A_356 : i32 to index
          %swap3A_358 = arith.index_cast %scan3A_284 : i32 to index
          %swap3A_359 = arith.constant 48 : index
          %swap3A_360 = tpu.vector_load %arg11[%swap3A_357, %swap3A_358, %swap3A_359] {strides = array<i32>} : memref<2x40x128xf32, #tpu.memory_space<vmem>>, vector<1x1x16xf32>,
          %swap3A_361 = vector.shape_cast %swap3A_360 : vector<1x1x16xf32> to vector<16xf32>
          %swap3A_362 = vector.shape_cast %mul3A_355 : vector<16xf32> to vector<1x1x16xf32>
          tpu.vector_store %arg11[%swap3A_357, %swap3A_358, %swap3A_359], %swap3A_362 {strides = array<i32>} : memref<2x40x128xf32, #tpu.memory_space<vmem>>, vector<1x1x16xf32>,
          %get3A_363 = arith.constant 0 : i32
          %get3A_364 = arith.index_cast %get3A_363 : i32 to index
          %get3A_365 = arith.index_cast %scan3A_284 : i32 to index
          %get3A_366 = arith.constant 64 : index
          %get3A_367 = tpu.vector_load %arg9[%get3A_364, %get3A_365, %get3A_366] {strides = array<i32>} : memref<2x40x128xf32, #tpu.memory_space<vmem>>, vector<1x1x16xf32>,
          %get3A_368 = vector.shape_cast %get3A_367 : vector<1x1x16xf32> to vector<16xf32>
          %get3A_369 = arith.constant 0 : i32
          %get3A_370 = arith.index_cast %get3A_369 : i32 to index
          %get3A_371 = arith.index_cast %scan3A_284 : i32 to index
          %get3A_372 = arith.constant 64 : index
          %get3A_373 = tpu.vector_load %arg10[%get3A_370, %get3A_371, %get3A_372] {strides = array<i32>} : memref<2x40x128xf32, #tpu.memory_space<vmem>>, vector<1x1x16xf32>,
          %get3A_374 = vector.shape_cast %get3A_373 : vector<1x1x16xf32> to vector<16xf32>
          %mul3A_375 = arith.mulf %get3A_368, %get3A_374 : vector<16xf32>
          %swap3A_376 = arith.constant 0 : i32
          %swap3A_377 = arith.index_cast %swap3A_376 : i32 to index
          %swap3A_378 = arith.index_cast %scan3A_284 : i32 to index
          %swap3A_379 = arith.constant 64 : index
          %swap3A_380 = tpu.vector_load %arg11[%swap3A_377, %swap3A_378, %swap3A_379] {strides = array<i32>} : memref<2x40x128xf32, #tpu.memory_space<vmem>>, vector<1x1x16xf32>,
          %swap3A_381 = vector.shape_cast %swap3A_380 : vector<1x1x16xf32> to vector<16xf32>
          %swap3A_382 = vector.shape_cast %mul3A_375 : vector<16xf32> to vector<1x1x16xf32>
          tpu.vector_store %arg11[%swap3A_377, %swap3A_378, %swap3A_379], %swap3A_382 {strides = array<i32>} : memref<2x40x128xf32, #tpu.memory_space<vmem>>, vector<1x1x16xf32>,
          %get3A_383 = arith.constant 0 : i32
          %get3A_384 = arith.index_cast %get3A_383 : i32 to index
          %get3A_385 = arith.index_cast %scan3A_284 : i32 to index
          %get3A_386 = arith.constant 80 : index
          %get3A_387 = tpu.vector_load %arg9[%get3A_384, %get3A_385, %get3A_386] {strides = array<i32>} : memref<2x40x128xf32, #tpu.memory_space<vmem>>, vector<1x1x16xf32>,
          %get3A_388 = vector.shape_cast %get3A_387 : vector<1x1x16xf32> to vector<16xf32>
          %get3A_389 = arith.constant 0 : i32
          %get3A_390 = arith.index_cast %get3A_389 : i32 to index
          %get3A_391 = arith.index_cast %scan3A_284 : i32 to index
          %get3A_392 = arith.constant 80 : index
          %get3A_393 = tpu.vector_load %arg10[%get3A_390, %get3A_391, %get3A_392] {strides = array<i32>} : memref<2x40x128xf32, #tpu.memory_space<vmem>>, vector<1x1x16xf32>,
          %get3A_394 = vector.shape_cast %get3A_393 : vector<1x1x16xf32> to vector<16xf32>
          %mul3A_395 = arith.mulf %get3A_388, %get3A_394 : vector<16xf32>
          %swap3A_396 = arith.constant 0 : i32
          %swap3A_397 = arith.index_cast %swap3A_396 : i32 to index
          %swap3A_398 = arith.index_cast %scan3A_284 : i32 to index
          %swap3A_399 = arith.constant 80 : index
          %swap3A_400 = tpu.vector_load %arg11[%swap3A_397, %swap3A_398, %swap3A_399] {strides = array<i32>} : memref<2x40x128xf32, #tpu.memory_space<vmem>>, vector<1x1x16xf32>,
          %swap3A_401 = vector.shape_cast %swap3A_400 : vector<1x1x16xf32> to vector<16xf32>
          %swap3A_402 = vector.shape_cast %mul3A_395 : vector<16xf32> to vector<1x1x16xf32>
          tpu.vector_store %arg11[%swap3A_397, %swap3A_398, %swap3A_399], %swap3A_402 {strides = array<i32>} : memref<2x40x128xf32, #tpu.memory_space<vmem>>, vector<1x1x16xf32>,
          %get3A_403 = arith.constant 0 : i32
          %get3A_404 = arith.index_cast %get3A_403 : i32 to index
          %get3A_405 = arith.index_cast %scan3A_284 : i32 to index
          %get3A_406 = arith.constant 96 : index
          %get3A_407 = tpu.vector_load %arg9[%get3A_404, %get3A_405, %get3A_406] {strides = array<i32>} : memref<2x40x128xf32, #tpu.memory_space<vmem>>, vector<1x1x16xf32>,
          %get3A_408 = vector.shape_cast %get3A_407 : vector<1x1x16xf32> to vector<16xf32>
          %get3A_409 = arith.constant 0 : i32
          %get3A_410 = arith.index_cast %get3A_409 : i32 to index
          %get3A_411 = arith.index_cast %scan3A_284 : i32 to index
          %get3A_412 = arith.constant 96 : index
          %get3A_413 = tpu.vector_load %arg10[%get3A_410, %get3A_411, %get3A_412] {strides = array<i32>} : memref<2x40x128xf32, #tpu.memory_space<vmem>>, vector<1x1x16xf32>,
          %get3A_414 = vector.shape_cast %get3A_413 : vector<1x1x16xf32> to vector<16xf32>
          %mul3A_415 = arith.mulf %get3A_408, %get3A_414 : vector<16xf32>
          %swap3A_416 = arith.constant 0 : i32
          %swap3A_417 = arith.index_cast %swap3A_416 : i32 to index
          %swap3A_418 = arith.index_cast %scan3A_284 : i32 to index
          %swap3A_419 = arith.constant 96 : index
          %swap3A_420 = tpu.vector_load %arg11[%swap3A_417, %swap3A_418, %swap3A_419] {strides = array<i32>} : memref<2x40x128xf32, #tpu.memory_space<vmem>>, vector<1x1x16xf32>,
          %swap3A_421 = vector.shape_cast %swap3A_420 : vector<1x1x16xf32> to vector<16xf32>
          %swap3A_422 = vector.shape_cast %mul3A_415 : vector<16xf32> to vector<1x1x16xf32>
          tpu.vector_store %arg11[%swap3A_417, %swap3A_418, %swap3A_419], %swap3A_422 {strides = array<i32>} : memref<2x40x128xf32, #tpu.memory_space<vmem>>, vector<1x1x16xf32>,
          %get3A_423 = arith.constant 0 : i32
          %get3A_424 = arith.index_cast %get3A_423 : i32 to index
          %get3A_425 = arith.index_cast %scan3A_284 : i32 to index
          %get3A_426 = arith.constant 112 : index
          %get3A_427 = tpu.vector_load %arg9[%get3A_424, %get3A_425, %get3A_426] {strides = array<i32>} : memref<2x40x128xf32, #tpu.memory_space<vmem>>, vector<1x1x16xf32>,
          %get3A_428 = vector.shape_cast %get3A_427 : vector<1x1x16xf32> to vector<16xf32>
          %get3A_429 = arith.constant 0 : i32
          %get3A_430 = arith.index_cast %get3A_429 : i32 to index
          %get3A_431 = arith.index_cast %scan3A_284 : i32 to index
          %get3A_432 = arith.constant 112 : index
          %get3A_433 = tpu.vector_load %arg10[%get3A_430, %get3A_431, %get3A_432] {strides = array<i32>} : memref<2x40x128xf32, #tpu.memory_space<vmem>>, vector<1x1x16xf32>,
          %get3A_434 = vector.shape_cast %get3A_433 : vector<1x1x16xf32> to vector<16xf32>
          %mul3A_435 = arith.mulf %get3A_428, %get3A_434 : vector<16xf32>
          %swap3A_436 = arith.constant 0 : i32
          %swap3A_437 = arith.index_cast %swap3A_436 : i32 to index
          %swap3A_438 = arith.index_cast %scan3A_284 : i32 to index
          %swap3A_439 = arith.constant 112 : index
          %swap3A_440 = tpu.vector_load %arg11[%swap3A_437, %swap3A_438, %swap3A_439] {strides = array<i32>} : memref<2x40x128xf32, #tpu.memory_space<vmem>>, vector<1x1x16xf32>,
          %swap3A_441 = vector.shape_cast %swap3A_440 : vector<1x1x16xf32> to vector<16xf32>
          %swap3A_442 = vector.shape_cast %mul3A_435 : vector<16xf32> to vector<1x1x16xf32>
          tpu.vector_store %arg11[%swap3A_437, %swap3A_438, %swap3A_439], %swap3A_442 {strides = array<i32>} : memref<2x40x128xf32, #tpu.memory_space<vmem>>, vector<1x1x16xf32>,
        }
        %scan3A_252 = arith.constant 40 : i32
        %add3A_253 = arith.constant 2 : i32
        %add3A_254 = arith.addi %add3A_193, %add3A_253 : i32
        %lt3A_255 = arith.constant 85 : i32
        %lt3A_256 = arith.cmpi slt, %add3A_254, %lt3A_255 : i32
        %convert_element_type3A_257 = arith.extui %lt3A_256 : i1 to i32
        %cond3A_258 = arith.constant 0 : i32
        %cond3A_259 = arith.cmpi ne, %convert_element_type3A_257, %cond3A_258 : i32
        scf.if %cond3A_259 {
          %add3A_284 = arith.constant 2 : i32
          %add3A_285 = arith.addi %add3A_193, %add3A_284 : i32
          %add3A_286 = arith.constant 320000 : i32
          %add3A_287 = arith.addi %add3A_286, %add3A_8 : i32
          %mul3A_288 = arith.constant 40 : i32
          %mul3A_289 = arith.muli %add3A_285, %mul3A_288 : i32
          %add3A_290 = arith.addi %add3A_287, %mul3A_289 : i32
          %dma_wait3A_291 = arith.constant 0 : i32
          %dma_wait3A_292 = arith.constant 0 : i32
          %dma_wait3A_293 = tpu.memref_slice %arg7[%dma_wait3A_291, %dma_wait3A_292] : memref<4x40xi32, #tpu.memory_space<vmem>> -> memref<1x40xi32, #tpu.memory_space<vmem>>
          %dma_wait3A_294 = tpu.memref_squeeze %dma_wait3A_293 : memref<1x40xi32, #tpu.memory_space<vmem>> -> memref<40xi32, #tpu.memory_space<vmem>>
          %dma_wait3A_295 = tpu.memref_slice %arg4[%add3A_290] : memref<640000xi32, #tpu.memory_space<hbm>> -> memref<40xi32, #tpu.memory_space<hbm>>
          %dma_wait3A_296 = arith.constant 0 : i32
          %dma_wait3A_297 = tpu.memref_slice %arg7[%dma_wait3A_291, %dma_wait3A_296] : memref<4x40xi32, #tpu.memory_space<vmem>> -> memref<1x40xi32, #tpu.memory_space<vmem>>
          %dma_wait3A_298 = tpu.memref_squeeze %dma_wait3A_297 : memref<1x40xi32, #tpu.memory_space<vmem>> -> memref<40xi32, #tpu.memory_space<vmem>>
          %dma_wait3A_299 = tpu.memref_slice %arg4[%add3A_290] : memref<640000xi32, #tpu.memory_space<hbm>> -> memref<40xi32, #tpu.memory_space<hbm>>
          tpu.wait_dma2 semaphore(%arg19 : memref<!tpu.dma_semaphore, #tpu.memory_space<semaphore_mem>>) src(%dma_wait3A_299 : memref<40xi32, #tpu.memory_space<hbm>>) dst(%dma_wait3A_298 : memref<40xi32, #tpu.memory_space<vmem>>)
          %add3A_300 = arith.constant 2 : i32
          %add3A_301 = arith.addi %add3A_193, %add3A_300 : i32
          %dma_start3A_302 = arith.constant 0 : i32
          %dma_start3A_303 = arith.constant 0 : i32
          %dma_start3A_304 = arith.constant 0 : i32
          %dma_start3A_305 = arith.constant 0 : i32
          %dma_start3A_306 = tpu.memref_slice %arg9[%dma_start3A_303, %dma_start3A_304, %dma_start3A_305] : memref<2x40x128xf32, #tpu.memory_space<vmem>> -> memref<1x40x128xf32, #tpu.memory_space<vmem>>
          %dma_start3A_307 = tpu.memref_squeeze %dma_start3A_306 : memref<1x40x128xf32, #tpu.memory_space<vmem>> -> memref<40x128xf32, #tpu.memory_space<vmem>>
          %dma_start3A_308 = arith.constant 0 : i32
          %dma_start3A_309 = tpu.memref_slice %arg7[%dma_start3A_302, %dma_start3A_308] : memref<4x40xi32, #tpu.memory_space<vmem>> -> memref<1x40xi32, #tpu.memory_space<vmem>>
          %dma_start3A_310 = tpu.memref_squeeze %dma_start3A_309 : memref<1x40xi32, #tpu.memory_space<vmem>> -> memref<40xi32, #tpu.memory_space<vmem>>
          %dma_start3A_311 = arith.constant 0 : i32
          %dma_start3A_312 = arith.constant 0 : i32
          %dma_start3A_313 = tpu.memref_slice %arg2[%dma_start3A_311, %dma_start3A_312] : memref<10000x128xf32, #tpu.memory_space<hbm>> -> memref<10000x128xf32, #tpu.memory_space<hbm>>
          tpu.enqueue_indirect_dma source(%dma_start3A_313 : memref<10000x128xf32, #tpu.memory_space<hbm>>) target(%dma_start3A_307 : memref<40x128xf32, #tpu.memory_space<vmem>>) offsets(%dma_start3A_310 : memref<40xi32, #tpu.memory_space<vmem>>) semaphore(%arg13 : memref<!tpu.dma_semaphore, #tpu.memory_space<semaphore_mem>>)
          %mul3A_314 = arith.constant 40 : i32
          %mul3A_315 = arith.muli %add3A_301, %mul3A_314 : i32
          %add3A_316 = arith.addi %mul3A_10, %mul3A_315 : i32
          %dma_start3A_317 = arith.constant 0 : i32
          %dma_start3A_318 = arith.constant 0 : i32
          %dma_start3A_319 = arith.constant 0 : i32
          %dma_start3A_320 = tpu.memref_slice %arg10[%dma_start3A_317, %dma_start3A_318, %dma_start3A_319] : memref<2x40x128xf32, #tpu.memory_space<vmem>> -> memref<1x40x128xf32, #tpu.memory_space<vmem>>
          %dma_start3A_321 = tpu.memref_squeeze %dma_start3A_320 : memref<1x40x128xf32, #tpu.memory_space<vmem>> -> memref<40x128xf32, #tpu.memory_space<vmem>>
          %dma_start3A_322 = arith.constant 0 : i32
          %dma_start3A_323 = tpu.memref_slice %arg3[%add3A_316, %dma_start3A_322] : memref<108800x128xf32, #tpu.memory_space<hbm>> -> memref<40x128xf32, #tpu.memory_space<hbm>>
          %dma_start3A_324 = arith.constant 0 : i32
          %dma_start3A_325 = arith.constant 0 : i32
          %dma_start3A_326 = tpu.memref_slice %arg10[%dma_start3A_317, %dma_start3A_324, %dma_start3A_325] : memref<2x40x128xf32, #tpu.memory_space<vmem>> -> memref<1x40x128xf32, #tpu.memory_space<vmem>>
          %dma_start3A_327 = tpu.memref_squeeze %dma_start3A_326 : memref<1x40x128xf32, #tpu.memory_space<vmem>> -> memref<40x128xf32, #tpu.memory_space<vmem>>
          %dma_start3A_328 = arith.constant 0 : i32
          %dma_start3A_329 = tpu.memref_slice %arg3[%add3A_316, %dma_start3A_328] : memref<108800x128xf32, #tpu.memory_space<hbm>> -> memref<40x128xf32, #tpu.memory_space<hbm>>
          tpu.enqueue_dma source(%dma_start3A_329 : memref<40x128xf32, #tpu.memory_space<hbm>>) target(%dma_start3A_327 : memref<40x128xf32, #tpu.memory_space<vmem>>) target_semaphore(%arg15 : memref<!tpu.dma_semaphore, #tpu.memory_space<semaphore_mem>>)
        } else {
        }
        %mul3A_260 = arith.constant 40 : i32
        %mul3A_261 = arith.muli %add3A_193, %mul3A_260 : i32
        %add3A_262 = arith.addi %add3A_8, %mul3A_261 : i32
        %dma_wait3A_263 = arith.constant 2 : i32
        %dma_wait3A_264 = arith.constant 0 : i32
        %dma_wait3A_265 = tpu.memref_slice %arg8[%dma_wait3A_263, %dma_wait3A_264] : memref<4x40xi32, #tpu.memory_space<vmem>> -> memref<1x40xi32, #tpu.memory_space<vmem>>
        %dma_wait3A_266 = tpu.memref_squeeze %dma_wait3A_265 : memref<1x40xi32, #tpu.memory_space<vmem>> -> memref<40xi32, #tpu.memory_space<vmem>>
        %dma_wait3A_267 = tpu.memref_slice %arg4[%add3A_262] : memref<640000xi32, #tpu.memory_space<hbm>> -> memref<40xi32, #tpu.memory_space<hbm>>
        %dma_wait3A_268 = arith.constant 0 : i32
        %dma_wait3A_269 = tpu.memref_slice %arg8[%dma_wait3A_263, %dma_wait3A_268] : memref<4x40xi32, #tpu.memory_space<vmem>> -> memref<1x40xi32, #tpu.memory_space<vmem>>
        %dma_wait3A_270 = tpu.memref_squeeze %dma_wait3A_269 : memref<1x40xi32, #tpu.memory_space<vmem>> -> memref<40xi32, #tpu.memory_space<vmem>>
        %dma_wait3A_271 = tpu.memref_slice %arg4[%add3A_262] : memref<640000xi32, #tpu.memory_space<hbm>> -> memref<40xi32, #tpu.memory_space<hbm>>
        tpu.wait_dma2 semaphore(%arg25 : memref<!tpu.dma_semaphore, #tpu.memory_space<semaphore_mem>>) src(%dma_wait3A_271 : memref<40xi32, #tpu.memory_space<hbm>>) dst(%dma_wait3A_270 : memref<40xi32, #tpu.memory_space<vmem>>)
        %dma_start3A_272 = arith.constant 0 : i32
        %dma_start3A_273 = arith.constant 2 : i32
        %dma_start3A_274 = arith.constant 0 : i32
        %dma_start3A_275 = arith.constant 0 : i32
        %dma_start3A_276 = tpu.memref_slice %arg11[%dma_start3A_272, %dma_start3A_274, %dma_start3A_275] : memref<2x40x128xf32, #tpu.memory_space<vmem>> -> memref<1x40x128xf32, #tpu.memory_space<vmem>>
        %dma_start3A_277 = tpu.memref_squeeze %dma_start3A_276 : memref<1x40x128xf32, #tpu.memory_space<vmem>> -> memref<40x128xf32, #tpu.memory_space<vmem>>
        %dma_start3A_278 = arith.constant 0 : i32
        %dma_start3A_279 = tpu.memref_slice %arg8[%dma_start3A_273, %dma_start3A_278] : memref<4x40xi32, #tpu.memory_space<vmem>> -> memref<1x40xi32, #tpu.memory_space<vmem>>
        %dma_start3A_280 = tpu.memref_squeeze %dma_start3A_279 : memref<1x40xi32, #tpu.memory_space<vmem>> -> memref<40xi32, #tpu.memory_space<vmem>>
        %dma_start3A_281 = arith.constant 0 : i32
        %dma_start3A_282 = arith.constant 0 : i32
        %dma_start3A_283 = tpu.memref_slice %arg12[%dma_start3A_281, %dma_start3A_282] : memref<10000x128xf32, #tpu.memory_space<vmem_shared>> -> memref<10000x128xf32, #tpu.memory_space<vmem_shared>>
        tpu.enqueue_indirect_dma source(%dma_start3A_277 : memref<40x128xf32, #tpu.memory_space<vmem>>) target(%dma_start3A_283 : memref<10000x128xf32, #tpu.memory_space<vmem_shared>>) offsets(%dma_start3A_280 : memref<40xi32, #tpu.memory_space<vmem>>) semaphore(%arg17 : memref<!tpu.dma_semaphore, #tpu.memory_space<semaphore_mem>>) {add = true}
      } else {
      }
      %mul3A_199 = arith.constant 4 : i32
      %mul3A_200 = arith.muli %scan3A_172, %mul3A_199 : i32
      %add3A_201 = arith.constant 3 : i32
      %add3A_202 = arith.addi %mul3A_200, %add3A_201 : i32
      %lt3A_203 = arith.constant 85 : i32
      %lt3A_204 = arith.cmpi slt, %add3A_202, %lt3A_203 : i32
      %convert_element_type3A_205 = arith.extui %lt3A_204 : i1 to i32
      %cond3A_206 = arith.constant 0 : i32
      %cond3A_207 = arith.cmpi ne, %convert_element_type3A_205, %cond3A_206 : i32
      scf.if %cond3A_207 {
        %dma_wait3A_208 = arith.constant 3 : i32
        %dma_wait3A_209 = arith.constant 1 : i32
        %dma_wait3A_210 = arith.constant 0 : i32
        %dma_wait3A_211 = arith.constant 0 : i32
        %dma_wait3A_212 = tpu.memref_slice %arg9[%dma_wait3A_209, %dma_wait3A_210, %dma_wait3A_211] : memref<2x40x128xf32, #tpu.memory_space<vmem>> -> memref<1x40x128xf32, #tpu.memory_space<vmem>>
        %dma_wait3A_213 = tpu.memref_squeeze %dma_wait3A_212 : memref<1x40x128xf32, #tpu.memory_space<vmem>> -> memref<40x128xf32, #tpu.memory_space<vmem>>
        %dma_wait3A_214 = arith.constant 0 : i32
        %dma_wait3A_215 = tpu.memref_slice %arg7[%dma_wait3A_208, %dma_wait3A_214] : memref<4x40xi32, #tpu.memory_space<vmem>> -> memref<1x40xi32, #tpu.memory_space<vmem>>
        %dma_wait3A_216 = tpu.memref_squeeze %dma_wait3A_215 : memref<1x40xi32, #tpu.memory_space<vmem>> -> memref<40xi32, #tpu.memory_space<vmem>>
        %dma_wait3A_217 = arith.constant 0 : i32
        %dma_wait3A_218 = arith.constant 0 : i32
        %dma_wait3A_219 = tpu.memref_slice %arg2[%dma_wait3A_217, %dma_wait3A_218] : memref<10000x128xf32, #tpu.memory_space<hbm>> -> memref<10000x128xf32, #tpu.memory_space<hbm>>
        tpu.wait_indirect_dma semaphore(%arg14 : memref<!tpu.dma_semaphore, #tpu.memory_space<semaphore_mem>>) src(%dma_wait3A_219 : memref<10000x128xf32, #tpu.memory_space<hbm>>) dst(%dma_wait3A_213 : memref<40x128xf32, #tpu.memory_space<vmem>>)
        %mul3A_220 = arith.constant 40 : i32
        %mul3A_221 = arith.muli %add3A_202, %mul3A_220 : i32
        %add3A_222 = arith.addi %mul3A_10, %mul3A_221 : i32
        %dma_wait3A_223 = arith.constant 1 : i32
        %dma_wait3A_224 = arith.constant 0 : i32
        %dma_wait3A_225 = arith.constant 0 : i32
        %dma_wait3A_226 = tpu.memref_slice %arg10[%dma_wait3A_223, %dma_wait3A_224, %dma_wait3A_225] : memref<2x40x128xf32, #tpu.memory_space<vmem>> -> memref<1x40x128xf32, #tpu.memory_space<vmem>>
        %dma_wait3A_227 = tpu.memref_squeeze %dma_wait3A_226 : memref<1x40x128xf32, #tpu.memory_space<vmem>> -> memref<40x128xf32, #tpu.memory_space<vmem>>
        %dma_wait3A_228 = arith.constant 0 : i32
        %dma_wait3A_229 = tpu.memref_slice %arg3[%add3A_222, %dma_wait3A_228] : memref<108800x128xf32, #tpu.memory_space<hbm>> -> memref<40x128xf32, #tpu.memory_space<hbm>>
        %dma_wait3A_230 = arith.constant 0 : i32
        %dma_wait3A_231 = arith.constant 0 : i32
        %dma_wait3A_232 = tpu.memref_slice %arg10[%dma_wait3A_223, %dma_wait3A_230, %dma_wait3A_231] : memref<2x40x128xf32, #tpu.memory_space<vmem>> -> memref<1x40x128xf32, #tpu.memory_space<vmem>>
        %dma_wait3A_233 = tpu.memref_squeeze %dma_wait3A_232 : memref<1x40x128xf32, #tpu.memory_space<vmem>> -> memref<40x128xf32, #tpu.memory_space<vmem>>
        %dma_wait3A_234 = arith.constant 0 : i32
        %dma_wait3A_235 = tpu.memref_slice %arg3[%add3A_222, %dma_wait3A_234] : memref<108800x128xf32, #tpu.memory_space<hbm>> -> memref<40x128xf32, #tpu.memory_space<hbm>>
        tpu.wait_dma2 semaphore(%arg16 : memref<!tpu.dma_semaphore, #tpu.memory_space<semaphore_mem>>) src(%dma_wait3A_235 : memref<40x128xf32, #tpu.memory_space<hbm>>) dst(%dma_wait3A_233 : memref<40x128xf32, #tpu.memory_space<vmem>>)
        %ge3A = arith.constant 2 : i32
        %ge3A_236 = arith.cmpi sge, %add3A_202, %ge3A : i32
        %convert_element_type3A_237 = arith.extui %ge3A_236 : i1 to i32
        %cond3A_238 = arith.constant 0 : i32
        %cond3A_239 = arith.cmpi ne, %convert_element_type3A_237, %cond3A_238 : i32
        scf.if %cond3A_239 {
          %dma_wait3A_284 = arith.constant 1 : i32
          %dma_wait3A_285 = arith.constant 1 : i32
          %dma_wait3A_286 = arith.constant 0 : i32
          %dma_wait3A_287 = arith.constant 0 : i32
          %dma_wait3A_288 = tpu.memref_slice %arg11[%dma_wait3A_284, %dma_wait3A_286, %dma_wait3A_287] : memref<2x40x128xf32, #tpu.memory_space<vmem>> -> memref<1x40x128xf32, #tpu.memory_space<vmem>>
          %dma_wait3A_289 = tpu.memref_squeeze %dma_wait3A_288 : memref<1x40x128xf32, #tpu.memory_space<vmem>> -> memref<40x128xf32, #tpu.memory_space<vmem>>
          %dma_wait3A_290 = arith.constant 0 : i32
          %dma_wait3A_291 = tpu.memref_slice %arg8[%dma_wait3A_285, %dma_wait3A_290] : memref<4x40xi32, #tpu.memory_space<vmem>> -> memref<1x40xi32, #tpu.memory_space<vmem>>
          %dma_wait3A_292 = tpu.memref_squeeze %dma_wait3A_291 : memref<1x40xi32, #tpu.memory_space<vmem>> -> memref<40xi32, #tpu.memory_space<vmem>>
          %dma_wait3A_293 = arith.constant 0 : i32
          %dma_wait3A_294 = arith.constant 0 : i32
          %dma_wait3A_295 = tpu.memref_slice %arg12[%dma_wait3A_293, %dma_wait3A_294] : memref<10000x128xf32, #tpu.memory_space<vmem_shared>> -> memref<10000x128xf32, #tpu.memory_space<vmem_shared>>
          tpu.wait_indirect_dma semaphore(%arg18 : memref<!tpu.dma_semaphore, #tpu.memory_space<semaphore_mem>>) src(%dma_wait3A_289 : memref<40x128xf32, #tpu.memory_space<vmem>>) dst(%dma_wait3A_295 : memref<10000x128xf32, #tpu.memory_space<vmem_shared>>)
        } else {
        }
        %add3A_240 = arith.constant 2 : i32
        %add3A_241 = arith.addi %add3A_202, %add3A_240 : i32
        %lt3A_242 = arith.constant 85 : i32
        %lt3A_243 = arith.cmpi slt, %add3A_241, %lt3A_242 : i32
        %convert_element_type3A_244 = arith.extui %lt3A_243 : i1 to i32
        %cond3A_245 = arith.constant 0 : i32
        %cond3A_246 = arith.cmpi ne, %convert_element_type3A_244, %cond3A_245 : i32
        scf.if %cond3A_246 {
          %add3A_284 = arith.constant 2 : i32
          %add3A_285 = arith.addi %add3A_202, %add3A_284 : i32
          %add3A_286 = arith.constant 320000 : i32
          %add3A_287 = arith.addi %add3A_286, %add3A_8 : i32
          %mul3A_288 = arith.constant 40 : i32
          %mul3A_289 = arith.muli %add3A_285, %mul3A_288 : i32
          %add3A_290 = arith.addi %add3A_287, %mul3A_289 : i32
          %dma_start3A_291 = arith.constant 1 : i32
          %dma_start3A_292 = arith.constant 0 : i32
          %dma_start3A_293 = tpu.memref_slice %arg7[%dma_start3A_291, %dma_start3A_292] : memref<4x40xi32, #tpu.memory_space<vmem>> -> memref<1x40xi32, #tpu.memory_space<vmem>>
          %dma_start3A_294 = tpu.memref_squeeze %dma_start3A_293 : memref<1x40xi32, #tpu.memory_space<vmem>> -> memref<40xi32, #tpu.memory_space<vmem>>
          %dma_start3A_295 = tpu.memref_slice %arg4[%add3A_290] : memref<640000xi32, #tpu.memory_space<hbm>> -> memref<40xi32, #tpu.memory_space<hbm>>
          %dma_start3A_296 = arith.constant 0 : i32
          %dma_start3A_297 = tpu.memref_slice %arg7[%dma_start3A_291, %dma_start3A_296] : memref<4x40xi32, #tpu.memory_space<vmem>> -> memref<1x40xi32, #tpu.memory_space<vmem>>
          %dma_start3A_298 = tpu.memref_squeeze %dma_start3A_297 : memref<1x40xi32, #tpu.memory_space<vmem>> -> memref<40xi32, #tpu.memory_space<vmem>>
          %dma_start3A_299 = tpu.memref_slice %arg4[%add3A_290] : memref<640000xi32, #tpu.memory_space<hbm>> -> memref<40xi32, #tpu.memory_space<hbm>>
          tpu.enqueue_dma source(%dma_start3A_299 : memref<40xi32, #tpu.memory_space<hbm>>) target(%dma_start3A_298 : memref<40xi32, #tpu.memory_space<vmem>>) target_semaphore(%arg20 : memref<!tpu.dma_semaphore, #tpu.memory_space<semaphore_mem>>)
          %mul3A_300 = arith.constant 40 : i32
          %mul3A_301 = arith.muli %add3A_285, %mul3A_300 : i32
          %add3A_302 = arith.addi %add3A_8, %mul3A_301 : i32
          %dma_start3A_303 = arith.constant 1 : i32
          %dma_start3A_304 = arith.constant 0 : i32
          %dma_start3A_305 = tpu.memref_slice %arg8[%dma_start3A_303, %dma_start3A_304] : memref<4x40xi32, #tpu.memory_space<vmem>> -> memref<1x40xi32, #tpu.memory_space<vmem>>
          %dma_start3A_306 = tpu.memref_squeeze %dma_start3A_305 : memref<1x40xi32, #tpu.memory_space<vmem>> -> memref<40xi32, #tpu.memory_space<vmem>>
          %dma_start3A_307 = tpu.memref_slice %arg4[%add3A_302] : memref<640000xi32, #tpu.memory_space<hbm>> -> memref<40xi32, #tpu.memory_space<hbm>>
          %dma_start3A_308 = arith.constant 0 : i32
          %dma_start3A_309 = tpu.memref_slice %arg8[%dma_start3A_303, %dma_start3A_308] : memref<4x40xi32, #tpu.memory_space<vmem>> -> memref<1x40xi32, #tpu.memory_space<vmem>>
          %dma_start3A_310 = tpu.memref_squeeze %dma_start3A_309 : memref<1x40xi32, #tpu.memory_space<vmem>> -> memref<40xi32, #tpu.memory_space<vmem>>
          %dma_start3A_311 = tpu.memref_slice %arg4[%add3A_302] : memref<640000xi32, #tpu.memory_space<hbm>> -> memref<40xi32, #tpu.memory_space<hbm>>
          tpu.enqueue_dma source(%dma_start3A_311 : memref<40xi32, #tpu.memory_space<hbm>>) target(%dma_start3A_310 : memref<40xi32, #tpu.memory_space<vmem>>) target_semaphore(%arg24 : memref<!tpu.dma_semaphore, #tpu.memory_space<semaphore_mem>>)
        } else {
        }
        %scan3A_247 = arith.constant 0 : i32
        %scan3A_248 = arith.constant 0 : i32
        %scan3A_249 = arith.constant 40 : i32
        %scan3A_250 = arith.addi %scan3A_248, %scan3A_249 : i32
        %scan3A_251 = arith.constant 1 : i32
        scf.for %scan3A_284 = %scan3A_248 to %scan3A_250 step %scan3A_251  : i32 {
          %get3A = arith.constant 1 : i32
          %get3A_285 = arith.index_cast %get3A : i32 to index
          %get3A_286 = arith.index_cast %scan3A_284 : i32 to index
          %get3A_287 = arith.constant 0 : index
          %get3A_288 = tpu.vector_load %arg9[%get3A_285, %get3A_286, %get3A_287] {strides = array<i32>} : memref<2x40x128xf32, #tpu.memory_space<vmem>>, vector<1x1x16xf32>,
          %get3A_289 = vector.shape_cast %get3A_288 : vector<1x1x16xf32> to vector<16xf32>
          %get3A_290 = arith.constant 1 : i32
          %get3A_291 = arith.index_cast %get3A_290 : i32 to index
          %get3A_292 = arith.index_cast %scan3A_284 : i32 to index
          %get3A_293 = arith.constant 0 : index
          %get3A_294 = tpu.vector_load %arg10[%get3A_291, %get3A_292, %get3A_293] {strides = array<i32>} : memref<2x40x128xf32, #tpu.memory_space<vmem>>, vector<1x1x16xf32>,
          %get3A_295 = vector.shape_cast %get3A_294 : vector<1x1x16xf32> to vector<16xf32>
          %mul3A_296 = arith.mulf %get3A_289, %get3A_295 : vector<16xf32>
          %swap3A = arith.constant 1 : i32
          %swap3A_297 = arith.index_cast %swap3A : i32 to index
          %swap3A_298 = arith.index_cast %scan3A_284 : i32 to index
          %swap3A_299 = arith.constant 0 : index
          %swap3A_300 = tpu.vector_load %arg11[%swap3A_297, %swap3A_298, %swap3A_299] {strides = array<i32>} : memref<2x40x128xf32, #tpu.memory_space<vmem>>, vector<1x1x16xf32>,
          %swap3A_301 = vector.shape_cast %swap3A_300 : vector<1x1x16xf32> to vector<16xf32>
          %swap3A_302 = vector.shape_cast %mul3A_296 : vector<16xf32> to vector<1x1x16xf32>
          tpu.vector_store %arg11[%swap3A_297, %swap3A_298, %swap3A_299], %swap3A_302 {strides = array<i32>} : memref<2x40x128xf32, #tpu.memory_space<vmem>>, vector<1x1x16xf32>,
          %get3A_303 = arith.constant 1 : i32
          %get3A_304 = arith.index_cast %get3A_303 : i32 to index
          %get3A_305 = arith.index_cast %scan3A_284 : i32 to index
          %get3A_306 = arith.constant 16 : index
          %get3A_307 = tpu.vector_load %arg9[%get3A_304, %get3A_305, %get3A_306] {strides = array<i32>} : memref<2x40x128xf32, #tpu.memory_space<vmem>>, vector<1x1x16xf32>,
          %get3A_308 = vector.shape_cast %get3A_307 : vector<1x1x16xf32> to vector<16xf32>
          %get3A_309 = arith.constant 1 : i32
          %get3A_310 = arith.index_cast %get3A_309 : i32 to index
          %get3A_311 = arith.index_cast %scan3A_284 : i32 to index
          %get3A_312 = arith.constant 16 : index
          %get3A_313 = tpu.vector_load %arg10[%get3A_310, %get3A_311, %get3A_312] {strides = array<i32>} : memref<2x40x128xf32, #tpu.memory_space<vmem>>, vector<1x1x16xf32>,
          %get3A_314 = vector.shape_cast %get3A_313 : vector<1x1x16xf32> to vector<16xf32>
          %mul3A_315 = arith.mulf %get3A_308, %get3A_314 : vector<16xf32>
          %swap3A_316 = arith.constant 1 : i32
          %swap3A_317 = arith.index_cast %swap3A_316 : i32 to index
          %swap3A_318 = arith.index_cast %scan3A_284 : i32 to index
          %swap3A_319 = arith.constant 16 : index
          %swap3A_320 = tpu.vector_load %arg11[%swap3A_317, %swap3A_318, %swap3A_319] {strides = array<i32>} : memref<2x40x128xf32, #tpu.memory_space<vmem>>, vector<1x1x16xf32>,
          %swap3A_321 = vector.shape_cast %swap3A_320 : vector<1x1x16xf32> to vector<16xf32>
          %swap3A_322 = vector.shape_cast %mul3A_315 : vector<16xf32> to vector<1x1x16xf32>
          tpu.vector_store %arg11[%swap3A_317, %swap3A_318, %swap3A_319], %swap3A_322 {strides = array<i32>} : memref<2x40x128xf32, #tpu.memory_space<vmem>>, vector<1x1x16xf32>,
          %get3A_323 = arith.constant 1 : i32
          %get3A_324 = arith.index_cast %get3A_323 : i32 to index
          %get3A_325 = arith.index_cast %scan3A_284 : i32 to index
          %get3A_326 = arith.constant 32 : index
          %get3A_327 = tpu.vector_load %arg9[%get3A_324, %get3A_325, %get3A_326] {strides = array<i32>} : memref<2x40x128xf32, #tpu.memory_space<vmem>>, vector<1x1x16xf32>,
          %get3A_328 = vector.shape_cast %get3A_327 : vector<1x1x16xf32> to vector<16xf32>
          %get3A_329 = arith.constant 1 : i32
          %get3A_330 = arith.index_cast %get3A_329 : i32 to index
          %get3A_331 = arith.index_cast %scan3A_284 : i32 to index
          %get3A_332 = arith.constant 32 : index
          %get3A_333 = tpu.vector_load %arg10[%get3A_330, %get3A_331, %get3A_332] {strides = array<i32>} : memref<2x40x128xf32, #tpu.memory_space<vmem>>, vector<1x1x16xf32>,
          %get3A_334 = vector.shape_cast %get3A_333 : vector<1x1x16xf32> to vector<16xf32>
          %mul3A_335 = arith.mulf %get3A_328, %get3A_334 : vector<16xf32>
          %swap3A_336 = arith.constant 1 : i32
          %swap3A_337 = arith.index_cast %swap3A_336 : i32 to index
          %swap3A_338 = arith.index_cast %scan3A_284 : i32 to index
          %swap3A_339 = arith.constant 32 : index
          %swap3A_340 = tpu.vector_load %arg11[%swap3A_337, %swap3A_338, %swap3A_339] {strides = array<i32>} : memref<2x40x128xf32, #tpu.memory_space<vmem>>, vector<1x1x16xf32>,
          %swap3A_341 = vector.shape_cast %swap3A_340 : vector<1x1x16xf32> to vector<16xf32>
          %swap3A_342 = vector.shape_cast %mul3A_335 : vector<16xf32> to vector<1x1x16xf32>
          tpu.vector_store %arg11[%swap3A_337, %swap3A_338, %swap3A_339], %swap3A_342 {strides = array<i32>} : memref<2x40x128xf32, #tpu.memory_space<vmem>>, vector<1x1x16xf32>,
          %get3A_343 = arith.constant 1 : i32
          %get3A_344 = arith.index_cast %get3A_343 : i32 to index
          %get3A_345 = arith.index_cast %scan3A_284 : i32 to index
          %get3A_346 = arith.constant 48 : index
          %get3A_347 = tpu.vector_load %arg9[%get3A_344, %get3A_345, %get3A_346] {strides = array<i32>} : memref<2x40x128xf32, #tpu.memory_space<vmem>>, vector<1x1x16xf32>,
          %get3A_348 = vector.shape_cast %get3A_347 : vector<1x1x16xf32> to vector<16xf32>
          %get3A_349 = arith.constant 1 : i32
          %get3A_350 = arith.index_cast %get3A_349 : i32 to index
          %get3A_351 = arith.index_cast %scan3A_284 : i32 to index
          %get3A_352 = arith.constant 48 : index
          %get3A_353 = tpu.vector_load %arg10[%get3A_350, %get3A_351, %get3A_352] {strides = array<i32>} : memref<2x40x128xf32, #tpu.memory_space<vmem>>, vector<1x1x16xf32>,
          %get3A_354 = vector.shape_cast %get3A_353 : vector<1x1x16xf32> to vector<16xf32>
          %mul3A_355 = arith.mulf %get3A_348, %get3A_354 : vector<16xf32>
          %swap3A_356 = arith.constant 1 : i32
          %swap3A_357 = arith.index_cast %swap3A_356 : i32 to index
          %swap3A_358 = arith.index_cast %scan3A_284 : i32 to index
          %swap3A_359 = arith.constant 48 : index
          %swap3A_360 = tpu.vector_load %arg11[%swap3A_357, %swap3A_358, %swap3A_359] {strides = array<i32>} : memref<2x40x128xf32, #tpu.memory_space<vmem>>, vector<1x1x16xf32>,
          %swap3A_361 = vector.shape_cast %swap3A_360 : vector<1x1x16xf32> to vector<16xf32>
          %swap3A_362 = vector.shape_cast %mul3A_355 : vector<16xf32> to vector<1x1x16xf32>
          tpu.vector_store %arg11[%swap3A_357, %swap3A_358, %swap3A_359], %swap3A_362 {strides = array<i32>} : memref<2x40x128xf32, #tpu.memory_space<vmem>>, vector<1x1x16xf32>,
          %get3A_363 = arith.constant 1 : i32
          %get3A_364 = arith.index_cast %get3A_363 : i32 to index
          %get3A_365 = arith.index_cast %scan3A_284 : i32 to index
          %get3A_366 = arith.constant 64 : index
          %get3A_367 = tpu.vector_load %arg9[%get3A_364, %get3A_365, %get3A_366] {strides = array<i32>} : memref<2x40x128xf32, #tpu.memory_space<vmem>>, vector<1x1x16xf32>,
          %get3A_368 = vector.shape_cast %get3A_367 : vector<1x1x16xf32> to vector<16xf32>
          %get3A_369 = arith.constant 1 : i32
          %get3A_370 = arith.index_cast %get3A_369 : i32 to index
          %get3A_371 = arith.index_cast %scan3A_284 : i32 to index
          %get3A_372 = arith.constant 64 : index
          %get3A_373 = tpu.vector_load %arg10[%get3A_370, %get3A_371, %get3A_372] {strides = array<i32>} : memref<2x40x128xf32, #tpu.memory_space<vmem>>, vector<1x1x16xf32>,
          %get3A_374 = vector.shape_cast %get3A_373 : vector<1x1x16xf32> to vector<16xf32>
          %mul3A_375 = arith.mulf %get3A_368, %get3A_374 : vector<16xf32>
          %swap3A_376 = arith.constant 1 : i32
          %swap3A_377 = arith.index_cast %swap3A_376 : i32 to index
          %swap3A_378 = arith.index_cast %scan3A_284 : i32 to index
          %swap3A_379 = arith.constant 64 : index
          %swap3A_380 = tpu.vector_load %arg11[%swap3A_377, %swap3A_378, %swap3A_379] {strides = array<i32>} : memref<2x40x128xf32, #tpu.memory_space<vmem>>, vector<1x1x16xf32>,
          %swap3A_381 = vector.shape_cast %swap3A_380 : vector<1x1x16xf32> to vector<16xf32>
          %swap3A_382 = vector.shape_cast %mul3A_375 : vector<16xf32> to vector<1x1x16xf32>
          tpu.vector_store %arg11[%swap3A_377, %swap3A_378, %swap3A_379], %swap3A_382 {strides = array<i32>} : memref<2x40x128xf32, #tpu.memory_space<vmem>>, vector<1x1x16xf32>,
          %get3A_383 = arith.constant 1 : i32
          %get3A_384 = arith.index_cast %get3A_383 : i32 to index
          %get3A_385 = arith.index_cast %scan3A_284 : i32 to index
          %get3A_386 = arith.constant 80 : index
          %get3A_387 = tpu.vector_load %arg9[%get3A_384, %get3A_385, %get3A_386] {strides = array<i32>} : memref<2x40x128xf32, #tpu.memory_space<vmem>>, vector<1x1x16xf32>,
          %get3A_388 = vector.shape_cast %get3A_387 : vector<1x1x16xf32> to vector<16xf32>
          %get3A_389 = arith.constant 1 : i32
          %get3A_390 = arith.index_cast %get3A_389 : i32 to index
          %get3A_391 = arith.index_cast %scan3A_284 : i32 to index
          %get3A_392 = arith.constant 80 : index
          %get3A_393 = tpu.vector_load %arg10[%get3A_390, %get3A_391, %get3A_392] {strides = array<i32>} : memref<2x40x128xf32, #tpu.memory_space<vmem>>, vector<1x1x16xf32>,
          %get3A_394 = vector.shape_cast %get3A_393 : vector<1x1x16xf32> to vector<16xf32>
          %mul3A_395 = arith.mulf %get3A_388, %get3A_394 : vector<16xf32>
          %swap3A_396 = arith.constant 1 : i32
          %swap3A_397 = arith.index_cast %swap3A_396 : i32 to index
          %swap3A_398 = arith.index_cast %scan3A_284 : i32 to index
          %swap3A_399 = arith.constant 80 : index
          %swap3A_400 = tpu.vector_load %arg11[%swap3A_397, %swap3A_398, %swap3A_399] {strides = array<i32>} : memref<2x40x128xf32, #tpu.memory_space<vmem>>, vector<1x1x16xf32>,
          %swap3A_401 = vector.shape_cast %swap3A_400 : vector<1x1x16xf32> to vector<16xf32>
          %swap3A_402 = vector.shape_cast %mul3A_395 : vector<16xf32> to vector<1x1x16xf32>
          tpu.vector_store %arg11[%swap3A_397, %swap3A_398, %swap3A_399], %swap3A_402 {strides = array<i32>} : memref<2x40x128xf32, #tpu.memory_space<vmem>>, vector<1x1x16xf32>,
          %get3A_403 = arith.constant 1 : i32
          %get3A_404 = arith.index_cast %get3A_403 : i32 to index
          %get3A_405 = arith.index_cast %scan3A_284 : i32 to index
          %get3A_406 = arith.constant 96 : index
          %get3A_407 = tpu.vector_load %arg9[%get3A_404, %get3A_405, %get3A_406] {strides = array<i32>} : memref<2x40x128xf32, #tpu.memory_space<vmem>>, vector<1x1x16xf32>,
          %get3A_408 = vector.shape_cast %get3A_407 : vector<1x1x16xf32> to vector<16xf32>
          %get3A_409 = arith.constant 1 : i32
          %get3A_410 = arith.index_cast %get3A_409 : i32 to index
          %get3A_411 = arith.index_cast %scan3A_284 : i32 to index
          %get3A_412 = arith.constant 96 : index
          %get3A_413 = tpu.vector_load %arg10[%get3A_410, %get3A_411, %get3A_412] {strides = array<i32>} : memref<2x40x128xf32, #tpu.memory_space<vmem>>, vector<1x1x16xf32>,
          %get3A_414 = vector.shape_cast %get3A_413 : vector<1x1x16xf32> to vector<16xf32>
          %mul3A_415 = arith.mulf %get3A_408, %get3A_414 : vector<16xf32>
          %swap3A_416 = arith.constant 1 : i32
          %swap3A_417 = arith.index_cast %swap3A_416 : i32 to index
          %swap3A_418 = arith.index_cast %scan3A_284 : i32 to index
          %swap3A_419 = arith.constant 96 : index
          %swap3A_420 = tpu.vector_load %arg11[%swap3A_417, %swap3A_418, %swap3A_419] {strides = array<i32>} : memref<2x40x128xf32, #tpu.memory_space<vmem>>, vector<1x1x16xf32>,
          %swap3A_421 = vector.shape_cast %swap3A_420 : vector<1x1x16xf32> to vector<16xf32>
          %swap3A_422 = vector.shape_cast %mul3A_415 : vector<16xf32> to vector<1x1x16xf32>
          tpu.vector_store %arg11[%swap3A_417, %swap3A_418, %swap3A_419], %swap3A_422 {strides = array<i32>} : memref<2x40x128xf32, #tpu.memory_space<vmem>>, vector<1x1x16xf32>,
          %get3A_423 = arith.constant 1 : i32
          %get3A_424 = arith.index_cast %get3A_423 : i32 to index
          %get3A_425 = arith.index_cast %scan3A_284 : i32 to index
          %get3A_426 = arith.constant 112 : index
          %get3A_427 = tpu.vector_load %arg9[%get3A_424, %get3A_425, %get3A_426] {strides = array<i32>} : memref<2x40x128xf32, #tpu.memory_space<vmem>>, vector<1x1x16xf32>,
          %get3A_428 = vector.shape_cast %get3A_427 : vector<1x1x16xf32> to vector<16xf32>
          %get3A_429 = arith.constant 1 : i32
          %get3A_430 = arith.index_cast %get3A_429 : i32 to index
          %get3A_431 = arith.index_cast %scan3A_284 : i32 to index
          %get3A_432 = arith.constant 112 : index
          %get3A_433 = tpu.vector_load %arg10[%get3A_430, %get3A_431, %get3A_432] {strides = array<i32>} : memref<2x40x128xf32, #tpu.memory_space<vmem>>, vector<1x1x16xf32>,
          %get3A_434 = vector.shape_cast %get3A_433 : vector<1x1x16xf32> to vector<16xf32>
          %mul3A_435 = arith.mulf %get3A_428, %get3A_434 : vector<16xf32>
          %swap3A_436 = arith.constant 1 : i32
          %swap3A_437 = arith.index_cast %swap3A_436 : i32 to index
          %swap3A_438 = arith.index_cast %scan3A_284 : i32 to index
          %swap3A_439 = arith.constant 112 : index
          %swap3A_440 = tpu.vector_load %arg11[%swap3A_437, %swap3A_438, %swap3A_439] {strides = array<i32>} : memref<2x40x128xf32, #tpu.memory_space<vmem>>, vector<1x1x16xf32>,
          %swap3A_441 = vector.shape_cast %swap3A_440 : vector<1x1x16xf32> to vector<16xf32>
          %swap3A_442 = vector.shape_cast %mul3A_435 : vector<16xf32> to vector<1x1x16xf32>
          tpu.vector_store %arg11[%swap3A_437, %swap3A_438, %swap3A_439], %swap3A_442 {strides = array<i32>} : memref<2x40x128xf32, #tpu.memory_space<vmem>>, vector<1x1x16xf32>,
        }
        %scan3A_252 = arith.constant 40 : i32
        %add3A_253 = arith.constant 2 : i32
        %add3A_254 = arith.addi %add3A_202, %add3A_253 : i32
        %lt3A_255 = arith.constant 85 : i32
        %lt3A_256 = arith.cmpi slt, %add3A_254, %lt3A_255 : i32
        %convert_element_type3A_257 = arith.extui %lt3A_256 : i1 to i32
        %cond3A_258 = arith.constant 0 : i32
        %cond3A_259 = arith.cmpi ne, %convert_element_type3A_257, %cond3A_258 : i32
        scf.if %cond3A_259 {
          %add3A_284 = arith.constant 2 : i32
          %add3A_285 = arith.addi %add3A_202, %add3A_284 : i32
          %add3A_286 = arith.constant 320000 : i32
          %add3A_287 = arith.addi %add3A_286, %add3A_8 : i32
          %mul3A_288 = arith.constant 40 : i32
          %mul3A_289 = arith.muli %add3A_285, %mul3A_288 : i32
          %add3A_290 = arith.addi %add3A_287, %mul3A_289 : i32
          %dma_wait3A_291 = arith.constant 1 : i32
          %dma_wait3A_292 = arith.constant 0 : i32
          %dma_wait3A_293 = tpu.memref_slice %arg7[%dma_wait3A_291, %dma_wait3A_292] : memref<4x40xi32, #tpu.memory_space<vmem>> -> memref<1x40xi32, #tpu.memory_space<vmem>>
          %dma_wait3A_294 = tpu.memref_squeeze %dma_wait3A_293 : memref<1x40xi32, #tpu.memory_space<vmem>> -> memref<40xi32, #tpu.memory_space<vmem>>
          %dma_wait3A_295 = tpu.memref_slice %arg4[%add3A_290] : memref<640000xi32, #tpu.memory_space<hbm>> -> memref<40xi32, #tpu.memory_space<hbm>>
          %dma_wait3A_296 = arith.constant 0 : i32
          %dma_wait3A_297 = tpu.memref_slice %arg7[%dma_wait3A_291, %dma_wait3A_296] : memref<4x40xi32, #tpu.memory_space<vmem>> -> memref<1x40xi32, #tpu.memory_space<vmem>>
          %dma_wait3A_298 = tpu.memref_squeeze %dma_wait3A_297 : memref<1x40xi32, #tpu.memory_space<vmem>> -> memref<40xi32, #tpu.memory_space<vmem>>
          %dma_wait3A_299 = tpu.memref_slice %arg4[%add3A_290] : memref<640000xi32, #tpu.memory_space<hbm>> -> memref<40xi32, #tpu.memory_space<hbm>>
          tpu.wait_dma2 semaphore(%arg20 : memref<!tpu.dma_semaphore, #tpu.memory_space<semaphore_mem>>) src(%dma_wait3A_299 : memref<40xi32, #tpu.memory_space<hbm>>) dst(%dma_wait3A_298 : memref<40xi32, #tpu.memory_space<vmem>>)
          %add3A_300 = arith.constant 2 : i32
          %add3A_301 = arith.addi %add3A_202, %add3A_300 : i32
          %dma_start3A_302 = arith.constant 1 : i32
          %dma_start3A_303 = arith.constant 1 : i32
          %dma_start3A_304 = arith.constant 0 : i32
          %dma_start3A_305 = arith.constant 0 : i32
          %dma_start3A_306 = tpu.memref_slice %arg9[%dma_start3A_303, %dma_start3A_304, %dma_start3A_305] : memref<2x40x128xf32, #tpu.memory_space<vmem>> -> memref<1x40x128xf32, #tpu.memory_space<vmem>>
          %dma_start3A_307 = tpu.memref_squeeze %dma_start3A_306 : memref<1x40x128xf32, #tpu.memory_space<vmem>> -> memref<40x128xf32, #tpu.memory_space<vmem>>
          %dma_start3A_308 = arith.constant 0 : i32
          %dma_start3A_309 = tpu.memref_slice %arg7[%dma_start3A_302, %dma_start3A_308] : memref<4x40xi32, #tpu.memory_space<vmem>> -> memref<1x40xi32, #tpu.memory_space<vmem>>
          %dma_start3A_310 = tpu.memref_squeeze %dma_start3A_309 : memref<1x40xi32, #tpu.memory_space<vmem>> -> memref<40xi32, #tpu.memory_space<vmem>>
          %dma_start3A_311 = arith.constant 0 : i32
          %dma_start3A_312 = arith.constant 0 : i32
          %dma_start3A_313 = tpu.memref_slice %arg2[%dma_start3A_311, %dma_start3A_312] : memref<10000x128xf32, #tpu.memory_space<hbm>> -> memref<10000x128xf32, #tpu.memory_space<hbm>>
          tpu.enqueue_indirect_dma source(%dma_start3A_313 : memref<10000x128xf32, #tpu.memory_space<hbm>>) target(%dma_start3A_307 : memref<40x128xf32, #tpu.memory_space<vmem>>) offsets(%dma_start3A_310 : memref<40xi32, #tpu.memory_space<vmem>>) semaphore(%arg14 : memref<!tpu.dma_semaphore, #tpu.memory_space<semaphore_mem>>)
          %mul3A_314 = arith.constant 40 : i32
          %mul3A_315 = arith.muli %add3A_301, %mul3A_314 : i32
          %add3A_316 = arith.addi %mul3A_10, %mul3A_315 : i32
          %dma_start3A_317 = arith.constant 1 : i32
          %dma_start3A_318 = arith.constant 0 : i32
          %dma_start3A_319 = arith.constant 0 : i32
          %dma_start3A_320 = tpu.memref_slice %arg10[%dma_start3A_317, %dma_start3A_318, %dma_start3A_319] : memref<2x40x128xf32, #tpu.memory_space<vmem>> -> memref<1x40x128xf32, #tpu.memory_space<vmem>>
          %dma_start3A_321 = tpu.memref_squeeze %dma_start3A_320 : memref<1x40x128xf32, #tpu.memory_space<vmem>> -> memref<40x128xf32, #tpu.memory_space<vmem>>
          %dma_start3A_322 = arith.constant 0 : i32
          %dma_start3A_323 = tpu.memref_slice %arg3[%add3A_316, %dma_start3A_322] : memref<108800x128xf32, #tpu.memory_space<hbm>> -> memref<40x128xf32, #tpu.memory_space<hbm>>
          %dma_start3A_324 = arith.constant 0 : i32
          %dma_start3A_325 = arith.constant 0 : i32
          %dma_start3A_326 = tpu.memref_slice %arg10[%dma_start3A_317, %dma_start3A_324, %dma_start3A_325] : memref<2x40x128xf32, #tpu.memory_space<vmem>> -> memref<1x40x128xf32, #tpu.memory_space<vmem>>
          %dma_start3A_327 = tpu.memref_squeeze %dma_start3A_326 : memref<1x40x128xf32, #tpu.memory_space<vmem>> -> memref<40x128xf32, #tpu.memory_space<vmem>>
          %dma_start3A_328 = arith.constant 0 : i32
          %dma_start3A_329 = tpu.memref_slice %arg3[%add3A_316, %dma_start3A_328] : memref<108800x128xf32, #tpu.memory_space<hbm>> -> memref<40x128xf32, #tpu.memory_space<hbm>>
          tpu.enqueue_dma source(%dma_start3A_329 : memref<40x128xf32, #tpu.memory_space<hbm>>) target(%dma_start3A_327 : memref<40x128xf32, #tpu.memory_space<vmem>>) target_semaphore(%arg16 : memref<!tpu.dma_semaphore, #tpu.memory_space<semaphore_mem>>)
        } else {
        }
        %mul3A_260 = arith.constant 40 : i32
        %mul3A_261 = arith.muli %add3A_202, %mul3A_260 : i32
        %add3A_262 = arith.addi %add3A_8, %mul3A_261 : i32
        %dma_wait3A_263 = arith.constant 3 : i32
        %dma_wait3A_264 = arith.constant 0 : i32
        %dma_wait3A_265 = tpu.memref_slice %arg8[%dma_wait3A_263, %dma_wait3A_264] : memref<4x40xi32, #tpu.memory_space<vmem>> -> memref<1x40xi32, #tpu.memory_space<vmem>>
        %dma_wait3A_266 = tpu.memref_squeeze %dma_wait3A_265 : memref<1x40xi32, #tpu.memory_space<vmem>> -> memref<40xi32, #tpu.memory_space<vmem>>
        %dma_wait3A_267 = tpu.memref_slice %arg4[%add3A_262] : memref<640000xi32, #tpu.memory_space<hbm>> -> memref<40xi32, #tpu.memory_space<hbm>>
        %dma_wait3A_268 = arith.constant 0 : i32
        %dma_wait3A_269 = tpu.memref_slice %arg8[%dma_wait3A_263, %dma_wait3A_268] : memref<4x40xi32, #tpu.memory_space<vmem>> -> memref<1x40xi32, #tpu.memory_space<vmem>>
        %dma_wait3A_270 = tpu.memref_squeeze %dma_wait3A_269 : memref<1x40xi32, #tpu.memory_space<vmem>> -> memref<40xi32, #tpu.memory_space<vmem>>
        %dma_wait3A_271 = tpu.memref_slice %arg4[%add3A_262] : memref<640000xi32, #tpu.memory_space<hbm>> -> memref<40xi32, #tpu.memory_space<hbm>>
        tpu.wait_dma2 semaphore(%arg26 : memref<!tpu.dma_semaphore, #tpu.memory_space<semaphore_mem>>) src(%dma_wait3A_271 : memref<40xi32, #tpu.memory_space<hbm>>) dst(%dma_wait3A_270 : memref<40xi32, #tpu.memory_space<vmem>>)
        %dma_start3A_272 = arith.constant 1 : i32
        %dma_start3A_273 = arith.constant 3 : i32
        %dma_start3A_274 = arith.constant 0 : i32
        %dma_start3A_275 = arith.constant 0 : i32
        %dma_start3A_276 = tpu.memref_slice %arg11[%dma_start3A_272, %dma_start3A_274, %dma_start3A_275] : memref<2x40x128xf32, #tpu.memory_space<vmem>> -> memref<1x40x128xf32, #tpu.memory_space<vmem>>
        %dma_start3A_277 = tpu.memref_squeeze %dma_start3A_276 : memref<1x40x128xf32, #tpu.memory_space<vmem>> -> memref<40x128xf32, #tpu.memory_space<vmem>>
        %dma_start3A_278 = arith.constant 0 : i32
        %dma_start3A_279 = tpu.memref_slice %arg8[%dma_start3A_273, %dma_start3A_278] : memref<4x40xi32, #tpu.memory_space<vmem>> -> memref<1x40xi32, #tpu.memory_space<vmem>>
        %dma_start3A_280 = tpu.memref_squeeze %dma_start3A_279 : memref<1x40xi32, #tpu.memory_space<vmem>> -> memref<40xi32, #tpu.memory_space<vmem>>
        %dma_start3A_281 = arith.constant 0 : i32
        %dma_start3A_282 = arith.constant 0 : i32
        %dma_start3A_283 = tpu.memref_slice %arg12[%dma_start3A_281, %dma_start3A_282] : memref<10000x128xf32, #tpu.memory_space<vmem_shared>> -> memref<10000x128xf32, #tpu.memory_space<vmem_shared>>
        tpu.enqueue_indirect_dma source(%dma_start3A_277 : memref<40x128xf32, #tpu.memory_space<vmem>>) target(%dma_start3A_283 : memref<10000x128xf32, #tpu.memory_space<vmem_shared>>) offsets(%dma_start3A_280 : memref<40xi32, #tpu.memory_space<vmem>>) semaphore(%arg18 : memref<!tpu.dma_semaphore, #tpu.memory_space<semaphore_mem>>) {add = true}
      } else {
      }
    }
    %scan3A_141 = arith.constant 22 : i32
    %dma_wait3A_142 = arith.constant 0 : i32
    %dma_wait3A_143 = arith.constant 3 : i32
    %dma_wait3A_144 = arith.constant 0 : i32
    %dma_wait3A_145 = arith.constant 0 : i32
    %dma_wait3A_146 = tpu.memref_slice %arg11[%dma_wait3A_142, %dma_wait3A_144, %dma_wait3A_145] : memref<2x40x128xf32, #tpu.memory_space<vmem>> -> memref<1x40x128xf32, #tpu.memory_space<vmem>>
    %dma_wait3A_147 = tpu.memref_squeeze %dma_wait3A_146 : memref<1x40x128xf32, #tpu.memory_space<vmem>> -> memref<40x128xf32, #tpu.memory_space<vmem>>
    %dma_wait3A_148 = arith.constant 0 : i32
    %dma_wait3A_149 = tpu.memref_slice %arg8[%dma_wait3A_143, %dma_wait3A_148] : memref<4x40xi32, #tpu.memory_space<vmem>> -> memref<1x40xi32, #tpu.memory_space<vmem>>
    %dma_wait3A_150 = tpu.memref_squeeze %dma_wait3A_149 : memref<1x40xi32, #tpu.memory_space<vmem>> -> memref<40xi32, #tpu.memory_space<vmem>>
    %dma_wait3A_151 = arith.constant 0 : i32
    %dma_wait3A_152 = arith.constant 0 : i32
    %dma_wait3A_153 = tpu.memref_slice %arg12[%dma_wait3A_151, %dma_wait3A_152] : memref<10000x128xf32, #tpu.memory_space<vmem_shared>> -> memref<10000x128xf32, #tpu.memory_space<vmem_shared>>
    tpu.wait_indirect_dma semaphore(%arg17 : memref<!tpu.dma_semaphore, #tpu.memory_space<semaphore_mem>>) src(%dma_wait3A_147 : memref<40x128xf32, #tpu.memory_space<vmem>>) dst(%dma_wait3A_153 : memref<10000x128xf32, #tpu.memory_space<vmem_shared>>)
    %dma_wait3A_154 = arith.constant 1 : i32
    %dma_wait3A_155 = arith.constant 0 : i32
    %dma_wait3A_156 = arith.constant 0 : i32
    %dma_wait3A_157 = arith.constant 0 : i32
    %dma_wait3A_158 = tpu.memref_slice %arg11[%dma_wait3A_154, %dma_wait3A_156, %dma_wait3A_157] : memref<2x40x128xf32, #tpu.memory_space<vmem>> -> memref<1x40x128xf32, #tpu.memory_space<vmem>>
    %dma_wait3A_159 = tpu.memref_squeeze %dma_wait3A_158 : memref<1x40x128xf32, #tpu.memory_space<vmem>> -> memref<40x128xf32, #tpu.memory_space<vmem>>
    %dma_wait3A_160 = arith.constant 0 : i32
    %dma_wait3A_161 = tpu.memref_slice %arg8[%dma_wait3A_155, %dma_wait3A_160] : memref<4x40xi32, #tpu.memory_space<vmem>> -> memref<1x40xi32, #tpu.memory_space<vmem>>
    %dma_wait3A_162 = tpu.memref_squeeze %dma_wait3A_161 : memref<1x40xi32, #tpu.memory_space<vmem>> -> memref<40xi32, #tpu.memory_space<vmem>>
    %dma_wait3A_163 = arith.constant 0 : i32
    %dma_wait3A_164 = arith.constant 0 : i32
    %dma_wait3A_165 = tpu.memref_slice %arg12[%dma_wait3A_163, %dma_wait3A_164] : memref<10000x128xf32, #tpu.memory_space<vmem_shared>> -> memref<10000x128xf32, #tpu.memory_space<vmem_shared>>
    tpu.wait_indirect_dma semaphore(%arg18 : memref<!tpu.dma_semaphore, #tpu.memory_space<semaphore_mem>>) src(%dma_wait3A_159 : memref<40x128xf32, #tpu.memory_space<vmem>>) dst(%dma_wait3A_165 : memref<10000x128xf32, #tpu.memory_space<vmem_shared>>)
    %barrier3A_166 = arith.constant 0 : index
    tpu.barrier barrier_id(%barrier3A_166)
    "tpu.region"() ({
      %run_scoped3A = tpu.sem_alloc : memref<!tpu.dma_semaphore, #tpu.memory_space<semaphore_mem>>
      %dma_start3A_172 = arith.constant 0 : i32
      %dma_start3A_173 = tpu.memref_slice %arg6[%arg0, %mul3A_2, %dma_start3A_172] : memref<2x10000x128xf32, #tpu.memory_space<hbm>> -> memref<1x624x128xf32, #tpu.memory_space<hbm>>
      %dma_start3A_174 = tpu.memref_squeeze %dma_start3A_173 : memref<1x624x128xf32, #tpu.memory_space<hbm>> -> memref<624x128xf32, #tpu.memory_space<hbm>>
      %dma_start3A_175 = arith.constant 0 : i32
      %dma_start3A_176 = tpu.memref_slice %arg12[%mul3A_2, %dma_start3A_175] : memref<10000x128xf32, #tpu.memory_space<vmem_shared>> -> memref<624x128xf32, #tpu.memory_space<vmem_shared>>
      tpu.enqueue_dma source(%dma_start3A_176 : memref<624x128xf32, #tpu.memory_space<vmem_shared>>) target(%dma_start3A_174 : memref<624x128xf32, #tpu.memory_space<hbm>>) target_semaphore(%run_scoped3A : memref<!tpu.dma_semaphore, #tpu.memory_space<semaphore_mem>>)
      %dma_wait3A_177 = arith.constant 0 : i32
      %dma_wait3A_178 = tpu.memref_slice %arg6[%arg0, %mul3A_2, %dma_wait3A_177] : memref<2x10000x128xf32, #tpu.memory_space<hbm>> -> memref<1x624x128xf32, #tpu.memory_space<hbm>>
      %dma_wait3A_179 = tpu.memref_squeeze %dma_wait3A_178 : memref<1x624x128xf32, #tpu.memory_space<hbm>> -> memref<624x128xf32, #tpu.memory_space<hbm>>
      %dma_wait3A_180 = arith.constant 0 : i32
      %dma_wait3A_181 = tpu.memref_slice %arg12[%mul3A_2, %dma_wait3A_180] : memref<10000x128xf32, #tpu.memory_space<vmem_shared>> -> memref<624x128xf32, #tpu.memory_space<vmem_shared>>
      tpu.wait_dma2 semaphore(%run_scoped3A : memref<!tpu.dma_semaphore, #tpu.memory_space<semaphore_mem>>) src(%dma_wait3A_181 : memref<624x128xf32, #tpu.memory_space<vmem_shared>>) dst(%dma_wait3A_179 : memref<624x128xf32, #tpu.memory_space<hbm>>)
      tpu.yield
    }) : () -> ()
    %eq3A_167 = arith.constant 15 : i32
    %eq3A_168 = arith.cmpi eq, %arg1, %eq3A_167 : i32
    %convert_element_type3A_169 = arith.extui %eq3A_168 : i1 to i32
    %cond3A_170 = arith.constant 0 : i32
    %cond3A_171 = arith.cmpi ne, %convert_element_type3A_169, %cond3A_170 : i32
    scf.if %cond3A_171 {
      "tpu.region"() ({
        %run_scoped3A = tpu.sem_alloc : memref<!tpu.dma_semaphore, #tpu.memory_space<semaphore_mem>>
        %dma_start3A_172 = arith.constant 9984 : i32
        %dma_start3A_173 = arith.constant 0 : i32
        %dma_start3A_174 = tpu.memref_slice %arg6[%arg0, %dma_start3A_172, %dma_start3A_173] : memref<2x10000x128xf32, #tpu.memory_space<hbm>> -> memref<1x16x128xf32, #tpu.memory_space<hbm>>
        %dma_start3A_175 = tpu.memref_squeeze %dma_start3A_174 : memref<1x16x128xf32, #tpu.memory_space<hbm>> -> memref<16x128xf32, #tpu.memory_space<hbm>>
        %dma_start3A_176 = arith.constant 9984 : i32
        %dma_start3A_177 = arith.constant 0 : i32
        %dma_start3A_178 = tpu.memref_slice %arg12[%dma_start3A_176, %dma_start3A_177] : memref<10000x128xf32, #tpu.memory_space<vmem_shared>> -> memref<16x128xf32, #tpu.memory_space<vmem_shared>>
        tpu.enqueue_dma source(%dma_start3A_178 : memref<16x128xf32, #tpu.memory_space<vmem_shared>>) target(%dma_start3A_175 : memref<16x128xf32, #tpu.memory_space<hbm>>) target_semaphore(%run_scoped3A : memref<!tpu.dma_semaphore, #tpu.memory_space<semaphore_mem>>)
        %dma_wait3A_179 = arith.constant 9984 : i32
        %dma_wait3A_180 = arith.constant 0 : i32
        %dma_wait3A_181 = tpu.memref_slice %arg6[%arg0, %dma_wait3A_179, %dma_wait3A_180] : memref<2x10000x128xf32, #tpu.memory_space<hbm>> -> memref<1x16x128xf32, #tpu.memory_space<hbm>>
        %dma_wait3A_182 = tpu.memref_squeeze %dma_wait3A_181 : memref<1x16x128xf32, #tpu.memory_space<hbm>> -> memref<16x128xf32, #tpu.memory_space<hbm>>
        %dma_wait3A_183 = arith.constant 9984 : i32
        %dma_wait3A_184 = arith.constant 0 : i32
        %dma_wait3A_185 = tpu.memref_slice %arg12[%dma_wait3A_183, %dma_wait3A_184] : memref<10000x128xf32, #tpu.memory_space<vmem_shared>> -> memref<16x128xf32, #tpu.memory_space<vmem_shared>>
        tpu.wait_dma2 semaphore(%run_scoped3A : memref<!tpu.dma_semaphore, #tpu.memory_space<semaphore_mem>>) src(%dma_wait3A_185 : memref<16x128xf32, #tpu.memory_space<vmem_shared>>) dst(%dma_wait3A_182 : memref<16x128xf32, #tpu.memory_space<hbm>>)
        tpu.yield
      }) : () -> ()
    } else {
    }
    return
  }
}

#map = affine_map<(d0, d1) -> (0, 0)>
#map1 = affine_map<(d0, d1) -> (0)>
#map2 = affine_map<(d0, d1) -> (0, 0, 0)>
module attributes {stable_mosaic.version = 14 : i64} {
  func.func @_sc_body(%arg0: i32, %arg1: i32, %arg2: memref<10000x128xf32, #tpu.memory_space<hbm>>, %arg3: memref<211200x128xf32, #tpu.memory_space<hbm>>, %arg4: memref<640000xi32, #tpu.memory_space<hbm>>, %arg5: memref<2x10000x128xf32, #tpu.memory_space<hbm>>, %arg6: memref<2x10000x128xf32, #tpu.memory_space<hbm>>, %arg7: memref<4x40xi32, #tpu.memory_space<vmem>>, %arg8: memref<4x40xi32, #tpu.memory_space<vmem>>, %arg9: memref<2x40x128xf32, #tpu.memory_space<vmem>>, %arg10: memref<2x40x128xf32, #tpu.memory_space<vmem>>, %arg11: memref<2x40x128xf32, #tpu.memory_space<vmem>>, %arg12: memref<10000x128xf32, #tpu.memory_space<vmem_shared>>, %arg13: memref<!tpu.dma_semaphore, #tpu.memory_space<semaphore_mem>>, %arg14: memref<!tpu.dma_semaphore, #tpu.memory_space<semaphore_mem>>, %arg15: memref<!tpu.dma_semaphore, #tpu.memory_space<semaphore_mem>>, %arg16: memref<!tpu.dma_semaphore, #tpu.memory_space<semaphore_mem>>, %arg17: memref<!tpu.dma_semaphore, #tpu.memory_space<semaphore_mem>>, %arg18: memref<!tpu.dma_semaphore, #tpu.memory_space<semaphore_mem>>, %arg19: memref<!tpu.dma_semaphore, #tpu.memory_space<semaphore_mem>>, %arg20: memref<!tpu.dma_semaphore, #tpu.memory_space<semaphore_mem>>, %arg21: memref<!tpu.dma_semaphore, #tpu.memory_space<semaphore_mem>>, %arg22: memref<!tpu.dma_semaphore, #tpu.memory_space<semaphore_mem>>, %arg23: memref<!tpu.dma_semaphore, #tpu.memory_space<semaphore_mem>>, %arg24: memref<!tpu.dma_semaphore, #tpu.memory_space<semaphore_mem>>, %arg25: memref<!tpu.dma_semaphore, #tpu.memory_space<semaphore_mem>>, %arg26: memref<!tpu.dma_semaphore, #tpu.memory_space<semaphore_mem>>) attributes {dimension_semantics = [#tpu.dimension_semantics<core_parallel>, #tpu.dimension_semantics<subcore_parallel>], iteration_bounds = array<i64: 2, 16>, scalar_prefetch = 0 : i64, scratch_operands = 20 : i64, tpu.core_type = #tpu.core_type<sc_vector_subcore>, window_params = [{transform_indices = #map}, {transform_indices = #map}, {transform_indices = #map1}, {transform_indices = #map2}, {transform_indices = #map2}]} {
    %mul3A = arith.constant 2 : i32
    %mul3A_0 = arith.muli %arg1, %mul3A : i32
    %add3A = arith.addi %mul3A_0, %arg0 : i32
    %mul3A_1 = arith.constant 624 : i32
    %mul3A_2 = arith.muli %arg1, %mul3A_1 : i32
    "tpu.region"() ({
      %run_scoped3A = tpu.sem_alloc : memref<!tpu.dma_semaphore, #tpu.memory_space<semaphore_mem>>
      %dma_start3A_172 = arith.constant 0 : i32
      %dma_start3A_173 = tpu.memref_slice %arg12[%mul3A_2, %dma_start3A_172] : memref<10000x128xf32, #tpu.memory_space<vmem_shared>> -> memref<624x128xf32, #tpu.memory_space<vmem_shared>>
      %dma_start3A_174 = arith.constant 0 : i32
      %dma_start3A_175 = tpu.memref_slice %arg5[%arg0, %mul3A_2, %dma_start3A_174] : memref<2x10000x128xf32, #tpu.memory_space<hbm>> -> memref<1x624x128xf32, #tpu.memory_space<hbm>>
      %dma_start3A_176 = tpu.memref_squeeze %dma_start3A_175 : memref<1x624x128xf32, #tpu.memory_space<hbm>> -> memref<624x128xf32, #tpu.memory_space<hbm>>
      tpu.enqueue_dma source(%dma_start3A_176 : memref<624x128xf32, #tpu.memory_space<hbm>>) target(%dma_start3A_173 : memref<624x128xf32, #tpu.memory_space<vmem_shared>>) target_semaphore(%run_scoped3A : memref<!tpu.dma_semaphore, #tpu.memory_space<semaphore_mem>>)
      %dma_wait3A_177 = arith.constant 0 : i32
      %dma_wait3A_178 = tpu.memref_slice %arg12[%mul3A_2, %dma_wait3A_177] : memref<10000x128xf32, #tpu.memory_space<vmem_shared>> -> memref<624x128xf32, #tpu.memory_space<vmem_shared>>
      %dma_wait3A_179 = arith.constant 0 : i32
      %dma_wait3A_180 = tpu.memref_slice %arg5[%arg0, %mul3A_2, %dma_wait3A_179] : memref<2x10000x128xf32, #tpu.memory_space<hbm>> -> memref<1x624x128xf32, #tpu.memory_space<hbm>>
      %dma_wait3A_181 = tpu.memref_squeeze %dma_wait3A_180 : memref<1x624x128xf32, #tpu.memory_space<hbm>> -> memref<624x128xf32, #tpu.memory_space<hbm>>
      tpu.wait_dma2 semaphore(%run_scoped3A : memref<!tpu.dma_semaphore, #tpu.memory_space<semaphore_mem>>) src(%dma_wait3A_181 : memref<624x128xf32, #tpu.memory_space<hbm>>) dst(%dma_wait3A_178 : memref<624x128xf32, #tpu.memory_space<vmem_shared>>)
      tpu.yield
    }) : () -> ()
    %eq3A = arith.constant 15 : i32
    %eq3A_3 = arith.cmpi eq, %arg1, %eq3A : i32
    %convert_element_type3A = arith.extui %eq3A_3 : i1 to i32
    %cond3A = arith.constant 0 : i32
    %cond3A_4 = arith.cmpi ne, %convert_element_type3A, %cond3A : i32
    scf.if %cond3A_4 {
      "tpu.region"() ({
        %run_scoped3A = tpu.sem_alloc : memref<!tpu.dma_semaphore, #tpu.memory_space<semaphore_mem>>
        %dma_start3A_172 = arith.constant 9984 : i32
        %dma_start3A_173 = arith.constant 0 : i32
        %dma_start3A_174 = tpu.memref_slice %arg12[%dma_start3A_172, %dma_start3A_173] : memref<10000x128xf32, #tpu.memory_space<vmem_shared>> -> memref<16x128xf32, #tpu.memory_space<vmem_shared>>
        %dma_start3A_175 = arith.constant 9984 : i32
        %dma_start3A_176 = arith.constant 0 : i32
        %dma_start3A_177 = tpu.memref_slice %arg5[%arg0, %dma_start3A_175, %dma_start3A_176] : memref<2x10000x128xf32, #tpu.memory_space<hbm>> -> memref<1x16x128xf32, #tpu.memory_space<hbm>>
        %dma_start3A_178 = tpu.memref_squeeze %dma_start3A_177 : memref<1x16x128xf32, #tpu.memory_space<hbm>> -> memref<16x128xf32, #tpu.memory_space<hbm>>
        tpu.enqueue_dma source(%dma_start3A_178 : memref<16x128xf32, #tpu.memory_space<hbm>>) target(%dma_start3A_174 : memref<16x128xf32, #tpu.memory_space<vmem_shared>>) target_semaphore(%run_scoped3A : memref<!tpu.dma_semaphore, #tpu.memory_space<semaphore_mem>>)
        %dma_wait3A_179 = arith.constant 9984 : i32
        %dma_wait3A_180 = arith.constant 0 : i32
        %dma_wait3A_181 = tpu.memref_slice %arg12[%dma_wait3A_179, %dma_wait3A_180] : memref<10000x128xf32, #tpu.memory_space<vmem_shared>> -> memref<16x128xf32, #tpu.memory_space<vmem_shared>>
        %dma_wait3A_182 = arith.constant 9984 : i32
        %dma_wait3A_183 = arith.constant 0 : i32
        %dma_wait3A_184 = tpu.memref_slice %arg5[%arg0, %dma_wait3A_182, %dma_wait3A_183] : memref<2x10000x128xf32, #tpu.memory_space<hbm>> -> memref<1x16x128xf32, #tpu.memory_space<hbm>>
        %dma_wait3A_185 = tpu.memref_squeeze %dma_wait3A_184 : memref<1x16x128xf32, #tpu.memory_space<hbm>> -> memref<16x128xf32, #tpu.memory_space<hbm>>
        tpu.wait_dma2 semaphore(%run_scoped3A : memref<!tpu.dma_semaphore, #tpu.memory_space<semaphore_mem>>) src(%dma_wait3A_185 : memref<16x128xf32, #tpu.memory_space<hbm>>) dst(%dma_wait3A_181 : memref<16x128xf32, #tpu.memory_space<vmem_shared>>)
        tpu.yield
      }) : () -> ()
    } else {
    }
    %mul3A_5 = arith.constant 6600 : i32
    %mul3A_6 = arith.muli %add3A, %mul3A_5 : i32
    %add3A_7 = arith.constant 108800 : i32
    %add3A_8 = arith.addi %add3A_7, %mul3A_6 : i32
    %mul3A_9 = arith.constant 6600 : i32
    %mul3A_10 = arith.muli %add3A, %mul3A_9 : i32
    %add3A_11 = arith.constant 320000 : i32
    %add3A_12 = arith.addi %add3A_11, %add3A_8 : i32
    %add3A_13 = arith.constant 0 : i32
    %add3A_14 = arith.addi %add3A_12, %add3A_13 : i32
    %dma_start3A = arith.constant 0 : i32
    %dma_start3A_15 = arith.constant 0 : i32
    %dma_start3A_16 = tpu.memref_slice %arg7[%dma_start3A, %dma_start3A_15] : memref<4x40xi32, #tpu.memory_space<vmem>> -> memref<1x40xi32, #tpu.memory_space<vmem>>
    %dma_start3A_17 = tpu.memref_squeeze %dma_start3A_16 : memref<1x40xi32, #tpu.memory_space<vmem>> -> memref<40xi32, #tpu.memory_space<vmem>>
    %dma_start3A_18 = tpu.memref_slice %arg4[%add3A_14] : memref<640000xi32, #tpu.memory_space<hbm>> -> memref<40xi32, #tpu.memory_space<hbm>>
    %dma_start3A_19 = arith.constant 0 : i32
    %dma_start3A_20 = tpu.memref_slice %arg7[%dma_start3A, %dma_start3A_19] : memref<4x40xi32, #tpu.memory_space<vmem>> -> memref<1x40xi32, #tpu.memory_space<vmem>>
    %dma_start3A_21 = tpu.memref_squeeze %dma_start3A_20 : memref<1x40xi32, #tpu.memory_space<vmem>> -> memref<40xi32, #tpu.memory_space<vmem>>
    %dma_start3A_22 = tpu.memref_slice %arg4[%add3A_14] : memref<640000xi32, #tpu.memory_space<hbm>> -> memref<40xi32, #tpu.memory_space<hbm>>
    tpu.enqueue_dma source(%dma_start3A_22 : memref<40xi32, #tpu.memory_space<hbm>>) target(%dma_start3A_21 : memref<40xi32, #tpu.memory_space<vmem>>) target_semaphore(%arg19 : memref<!tpu.dma_semaphore, #tpu.memory_space<semaphore_mem>>)
    %add3A_23 = arith.constant 0 : i32
    %add3A_24 = arith.addi %add3A_8, %add3A_23 : i32
    %dma_start3A_25 = arith.constant 0 : i32
    %dma_start3A_26 = arith.constant 0 : i32
    %dma_start3A_27 = tpu.memref_slice %arg8[%dma_start3A_25, %dma_start3A_26] : memref<4x40xi32, #tpu.memory_space<vmem>> -> memref<1x40xi32, #tpu.memory_space<vmem>>
    %dma_start3A_28 = tpu.memref_squeeze %dma_start3A_27 : memref<1x40xi32, #tpu.memory_space<vmem>> -> memref<40xi32, #tpu.memory_space<vmem>>
    %dma_start3A_29 = tpu.memref_slice %arg4[%add3A_24] : memref<640000xi32, #tpu.memory_space<hbm>> -> memref<40xi32, #tpu.memory_space<hbm>>
    %dma_start3A_30 = arith.constant 0 : i32
    %dma_start3A_31 = tpu.memref_slice %arg8[%dma_start3A_25, %dma_start3A_30] : memref<4x40xi32, #tpu.memory_space<vmem>> -> memref<1x40xi32, #tpu.memory_space<vmem>>
    %dma_start3A_32 = tpu.memref_squeeze %dma_start3A_31 : memref<1x40xi32, #tpu.memory_space<vmem>> -> memref<40xi32, #tpu.memory_space<vmem>>
    %dma_start3A_33 = tpu.memref_slice %arg4[%add3A_24] : memref<640000xi32, #tpu.memory_space<hbm>> -> memref<40xi32, #tpu.memory_space<hbm>>
    tpu.enqueue_dma source(%dma_start3A_33 : memref<40xi32, #tpu.memory_space<hbm>>) target(%dma_start3A_32 : memref<40xi32, #tpu.memory_space<vmem>>) target_semaphore(%arg23 : memref<!tpu.dma_semaphore, #tpu.memory_space<semaphore_mem>>)
    %add3A_34 = arith.constant 320000 : i32
    %add3A_35 = arith.addi %add3A_34, %add3A_8 : i32
    %add3A_36 = arith.constant 40 : i32
    %add3A_37 = arith.addi %add3A_35, %add3A_36 : i32
    %dma_start3A_38 = arith.constant 1 : i32
    %dma_start3A_39 = arith.constant 0 : i32
    %dma_start3A_40 = tpu.memref_slice %arg7[%dma_start3A_38, %dma_start3A_39] : memref<4x40xi32, #tpu.memory_space<vmem>> -> memref<1x40xi32, #tpu.memory_space<vmem>>
    %dma_start3A_41 = tpu.memref_squeeze %dma_start3A_40 : memref<1x40xi32, #tpu.memory_space<vmem>> -> memref<40xi32, #tpu.memory_space<vmem>>
    %dma_start3A_42 = tpu.memref_slice %arg4[%add3A_37] : memref<640000xi32, #tpu.memory_space<hbm>> -> memref<40xi32, #tpu.memory_space<hbm>>
    %dma_start3A_43 = arith.constant 0 : i32
    %dma_start3A_44 = tpu.memref_slice %arg7[%dma_start3A_38, %dma_start3A_43] : memref<4x40xi32, #tpu.memory_space<vmem>> -> memref<1x40xi32, #tpu.memory_space<vmem>>
    %dma_start3A_45 = tpu.memref_squeeze %dma_start3A_44 : memref<1x40xi32, #tpu.memory_space<vmem>> -> memref<40xi32, #tpu.memory_space<vmem>>
    %dma_start3A_46 = tpu.memref_slice %arg4[%add3A_37] : memref<640000xi32, #tpu.memory_space<hbm>> -> memref<40xi32, #tpu.memory_space<hbm>>
    tpu.enqueue_dma source(%dma_start3A_46 : memref<40xi32, #tpu.memory_space<hbm>>) target(%dma_start3A_45 : memref<40xi32, #tpu.memory_space<vmem>>) target_semaphore(%arg20 : memref<!tpu.dma_semaphore, #tpu.memory_space<semaphore_mem>>)
    %add3A_47 = arith.constant 40 : i32
    %add3A_48 = arith.addi %add3A_8, %add3A_47 : i32
    %dma_start3A_49 = arith.constant 1 : i32
    %dma_start3A_50 = arith.constant 0 : i32
    %dma_start3A_51 = tpu.memref_slice %arg8[%dma_start3A_49, %dma_start3A_50] : memref<4x40xi32, #tpu.memory_space<vmem>> -> memref<1x40xi32, #tpu.memory_space<vmem>>
    %dma_start3A_52 = tpu.memref_squeeze %dma_start3A_51 : memref<1x40xi32, #tpu.memory_space<vmem>> -> memref<40xi32, #tpu.memory_space<vmem>>
    %dma_start3A_53 = tpu.memref_slice %arg4[%add3A_48] : memref<640000xi32, #tpu.memory_space<hbm>> -> memref<40xi32, #tpu.memory_space<hbm>>
    %dma_start3A_54 = arith.constant 0 : i32
    %dma_start3A_55 = tpu.memref_slice %arg8[%dma_start3A_49, %dma_start3A_54] : memref<4x40xi32, #tpu.memory_space<vmem>> -> memref<1x40xi32, #tpu.memory_space<vmem>>
    %dma_start3A_56 = tpu.memref_squeeze %dma_start3A_55 : memref<1x40xi32, #tpu.memory_space<vmem>> -> memref<40xi32, #tpu.memory_space<vmem>>
    %dma_start3A_57 = tpu.memref_slice %arg4[%add3A_48] : memref<640000xi32, #tpu.memory_space<hbm>> -> memref<40xi32, #tpu.memory_space<hbm>>
    tpu.enqueue_dma source(%dma_start3A_57 : memref<40xi32, #tpu.memory_space<hbm>>) target(%dma_start3A_56 : memref<40xi32, #tpu.memory_space<vmem>>) target_semaphore(%arg24 : memref<!tpu.dma_semaphore, #tpu.memory_space<semaphore_mem>>)
    %add3A_58 = arith.constant 320000 : i32
    %add3A_59 = arith.addi %add3A_58, %add3A_8 : i32
    %add3A_60 = arith.constant 0 : i32
    %add3A_61 = arith.addi %add3A_59, %add3A_60 : i32
    %dma_wait3A = arith.constant 0 : i32
    %dma_wait3A_62 = arith.constant 0 : i32
    %dma_wait3A_63 = tpu.memref_slice %arg7[%dma_wait3A, %dma_wait3A_62] : memref<4x40xi32, #tpu.memory_space<vmem>> -> memref<1x40xi32, #tpu.memory_space<vmem>>
    %dma_wait3A_64 = tpu.memref_squeeze %dma_wait3A_63 : memref<1x40xi32, #tpu.memory_space<vmem>> -> memref<40xi32, #tpu.memory_space<vmem>>
    %dma_wait3A_65 = tpu.memref_slice %arg4[%add3A_61] : memref<640000xi32, #tpu.memory_space<hbm>> -> memref<40xi32, #tpu.memory_space<hbm>>
    %dma_wait3A_66 = arith.constant 0 : i32
    %dma_wait3A_67 = tpu.memref_slice %arg7[%dma_wait3A, %dma_wait3A_66] : memref<4x40xi32, #tpu.memory_space<vmem>> -> memref<1x40xi32, #tpu.memory_space<vmem>>
    %dma_wait3A_68 = tpu.memref_squeeze %dma_wait3A_67 : memref<1x40xi32, #tpu.memory_space<vmem>> -> memref<40xi32, #tpu.memory_space<vmem>>
    %dma_wait3A_69 = tpu.memref_slice %arg4[%add3A_61] : memref<640000xi32, #tpu.memory_space<hbm>> -> memref<40xi32, #tpu.memory_space<hbm>>
    tpu.wait_dma2 semaphore(%arg19 : memref<!tpu.dma_semaphore, #tpu.memory_space<semaphore_mem>>) src(%dma_wait3A_69 : memref<40xi32, #tpu.memory_space<hbm>>) dst(%dma_wait3A_68 : memref<40xi32, #tpu.memory_space<vmem>>)
    %dma_start3A_70 = arith.constant 0 : i32
    %dma_start3A_71 = arith.constant 0 : i32
    %dma_start3A_72 = arith.constant 0 : i32
    %dma_start3A_73 = arith.constant 0 : i32
    %dma_start3A_74 = tpu.memref_slice %arg9[%dma_start3A_71, %dma_start3A_72, %dma_start3A_73] : memref<2x40x128xf32, #tpu.memory_space<vmem>> -> memref<1x40x128xf32, #tpu.memory_space<vmem>>
    %dma_start3A_75 = tpu.memref_squeeze %dma_start3A_74 : memref<1x40x128xf32, #tpu.memory_space<vmem>> -> memref<40x128xf32, #tpu.memory_space<vmem>>
    %dma_start3A_76 = arith.constant 0 : i32
    %dma_start3A_77 = tpu.memref_slice %arg7[%dma_start3A_70, %dma_start3A_76] : memref<4x40xi32, #tpu.memory_space<vmem>> -> memref<1x40xi32, #tpu.memory_space<vmem>>
    %dma_start3A_78 = tpu.memref_squeeze %dma_start3A_77 : memref<1x40xi32, #tpu.memory_space<vmem>> -> memref<40xi32, #tpu.memory_space<vmem>>
    %dma_start3A_79 = arith.constant 0 : i32
    %dma_start3A_80 = arith.constant 0 : i32
    %dma_start3A_81 = tpu.memref_slice %arg2[%dma_start3A_79, %dma_start3A_80] : memref<10000x128xf32, #tpu.memory_space<hbm>> -> memref<10000x128xf32, #tpu.memory_space<hbm>>
    tpu.enqueue_indirect_dma source(%dma_start3A_81 : memref<10000x128xf32, #tpu.memory_space<hbm>>) target(%dma_start3A_75 : memref<40x128xf32, #tpu.memory_space<vmem>>) offsets(%dma_start3A_78 : memref<40xi32, #tpu.memory_space<vmem>>) semaphore(%arg13 : memref<!tpu.dma_semaphore, #tpu.memory_space<semaphore_mem>>)
    %add3A_82 = arith.constant 0 : i32
    %add3A_83 = arith.addi %mul3A_10, %add3A_82 : i32
    %dma_start3A_84 = arith.constant 0 : i32
    %dma_start3A_85 = arith.constant 0 : i32
    %dma_start3A_86 = arith.constant 0 : i32
    %dma_start3A_87 = tpu.memref_slice %arg10[%dma_start3A_84, %dma_start3A_85, %dma_start3A_86] : memref<2x40x128xf32, #tpu.memory_space<vmem>> -> memref<1x40x128xf32, #tpu.memory_space<vmem>>
    %dma_start3A_88 = tpu.memref_squeeze %dma_start3A_87 : memref<1x40x128xf32, #tpu.memory_space<vmem>> -> memref<40x128xf32, #tpu.memory_space<vmem>>
    %dma_start3A_89 = arith.constant 0 : i32
    %dma_start3A_90 = tpu.memref_slice %arg3[%add3A_83, %dma_start3A_89] : memref<211200x128xf32, #tpu.memory_space<hbm>> -> memref<40x128xf32, #tpu.memory_space<hbm>>
    %dma_start3A_91 = arith.constant 0 : i32
    %dma_start3A_92 = arith.constant 0 : i32
    %dma_start3A_93 = tpu.memref_slice %arg10[%dma_start3A_84, %dma_start3A_91, %dma_start3A_92] : memref<2x40x128xf32, #tpu.memory_space<vmem>> -> memref<1x40x128xf32, #tpu.memory_space<vmem>>
    %dma_start3A_94 = tpu.memref_squeeze %dma_start3A_93 : memref<1x40x128xf32, #tpu.memory_space<vmem>> -> memref<40x128xf32, #tpu.memory_space<vmem>>
    %dma_start3A_95 = arith.constant 0 : i32
    %dma_start3A_96 = tpu.memref_slice %arg3[%add3A_83, %dma_start3A_95] : memref<211200x128xf32, #tpu.memory_space<hbm>> -> memref<40x128xf32, #tpu.memory_space<hbm>>
    tpu.enqueue_dma source(%dma_start3A_96 : memref<40x128xf32, #tpu.memory_space<hbm>>) target(%dma_start3A_94 : memref<40x128xf32, #tpu.memory_space<vmem>>) target_semaphore(%arg15 : memref<!tpu.dma_semaphore, #tpu.memory_space<semaphore_mem>>)
    %add3A_97 = arith.constant 320000 : i32
    %add3A_98 = arith.addi %add3A_97, %add3A_8 : i32
    %add3A_99 = arith.constant 40 : i32
    %add3A_100 = arith.addi %add3A_98, %add3A_99 : i32
    %dma_wait3A_101 = arith.constant 1 : i32
    %dma_wait3A_102 = arith.constant 0 : i32
    %dma_wait3A_103 = tpu.memref_slice %arg7[%dma_wait3A_101, %dma_wait3A_102] : memref<4x40xi32, #tpu.memory_space<vmem>> -> memref<1x40xi32, #tpu.memory_space<vmem>>
    %dma_wait3A_104 = tpu.memref_squeeze %dma_wait3A_103 : memref<1x40xi32, #tpu.memory_space<vmem>> -> memref<40xi32, #tpu.memory_space<vmem>>
    %dma_wait3A_105 = tpu.memref_slice %arg4[%add3A_100] : memref<640000xi32, #tpu.memory_space<hbm>> -> memref<40xi32, #tpu.memory_space<hbm>>
    %dma_wait3A_106 = arith.constant 0 : i32
    %dma_wait3A_107 = tpu.memref_slice %arg7[%dma_wait3A_101, %dma_wait3A_106] : memref<4x40xi32, #tpu.memory_space<vmem>> -> memref<1x40xi32, #tpu.memory_space<vmem>>
    %dma_wait3A_108 = tpu.memref_squeeze %dma_wait3A_107 : memref<1x40xi32, #tpu.memory_space<vmem>> -> memref<40xi32, #tpu.memory_space<vmem>>
    %dma_wait3A_109 = tpu.memref_slice %arg4[%add3A_100] : memref<640000xi32, #tpu.memory_space<hbm>> -> memref<40xi32, #tpu.memory_space<hbm>>
    tpu.wait_dma2 semaphore(%arg20 : memref<!tpu.dma_semaphore, #tpu.memory_space<semaphore_mem>>) src(%dma_wait3A_109 : memref<40xi32, #tpu.memory_space<hbm>>) dst(%dma_wait3A_108 : memref<40xi32, #tpu.memory_space<vmem>>)
    %dma_start3A_110 = arith.constant 1 : i32
    %dma_start3A_111 = arith.constant 1 : i32
    %dma_start3A_112 = arith.constant 0 : i32
    %dma_start3A_113 = arith.constant 0 : i32
    %dma_start3A_114 = tpu.memref_slice %arg9[%dma_start3A_111, %dma_start3A_112, %dma_start3A_113] : memref<2x40x128xf32, #tpu.memory_space<vmem>> -> memref<1x40x128xf32, #tpu.memory_space<vmem>>
    %dma_start3A_115 = tpu.memref_squeeze %dma_start3A_114 : memref<1x40x128xf32, #tpu.memory_space<vmem>> -> memref<40x128xf32, #tpu.memory_space<vmem>>
    %dma_start3A_116 = arith.constant 0 : i32
    %dma_start3A_117 = tpu.memref_slice %arg7[%dma_start3A_110, %dma_start3A_116] : memref<4x40xi32, #tpu.memory_space<vmem>> -> memref<1x40xi32, #tpu.memory_space<vmem>>
    %dma_start3A_118 = tpu.memref_squeeze %dma_start3A_117 : memref<1x40xi32, #tpu.memory_space<vmem>> -> memref<40xi32, #tpu.memory_space<vmem>>
    %dma_start3A_119 = arith.constant 0 : i32
    %dma_start3A_120 = arith.constant 0 : i32
    %dma_start3A_121 = tpu.memref_slice %arg2[%dma_start3A_119, %dma_start3A_120] : memref<10000x128xf32, #tpu.memory_space<hbm>> -> memref<10000x128xf32, #tpu.memory_space<hbm>>
    tpu.enqueue_indirect_dma source(%dma_start3A_121 : memref<10000x128xf32, #tpu.memory_space<hbm>>) target(%dma_start3A_115 : memref<40x128xf32, #tpu.memory_space<vmem>>) offsets(%dma_start3A_118 : memref<40xi32, #tpu.memory_space<vmem>>) semaphore(%arg14 : memref<!tpu.dma_semaphore, #tpu.memory_space<semaphore_mem>>)
    %add3A_122 = arith.constant 40 : i32
    %add3A_123 = arith.addi %mul3A_10, %add3A_122 : i32
    %dma_start3A_124 = arith.constant 1 : i32
    %dma_start3A_125 = arith.constant 0 : i32
    %dma_start3A_126 = arith.constant 0 : i32
    %dma_start3A_127 = tpu.memref_slice %arg10[%dma_start3A_124, %dma_start3A_125, %dma_start3A_126] : memref<2x40x128xf32, #tpu.memory_space<vmem>> -> memref<1x40x128xf32, #tpu.memory_space<vmem>>
    %dma_start3A_128 = tpu.memref_squeeze %dma_start3A_127 : memref<1x40x128xf32, #tpu.memory_space<vmem>> -> memref<40x128xf32, #tpu.memory_space<vmem>>
    %dma_start3A_129 = arith.constant 0 : i32
    %dma_start3A_130 = tpu.memref_slice %arg3[%add3A_123, %dma_start3A_129] : memref<211200x128xf32, #tpu.memory_space<hbm>> -> memref<40x128xf32, #tpu.memory_space<hbm>>
    %dma_start3A_131 = arith.constant 0 : i32
    %dma_start3A_132 = arith.constant 0 : i32
    %dma_start3A_133 = tpu.memref_slice %arg10[%dma_start3A_124, %dma_start3A_131, %dma_start3A_132] : memref<2x40x128xf32, #tpu.memory_space<vmem>> -> memref<1x40x128xf32, #tpu.memory_space<vmem>>
    %dma_start3A_134 = tpu.memref_squeeze %dma_start3A_133 : memref<1x40x128xf32, #tpu.memory_space<vmem>> -> memref<40x128xf32, #tpu.memory_space<vmem>>
    %dma_start3A_135 = arith.constant 0 : i32
    %dma_start3A_136 = tpu.memref_slice %arg3[%add3A_123, %dma_start3A_135] : memref<211200x128xf32, #tpu.memory_space<hbm>> -> memref<40x128xf32, #tpu.memory_space<hbm>>
    tpu.enqueue_dma source(%dma_start3A_136 : memref<40x128xf32, #tpu.memory_space<hbm>>) target(%dma_start3A_134 : memref<40x128xf32, #tpu.memory_space<vmem>>) target_semaphore(%arg16 : memref<!tpu.dma_semaphore, #tpu.memory_space<semaphore_mem>>)
    %barrier3A = arith.constant 0 : index
    tpu.barrier barrier_id(%barrier3A)
    %scan3A = arith.constant 0 : i32
    %scan3A_137 = arith.constant 0 : i32
    %scan3A_138 = arith.constant 42 : i32
    %scan3A_139 = arith.addi %scan3A_137, %scan3A_138 : i32
    %scan3A_140 = arith.constant 1 : i32
    scf.for %scan3A_172 = %scan3A_137 to %scan3A_139 step %scan3A_140  : i32 {
      %mul3A_173 = arith.constant 4 : i32
      %mul3A_174 = arith.muli %scan3A_172, %mul3A_173 : i32
      %add3A_175 = arith.constant 0 : i32
      %add3A_176 = arith.addi %mul3A_174, %add3A_175 : i32
      %lt3A = arith.constant 165 : i32
      %lt3A_177 = arith.cmpi slt, %add3A_176, %lt3A : i32
      %convert_element_type3A_178 = arith.extui %lt3A_177 : i1 to i32
      %cond3A_179 = arith.constant 0 : i32
      %cond3A_180 = arith.cmpi ne, %convert_element_type3A_178, %cond3A_179 : i32
      scf.if %cond3A_180 {
        %dma_wait3A_208 = arith.constant 0 : i32
        %dma_wait3A_209 = arith.constant 0 : i32
        %dma_wait3A_210 = arith.constant 0 : i32
        %dma_wait3A_211 = arith.constant 0 : i32
        %dma_wait3A_212 = tpu.memref_slice %arg9[%dma_wait3A_209, %dma_wait3A_210, %dma_wait3A_211] : memref<2x40x128xf32, #tpu.memory_space<vmem>> -> memref<1x40x128xf32, #tpu.memory_space<vmem>>
        %dma_wait3A_213 = tpu.memref_squeeze %dma_wait3A_212 : memref<1x40x128xf32, #tpu.memory_space<vmem>> -> memref<40x128xf32, #tpu.memory_space<vmem>>
        %dma_wait3A_214 = arith.constant 0 : i32
        %dma_wait3A_215 = tpu.memref_slice %arg7[%dma_wait3A_208, %dma_wait3A_214] : memref<4x40xi32, #tpu.memory_space<vmem>> -> memref<1x40xi32, #tpu.memory_space<vmem>>
        %dma_wait3A_216 = tpu.memref_squeeze %dma_wait3A_215 : memref<1x40xi32, #tpu.memory_space<vmem>> -> memref<40xi32, #tpu.memory_space<vmem>>
        %dma_wait3A_217 = arith.constant 0 : i32
        %dma_wait3A_218 = arith.constant 0 : i32
        %dma_wait3A_219 = tpu.memref_slice %arg2[%dma_wait3A_217, %dma_wait3A_218] : memref<10000x128xf32, #tpu.memory_space<hbm>> -> memref<10000x128xf32, #tpu.memory_space<hbm>>
        tpu.wait_indirect_dma semaphore(%arg13 : memref<!tpu.dma_semaphore, #tpu.memory_space<semaphore_mem>>) src(%dma_wait3A_219 : memref<10000x128xf32, #tpu.memory_space<hbm>>) dst(%dma_wait3A_213 : memref<40x128xf32, #tpu.memory_space<vmem>>)
        %mul3A_220 = arith.constant 40 : i32
        %mul3A_221 = arith.muli %add3A_176, %mul3A_220 : i32
        %add3A_222 = arith.addi %mul3A_10, %mul3A_221 : i32
        %dma_wait3A_223 = arith.constant 0 : i32
        %dma_wait3A_224 = arith.constant 0 : i32
        %dma_wait3A_225 = arith.constant 0 : i32
        %dma_wait3A_226 = tpu.memref_slice %arg10[%dma_wait3A_223, %dma_wait3A_224, %dma_wait3A_225] : memref<2x40x128xf32, #tpu.memory_space<vmem>> -> memref<1x40x128xf32, #tpu.memory_space<vmem>>
        %dma_wait3A_227 = tpu.memref_squeeze %dma_wait3A_226 : memref<1x40x128xf32, #tpu.memory_space<vmem>> -> memref<40x128xf32, #tpu.memory_space<vmem>>
        %dma_wait3A_228 = arith.constant 0 : i32
        %dma_wait3A_229 = tpu.memref_slice %arg3[%add3A_222, %dma_wait3A_228] : memref<211200x128xf32, #tpu.memory_space<hbm>> -> memref<40x128xf32, #tpu.memory_space<hbm>>
        %dma_wait3A_230 = arith.constant 0 : i32
        %dma_wait3A_231 = arith.constant 0 : i32
        %dma_wait3A_232 = tpu.memref_slice %arg10[%dma_wait3A_223, %dma_wait3A_230, %dma_wait3A_231] : memref<2x40x128xf32, #tpu.memory_space<vmem>> -> memref<1x40x128xf32, #tpu.memory_space<vmem>>
        %dma_wait3A_233 = tpu.memref_squeeze %dma_wait3A_232 : memref<1x40x128xf32, #tpu.memory_space<vmem>> -> memref<40x128xf32, #tpu.memory_space<vmem>>
        %dma_wait3A_234 = arith.constant 0 : i32
        %dma_wait3A_235 = tpu.memref_slice %arg3[%add3A_222, %dma_wait3A_234] : memref<211200x128xf32, #tpu.memory_space<hbm>> -> memref<40x128xf32, #tpu.memory_space<hbm>>
        tpu.wait_dma2 semaphore(%arg15 : memref<!tpu.dma_semaphore, #tpu.memory_space<semaphore_mem>>) src(%dma_wait3A_235 : memref<40x128xf32, #tpu.memory_space<hbm>>) dst(%dma_wait3A_233 : memref<40x128xf32, #tpu.memory_space<vmem>>)
        %ge3A = arith.constant 2 : i32
        %ge3A_236 = arith.cmpi sge, %add3A_176, %ge3A : i32
        %convert_element_type3A_237 = arith.extui %ge3A_236 : i1 to i32
        %cond3A_238 = arith.constant 0 : i32
        %cond3A_239 = arith.cmpi ne, %convert_element_type3A_237, %cond3A_238 : i32
        scf.if %cond3A_239 {
          %dma_wait3A_284 = arith.constant 0 : i32
          %dma_wait3A_285 = arith.constant 2 : i32
          %dma_wait3A_286 = arith.constant 0 : i32
          %dma_wait3A_287 = arith.constant 0 : i32
          %dma_wait3A_288 = tpu.memref_slice %arg11[%dma_wait3A_284, %dma_wait3A_286, %dma_wait3A_287] : memref<2x40x128xf32, #tpu.memory_space<vmem>> -> memref<1x40x128xf32, #tpu.memory_space<vmem>>
          %dma_wait3A_289 = tpu.memref_squeeze %dma_wait3A_288 : memref<1x40x128xf32, #tpu.memory_space<vmem>> -> memref<40x128xf32, #tpu.memory_space<vmem>>
          %dma_wait3A_290 = arith.constant 0 : i32
          %dma_wait3A_291 = tpu.memref_slice %arg8[%dma_wait3A_285, %dma_wait3A_290] : memref<4x40xi32, #tpu.memory_space<vmem>> -> memref<1x40xi32, #tpu.memory_space<vmem>>
          %dma_wait3A_292 = tpu.memref_squeeze %dma_wait3A_291 : memref<1x40xi32, #tpu.memory_space<vmem>> -> memref<40xi32, #tpu.memory_space<vmem>>
          %dma_wait3A_293 = arith.constant 0 : i32
          %dma_wait3A_294 = arith.constant 0 : i32
          %dma_wait3A_295 = tpu.memref_slice %arg12[%dma_wait3A_293, %dma_wait3A_294] : memref<10000x128xf32, #tpu.memory_space<vmem_shared>> -> memref<10000x128xf32, #tpu.memory_space<vmem_shared>>
          tpu.wait_indirect_dma semaphore(%arg17 : memref<!tpu.dma_semaphore, #tpu.memory_space<semaphore_mem>>) src(%dma_wait3A_289 : memref<40x128xf32, #tpu.memory_space<vmem>>) dst(%dma_wait3A_295 : memref<10000x128xf32, #tpu.memory_space<vmem_shared>>)
        } else {
        }
        %add3A_240 = arith.constant 2 : i32
        %add3A_241 = arith.addi %add3A_176, %add3A_240 : i32
        %lt3A_242 = arith.constant 165 : i32
        %lt3A_243 = arith.cmpi slt, %add3A_241, %lt3A_242 : i32
        %convert_element_type3A_244 = arith.extui %lt3A_243 : i1 to i32
        %cond3A_245 = arith.constant 0 : i32
        %cond3A_246 = arith.cmpi ne, %convert_element_type3A_244, %cond3A_245 : i32
        scf.if %cond3A_246 {
          %add3A_284 = arith.constant 2 : i32
          %add3A_285 = arith.addi %add3A_176, %add3A_284 : i32
          %add3A_286 = arith.constant 320000 : i32
          %add3A_287 = arith.addi %add3A_286, %add3A_8 : i32
          %mul3A_288 = arith.constant 40 : i32
          %mul3A_289 = arith.muli %add3A_285, %mul3A_288 : i32
          %add3A_290 = arith.addi %add3A_287, %mul3A_289 : i32
          %dma_start3A_291 = arith.constant 2 : i32
          %dma_start3A_292 = arith.constant 0 : i32
          %dma_start3A_293 = tpu.memref_slice %arg7[%dma_start3A_291, %dma_start3A_292] : memref<4x40xi32, #tpu.memory_space<vmem>> -> memref<1x40xi32, #tpu.memory_space<vmem>>
          %dma_start3A_294 = tpu.memref_squeeze %dma_start3A_293 : memref<1x40xi32, #tpu.memory_space<vmem>> -> memref<40xi32, #tpu.memory_space<vmem>>
          %dma_start3A_295 = tpu.memref_slice %arg4[%add3A_290] : memref<640000xi32, #tpu.memory_space<hbm>> -> memref<40xi32, #tpu.memory_space<hbm>>
          %dma_start3A_296 = arith.constant 0 : i32
          %dma_start3A_297 = tpu.memref_slice %arg7[%dma_start3A_291, %dma_start3A_296] : memref<4x40xi32, #tpu.memory_space<vmem>> -> memref<1x40xi32, #tpu.memory_space<vmem>>
          %dma_start3A_298 = tpu.memref_squeeze %dma_start3A_297 : memref<1x40xi32, #tpu.memory_space<vmem>> -> memref<40xi32, #tpu.memory_space<vmem>>
          %dma_start3A_299 = tpu.memref_slice %arg4[%add3A_290] : memref<640000xi32, #tpu.memory_space<hbm>> -> memref<40xi32, #tpu.memory_space<hbm>>
          tpu.enqueue_dma source(%dma_start3A_299 : memref<40xi32, #tpu.memory_space<hbm>>) target(%dma_start3A_298 : memref<40xi32, #tpu.memory_space<vmem>>) target_semaphore(%arg21 : memref<!tpu.dma_semaphore, #tpu.memory_space<semaphore_mem>>)
          %mul3A_300 = arith.constant 40 : i32
          %mul3A_301 = arith.muli %add3A_285, %mul3A_300 : i32
          %add3A_302 = arith.addi %add3A_8, %mul3A_301 : i32
          %dma_start3A_303 = arith.constant 2 : i32
          %dma_start3A_304 = arith.constant 0 : i32
          %dma_start3A_305 = tpu.memref_slice %arg8[%dma_start3A_303, %dma_start3A_304] : memref<4x40xi32, #tpu.memory_space<vmem>> -> memref<1x40xi32, #tpu.memory_space<vmem>>
          %dma_start3A_306 = tpu.memref_squeeze %dma_start3A_305 : memref<1x40xi32, #tpu.memory_space<vmem>> -> memref<40xi32, #tpu.memory_space<vmem>>
          %dma_start3A_307 = tpu.memref_slice %arg4[%add3A_302] : memref<640000xi32, #tpu.memory_space<hbm>> -> memref<40xi32, #tpu.memory_space<hbm>>
          %dma_start3A_308 = arith.constant 0 : i32
          %dma_start3A_309 = tpu.memref_slice %arg8[%dma_start3A_303, %dma_start3A_308] : memref<4x40xi32, #tpu.memory_space<vmem>> -> memref<1x40xi32, #tpu.memory_space<vmem>>
          %dma_start3A_310 = tpu.memref_squeeze %dma_start3A_309 : memref<1x40xi32, #tpu.memory_space<vmem>> -> memref<40xi32, #tpu.memory_space<vmem>>
          %dma_start3A_311 = tpu.memref_slice %arg4[%add3A_302] : memref<640000xi32, #tpu.memory_space<hbm>> -> memref<40xi32, #tpu.memory_space<hbm>>
          tpu.enqueue_dma source(%dma_start3A_311 : memref<40xi32, #tpu.memory_space<hbm>>) target(%dma_start3A_310 : memref<40xi32, #tpu.memory_space<vmem>>) target_semaphore(%arg25 : memref<!tpu.dma_semaphore, #tpu.memory_space<semaphore_mem>>)
        } else {
        }
        %scan3A_247 = arith.constant 0 : i32
        %scan3A_248 = arith.constant 0 : i32
        %scan3A_249 = arith.constant 40 : i32
        %scan3A_250 = arith.addi %scan3A_248, %scan3A_249 : i32
        %scan3A_251 = arith.constant 1 : i32
        scf.for %scan3A_284 = %scan3A_248 to %scan3A_250 step %scan3A_251  : i32 {
          %get3A = arith.constant 0 : i32
          %get3A_285 = arith.index_cast %get3A : i32 to index
          %get3A_286 = arith.index_cast %scan3A_284 : i32 to index
          %get3A_287 = arith.constant 0 : index
          %get3A_288 = tpu.vector_load %arg9[%get3A_285, %get3A_286, %get3A_287] {strides = array<i32>} : memref<2x40x128xf32, #tpu.memory_space<vmem>>, vector<1x1x16xf32>,
          %get3A_289 = vector.shape_cast %get3A_288 : vector<1x1x16xf32> to vector<16xf32>
          %get3A_290 = arith.constant 0 : i32
          %get3A_291 = arith.index_cast %get3A_290 : i32 to index
          %get3A_292 = arith.index_cast %scan3A_284 : i32 to index
          %get3A_293 = arith.constant 0 : index
          %get3A_294 = tpu.vector_load %arg10[%get3A_291, %get3A_292, %get3A_293] {strides = array<i32>} : memref<2x40x128xf32, #tpu.memory_space<vmem>>, vector<1x1x16xf32>,
          %get3A_295 = vector.shape_cast %get3A_294 : vector<1x1x16xf32> to vector<16xf32>
          %mul3A_296 = arith.mulf %get3A_289, %get3A_295 : vector<16xf32>
          %swap3A = arith.constant 0 : i32
          %swap3A_297 = arith.index_cast %swap3A : i32 to index
          %swap3A_298 = arith.index_cast %scan3A_284 : i32 to index
          %swap3A_299 = arith.constant 0 : index
          %swap3A_300 = tpu.vector_load %arg11[%swap3A_297, %swap3A_298, %swap3A_299] {strides = array<i32>} : memref<2x40x128xf32, #tpu.memory_space<vmem>>, vector<1x1x16xf32>,
          %swap3A_301 = vector.shape_cast %swap3A_300 : vector<1x1x16xf32> to vector<16xf32>
          %swap3A_302 = vector.shape_cast %mul3A_296 : vector<16xf32> to vector<1x1x16xf32>
          tpu.vector_store %arg11[%swap3A_297, %swap3A_298, %swap3A_299], %swap3A_302 {strides = array<i32>} : memref<2x40x128xf32, #tpu.memory_space<vmem>>, vector<1x1x16xf32>,
          %get3A_303 = arith.constant 0 : i32
          %get3A_304 = arith.index_cast %get3A_303 : i32 to index
          %get3A_305 = arith.index_cast %scan3A_284 : i32 to index
          %get3A_306 = arith.constant 16 : index
          %get3A_307 = tpu.vector_load %arg9[%get3A_304, %get3A_305, %get3A_306] {strides = array<i32>} : memref<2x40x128xf32, #tpu.memory_space<vmem>>, vector<1x1x16xf32>,
          %get3A_308 = vector.shape_cast %get3A_307 : vector<1x1x16xf32> to vector<16xf32>
          %get3A_309 = arith.constant 0 : i32
          %get3A_310 = arith.index_cast %get3A_309 : i32 to index
          %get3A_311 = arith.index_cast %scan3A_284 : i32 to index
          %get3A_312 = arith.constant 16 : index
          %get3A_313 = tpu.vector_load %arg10[%get3A_310, %get3A_311, %get3A_312] {strides = array<i32>} : memref<2x40x128xf32, #tpu.memory_space<vmem>>, vector<1x1x16xf32>,
          %get3A_314 = vector.shape_cast %get3A_313 : vector<1x1x16xf32> to vector<16xf32>
          %mul3A_315 = arith.mulf %get3A_308, %get3A_314 : vector<16xf32>
          %swap3A_316 = arith.constant 0 : i32
          %swap3A_317 = arith.index_cast %swap3A_316 : i32 to index
          %swap3A_318 = arith.index_cast %scan3A_284 : i32 to index
          %swap3A_319 = arith.constant 16 : index
          %swap3A_320 = tpu.vector_load %arg11[%swap3A_317, %swap3A_318, %swap3A_319] {strides = array<i32>} : memref<2x40x128xf32, #tpu.memory_space<vmem>>, vector<1x1x16xf32>,
          %swap3A_321 = vector.shape_cast %swap3A_320 : vector<1x1x16xf32> to vector<16xf32>
          %swap3A_322 = vector.shape_cast %mul3A_315 : vector<16xf32> to vector<1x1x16xf32>
          tpu.vector_store %arg11[%swap3A_317, %swap3A_318, %swap3A_319], %swap3A_322 {strides = array<i32>} : memref<2x40x128xf32, #tpu.memory_space<vmem>>, vector<1x1x16xf32>,
          %get3A_323 = arith.constant 0 : i32
          %get3A_324 = arith.index_cast %get3A_323 : i32 to index
          %get3A_325 = arith.index_cast %scan3A_284 : i32 to index
          %get3A_326 = arith.constant 32 : index
          %get3A_327 = tpu.vector_load %arg9[%get3A_324, %get3A_325, %get3A_326] {strides = array<i32>} : memref<2x40x128xf32, #tpu.memory_space<vmem>>, vector<1x1x16xf32>,
          %get3A_328 = vector.shape_cast %get3A_327 : vector<1x1x16xf32> to vector<16xf32>
          %get3A_329 = arith.constant 0 : i32
          %get3A_330 = arith.index_cast %get3A_329 : i32 to index
          %get3A_331 = arith.index_cast %scan3A_284 : i32 to index
          %get3A_332 = arith.constant 32 : index
          %get3A_333 = tpu.vector_load %arg10[%get3A_330, %get3A_331, %get3A_332] {strides = array<i32>} : memref<2x40x128xf32, #tpu.memory_space<vmem>>, vector<1x1x16xf32>,
          %get3A_334 = vector.shape_cast %get3A_333 : vector<1x1x16xf32> to vector<16xf32>
          %mul3A_335 = arith.mulf %get3A_328, %get3A_334 : vector<16xf32>
          %swap3A_336 = arith.constant 0 : i32
          %swap3A_337 = arith.index_cast %swap3A_336 : i32 to index
          %swap3A_338 = arith.index_cast %scan3A_284 : i32 to index
          %swap3A_339 = arith.constant 32 : index
          %swap3A_340 = tpu.vector_load %arg11[%swap3A_337, %swap3A_338, %swap3A_339] {strides = array<i32>} : memref<2x40x128xf32, #tpu.memory_space<vmem>>, vector<1x1x16xf32>,
          %swap3A_341 = vector.shape_cast %swap3A_340 : vector<1x1x16xf32> to vector<16xf32>
          %swap3A_342 = vector.shape_cast %mul3A_335 : vector<16xf32> to vector<1x1x16xf32>
          tpu.vector_store %arg11[%swap3A_337, %swap3A_338, %swap3A_339], %swap3A_342 {strides = array<i32>} : memref<2x40x128xf32, #tpu.memory_space<vmem>>, vector<1x1x16xf32>,
          %get3A_343 = arith.constant 0 : i32
          %get3A_344 = arith.index_cast %get3A_343 : i32 to index
          %get3A_345 = arith.index_cast %scan3A_284 : i32 to index
          %get3A_346 = arith.constant 48 : index
          %get3A_347 = tpu.vector_load %arg9[%get3A_344, %get3A_345, %get3A_346] {strides = array<i32>} : memref<2x40x128xf32, #tpu.memory_space<vmem>>, vector<1x1x16xf32>,
          %get3A_348 = vector.shape_cast %get3A_347 : vector<1x1x16xf32> to vector<16xf32>
          %get3A_349 = arith.constant 0 : i32
          %get3A_350 = arith.index_cast %get3A_349 : i32 to index
          %get3A_351 = arith.index_cast %scan3A_284 : i32 to index
          %get3A_352 = arith.constant 48 : index
          %get3A_353 = tpu.vector_load %arg10[%get3A_350, %get3A_351, %get3A_352] {strides = array<i32>} : memref<2x40x128xf32, #tpu.memory_space<vmem>>, vector<1x1x16xf32>,
          %get3A_354 = vector.shape_cast %get3A_353 : vector<1x1x16xf32> to vector<16xf32>
          %mul3A_355 = arith.mulf %get3A_348, %get3A_354 : vector<16xf32>
          %swap3A_356 = arith.constant 0 : i32
          %swap3A_357 = arith.index_cast %swap3A_356 : i32 to index
          %swap3A_358 = arith.index_cast %scan3A_284 : i32 to index
          %swap3A_359 = arith.constant 48 : index
          %swap3A_360 = tpu.vector_load %arg11[%swap3A_357, %swap3A_358, %swap3A_359] {strides = array<i32>} : memref<2x40x128xf32, #tpu.memory_space<vmem>>, vector<1x1x16xf32>,
          %swap3A_361 = vector.shape_cast %swap3A_360 : vector<1x1x16xf32> to vector<16xf32>
          %swap3A_362 = vector.shape_cast %mul3A_355 : vector<16xf32> to vector<1x1x16xf32>
          tpu.vector_store %arg11[%swap3A_357, %swap3A_358, %swap3A_359], %swap3A_362 {strides = array<i32>} : memref<2x40x128xf32, #tpu.memory_space<vmem>>, vector<1x1x16xf32>,
          %get3A_363 = arith.constant 0 : i32
          %get3A_364 = arith.index_cast %get3A_363 : i32 to index
          %get3A_365 = arith.index_cast %scan3A_284 : i32 to index
          %get3A_366 = arith.constant 64 : index
          %get3A_367 = tpu.vector_load %arg9[%get3A_364, %get3A_365, %get3A_366] {strides = array<i32>} : memref<2x40x128xf32, #tpu.memory_space<vmem>>, vector<1x1x16xf32>,
          %get3A_368 = vector.shape_cast %get3A_367 : vector<1x1x16xf32> to vector<16xf32>
          %get3A_369 = arith.constant 0 : i32
          %get3A_370 = arith.index_cast %get3A_369 : i32 to index
          %get3A_371 = arith.index_cast %scan3A_284 : i32 to index
          %get3A_372 = arith.constant 64 : index
          %get3A_373 = tpu.vector_load %arg10[%get3A_370, %get3A_371, %get3A_372] {strides = array<i32>} : memref<2x40x128xf32, #tpu.memory_space<vmem>>, vector<1x1x16xf32>,
          %get3A_374 = vector.shape_cast %get3A_373 : vector<1x1x16xf32> to vector<16xf32>
          %mul3A_375 = arith.mulf %get3A_368, %get3A_374 : vector<16xf32>
          %swap3A_376 = arith.constant 0 : i32
          %swap3A_377 = arith.index_cast %swap3A_376 : i32 to index
          %swap3A_378 = arith.index_cast %scan3A_284 : i32 to index
          %swap3A_379 = arith.constant 64 : index
          %swap3A_380 = tpu.vector_load %arg11[%swap3A_377, %swap3A_378, %swap3A_379] {strides = array<i32>} : memref<2x40x128xf32, #tpu.memory_space<vmem>>, vector<1x1x16xf32>,
          %swap3A_381 = vector.shape_cast %swap3A_380 : vector<1x1x16xf32> to vector<16xf32>
          %swap3A_382 = vector.shape_cast %mul3A_375 : vector<16xf32> to vector<1x1x16xf32>
          tpu.vector_store %arg11[%swap3A_377, %swap3A_378, %swap3A_379], %swap3A_382 {strides = array<i32>} : memref<2x40x128xf32, #tpu.memory_space<vmem>>, vector<1x1x16xf32>,
          %get3A_383 = arith.constant 0 : i32
          %get3A_384 = arith.index_cast %get3A_383 : i32 to index
          %get3A_385 = arith.index_cast %scan3A_284 : i32 to index
          %get3A_386 = arith.constant 80 : index
          %get3A_387 = tpu.vector_load %arg9[%get3A_384, %get3A_385, %get3A_386] {strides = array<i32>} : memref<2x40x128xf32, #tpu.memory_space<vmem>>, vector<1x1x16xf32>,
          %get3A_388 = vector.shape_cast %get3A_387 : vector<1x1x16xf32> to vector<16xf32>
          %get3A_389 = arith.constant 0 : i32
          %get3A_390 = arith.index_cast %get3A_389 : i32 to index
          %get3A_391 = arith.index_cast %scan3A_284 : i32 to index
          %get3A_392 = arith.constant 80 : index
          %get3A_393 = tpu.vector_load %arg10[%get3A_390, %get3A_391, %get3A_392] {strides = array<i32>} : memref<2x40x128xf32, #tpu.memory_space<vmem>>, vector<1x1x16xf32>,
          %get3A_394 = vector.shape_cast %get3A_393 : vector<1x1x16xf32> to vector<16xf32>
          %mul3A_395 = arith.mulf %get3A_388, %get3A_394 : vector<16xf32>
          %swap3A_396 = arith.constant 0 : i32
          %swap3A_397 = arith.index_cast %swap3A_396 : i32 to index
          %swap3A_398 = arith.index_cast %scan3A_284 : i32 to index
          %swap3A_399 = arith.constant 80 : index
          %swap3A_400 = tpu.vector_load %arg11[%swap3A_397, %swap3A_398, %swap3A_399] {strides = array<i32>} : memref<2x40x128xf32, #tpu.memory_space<vmem>>, vector<1x1x16xf32>,
          %swap3A_401 = vector.shape_cast %swap3A_400 : vector<1x1x16xf32> to vector<16xf32>
          %swap3A_402 = vector.shape_cast %mul3A_395 : vector<16xf32> to vector<1x1x16xf32>
          tpu.vector_store %arg11[%swap3A_397, %swap3A_398, %swap3A_399], %swap3A_402 {strides = array<i32>} : memref<2x40x128xf32, #tpu.memory_space<vmem>>, vector<1x1x16xf32>,
          %get3A_403 = arith.constant 0 : i32
          %get3A_404 = arith.index_cast %get3A_403 : i32 to index
          %get3A_405 = arith.index_cast %scan3A_284 : i32 to index
          %get3A_406 = arith.constant 96 : index
          %get3A_407 = tpu.vector_load %arg9[%get3A_404, %get3A_405, %get3A_406] {strides = array<i32>} : memref<2x40x128xf32, #tpu.memory_space<vmem>>, vector<1x1x16xf32>,
          %get3A_408 = vector.shape_cast %get3A_407 : vector<1x1x16xf32> to vector<16xf32>
          %get3A_409 = arith.constant 0 : i32
          %get3A_410 = arith.index_cast %get3A_409 : i32 to index
          %get3A_411 = arith.index_cast %scan3A_284 : i32 to index
          %get3A_412 = arith.constant 96 : index
          %get3A_413 = tpu.vector_load %arg10[%get3A_410, %get3A_411, %get3A_412] {strides = array<i32>} : memref<2x40x128xf32, #tpu.memory_space<vmem>>, vector<1x1x16xf32>,
          %get3A_414 = vector.shape_cast %get3A_413 : vector<1x1x16xf32> to vector<16xf32>
          %mul3A_415 = arith.mulf %get3A_408, %get3A_414 : vector<16xf32>
          %swap3A_416 = arith.constant 0 : i32
          %swap3A_417 = arith.index_cast %swap3A_416 : i32 to index
          %swap3A_418 = arith.index_cast %scan3A_284 : i32 to index
          %swap3A_419 = arith.constant 96 : index
          %swap3A_420 = tpu.vector_load %arg11[%swap3A_417, %swap3A_418, %swap3A_419] {strides = array<i32>} : memref<2x40x128xf32, #tpu.memory_space<vmem>>, vector<1x1x16xf32>,
          %swap3A_421 = vector.shape_cast %swap3A_420 : vector<1x1x16xf32> to vector<16xf32>
          %swap3A_422 = vector.shape_cast %mul3A_415 : vector<16xf32> to vector<1x1x16xf32>
          tpu.vector_store %arg11[%swap3A_417, %swap3A_418, %swap3A_419], %swap3A_422 {strides = array<i32>} : memref<2x40x128xf32, #tpu.memory_space<vmem>>, vector<1x1x16xf32>,
          %get3A_423 = arith.constant 0 : i32
          %get3A_424 = arith.index_cast %get3A_423 : i32 to index
          %get3A_425 = arith.index_cast %scan3A_284 : i32 to index
          %get3A_426 = arith.constant 112 : index
          %get3A_427 = tpu.vector_load %arg9[%get3A_424, %get3A_425, %get3A_426] {strides = array<i32>} : memref<2x40x128xf32, #tpu.memory_space<vmem>>, vector<1x1x16xf32>,
          %get3A_428 = vector.shape_cast %get3A_427 : vector<1x1x16xf32> to vector<16xf32>
          %get3A_429 = arith.constant 0 : i32
          %get3A_430 = arith.index_cast %get3A_429 : i32 to index
          %get3A_431 = arith.index_cast %scan3A_284 : i32 to index
          %get3A_432 = arith.constant 112 : index
          %get3A_433 = tpu.vector_load %arg10[%get3A_430, %get3A_431, %get3A_432] {strides = array<i32>} : memref<2x40x128xf32, #tpu.memory_space<vmem>>, vector<1x1x16xf32>,
          %get3A_434 = vector.shape_cast %get3A_433 : vector<1x1x16xf32> to vector<16xf32>
          %mul3A_435 = arith.mulf %get3A_428, %get3A_434 : vector<16xf32>
          %swap3A_436 = arith.constant 0 : i32
          %swap3A_437 = arith.index_cast %swap3A_436 : i32 to index
          %swap3A_438 = arith.index_cast %scan3A_284 : i32 to index
          %swap3A_439 = arith.constant 112 : index
          %swap3A_440 = tpu.vector_load %arg11[%swap3A_437, %swap3A_438, %swap3A_439] {strides = array<i32>} : memref<2x40x128xf32, #tpu.memory_space<vmem>>, vector<1x1x16xf32>,
          %swap3A_441 = vector.shape_cast %swap3A_440 : vector<1x1x16xf32> to vector<16xf32>
          %swap3A_442 = vector.shape_cast %mul3A_435 : vector<16xf32> to vector<1x1x16xf32>
          tpu.vector_store %arg11[%swap3A_437, %swap3A_438, %swap3A_439], %swap3A_442 {strides = array<i32>} : memref<2x40x128xf32, #tpu.memory_space<vmem>>, vector<1x1x16xf32>,
        }
        %scan3A_252 = arith.constant 40 : i32
        %add3A_253 = arith.constant 2 : i32
        %add3A_254 = arith.addi %add3A_176, %add3A_253 : i32
        %lt3A_255 = arith.constant 165 : i32
        %lt3A_256 = arith.cmpi slt, %add3A_254, %lt3A_255 : i32
        %convert_element_type3A_257 = arith.extui %lt3A_256 : i1 to i32
        %cond3A_258 = arith.constant 0 : i32
        %cond3A_259 = arith.cmpi ne, %convert_element_type3A_257, %cond3A_258 : i32
        scf.if %cond3A_259 {
          %add3A_284 = arith.constant 2 : i32
          %add3A_285 = arith.addi %add3A_176, %add3A_284 : i32
          %add3A_286 = arith.constant 320000 : i32
          %add3A_287 = arith.addi %add3A_286, %add3A_8 : i32
          %mul3A_288 = arith.constant 40 : i32
          %mul3A_289 = arith.muli %add3A_285, %mul3A_288 : i32
          %add3A_290 = arith.addi %add3A_287, %mul3A_289 : i32
          %dma_wait3A_291 = arith.constant 2 : i32
          %dma_wait3A_292 = arith.constant 0 : i32
          %dma_wait3A_293 = tpu.memref_slice %arg7[%dma_wait3A_291, %dma_wait3A_292] : memref<4x40xi32, #tpu.memory_space<vmem>> -> memref<1x40xi32, #tpu.memory_space<vmem>>
          %dma_wait3A_294 = tpu.memref_squeeze %dma_wait3A_293 : memref<1x40xi32, #tpu.memory_space<vmem>> -> memref<40xi32, #tpu.memory_space<vmem>>
          %dma_wait3A_295 = tpu.memref_slice %arg4[%add3A_290] : memref<640000xi32, #tpu.memory_space<hbm>> -> memref<40xi32, #tpu.memory_space<hbm>>
          %dma_wait3A_296 = arith.constant 0 : i32
          %dma_wait3A_297 = tpu.memref_slice %arg7[%dma_wait3A_291, %dma_wait3A_296] : memref<4x40xi32, #tpu.memory_space<vmem>> -> memref<1x40xi32, #tpu.memory_space<vmem>>
          %dma_wait3A_298 = tpu.memref_squeeze %dma_wait3A_297 : memref<1x40xi32, #tpu.memory_space<vmem>> -> memref<40xi32, #tpu.memory_space<vmem>>
          %dma_wait3A_299 = tpu.memref_slice %arg4[%add3A_290] : memref<640000xi32, #tpu.memory_space<hbm>> -> memref<40xi32, #tpu.memory_space<hbm>>
          tpu.wait_dma2 semaphore(%arg21 : memref<!tpu.dma_semaphore, #tpu.memory_space<semaphore_mem>>) src(%dma_wait3A_299 : memref<40xi32, #tpu.memory_space<hbm>>) dst(%dma_wait3A_298 : memref<40xi32, #tpu.memory_space<vmem>>)
          %add3A_300 = arith.constant 2 : i32
          %add3A_301 = arith.addi %add3A_176, %add3A_300 : i32
          %dma_start3A_302 = arith.constant 2 : i32
          %dma_start3A_303 = arith.constant 0 : i32
          %dma_start3A_304 = arith.constant 0 : i32
          %dma_start3A_305 = arith.constant 0 : i32
          %dma_start3A_306 = tpu.memref_slice %arg9[%dma_start3A_303, %dma_start3A_304, %dma_start3A_305] : memref<2x40x128xf32, #tpu.memory_space<vmem>> -> memref<1x40x128xf32, #tpu.memory_space<vmem>>
          %dma_start3A_307 = tpu.memref_squeeze %dma_start3A_306 : memref<1x40x128xf32, #tpu.memory_space<vmem>> -> memref<40x128xf32, #tpu.memory_space<vmem>>
          %dma_start3A_308 = arith.constant 0 : i32
          %dma_start3A_309 = tpu.memref_slice %arg7[%dma_start3A_302, %dma_start3A_308] : memref<4x40xi32, #tpu.memory_space<vmem>> -> memref<1x40xi32, #tpu.memory_space<vmem>>
          %dma_start3A_310 = tpu.memref_squeeze %dma_start3A_309 : memref<1x40xi32, #tpu.memory_space<vmem>> -> memref<40xi32, #tpu.memory_space<vmem>>
          %dma_start3A_311 = arith.constant 0 : i32
          %dma_start3A_312 = arith.constant 0 : i32
          %dma_start3A_313 = tpu.memref_slice %arg2[%dma_start3A_311, %dma_start3A_312] : memref<10000x128xf32, #tpu.memory_space<hbm>> -> memref<10000x128xf32, #tpu.memory_space<hbm>>
          tpu.enqueue_indirect_dma source(%dma_start3A_313 : memref<10000x128xf32, #tpu.memory_space<hbm>>) target(%dma_start3A_307 : memref<40x128xf32, #tpu.memory_space<vmem>>) offsets(%dma_start3A_310 : memref<40xi32, #tpu.memory_space<vmem>>) semaphore(%arg13 : memref<!tpu.dma_semaphore, #tpu.memory_space<semaphore_mem>>)
          %mul3A_314 = arith.constant 40 : i32
          %mul3A_315 = arith.muli %add3A_301, %mul3A_314 : i32
          %add3A_316 = arith.addi %mul3A_10, %mul3A_315 : i32
          %dma_start3A_317 = arith.constant 0 : i32
          %dma_start3A_318 = arith.constant 0 : i32
          %dma_start3A_319 = arith.constant 0 : i32
          %dma_start3A_320 = tpu.memref_slice %arg10[%dma_start3A_317, %dma_start3A_318, %dma_start3A_319] : memref<2x40x128xf32, #tpu.memory_space<vmem>> -> memref<1x40x128xf32, #tpu.memory_space<vmem>>
          %dma_start3A_321 = tpu.memref_squeeze %dma_start3A_320 : memref<1x40x128xf32, #tpu.memory_space<vmem>> -> memref<40x128xf32, #tpu.memory_space<vmem>>
          %dma_start3A_322 = arith.constant 0 : i32
          %dma_start3A_323 = tpu.memref_slice %arg3[%add3A_316, %dma_start3A_322] : memref<211200x128xf32, #tpu.memory_space<hbm>> -> memref<40x128xf32, #tpu.memory_space<hbm>>
          %dma_start3A_324 = arith.constant 0 : i32
          %dma_start3A_325 = arith.constant 0 : i32
          %dma_start3A_326 = tpu.memref_slice %arg10[%dma_start3A_317, %dma_start3A_324, %dma_start3A_325] : memref<2x40x128xf32, #tpu.memory_space<vmem>> -> memref<1x40x128xf32, #tpu.memory_space<vmem>>
          %dma_start3A_327 = tpu.memref_squeeze %dma_start3A_326 : memref<1x40x128xf32, #tpu.memory_space<vmem>> -> memref<40x128xf32, #tpu.memory_space<vmem>>
          %dma_start3A_328 = arith.constant 0 : i32
          %dma_start3A_329 = tpu.memref_slice %arg3[%add3A_316, %dma_start3A_328] : memref<211200x128xf32, #tpu.memory_space<hbm>> -> memref<40x128xf32, #tpu.memory_space<hbm>>
          tpu.enqueue_dma source(%dma_start3A_329 : memref<40x128xf32, #tpu.memory_space<hbm>>) target(%dma_start3A_327 : memref<40x128xf32, #tpu.memory_space<vmem>>) target_semaphore(%arg15 : memref<!tpu.dma_semaphore, #tpu.memory_space<semaphore_mem>>)
        } else {
        }
        %mul3A_260 = arith.constant 40 : i32
        %mul3A_261 = arith.muli %add3A_176, %mul3A_260 : i32
        %add3A_262 = arith.addi %add3A_8, %mul3A_261 : i32
        %dma_wait3A_263 = arith.constant 0 : i32
        %dma_wait3A_264 = arith.constant 0 : i32
        %dma_wait3A_265 = tpu.memref_slice %arg8[%dma_wait3A_263, %dma_wait3A_264] : memref<4x40xi32, #tpu.memory_space<vmem>> -> memref<1x40xi32, #tpu.memory_space<vmem>>
        %dma_wait3A_266 = tpu.memref_squeeze %dma_wait3A_265 : memref<1x40xi32, #tpu.memory_space<vmem>> -> memref<40xi32, #tpu.memory_space<vmem>>
        %dma_wait3A_267 = tpu.memref_slice %arg4[%add3A_262] : memref<640000xi32, #tpu.memory_space<hbm>> -> memref<40xi32, #tpu.memory_space<hbm>>
        %dma_wait3A_268 = arith.constant 0 : i32
        %dma_wait3A_269 = tpu.memref_slice %arg8[%dma_wait3A_263, %dma_wait3A_268] : memref<4x40xi32, #tpu.memory_space<vmem>> -> memref<1x40xi32, #tpu.memory_space<vmem>>
        %dma_wait3A_270 = tpu.memref_squeeze %dma_wait3A_269 : memref<1x40xi32, #tpu.memory_space<vmem>> -> memref<40xi32, #tpu.memory_space<vmem>>
        %dma_wait3A_271 = tpu.memref_slice %arg4[%add3A_262] : memref<640000xi32, #tpu.memory_space<hbm>> -> memref<40xi32, #tpu.memory_space<hbm>>
        tpu.wait_dma2 semaphore(%arg23 : memref<!tpu.dma_semaphore, #tpu.memory_space<semaphore_mem>>) src(%dma_wait3A_271 : memref<40xi32, #tpu.memory_space<hbm>>) dst(%dma_wait3A_270 : memref<40xi32, #tpu.memory_space<vmem>>)
        %dma_start3A_272 = arith.constant 0 : i32
        %dma_start3A_273 = arith.constant 0 : i32
        %dma_start3A_274 = arith.constant 0 : i32
        %dma_start3A_275 = arith.constant 0 : i32
        %dma_start3A_276 = tpu.memref_slice %arg11[%dma_start3A_272, %dma_start3A_274, %dma_start3A_275] : memref<2x40x128xf32, #tpu.memory_space<vmem>> -> memref<1x40x128xf32, #tpu.memory_space<vmem>>
        %dma_start3A_277 = tpu.memref_squeeze %dma_start3A_276 : memref<1x40x128xf32, #tpu.memory_space<vmem>> -> memref<40x128xf32, #tpu.memory_space<vmem>>
        %dma_start3A_278 = arith.constant 0 : i32
        %dma_start3A_279 = tpu.memref_slice %arg8[%dma_start3A_273, %dma_start3A_278] : memref<4x40xi32, #tpu.memory_space<vmem>> -> memref<1x40xi32, #tpu.memory_space<vmem>>
        %dma_start3A_280 = tpu.memref_squeeze %dma_start3A_279 : memref<1x40xi32, #tpu.memory_space<vmem>> -> memref<40xi32, #tpu.memory_space<vmem>>
        %dma_start3A_281 = arith.constant 0 : i32
        %dma_start3A_282 = arith.constant 0 : i32
        %dma_start3A_283 = tpu.memref_slice %arg12[%dma_start3A_281, %dma_start3A_282] : memref<10000x128xf32, #tpu.memory_space<vmem_shared>> -> memref<10000x128xf32, #tpu.memory_space<vmem_shared>>
        tpu.enqueue_indirect_dma source(%dma_start3A_277 : memref<40x128xf32, #tpu.memory_space<vmem>>) target(%dma_start3A_283 : memref<10000x128xf32, #tpu.memory_space<vmem_shared>>) offsets(%dma_start3A_280 : memref<40xi32, #tpu.memory_space<vmem>>) semaphore(%arg17 : memref<!tpu.dma_semaphore, #tpu.memory_space<semaphore_mem>>) {add = true}
      } else {
      }
      %mul3A_181 = arith.constant 4 : i32
      %mul3A_182 = arith.muli %scan3A_172, %mul3A_181 : i32
      %add3A_183 = arith.constant 1 : i32
      %add3A_184 = arith.addi %mul3A_182, %add3A_183 : i32
      %lt3A_185 = arith.constant 165 : i32
      %lt3A_186 = arith.cmpi slt, %add3A_184, %lt3A_185 : i32
      %convert_element_type3A_187 = arith.extui %lt3A_186 : i1 to i32
      %cond3A_188 = arith.constant 0 : i32
      %cond3A_189 = arith.cmpi ne, %convert_element_type3A_187, %cond3A_188 : i32
      scf.if %cond3A_189 {
        %dma_wait3A_208 = arith.constant 1 : i32
        %dma_wait3A_209 = arith.constant 1 : i32
        %dma_wait3A_210 = arith.constant 0 : i32
        %dma_wait3A_211 = arith.constant 0 : i32
        %dma_wait3A_212 = tpu.memref_slice %arg9[%dma_wait3A_209, %dma_wait3A_210, %dma_wait3A_211] : memref<2x40x128xf32, #tpu.memory_space<vmem>> -> memref<1x40x128xf32, #tpu.memory_space<vmem>>
        %dma_wait3A_213 = tpu.memref_squeeze %dma_wait3A_212 : memref<1x40x128xf32, #tpu.memory_space<vmem>> -> memref<40x128xf32, #tpu.memory_space<vmem>>
        %dma_wait3A_214 = arith.constant 0 : i32
        %dma_wait3A_215 = tpu.memref_slice %arg7[%dma_wait3A_208, %dma_wait3A_214] : memref<4x40xi32, #tpu.memory_space<vmem>> -> memref<1x40xi32, #tpu.memory_space<vmem>>
        %dma_wait3A_216 = tpu.memref_squeeze %dma_wait3A_215 : memref<1x40xi32, #tpu.memory_space<vmem>> -> memref<40xi32, #tpu.memory_space<vmem>>
        %dma_wait3A_217 = arith.constant 0 : i32
        %dma_wait3A_218 = arith.constant 0 : i32
        %dma_wait3A_219 = tpu.memref_slice %arg2[%dma_wait3A_217, %dma_wait3A_218] : memref<10000x128xf32, #tpu.memory_space<hbm>> -> memref<10000x128xf32, #tpu.memory_space<hbm>>
        tpu.wait_indirect_dma semaphore(%arg14 : memref<!tpu.dma_semaphore, #tpu.memory_space<semaphore_mem>>) src(%dma_wait3A_219 : memref<10000x128xf32, #tpu.memory_space<hbm>>) dst(%dma_wait3A_213 : memref<40x128xf32, #tpu.memory_space<vmem>>)
        %mul3A_220 = arith.constant 40 : i32
        %mul3A_221 = arith.muli %add3A_184, %mul3A_220 : i32
        %add3A_222 = arith.addi %mul3A_10, %mul3A_221 : i32
        %dma_wait3A_223 = arith.constant 1 : i32
        %dma_wait3A_224 = arith.constant 0 : i32
        %dma_wait3A_225 = arith.constant 0 : i32
        %dma_wait3A_226 = tpu.memref_slice %arg10[%dma_wait3A_223, %dma_wait3A_224, %dma_wait3A_225] : memref<2x40x128xf32, #tpu.memory_space<vmem>> -> memref<1x40x128xf32, #tpu.memory_space<vmem>>
        %dma_wait3A_227 = tpu.memref_squeeze %dma_wait3A_226 : memref<1x40x128xf32, #tpu.memory_space<vmem>> -> memref<40x128xf32, #tpu.memory_space<vmem>>
        %dma_wait3A_228 = arith.constant 0 : i32
        %dma_wait3A_229 = tpu.memref_slice %arg3[%add3A_222, %dma_wait3A_228] : memref<211200x128xf32, #tpu.memory_space<hbm>> -> memref<40x128xf32, #tpu.memory_space<hbm>>
        %dma_wait3A_230 = arith.constant 0 : i32
        %dma_wait3A_231 = arith.constant 0 : i32
        %dma_wait3A_232 = tpu.memref_slice %arg10[%dma_wait3A_223, %dma_wait3A_230, %dma_wait3A_231] : memref<2x40x128xf32, #tpu.memory_space<vmem>> -> memref<1x40x128xf32, #tpu.memory_space<vmem>>
        %dma_wait3A_233 = tpu.memref_squeeze %dma_wait3A_232 : memref<1x40x128xf32, #tpu.memory_space<vmem>> -> memref<40x128xf32, #tpu.memory_space<vmem>>
        %dma_wait3A_234 = arith.constant 0 : i32
        %dma_wait3A_235 = tpu.memref_slice %arg3[%add3A_222, %dma_wait3A_234] : memref<211200x128xf32, #tpu.memory_space<hbm>> -> memref<40x128xf32, #tpu.memory_space<hbm>>
        tpu.wait_dma2 semaphore(%arg16 : memref<!tpu.dma_semaphore, #tpu.memory_space<semaphore_mem>>) src(%dma_wait3A_235 : memref<40x128xf32, #tpu.memory_space<hbm>>) dst(%dma_wait3A_233 : memref<40x128xf32, #tpu.memory_space<vmem>>)
        %ge3A = arith.constant 2 : i32
        %ge3A_236 = arith.cmpi sge, %add3A_184, %ge3A : i32
        %convert_element_type3A_237 = arith.extui %ge3A_236 : i1 to i32
        %cond3A_238 = arith.constant 0 : i32
        %cond3A_239 = arith.cmpi ne, %convert_element_type3A_237, %cond3A_238 : i32
        scf.if %cond3A_239 {
          %dma_wait3A_284 = arith.constant 1 : i32
          %dma_wait3A_285 = arith.constant 3 : i32
          %dma_wait3A_286 = arith.constant 0 : i32
          %dma_wait3A_287 = arith.constant 0 : i32
          %dma_wait3A_288 = tpu.memref_slice %arg11[%dma_wait3A_284, %dma_wait3A_286, %dma_wait3A_287] : memref<2x40x128xf32, #tpu.memory_space<vmem>> -> memref<1x40x128xf32, #tpu.memory_space<vmem>>
          %dma_wait3A_289 = tpu.memref_squeeze %dma_wait3A_288 : memref<1x40x128xf32, #tpu.memory_space<vmem>> -> memref<40x128xf32, #tpu.memory_space<vmem>>
          %dma_wait3A_290 = arith.constant 0 : i32
          %dma_wait3A_291 = tpu.memref_slice %arg8[%dma_wait3A_285, %dma_wait3A_290] : memref<4x40xi32, #tpu.memory_space<vmem>> -> memref<1x40xi32, #tpu.memory_space<vmem>>
          %dma_wait3A_292 = tpu.memref_squeeze %dma_wait3A_291 : memref<1x40xi32, #tpu.memory_space<vmem>> -> memref<40xi32, #tpu.memory_space<vmem>>
          %dma_wait3A_293 = arith.constant 0 : i32
          %dma_wait3A_294 = arith.constant 0 : i32
          %dma_wait3A_295 = tpu.memref_slice %arg12[%dma_wait3A_293, %dma_wait3A_294] : memref<10000x128xf32, #tpu.memory_space<vmem_shared>> -> memref<10000x128xf32, #tpu.memory_space<vmem_shared>>
          tpu.wait_indirect_dma semaphore(%arg18 : memref<!tpu.dma_semaphore, #tpu.memory_space<semaphore_mem>>) src(%dma_wait3A_289 : memref<40x128xf32, #tpu.memory_space<vmem>>) dst(%dma_wait3A_295 : memref<10000x128xf32, #tpu.memory_space<vmem_shared>>)
        } else {
        }
        %add3A_240 = arith.constant 2 : i32
        %add3A_241 = arith.addi %add3A_184, %add3A_240 : i32
        %lt3A_242 = arith.constant 165 : i32
        %lt3A_243 = arith.cmpi slt, %add3A_241, %lt3A_242 : i32
        %convert_element_type3A_244 = arith.extui %lt3A_243 : i1 to i32
        %cond3A_245 = arith.constant 0 : i32
        %cond3A_246 = arith.cmpi ne, %convert_element_type3A_244, %cond3A_245 : i32
        scf.if %cond3A_246 {
          %add3A_284 = arith.constant 2 : i32
          %add3A_285 = arith.addi %add3A_184, %add3A_284 : i32
          %add3A_286 = arith.constant 320000 : i32
          %add3A_287 = arith.addi %add3A_286, %add3A_8 : i32
          %mul3A_288 = arith.constant 40 : i32
          %mul3A_289 = arith.muli %add3A_285, %mul3A_288 : i32
          %add3A_290 = arith.addi %add3A_287, %mul3A_289 : i32
          %dma_start3A_291 = arith.constant 3 : i32
          %dma_start3A_292 = arith.constant 0 : i32
          %dma_start3A_293 = tpu.memref_slice %arg7[%dma_start3A_291, %dma_start3A_292] : memref<4x40xi32, #tpu.memory_space<vmem>> -> memref<1x40xi32, #tpu.memory_space<vmem>>
          %dma_start3A_294 = tpu.memref_squeeze %dma_start3A_293 : memref<1x40xi32, #tpu.memory_space<vmem>> -> memref<40xi32, #tpu.memory_space<vmem>>
          %dma_start3A_295 = tpu.memref_slice %arg4[%add3A_290] : memref<640000xi32, #tpu.memory_space<hbm>> -> memref<40xi32, #tpu.memory_space<hbm>>
          %dma_start3A_296 = arith.constant 0 : i32
          %dma_start3A_297 = tpu.memref_slice %arg7[%dma_start3A_291, %dma_start3A_296] : memref<4x40xi32, #tpu.memory_space<vmem>> -> memref<1x40xi32, #tpu.memory_space<vmem>>
          %dma_start3A_298 = tpu.memref_squeeze %dma_start3A_297 : memref<1x40xi32, #tpu.memory_space<vmem>> -> memref<40xi32, #tpu.memory_space<vmem>>
          %dma_start3A_299 = tpu.memref_slice %arg4[%add3A_290] : memref<640000xi32, #tpu.memory_space<hbm>> -> memref<40xi32, #tpu.memory_space<hbm>>
          tpu.enqueue_dma source(%dma_start3A_299 : memref<40xi32, #tpu.memory_space<hbm>>) target(%dma_start3A_298 : memref<40xi32, #tpu.memory_space<vmem>>) target_semaphore(%arg22 : memref<!tpu.dma_semaphore, #tpu.memory_space<semaphore_mem>>)
          %mul3A_300 = arith.constant 40 : i32
          %mul3A_301 = arith.muli %add3A_285, %mul3A_300 : i32
          %add3A_302 = arith.addi %add3A_8, %mul3A_301 : i32
          %dma_start3A_303 = arith.constant 3 : i32
          %dma_start3A_304 = arith.constant 0 : i32
          %dma_start3A_305 = tpu.memref_slice %arg8[%dma_start3A_303, %dma_start3A_304] : memref<4x40xi32, #tpu.memory_space<vmem>> -> memref<1x40xi32, #tpu.memory_space<vmem>>
          %dma_start3A_306 = tpu.memref_squeeze %dma_start3A_305 : memref<1x40xi32, #tpu.memory_space<vmem>> -> memref<40xi32, #tpu.memory_space<vmem>>
          %dma_start3A_307 = tpu.memref_slice %arg4[%add3A_302] : memref<640000xi32, #tpu.memory_space<hbm>> -> memref<40xi32, #tpu.memory_space<hbm>>
          %dma_start3A_308 = arith.constant 0 : i32
          %dma_start3A_309 = tpu.memref_slice %arg8[%dma_start3A_303, %dma_start3A_308] : memref<4x40xi32, #tpu.memory_space<vmem>> -> memref<1x40xi32, #tpu.memory_space<vmem>>
          %dma_start3A_310 = tpu.memref_squeeze %dma_start3A_309 : memref<1x40xi32, #tpu.memory_space<vmem>> -> memref<40xi32, #tpu.memory_space<vmem>>
          %dma_start3A_311 = tpu.memref_slice %arg4[%add3A_302] : memref<640000xi32, #tpu.memory_space<hbm>> -> memref<40xi32, #tpu.memory_space<hbm>>
          tpu.enqueue_dma source(%dma_start3A_311 : memref<40xi32, #tpu.memory_space<hbm>>) target(%dma_start3A_310 : memref<40xi32, #tpu.memory_space<vmem>>) target_semaphore(%arg26 : memref<!tpu.dma_semaphore, #tpu.memory_space<semaphore_mem>>)
        } else {
        }
        %scan3A_247 = arith.constant 0 : i32
        %scan3A_248 = arith.constant 0 : i32
        %scan3A_249 = arith.constant 40 : i32
        %scan3A_250 = arith.addi %scan3A_248, %scan3A_249 : i32
        %scan3A_251 = arith.constant 1 : i32
        scf.for %scan3A_284 = %scan3A_248 to %scan3A_250 step %scan3A_251  : i32 {
          %get3A = arith.constant 1 : i32
          %get3A_285 = arith.index_cast %get3A : i32 to index
          %get3A_286 = arith.index_cast %scan3A_284 : i32 to index
          %get3A_287 = arith.constant 0 : index
          %get3A_288 = tpu.vector_load %arg9[%get3A_285, %get3A_286, %get3A_287] {strides = array<i32>} : memref<2x40x128xf32, #tpu.memory_space<vmem>>, vector<1x1x16xf32>,
          %get3A_289 = vector.shape_cast %get3A_288 : vector<1x1x16xf32> to vector<16xf32>
          %get3A_290 = arith.constant 1 : i32
          %get3A_291 = arith.index_cast %get3A_290 : i32 to index
          %get3A_292 = arith.index_cast %scan3A_284 : i32 to index
          %get3A_293 = arith.constant 0 : index
          %get3A_294 = tpu.vector_load %arg10[%get3A_291, %get3A_292, %get3A_293] {strides = array<i32>} : memref<2x40x128xf32, #tpu.memory_space<vmem>>, vector<1x1x16xf32>,
          %get3A_295 = vector.shape_cast %get3A_294 : vector<1x1x16xf32> to vector<16xf32>
          %mul3A_296 = arith.mulf %get3A_289, %get3A_295 : vector<16xf32>
          %swap3A = arith.constant 1 : i32
          %swap3A_297 = arith.index_cast %swap3A : i32 to index
          %swap3A_298 = arith.index_cast %scan3A_284 : i32 to index
          %swap3A_299 = arith.constant 0 : index
          %swap3A_300 = tpu.vector_load %arg11[%swap3A_297, %swap3A_298, %swap3A_299] {strides = array<i32>} : memref<2x40x128xf32, #tpu.memory_space<vmem>>, vector<1x1x16xf32>,
          %swap3A_301 = vector.shape_cast %swap3A_300 : vector<1x1x16xf32> to vector<16xf32>
          %swap3A_302 = vector.shape_cast %mul3A_296 : vector<16xf32> to vector<1x1x16xf32>
          tpu.vector_store %arg11[%swap3A_297, %swap3A_298, %swap3A_299], %swap3A_302 {strides = array<i32>} : memref<2x40x128xf32, #tpu.memory_space<vmem>>, vector<1x1x16xf32>,
          %get3A_303 = arith.constant 1 : i32
          %get3A_304 = arith.index_cast %get3A_303 : i32 to index
          %get3A_305 = arith.index_cast %scan3A_284 : i32 to index
          %get3A_306 = arith.constant 16 : index
          %get3A_307 = tpu.vector_load %arg9[%get3A_304, %get3A_305, %get3A_306] {strides = array<i32>} : memref<2x40x128xf32, #tpu.memory_space<vmem>>, vector<1x1x16xf32>,
          %get3A_308 = vector.shape_cast %get3A_307 : vector<1x1x16xf32> to vector<16xf32>
          %get3A_309 = arith.constant 1 : i32
          %get3A_310 = arith.index_cast %get3A_309 : i32 to index
          %get3A_311 = arith.index_cast %scan3A_284 : i32 to index
          %get3A_312 = arith.constant 16 : index
          %get3A_313 = tpu.vector_load %arg10[%get3A_310, %get3A_311, %get3A_312] {strides = array<i32>} : memref<2x40x128xf32, #tpu.memory_space<vmem>>, vector<1x1x16xf32>,
          %get3A_314 = vector.shape_cast %get3A_313 : vector<1x1x16xf32> to vector<16xf32>
          %mul3A_315 = arith.mulf %get3A_308, %get3A_314 : vector<16xf32>
          %swap3A_316 = arith.constant 1 : i32
          %swap3A_317 = arith.index_cast %swap3A_316 : i32 to index
          %swap3A_318 = arith.index_cast %scan3A_284 : i32 to index
          %swap3A_319 = arith.constant 16 : index
          %swap3A_320 = tpu.vector_load %arg11[%swap3A_317, %swap3A_318, %swap3A_319] {strides = array<i32>} : memref<2x40x128xf32, #tpu.memory_space<vmem>>, vector<1x1x16xf32>,
          %swap3A_321 = vector.shape_cast %swap3A_320 : vector<1x1x16xf32> to vector<16xf32>
          %swap3A_322 = vector.shape_cast %mul3A_315 : vector<16xf32> to vector<1x1x16xf32>
          tpu.vector_store %arg11[%swap3A_317, %swap3A_318, %swap3A_319], %swap3A_322 {strides = array<i32>} : memref<2x40x128xf32, #tpu.memory_space<vmem>>, vector<1x1x16xf32>,
          %get3A_323 = arith.constant 1 : i32
          %get3A_324 = arith.index_cast %get3A_323 : i32 to index
          %get3A_325 = arith.index_cast %scan3A_284 : i32 to index
          %get3A_326 = arith.constant 32 : index
          %get3A_327 = tpu.vector_load %arg9[%get3A_324, %get3A_325, %get3A_326] {strides = array<i32>} : memref<2x40x128xf32, #tpu.memory_space<vmem>>, vector<1x1x16xf32>,
          %get3A_328 = vector.shape_cast %get3A_327 : vector<1x1x16xf32> to vector<16xf32>
          %get3A_329 = arith.constant 1 : i32
          %get3A_330 = arith.index_cast %get3A_329 : i32 to index
          %get3A_331 = arith.index_cast %scan3A_284 : i32 to index
          %get3A_332 = arith.constant 32 : index
          %get3A_333 = tpu.vector_load %arg10[%get3A_330, %get3A_331, %get3A_332] {strides = array<i32>} : memref<2x40x128xf32, #tpu.memory_space<vmem>>, vector<1x1x16xf32>,
          %get3A_334 = vector.shape_cast %get3A_333 : vector<1x1x16xf32> to vector<16xf32>
          %mul3A_335 = arith.mulf %get3A_328, %get3A_334 : vector<16xf32>
          %swap3A_336 = arith.constant 1 : i32
          %swap3A_337 = arith.index_cast %swap3A_336 : i32 to index
          %swap3A_338 = arith.index_cast %scan3A_284 : i32 to index
          %swap3A_339 = arith.constant 32 : index
          %swap3A_340 = tpu.vector_load %arg11[%swap3A_337, %swap3A_338, %swap3A_339] {strides = array<i32>} : memref<2x40x128xf32, #tpu.memory_space<vmem>>, vector<1x1x16xf32>,
          %swap3A_341 = vector.shape_cast %swap3A_340 : vector<1x1x16xf32> to vector<16xf32>
          %swap3A_342 = vector.shape_cast %mul3A_335 : vector<16xf32> to vector<1x1x16xf32>
          tpu.vector_store %arg11[%swap3A_337, %swap3A_338, %swap3A_339], %swap3A_342 {strides = array<i32>} : memref<2x40x128xf32, #tpu.memory_space<vmem>>, vector<1x1x16xf32>,
          %get3A_343 = arith.constant 1 : i32
          %get3A_344 = arith.index_cast %get3A_343 : i32 to index
          %get3A_345 = arith.index_cast %scan3A_284 : i32 to index
          %get3A_346 = arith.constant 48 : index
          %get3A_347 = tpu.vector_load %arg9[%get3A_344, %get3A_345, %get3A_346] {strides = array<i32>} : memref<2x40x128xf32, #tpu.memory_space<vmem>>, vector<1x1x16xf32>,
          %get3A_348 = vector.shape_cast %get3A_347 : vector<1x1x16xf32> to vector<16xf32>
          %get3A_349 = arith.constant 1 : i32
          %get3A_350 = arith.index_cast %get3A_349 : i32 to index
          %get3A_351 = arith.index_cast %scan3A_284 : i32 to index
          %get3A_352 = arith.constant 48 : index
          %get3A_353 = tpu.vector_load %arg10[%get3A_350, %get3A_351, %get3A_352] {strides = array<i32>} : memref<2x40x128xf32, #tpu.memory_space<vmem>>, vector<1x1x16xf32>,
          %get3A_354 = vector.shape_cast %get3A_353 : vector<1x1x16xf32> to vector<16xf32>
          %mul3A_355 = arith.mulf %get3A_348, %get3A_354 : vector<16xf32>
          %swap3A_356 = arith.constant 1 : i32
          %swap3A_357 = arith.index_cast %swap3A_356 : i32 to index
          %swap3A_358 = arith.index_cast %scan3A_284 : i32 to index
          %swap3A_359 = arith.constant 48 : index
          %swap3A_360 = tpu.vector_load %arg11[%swap3A_357, %swap3A_358, %swap3A_359] {strides = array<i32>} : memref<2x40x128xf32, #tpu.memory_space<vmem>>, vector<1x1x16xf32>,
          %swap3A_361 = vector.shape_cast %swap3A_360 : vector<1x1x16xf32> to vector<16xf32>
          %swap3A_362 = vector.shape_cast %mul3A_355 : vector<16xf32> to vector<1x1x16xf32>
          tpu.vector_store %arg11[%swap3A_357, %swap3A_358, %swap3A_359], %swap3A_362 {strides = array<i32>} : memref<2x40x128xf32, #tpu.memory_space<vmem>>, vector<1x1x16xf32>,
          %get3A_363 = arith.constant 1 : i32
          %get3A_364 = arith.index_cast %get3A_363 : i32 to index
          %get3A_365 = arith.index_cast %scan3A_284 : i32 to index
          %get3A_366 = arith.constant 64 : index
          %get3A_367 = tpu.vector_load %arg9[%get3A_364, %get3A_365, %get3A_366] {strides = array<i32>} : memref<2x40x128xf32, #tpu.memory_space<vmem>>, vector<1x1x16xf32>,
          %get3A_368 = vector.shape_cast %get3A_367 : vector<1x1x16xf32> to vector<16xf32>
          %get3A_369 = arith.constant 1 : i32
          %get3A_370 = arith.index_cast %get3A_369 : i32 to index
          %get3A_371 = arith.index_cast %scan3A_284 : i32 to index
          %get3A_372 = arith.constant 64 : index
          %get3A_373 = tpu.vector_load %arg10[%get3A_370, %get3A_371, %get3A_372] {strides = array<i32>} : memref<2x40x128xf32, #tpu.memory_space<vmem>>, vector<1x1x16xf32>,
          %get3A_374 = vector.shape_cast %get3A_373 : vector<1x1x16xf32> to vector<16xf32>
          %mul3A_375 = arith.mulf %get3A_368, %get3A_374 : vector<16xf32>
          %swap3A_376 = arith.constant 1 : i32
          %swap3A_377 = arith.index_cast %swap3A_376 : i32 to index
          %swap3A_378 = arith.index_cast %scan3A_284 : i32 to index
          %swap3A_379 = arith.constant 64 : index
          %swap3A_380 = tpu.vector_load %arg11[%swap3A_377, %swap3A_378, %swap3A_379] {strides = array<i32>} : memref<2x40x128xf32, #tpu.memory_space<vmem>>, vector<1x1x16xf32>,
          %swap3A_381 = vector.shape_cast %swap3A_380 : vector<1x1x16xf32> to vector<16xf32>
          %swap3A_382 = vector.shape_cast %mul3A_375 : vector<16xf32> to vector<1x1x16xf32>
          tpu.vector_store %arg11[%swap3A_377, %swap3A_378, %swap3A_379], %swap3A_382 {strides = array<i32>} : memref<2x40x128xf32, #tpu.memory_space<vmem>>, vector<1x1x16xf32>,
          %get3A_383 = arith.constant 1 : i32
          %get3A_384 = arith.index_cast %get3A_383 : i32 to index
          %get3A_385 = arith.index_cast %scan3A_284 : i32 to index
          %get3A_386 = arith.constant 80 : index
          %get3A_387 = tpu.vector_load %arg9[%get3A_384, %get3A_385, %get3A_386] {strides = array<i32>} : memref<2x40x128xf32, #tpu.memory_space<vmem>>, vector<1x1x16xf32>,
          %get3A_388 = vector.shape_cast %get3A_387 : vector<1x1x16xf32> to vector<16xf32>
          %get3A_389 = arith.constant 1 : i32
          %get3A_390 = arith.index_cast %get3A_389 : i32 to index
          %get3A_391 = arith.index_cast %scan3A_284 : i32 to index
          %get3A_392 = arith.constant 80 : index
          %get3A_393 = tpu.vector_load %arg10[%get3A_390, %get3A_391, %get3A_392] {strides = array<i32>} : memref<2x40x128xf32, #tpu.memory_space<vmem>>, vector<1x1x16xf32>,
          %get3A_394 = vector.shape_cast %get3A_393 : vector<1x1x16xf32> to vector<16xf32>
          %mul3A_395 = arith.mulf %get3A_388, %get3A_394 : vector<16xf32>
          %swap3A_396 = arith.constant 1 : i32
          %swap3A_397 = arith.index_cast %swap3A_396 : i32 to index
          %swap3A_398 = arith.index_cast %scan3A_284 : i32 to index
          %swap3A_399 = arith.constant 80 : index
          %swap3A_400 = tpu.vector_load %arg11[%swap3A_397, %swap3A_398, %swap3A_399] {strides = array<i32>} : memref<2x40x128xf32, #tpu.memory_space<vmem>>, vector<1x1x16xf32>,
          %swap3A_401 = vector.shape_cast %swap3A_400 : vector<1x1x16xf32> to vector<16xf32>
          %swap3A_402 = vector.shape_cast %mul3A_395 : vector<16xf32> to vector<1x1x16xf32>
          tpu.vector_store %arg11[%swap3A_397, %swap3A_398, %swap3A_399], %swap3A_402 {strides = array<i32>} : memref<2x40x128xf32, #tpu.memory_space<vmem>>, vector<1x1x16xf32>,
          %get3A_403 = arith.constant 1 : i32
          %get3A_404 = arith.index_cast %get3A_403 : i32 to index
          %get3A_405 = arith.index_cast %scan3A_284 : i32 to index
          %get3A_406 = arith.constant 96 : index
          %get3A_407 = tpu.vector_load %arg9[%get3A_404, %get3A_405, %get3A_406] {strides = array<i32>} : memref<2x40x128xf32, #tpu.memory_space<vmem>>, vector<1x1x16xf32>,
          %get3A_408 = vector.shape_cast %get3A_407 : vector<1x1x16xf32> to vector<16xf32>
          %get3A_409 = arith.constant 1 : i32
          %get3A_410 = arith.index_cast %get3A_409 : i32 to index
          %get3A_411 = arith.index_cast %scan3A_284 : i32 to index
          %get3A_412 = arith.constant 96 : index
          %get3A_413 = tpu.vector_load %arg10[%get3A_410, %get3A_411, %get3A_412] {strides = array<i32>} : memref<2x40x128xf32, #tpu.memory_space<vmem>>, vector<1x1x16xf32>,
          %get3A_414 = vector.shape_cast %get3A_413 : vector<1x1x16xf32> to vector<16xf32>
          %mul3A_415 = arith.mulf %get3A_408, %get3A_414 : vector<16xf32>
          %swap3A_416 = arith.constant 1 : i32
          %swap3A_417 = arith.index_cast %swap3A_416 : i32 to index
          %swap3A_418 = arith.index_cast %scan3A_284 : i32 to index
          %swap3A_419 = arith.constant 96 : index
          %swap3A_420 = tpu.vector_load %arg11[%swap3A_417, %swap3A_418, %swap3A_419] {strides = array<i32>} : memref<2x40x128xf32, #tpu.memory_space<vmem>>, vector<1x1x16xf32>,
          %swap3A_421 = vector.shape_cast %swap3A_420 : vector<1x1x16xf32> to vector<16xf32>
          %swap3A_422 = vector.shape_cast %mul3A_415 : vector<16xf32> to vector<1x1x16xf32>
          tpu.vector_store %arg11[%swap3A_417, %swap3A_418, %swap3A_419], %swap3A_422 {strides = array<i32>} : memref<2x40x128xf32, #tpu.memory_space<vmem>>, vector<1x1x16xf32>,
          %get3A_423 = arith.constant 1 : i32
          %get3A_424 = arith.index_cast %get3A_423 : i32 to index
          %get3A_425 = arith.index_cast %scan3A_284 : i32 to index
          %get3A_426 = arith.constant 112 : index
          %get3A_427 = tpu.vector_load %arg9[%get3A_424, %get3A_425, %get3A_426] {strides = array<i32>} : memref<2x40x128xf32, #tpu.memory_space<vmem>>, vector<1x1x16xf32>,
          %get3A_428 = vector.shape_cast %get3A_427 : vector<1x1x16xf32> to vector<16xf32>
          %get3A_429 = arith.constant 1 : i32
          %get3A_430 = arith.index_cast %get3A_429 : i32 to index
          %get3A_431 = arith.index_cast %scan3A_284 : i32 to index
          %get3A_432 = arith.constant 112 : index
          %get3A_433 = tpu.vector_load %arg10[%get3A_430, %get3A_431, %get3A_432] {strides = array<i32>} : memref<2x40x128xf32, #tpu.memory_space<vmem>>, vector<1x1x16xf32>,
          %get3A_434 = vector.shape_cast %get3A_433 : vector<1x1x16xf32> to vector<16xf32>
          %mul3A_435 = arith.mulf %get3A_428, %get3A_434 : vector<16xf32>
          %swap3A_436 = arith.constant 1 : i32
          %swap3A_437 = arith.index_cast %swap3A_436 : i32 to index
          %swap3A_438 = arith.index_cast %scan3A_284 : i32 to index
          %swap3A_439 = arith.constant 112 : index
          %swap3A_440 = tpu.vector_load %arg11[%swap3A_437, %swap3A_438, %swap3A_439] {strides = array<i32>} : memref<2x40x128xf32, #tpu.memory_space<vmem>>, vector<1x1x16xf32>,
          %swap3A_441 = vector.shape_cast %swap3A_440 : vector<1x1x16xf32> to vector<16xf32>
          %swap3A_442 = vector.shape_cast %mul3A_435 : vector<16xf32> to vector<1x1x16xf32>
          tpu.vector_store %arg11[%swap3A_437, %swap3A_438, %swap3A_439], %swap3A_442 {strides = array<i32>} : memref<2x40x128xf32, #tpu.memory_space<vmem>>, vector<1x1x16xf32>,
        }
        %scan3A_252 = arith.constant 40 : i32
        %add3A_253 = arith.constant 2 : i32
        %add3A_254 = arith.addi %add3A_184, %add3A_253 : i32
        %lt3A_255 = arith.constant 165 : i32
        %lt3A_256 = arith.cmpi slt, %add3A_254, %lt3A_255 : i32
        %convert_element_type3A_257 = arith.extui %lt3A_256 : i1 to i32
        %cond3A_258 = arith.constant 0 : i32
        %cond3A_259 = arith.cmpi ne, %convert_element_type3A_257, %cond3A_258 : i32
        scf.if %cond3A_259 {
          %add3A_284 = arith.constant 2 : i32
          %add3A_285 = arith.addi %add3A_184, %add3A_284 : i32
          %add3A_286 = arith.constant 320000 : i32
          %add3A_287 = arith.addi %add3A_286, %add3A_8 : i32
          %mul3A_288 = arith.constant 40 : i32
          %mul3A_289 = arith.muli %add3A_285, %mul3A_288 : i32
          %add3A_290 = arith.addi %add3A_287, %mul3A_289 : i32
          %dma_wait3A_291 = arith.constant 3 : i32
          %dma_wait3A_292 = arith.constant 0 : i32
          %dma_wait3A_293 = tpu.memref_slice %arg7[%dma_wait3A_291, %dma_wait3A_292] : memref<4x40xi32, #tpu.memory_space<vmem>> -> memref<1x40xi32, #tpu.memory_space<vmem>>
          %dma_wait3A_294 = tpu.memref_squeeze %dma_wait3A_293 : memref<1x40xi32, #tpu.memory_space<vmem>> -> memref<40xi32, #tpu.memory_space<vmem>>
          %dma_wait3A_295 = tpu.memref_slice %arg4[%add3A_290] : memref<640000xi32, #tpu.memory_space<hbm>> -> memref<40xi32, #tpu.memory_space<hbm>>
          %dma_wait3A_296 = arith.constant 0 : i32
          %dma_wait3A_297 = tpu.memref_slice %arg7[%dma_wait3A_291, %dma_wait3A_296] : memref<4x40xi32, #tpu.memory_space<vmem>> -> memref<1x40xi32, #tpu.memory_space<vmem>>
          %dma_wait3A_298 = tpu.memref_squeeze %dma_wait3A_297 : memref<1x40xi32, #tpu.memory_space<vmem>> -> memref<40xi32, #tpu.memory_space<vmem>>
          %dma_wait3A_299 = tpu.memref_slice %arg4[%add3A_290] : memref<640000xi32, #tpu.memory_space<hbm>> -> memref<40xi32, #tpu.memory_space<hbm>>
          tpu.wait_dma2 semaphore(%arg22 : memref<!tpu.dma_semaphore, #tpu.memory_space<semaphore_mem>>) src(%dma_wait3A_299 : memref<40xi32, #tpu.memory_space<hbm>>) dst(%dma_wait3A_298 : memref<40xi32, #tpu.memory_space<vmem>>)
          %add3A_300 = arith.constant 2 : i32
          %add3A_301 = arith.addi %add3A_184, %add3A_300 : i32
          %dma_start3A_302 = arith.constant 3 : i32
          %dma_start3A_303 = arith.constant 1 : i32
          %dma_start3A_304 = arith.constant 0 : i32
          %dma_start3A_305 = arith.constant 0 : i32
          %dma_start3A_306 = tpu.memref_slice %arg9[%dma_start3A_303, %dma_start3A_304, %dma_start3A_305] : memref<2x40x128xf32, #tpu.memory_space<vmem>> -> memref<1x40x128xf32, #tpu.memory_space<vmem>>
          %dma_start3A_307 = tpu.memref_squeeze %dma_start3A_306 : memref<1x40x128xf32, #tpu.memory_space<vmem>> -> memref<40x128xf32, #tpu.memory_space<vmem>>
          %dma_start3A_308 = arith.constant 0 : i32
          %dma_start3A_309 = tpu.memref_slice %arg7[%dma_start3A_302, %dma_start3A_308] : memref<4x40xi32, #tpu.memory_space<vmem>> -> memref<1x40xi32, #tpu.memory_space<vmem>>
          %dma_start3A_310 = tpu.memref_squeeze %dma_start3A_309 : memref<1x40xi32, #tpu.memory_space<vmem>> -> memref<40xi32, #tpu.memory_space<vmem>>
          %dma_start3A_311 = arith.constant 0 : i32
          %dma_start3A_312 = arith.constant 0 : i32
          %dma_start3A_313 = tpu.memref_slice %arg2[%dma_start3A_311, %dma_start3A_312] : memref<10000x128xf32, #tpu.memory_space<hbm>> -> memref<10000x128xf32, #tpu.memory_space<hbm>>
          tpu.enqueue_indirect_dma source(%dma_start3A_313 : memref<10000x128xf32, #tpu.memory_space<hbm>>) target(%dma_start3A_307 : memref<40x128xf32, #tpu.memory_space<vmem>>) offsets(%dma_start3A_310 : memref<40xi32, #tpu.memory_space<vmem>>) semaphore(%arg14 : memref<!tpu.dma_semaphore, #tpu.memory_space<semaphore_mem>>)
          %mul3A_314 = arith.constant 40 : i32
          %mul3A_315 = arith.muli %add3A_301, %mul3A_314 : i32
          %add3A_316 = arith.addi %mul3A_10, %mul3A_315 : i32
          %dma_start3A_317 = arith.constant 1 : i32
          %dma_start3A_318 = arith.constant 0 : i32
          %dma_start3A_319 = arith.constant 0 : i32
          %dma_start3A_320 = tpu.memref_slice %arg10[%dma_start3A_317, %dma_start3A_318, %dma_start3A_319] : memref<2x40x128xf32, #tpu.memory_space<vmem>> -> memref<1x40x128xf32, #tpu.memory_space<vmem>>
          %dma_start3A_321 = tpu.memref_squeeze %dma_start3A_320 : memref<1x40x128xf32, #tpu.memory_space<vmem>> -> memref<40x128xf32, #tpu.memory_space<vmem>>
          %dma_start3A_322 = arith.constant 0 : i32
          %dma_start3A_323 = tpu.memref_slice %arg3[%add3A_316, %dma_start3A_322] : memref<211200x128xf32, #tpu.memory_space<hbm>> -> memref<40x128xf32, #tpu.memory_space<hbm>>
          %dma_start3A_324 = arith.constant 0 : i32
          %dma_start3A_325 = arith.constant 0 : i32
          %dma_start3A_326 = tpu.memref_slice %arg10[%dma_start3A_317, %dma_start3A_324, %dma_start3A_325] : memref<2x40x128xf32, #tpu.memory_space<vmem>> -> memref<1x40x128xf32, #tpu.memory_space<vmem>>
          %dma_start3A_327 = tpu.memref_squeeze %dma_start3A_326 : memref<1x40x128xf32, #tpu.memory_space<vmem>> -> memref<40x128xf32, #tpu.memory_space<vmem>>
          %dma_start3A_328 = arith.constant 0 : i32
          %dma_start3A_329 = tpu.memref_slice %arg3[%add3A_316, %dma_start3A_328] : memref<211200x128xf32, #tpu.memory_space<hbm>> -> memref<40x128xf32, #tpu.memory_space<hbm>>
          tpu.enqueue_dma source(%dma_start3A_329 : memref<40x128xf32, #tpu.memory_space<hbm>>) target(%dma_start3A_327 : memref<40x128xf32, #tpu.memory_space<vmem>>) target_semaphore(%arg16 : memref<!tpu.dma_semaphore, #tpu.memory_space<semaphore_mem>>)
        } else {
        }
        %mul3A_260 = arith.constant 40 : i32
        %mul3A_261 = arith.muli %add3A_184, %mul3A_260 : i32
        %add3A_262 = arith.addi %add3A_8, %mul3A_261 : i32
        %dma_wait3A_263 = arith.constant 1 : i32
        %dma_wait3A_264 = arith.constant 0 : i32
        %dma_wait3A_265 = tpu.memref_slice %arg8[%dma_wait3A_263, %dma_wait3A_264] : memref<4x40xi32, #tpu.memory_space<vmem>> -> memref<1x40xi32, #tpu.memory_space<vmem>>
        %dma_wait3A_266 = tpu.memref_squeeze %dma_wait3A_265 : memref<1x40xi32, #tpu.memory_space<vmem>> -> memref<40xi32, #tpu.memory_space<vmem>>
        %dma_wait3A_267 = tpu.memref_slice %arg4[%add3A_262] : memref<640000xi32, #tpu.memory_space<hbm>> -> memref<40xi32, #tpu.memory_space<hbm>>
        %dma_wait3A_268 = arith.constant 0 : i32
        %dma_wait3A_269 = tpu.memref_slice %arg8[%dma_wait3A_263, %dma_wait3A_268] : memref<4x40xi32, #tpu.memory_space<vmem>> -> memref<1x40xi32, #tpu.memory_space<vmem>>
        %dma_wait3A_270 = tpu.memref_squeeze %dma_wait3A_269 : memref<1x40xi32, #tpu.memory_space<vmem>> -> memref<40xi32, #tpu.memory_space<vmem>>
        %dma_wait3A_271 = tpu.memref_slice %arg4[%add3A_262] : memref<640000xi32, #tpu.memory_space<hbm>> -> memref<40xi32, #tpu.memory_space<hbm>>
        tpu.wait_dma2 semaphore(%arg24 : memref<!tpu.dma_semaphore, #tpu.memory_space<semaphore_mem>>) src(%dma_wait3A_271 : memref<40xi32, #tpu.memory_space<hbm>>) dst(%dma_wait3A_270 : memref<40xi32, #tpu.memory_space<vmem>>)
        %dma_start3A_272 = arith.constant 1 : i32
        %dma_start3A_273 = arith.constant 1 : i32
        %dma_start3A_274 = arith.constant 0 : i32
        %dma_start3A_275 = arith.constant 0 : i32
        %dma_start3A_276 = tpu.memref_slice %arg11[%dma_start3A_272, %dma_start3A_274, %dma_start3A_275] : memref<2x40x128xf32, #tpu.memory_space<vmem>> -> memref<1x40x128xf32, #tpu.memory_space<vmem>>
        %dma_start3A_277 = tpu.memref_squeeze %dma_start3A_276 : memref<1x40x128xf32, #tpu.memory_space<vmem>> -> memref<40x128xf32, #tpu.memory_space<vmem>>
        %dma_start3A_278 = arith.constant 0 : i32
        %dma_start3A_279 = tpu.memref_slice %arg8[%dma_start3A_273, %dma_start3A_278] : memref<4x40xi32, #tpu.memory_space<vmem>> -> memref<1x40xi32, #tpu.memory_space<vmem>>
        %dma_start3A_280 = tpu.memref_squeeze %dma_start3A_279 : memref<1x40xi32, #tpu.memory_space<vmem>> -> memref<40xi32, #tpu.memory_space<vmem>>
        %dma_start3A_281 = arith.constant 0 : i32
        %dma_start3A_282 = arith.constant 0 : i32
        %dma_start3A_283 = tpu.memref_slice %arg12[%dma_start3A_281, %dma_start3A_282] : memref<10000x128xf32, #tpu.memory_space<vmem_shared>> -> memref<10000x128xf32, #tpu.memory_space<vmem_shared>>
        tpu.enqueue_indirect_dma source(%dma_start3A_277 : memref<40x128xf32, #tpu.memory_space<vmem>>) target(%dma_start3A_283 : memref<10000x128xf32, #tpu.memory_space<vmem_shared>>) offsets(%dma_start3A_280 : memref<40xi32, #tpu.memory_space<vmem>>) semaphore(%arg18 : memref<!tpu.dma_semaphore, #tpu.memory_space<semaphore_mem>>) {add = true}
      } else {
      }
      %mul3A_190 = arith.constant 4 : i32
      %mul3A_191 = arith.muli %scan3A_172, %mul3A_190 : i32
      %add3A_192 = arith.constant 2 : i32
      %add3A_193 = arith.addi %mul3A_191, %add3A_192 : i32
      %lt3A_194 = arith.constant 165 : i32
      %lt3A_195 = arith.cmpi slt, %add3A_193, %lt3A_194 : i32
      %convert_element_type3A_196 = arith.extui %lt3A_195 : i1 to i32
      %cond3A_197 = arith.constant 0 : i32
      %cond3A_198 = arith.cmpi ne, %convert_element_type3A_196, %cond3A_197 : i32
      scf.if %cond3A_198 {
        %dma_wait3A_208 = arith.constant 2 : i32
        %dma_wait3A_209 = arith.constant 0 : i32
        %dma_wait3A_210 = arith.constant 0 : i32
        %dma_wait3A_211 = arith.constant 0 : i32
        %dma_wait3A_212 = tpu.memref_slice %arg9[%dma_wait3A_209, %dma_wait3A_210, %dma_wait3A_211] : memref<2x40x128xf32, #tpu.memory_space<vmem>> -> memref<1x40x128xf32, #tpu.memory_space<vmem>>
        %dma_wait3A_213 = tpu.memref_squeeze %dma_wait3A_212 : memref<1x40x128xf32, #tpu.memory_space<vmem>> -> memref<40x128xf32, #tpu.memory_space<vmem>>
        %dma_wait3A_214 = arith.constant 0 : i32
        %dma_wait3A_215 = tpu.memref_slice %arg7[%dma_wait3A_208, %dma_wait3A_214] : memref<4x40xi32, #tpu.memory_space<vmem>> -> memref<1x40xi32, #tpu.memory_space<vmem>>
        %dma_wait3A_216 = tpu.memref_squeeze %dma_wait3A_215 : memref<1x40xi32, #tpu.memory_space<vmem>> -> memref<40xi32, #tpu.memory_space<vmem>>
        %dma_wait3A_217 = arith.constant 0 : i32
        %dma_wait3A_218 = arith.constant 0 : i32
        %dma_wait3A_219 = tpu.memref_slice %arg2[%dma_wait3A_217, %dma_wait3A_218] : memref<10000x128xf32, #tpu.memory_space<hbm>> -> memref<10000x128xf32, #tpu.memory_space<hbm>>
        tpu.wait_indirect_dma semaphore(%arg13 : memref<!tpu.dma_semaphore, #tpu.memory_space<semaphore_mem>>) src(%dma_wait3A_219 : memref<10000x128xf32, #tpu.memory_space<hbm>>) dst(%dma_wait3A_213 : memref<40x128xf32, #tpu.memory_space<vmem>>)
        %mul3A_220 = arith.constant 40 : i32
        %mul3A_221 = arith.muli %add3A_193, %mul3A_220 : i32
        %add3A_222 = arith.addi %mul3A_10, %mul3A_221 : i32
        %dma_wait3A_223 = arith.constant 0 : i32
        %dma_wait3A_224 = arith.constant 0 : i32
        %dma_wait3A_225 = arith.constant 0 : i32
        %dma_wait3A_226 = tpu.memref_slice %arg10[%dma_wait3A_223, %dma_wait3A_224, %dma_wait3A_225] : memref<2x40x128xf32, #tpu.memory_space<vmem>> -> memref<1x40x128xf32, #tpu.memory_space<vmem>>
        %dma_wait3A_227 = tpu.memref_squeeze %dma_wait3A_226 : memref<1x40x128xf32, #tpu.memory_space<vmem>> -> memref<40x128xf32, #tpu.memory_space<vmem>>
        %dma_wait3A_228 = arith.constant 0 : i32
        %dma_wait3A_229 = tpu.memref_slice %arg3[%add3A_222, %dma_wait3A_228] : memref<211200x128xf32, #tpu.memory_space<hbm>> -> memref<40x128xf32, #tpu.memory_space<hbm>>
        %dma_wait3A_230 = arith.constant 0 : i32
        %dma_wait3A_231 = arith.constant 0 : i32
        %dma_wait3A_232 = tpu.memref_slice %arg10[%dma_wait3A_223, %dma_wait3A_230, %dma_wait3A_231] : memref<2x40x128xf32, #tpu.memory_space<vmem>> -> memref<1x40x128xf32, #tpu.memory_space<vmem>>
        %dma_wait3A_233 = tpu.memref_squeeze %dma_wait3A_232 : memref<1x40x128xf32, #tpu.memory_space<vmem>> -> memref<40x128xf32, #tpu.memory_space<vmem>>
        %dma_wait3A_234 = arith.constant 0 : i32
        %dma_wait3A_235 = tpu.memref_slice %arg3[%add3A_222, %dma_wait3A_234] : memref<211200x128xf32, #tpu.memory_space<hbm>> -> memref<40x128xf32, #tpu.memory_space<hbm>>
        tpu.wait_dma2 semaphore(%arg15 : memref<!tpu.dma_semaphore, #tpu.memory_space<semaphore_mem>>) src(%dma_wait3A_235 : memref<40x128xf32, #tpu.memory_space<hbm>>) dst(%dma_wait3A_233 : memref<40x128xf32, #tpu.memory_space<vmem>>)
        %ge3A = arith.constant 2 : i32
        %ge3A_236 = arith.cmpi sge, %add3A_193, %ge3A : i32
        %convert_element_type3A_237 = arith.extui %ge3A_236 : i1 to i32
        %cond3A_238 = arith.constant 0 : i32
        %cond3A_239 = arith.cmpi ne, %convert_element_type3A_237, %cond3A_238 : i32
        scf.if %cond3A_239 {
          %dma_wait3A_284 = arith.constant 0 : i32
          %dma_wait3A_285 = arith.constant 0 : i32
          %dma_wait3A_286 = arith.constant 0 : i32
          %dma_wait3A_287 = arith.constant 0 : i32
          %dma_wait3A_288 = tpu.memref_slice %arg11[%dma_wait3A_284, %dma_wait3A_286, %dma_wait3A_287] : memref<2x40x128xf32, #tpu.memory_space<vmem>> -> memref<1x40x128xf32, #tpu.memory_space<vmem>>
          %dma_wait3A_289 = tpu.memref_squeeze %dma_wait3A_288 : memref<1x40x128xf32, #tpu.memory_space<vmem>> -> memref<40x128xf32, #tpu.memory_space<vmem>>
          %dma_wait3A_290 = arith.constant 0 : i32
          %dma_wait3A_291 = tpu.memref_slice %arg8[%dma_wait3A_285, %dma_wait3A_290] : memref<4x40xi32, #tpu.memory_space<vmem>> -> memref<1x40xi32, #tpu.memory_space<vmem>>
          %dma_wait3A_292 = tpu.memref_squeeze %dma_wait3A_291 : memref<1x40xi32, #tpu.memory_space<vmem>> -> memref<40xi32, #tpu.memory_space<vmem>>
          %dma_wait3A_293 = arith.constant 0 : i32
          %dma_wait3A_294 = arith.constant 0 : i32
          %dma_wait3A_295 = tpu.memref_slice %arg12[%dma_wait3A_293, %dma_wait3A_294] : memref<10000x128xf32, #tpu.memory_space<vmem_shared>> -> memref<10000x128xf32, #tpu.memory_space<vmem_shared>>
          tpu.wait_indirect_dma semaphore(%arg17 : memref<!tpu.dma_semaphore, #tpu.memory_space<semaphore_mem>>) src(%dma_wait3A_289 : memref<40x128xf32, #tpu.memory_space<vmem>>) dst(%dma_wait3A_295 : memref<10000x128xf32, #tpu.memory_space<vmem_shared>>)
        } else {
        }
        %add3A_240 = arith.constant 2 : i32
        %add3A_241 = arith.addi %add3A_193, %add3A_240 : i32
        %lt3A_242 = arith.constant 165 : i32
        %lt3A_243 = arith.cmpi slt, %add3A_241, %lt3A_242 : i32
        %convert_element_type3A_244 = arith.extui %lt3A_243 : i1 to i32
        %cond3A_245 = arith.constant 0 : i32
        %cond3A_246 = arith.cmpi ne, %convert_element_type3A_244, %cond3A_245 : i32
        scf.if %cond3A_246 {
          %add3A_284 = arith.constant 2 : i32
          %add3A_285 = arith.addi %add3A_193, %add3A_284 : i32
          %add3A_286 = arith.constant 320000 : i32
          %add3A_287 = arith.addi %add3A_286, %add3A_8 : i32
          %mul3A_288 = arith.constant 40 : i32
          %mul3A_289 = arith.muli %add3A_285, %mul3A_288 : i32
          %add3A_290 = arith.addi %add3A_287, %mul3A_289 : i32
          %dma_start3A_291 = arith.constant 0 : i32
          %dma_start3A_292 = arith.constant 0 : i32
          %dma_start3A_293 = tpu.memref_slice %arg7[%dma_start3A_291, %dma_start3A_292] : memref<4x40xi32, #tpu.memory_space<vmem>> -> memref<1x40xi32, #tpu.memory_space<vmem>>
          %dma_start3A_294 = tpu.memref_squeeze %dma_start3A_293 : memref<1x40xi32, #tpu.memory_space<vmem>> -> memref<40xi32, #tpu.memory_space<vmem>>
          %dma_start3A_295 = tpu.memref_slice %arg4[%add3A_290] : memref<640000xi32, #tpu.memory_space<hbm>> -> memref<40xi32, #tpu.memory_space<hbm>>
          %dma_start3A_296 = arith.constant 0 : i32
          %dma_start3A_297 = tpu.memref_slice %arg7[%dma_start3A_291, %dma_start3A_296] : memref<4x40xi32, #tpu.memory_space<vmem>> -> memref<1x40xi32, #tpu.memory_space<vmem>>
          %dma_start3A_298 = tpu.memref_squeeze %dma_start3A_297 : memref<1x40xi32, #tpu.memory_space<vmem>> -> memref<40xi32, #tpu.memory_space<vmem>>
          %dma_start3A_299 = tpu.memref_slice %arg4[%add3A_290] : memref<640000xi32, #tpu.memory_space<hbm>> -> memref<40xi32, #tpu.memory_space<hbm>>
          tpu.enqueue_dma source(%dma_start3A_299 : memref<40xi32, #tpu.memory_space<hbm>>) target(%dma_start3A_298 : memref<40xi32, #tpu.memory_space<vmem>>) target_semaphore(%arg19 : memref<!tpu.dma_semaphore, #tpu.memory_space<semaphore_mem>>)
          %mul3A_300 = arith.constant 40 : i32
          %mul3A_301 = arith.muli %add3A_285, %mul3A_300 : i32
          %add3A_302 = arith.addi %add3A_8, %mul3A_301 : i32
          %dma_start3A_303 = arith.constant 0 : i32
          %dma_start3A_304 = arith.constant 0 : i32
          %dma_start3A_305 = tpu.memref_slice %arg8[%dma_start3A_303, %dma_start3A_304] : memref<4x40xi32, #tpu.memory_space<vmem>> -> memref<1x40xi32, #tpu.memory_space<vmem>>
          %dma_start3A_306 = tpu.memref_squeeze %dma_start3A_305 : memref<1x40xi32, #tpu.memory_space<vmem>> -> memref<40xi32, #tpu.memory_space<vmem>>
          %dma_start3A_307 = tpu.memref_slice %arg4[%add3A_302] : memref<640000xi32, #tpu.memory_space<hbm>> -> memref<40xi32, #tpu.memory_space<hbm>>
          %dma_start3A_308 = arith.constant 0 : i32
          %dma_start3A_309 = tpu.memref_slice %arg8[%dma_start3A_303, %dma_start3A_308] : memref<4x40xi32, #tpu.memory_space<vmem>> -> memref<1x40xi32, #tpu.memory_space<vmem>>
          %dma_start3A_310 = tpu.memref_squeeze %dma_start3A_309 : memref<1x40xi32, #tpu.memory_space<vmem>> -> memref<40xi32, #tpu.memory_space<vmem>>
          %dma_start3A_311 = tpu.memref_slice %arg4[%add3A_302] : memref<640000xi32, #tpu.memory_space<hbm>> -> memref<40xi32, #tpu.memory_space<hbm>>
          tpu.enqueue_dma source(%dma_start3A_311 : memref<40xi32, #tpu.memory_space<hbm>>) target(%dma_start3A_310 : memref<40xi32, #tpu.memory_space<vmem>>) target_semaphore(%arg23 : memref<!tpu.dma_semaphore, #tpu.memory_space<semaphore_mem>>)
        } else {
        }
        %scan3A_247 = arith.constant 0 : i32
        %scan3A_248 = arith.constant 0 : i32
        %scan3A_249 = arith.constant 40 : i32
        %scan3A_250 = arith.addi %scan3A_248, %scan3A_249 : i32
        %scan3A_251 = arith.constant 1 : i32
        scf.for %scan3A_284 = %scan3A_248 to %scan3A_250 step %scan3A_251  : i32 {
          %get3A = arith.constant 0 : i32
          %get3A_285 = arith.index_cast %get3A : i32 to index
          %get3A_286 = arith.index_cast %scan3A_284 : i32 to index
          %get3A_287 = arith.constant 0 : index
          %get3A_288 = tpu.vector_load %arg9[%get3A_285, %get3A_286, %get3A_287] {strides = array<i32>} : memref<2x40x128xf32, #tpu.memory_space<vmem>>, vector<1x1x16xf32>,
          %get3A_289 = vector.shape_cast %get3A_288 : vector<1x1x16xf32> to vector<16xf32>
          %get3A_290 = arith.constant 0 : i32
          %get3A_291 = arith.index_cast %get3A_290 : i32 to index
          %get3A_292 = arith.index_cast %scan3A_284 : i32 to index
          %get3A_293 = arith.constant 0 : index
          %get3A_294 = tpu.vector_load %arg10[%get3A_291, %get3A_292, %get3A_293] {strides = array<i32>} : memref<2x40x128xf32, #tpu.memory_space<vmem>>, vector<1x1x16xf32>,
          %get3A_295 = vector.shape_cast %get3A_294 : vector<1x1x16xf32> to vector<16xf32>
          %mul3A_296 = arith.mulf %get3A_289, %get3A_295 : vector<16xf32>
          %swap3A = arith.constant 0 : i32
          %swap3A_297 = arith.index_cast %swap3A : i32 to index
          %swap3A_298 = arith.index_cast %scan3A_284 : i32 to index
          %swap3A_299 = arith.constant 0 : index
          %swap3A_300 = tpu.vector_load %arg11[%swap3A_297, %swap3A_298, %swap3A_299] {strides = array<i32>} : memref<2x40x128xf32, #tpu.memory_space<vmem>>, vector<1x1x16xf32>,
          %swap3A_301 = vector.shape_cast %swap3A_300 : vector<1x1x16xf32> to vector<16xf32>
          %swap3A_302 = vector.shape_cast %mul3A_296 : vector<16xf32> to vector<1x1x16xf32>
          tpu.vector_store %arg11[%swap3A_297, %swap3A_298, %swap3A_299], %swap3A_302 {strides = array<i32>} : memref<2x40x128xf32, #tpu.memory_space<vmem>>, vector<1x1x16xf32>,
          %get3A_303 = arith.constant 0 : i32
          %get3A_304 = arith.index_cast %get3A_303 : i32 to index
          %get3A_305 = arith.index_cast %scan3A_284 : i32 to index
          %get3A_306 = arith.constant 16 : index
          %get3A_307 = tpu.vector_load %arg9[%get3A_304, %get3A_305, %get3A_306] {strides = array<i32>} : memref<2x40x128xf32, #tpu.memory_space<vmem>>, vector<1x1x16xf32>,
          %get3A_308 = vector.shape_cast %get3A_307 : vector<1x1x16xf32> to vector<16xf32>
          %get3A_309 = arith.constant 0 : i32
          %get3A_310 = arith.index_cast %get3A_309 : i32 to index
          %get3A_311 = arith.index_cast %scan3A_284 : i32 to index
          %get3A_312 = arith.constant 16 : index
          %get3A_313 = tpu.vector_load %arg10[%get3A_310, %get3A_311, %get3A_312] {strides = array<i32>} : memref<2x40x128xf32, #tpu.memory_space<vmem>>, vector<1x1x16xf32>,
          %get3A_314 = vector.shape_cast %get3A_313 : vector<1x1x16xf32> to vector<16xf32>
          %mul3A_315 = arith.mulf %get3A_308, %get3A_314 : vector<16xf32>
          %swap3A_316 = arith.constant 0 : i32
          %swap3A_317 = arith.index_cast %swap3A_316 : i32 to index
          %swap3A_318 = arith.index_cast %scan3A_284 : i32 to index
          %swap3A_319 = arith.constant 16 : index
          %swap3A_320 = tpu.vector_load %arg11[%swap3A_317, %swap3A_318, %swap3A_319] {strides = array<i32>} : memref<2x40x128xf32, #tpu.memory_space<vmem>>, vector<1x1x16xf32>,
          %swap3A_321 = vector.shape_cast %swap3A_320 : vector<1x1x16xf32> to vector<16xf32>
          %swap3A_322 = vector.shape_cast %mul3A_315 : vector<16xf32> to vector<1x1x16xf32>
          tpu.vector_store %arg11[%swap3A_317, %swap3A_318, %swap3A_319], %swap3A_322 {strides = array<i32>} : memref<2x40x128xf32, #tpu.memory_space<vmem>>, vector<1x1x16xf32>,
          %get3A_323 = arith.constant 0 : i32
          %get3A_324 = arith.index_cast %get3A_323 : i32 to index
          %get3A_325 = arith.index_cast %scan3A_284 : i32 to index
          %get3A_326 = arith.constant 32 : index
          %get3A_327 = tpu.vector_load %arg9[%get3A_324, %get3A_325, %get3A_326] {strides = array<i32>} : memref<2x40x128xf32, #tpu.memory_space<vmem>>, vector<1x1x16xf32>,
          %get3A_328 = vector.shape_cast %get3A_327 : vector<1x1x16xf32> to vector<16xf32>
          %get3A_329 = arith.constant 0 : i32
          %get3A_330 = arith.index_cast %get3A_329 : i32 to index
          %get3A_331 = arith.index_cast %scan3A_284 : i32 to index
          %get3A_332 = arith.constant 32 : index
          %get3A_333 = tpu.vector_load %arg10[%get3A_330, %get3A_331, %get3A_332] {strides = array<i32>} : memref<2x40x128xf32, #tpu.memory_space<vmem>>, vector<1x1x16xf32>,
          %get3A_334 = vector.shape_cast %get3A_333 : vector<1x1x16xf32> to vector<16xf32>
          %mul3A_335 = arith.mulf %get3A_328, %get3A_334 : vector<16xf32>
          %swap3A_336 = arith.constant 0 : i32
          %swap3A_337 = arith.index_cast %swap3A_336 : i32 to index
          %swap3A_338 = arith.index_cast %scan3A_284 : i32 to index
          %swap3A_339 = arith.constant 32 : index
          %swap3A_340 = tpu.vector_load %arg11[%swap3A_337, %swap3A_338, %swap3A_339] {strides = array<i32>} : memref<2x40x128xf32, #tpu.memory_space<vmem>>, vector<1x1x16xf32>,
          %swap3A_341 = vector.shape_cast %swap3A_340 : vector<1x1x16xf32> to vector<16xf32>
          %swap3A_342 = vector.shape_cast %mul3A_335 : vector<16xf32> to vector<1x1x16xf32>
          tpu.vector_store %arg11[%swap3A_337, %swap3A_338, %swap3A_339], %swap3A_342 {strides = array<i32>} : memref<2x40x128xf32, #tpu.memory_space<vmem>>, vector<1x1x16xf32>,
          %get3A_343 = arith.constant 0 : i32
          %get3A_344 = arith.index_cast %get3A_343 : i32 to index
          %get3A_345 = arith.index_cast %scan3A_284 : i32 to index
          %get3A_346 = arith.constant 48 : index
          %get3A_347 = tpu.vector_load %arg9[%get3A_344, %get3A_345, %get3A_346] {strides = array<i32>} : memref<2x40x128xf32, #tpu.memory_space<vmem>>, vector<1x1x16xf32>,
          %get3A_348 = vector.shape_cast %get3A_347 : vector<1x1x16xf32> to vector<16xf32>
          %get3A_349 = arith.constant 0 : i32
          %get3A_350 = arith.index_cast %get3A_349 : i32 to index
          %get3A_351 = arith.index_cast %scan3A_284 : i32 to index
          %get3A_352 = arith.constant 48 : index
          %get3A_353 = tpu.vector_load %arg10[%get3A_350, %get3A_351, %get3A_352] {strides = array<i32>} : memref<2x40x128xf32, #tpu.memory_space<vmem>>, vector<1x1x16xf32>,
          %get3A_354 = vector.shape_cast %get3A_353 : vector<1x1x16xf32> to vector<16xf32>
          %mul3A_355 = arith.mulf %get3A_348, %get3A_354 : vector<16xf32>
          %swap3A_356 = arith.constant 0 : i32
          %swap3A_357 = arith.index_cast %swap3A_356 : i32 to index
          %swap3A_358 = arith.index_cast %scan3A_284 : i32 to index
          %swap3A_359 = arith.constant 48 : index
          %swap3A_360 = tpu.vector_load %arg11[%swap3A_357, %swap3A_358, %swap3A_359] {strides = array<i32>} : memref<2x40x128xf32, #tpu.memory_space<vmem>>, vector<1x1x16xf32>,
          %swap3A_361 = vector.shape_cast %swap3A_360 : vector<1x1x16xf32> to vector<16xf32>
          %swap3A_362 = vector.shape_cast %mul3A_355 : vector<16xf32> to vector<1x1x16xf32>
          tpu.vector_store %arg11[%swap3A_357, %swap3A_358, %swap3A_359], %swap3A_362 {strides = array<i32>} : memref<2x40x128xf32, #tpu.memory_space<vmem>>, vector<1x1x16xf32>,
          %get3A_363 = arith.constant 0 : i32
          %get3A_364 = arith.index_cast %get3A_363 : i32 to index
          %get3A_365 = arith.index_cast %scan3A_284 : i32 to index
          %get3A_366 = arith.constant 64 : index
          %get3A_367 = tpu.vector_load %arg9[%get3A_364, %get3A_365, %get3A_366] {strides = array<i32>} : memref<2x40x128xf32, #tpu.memory_space<vmem>>, vector<1x1x16xf32>,
          %get3A_368 = vector.shape_cast %get3A_367 : vector<1x1x16xf32> to vector<16xf32>
          %get3A_369 = arith.constant 0 : i32
          %get3A_370 = arith.index_cast %get3A_369 : i32 to index
          %get3A_371 = arith.index_cast %scan3A_284 : i32 to index
          %get3A_372 = arith.constant 64 : index
          %get3A_373 = tpu.vector_load %arg10[%get3A_370, %get3A_371, %get3A_372] {strides = array<i32>} : memref<2x40x128xf32, #tpu.memory_space<vmem>>, vector<1x1x16xf32>,
          %get3A_374 = vector.shape_cast %get3A_373 : vector<1x1x16xf32> to vector<16xf32>
          %mul3A_375 = arith.mulf %get3A_368, %get3A_374 : vector<16xf32>
          %swap3A_376 = arith.constant 0 : i32
          %swap3A_377 = arith.index_cast %swap3A_376 : i32 to index
          %swap3A_378 = arith.index_cast %scan3A_284 : i32 to index
          %swap3A_379 = arith.constant 64 : index
          %swap3A_380 = tpu.vector_load %arg11[%swap3A_377, %swap3A_378, %swap3A_379] {strides = array<i32>} : memref<2x40x128xf32, #tpu.memory_space<vmem>>, vector<1x1x16xf32>,
          %swap3A_381 = vector.shape_cast %swap3A_380 : vector<1x1x16xf32> to vector<16xf32>
          %swap3A_382 = vector.shape_cast %mul3A_375 : vector<16xf32> to vector<1x1x16xf32>
          tpu.vector_store %arg11[%swap3A_377, %swap3A_378, %swap3A_379], %swap3A_382 {strides = array<i32>} : memref<2x40x128xf32, #tpu.memory_space<vmem>>, vector<1x1x16xf32>,
          %get3A_383 = arith.constant 0 : i32
          %get3A_384 = arith.index_cast %get3A_383 : i32 to index
          %get3A_385 = arith.index_cast %scan3A_284 : i32 to index
          %get3A_386 = arith.constant 80 : index
          %get3A_387 = tpu.vector_load %arg9[%get3A_384, %get3A_385, %get3A_386] {strides = array<i32>} : memref<2x40x128xf32, #tpu.memory_space<vmem>>, vector<1x1x16xf32>,
          %get3A_388 = vector.shape_cast %get3A_387 : vector<1x1x16xf32> to vector<16xf32>
          %get3A_389 = arith.constant 0 : i32
          %get3A_390 = arith.index_cast %get3A_389 : i32 to index
          %get3A_391 = arith.index_cast %scan3A_284 : i32 to index
          %get3A_392 = arith.constant 80 : index
          %get3A_393 = tpu.vector_load %arg10[%get3A_390, %get3A_391, %get3A_392] {strides = array<i32>} : memref<2x40x128xf32, #tpu.memory_space<vmem>>, vector<1x1x16xf32>,
          %get3A_394 = vector.shape_cast %get3A_393 : vector<1x1x16xf32> to vector<16xf32>
          %mul3A_395 = arith.mulf %get3A_388, %get3A_394 : vector<16xf32>
          %swap3A_396 = arith.constant 0 : i32
          %swap3A_397 = arith.index_cast %swap3A_396 : i32 to index
          %swap3A_398 = arith.index_cast %scan3A_284 : i32 to index
          %swap3A_399 = arith.constant 80 : index
          %swap3A_400 = tpu.vector_load %arg11[%swap3A_397, %swap3A_398, %swap3A_399] {strides = array<i32>} : memref<2x40x128xf32, #tpu.memory_space<vmem>>, vector<1x1x16xf32>,
          %swap3A_401 = vector.shape_cast %swap3A_400 : vector<1x1x16xf32> to vector<16xf32>
          %swap3A_402 = vector.shape_cast %mul3A_395 : vector<16xf32> to vector<1x1x16xf32>
          tpu.vector_store %arg11[%swap3A_397, %swap3A_398, %swap3A_399], %swap3A_402 {strides = array<i32>} : memref<2x40x128xf32, #tpu.memory_space<vmem>>, vector<1x1x16xf32>,
          %get3A_403 = arith.constant 0 : i32
          %get3A_404 = arith.index_cast %get3A_403 : i32 to index
          %get3A_405 = arith.index_cast %scan3A_284 : i32 to index
          %get3A_406 = arith.constant 96 : index
          %get3A_407 = tpu.vector_load %arg9[%get3A_404, %get3A_405, %get3A_406] {strides = array<i32>} : memref<2x40x128xf32, #tpu.memory_space<vmem>>, vector<1x1x16xf32>,
          %get3A_408 = vector.shape_cast %get3A_407 : vector<1x1x16xf32> to vector<16xf32>
          %get3A_409 = arith.constant 0 : i32
          %get3A_410 = arith.index_cast %get3A_409 : i32 to index
          %get3A_411 = arith.index_cast %scan3A_284 : i32 to index
          %get3A_412 = arith.constant 96 : index
          %get3A_413 = tpu.vector_load %arg10[%get3A_410, %get3A_411, %get3A_412] {strides = array<i32>} : memref<2x40x128xf32, #tpu.memory_space<vmem>>, vector<1x1x16xf32>,
          %get3A_414 = vector.shape_cast %get3A_413 : vector<1x1x16xf32> to vector<16xf32>
          %mul3A_415 = arith.mulf %get3A_408, %get3A_414 : vector<16xf32>
          %swap3A_416 = arith.constant 0 : i32
          %swap3A_417 = arith.index_cast %swap3A_416 : i32 to index
          %swap3A_418 = arith.index_cast %scan3A_284 : i32 to index
          %swap3A_419 = arith.constant 96 : index
          %swap3A_420 = tpu.vector_load %arg11[%swap3A_417, %swap3A_418, %swap3A_419] {strides = array<i32>} : memref<2x40x128xf32, #tpu.memory_space<vmem>>, vector<1x1x16xf32>,
          %swap3A_421 = vector.shape_cast %swap3A_420 : vector<1x1x16xf32> to vector<16xf32>
          %swap3A_422 = vector.shape_cast %mul3A_415 : vector<16xf32> to vector<1x1x16xf32>
          tpu.vector_store %arg11[%swap3A_417, %swap3A_418, %swap3A_419], %swap3A_422 {strides = array<i32>} : memref<2x40x128xf32, #tpu.memory_space<vmem>>, vector<1x1x16xf32>,
          %get3A_423 = arith.constant 0 : i32
          %get3A_424 = arith.index_cast %get3A_423 : i32 to index
          %get3A_425 = arith.index_cast %scan3A_284 : i32 to index
          %get3A_426 = arith.constant 112 : index
          %get3A_427 = tpu.vector_load %arg9[%get3A_424, %get3A_425, %get3A_426] {strides = array<i32>} : memref<2x40x128xf32, #tpu.memory_space<vmem>>, vector<1x1x16xf32>,
          %get3A_428 = vector.shape_cast %get3A_427 : vector<1x1x16xf32> to vector<16xf32>
          %get3A_429 = arith.constant 0 : i32
          %get3A_430 = arith.index_cast %get3A_429 : i32 to index
          %get3A_431 = arith.index_cast %scan3A_284 : i32 to index
          %get3A_432 = arith.constant 112 : index
          %get3A_433 = tpu.vector_load %arg10[%get3A_430, %get3A_431, %get3A_432] {strides = array<i32>} : memref<2x40x128xf32, #tpu.memory_space<vmem>>, vector<1x1x16xf32>,
          %get3A_434 = vector.shape_cast %get3A_433 : vector<1x1x16xf32> to vector<16xf32>
          %mul3A_435 = arith.mulf %get3A_428, %get3A_434 : vector<16xf32>
          %swap3A_436 = arith.constant 0 : i32
          %swap3A_437 = arith.index_cast %swap3A_436 : i32 to index
          %swap3A_438 = arith.index_cast %scan3A_284 : i32 to index
          %swap3A_439 = arith.constant 112 : index
          %swap3A_440 = tpu.vector_load %arg11[%swap3A_437, %swap3A_438, %swap3A_439] {strides = array<i32>} : memref<2x40x128xf32, #tpu.memory_space<vmem>>, vector<1x1x16xf32>,
          %swap3A_441 = vector.shape_cast %swap3A_440 : vector<1x1x16xf32> to vector<16xf32>
          %swap3A_442 = vector.shape_cast %mul3A_435 : vector<16xf32> to vector<1x1x16xf32>
          tpu.vector_store %arg11[%swap3A_437, %swap3A_438, %swap3A_439], %swap3A_442 {strides = array<i32>} : memref<2x40x128xf32, #tpu.memory_space<vmem>>, vector<1x1x16xf32>,
        }
        %scan3A_252 = arith.constant 40 : i32
        %add3A_253 = arith.constant 2 : i32
        %add3A_254 = arith.addi %add3A_193, %add3A_253 : i32
        %lt3A_255 = arith.constant 165 : i32
        %lt3A_256 = arith.cmpi slt, %add3A_254, %lt3A_255 : i32
        %convert_element_type3A_257 = arith.extui %lt3A_256 : i1 to i32
        %cond3A_258 = arith.constant 0 : i32
        %cond3A_259 = arith.cmpi ne, %convert_element_type3A_257, %cond3A_258 : i32
        scf.if %cond3A_259 {
          %add3A_284 = arith.constant 2 : i32
          %add3A_285 = arith.addi %add3A_193, %add3A_284 : i32
          %add3A_286 = arith.constant 320000 : i32
          %add3A_287 = arith.addi %add3A_286, %add3A_8 : i32
          %mul3A_288 = arith.constant 40 : i32
          %mul3A_289 = arith.muli %add3A_285, %mul3A_288 : i32
          %add3A_290 = arith.addi %add3A_287, %mul3A_289 : i32
          %dma_wait3A_291 = arith.constant 0 : i32
          %dma_wait3A_292 = arith.constant 0 : i32
          %dma_wait3A_293 = tpu.memref_slice %arg7[%dma_wait3A_291, %dma_wait3A_292] : memref<4x40xi32, #tpu.memory_space<vmem>> -> memref<1x40xi32, #tpu.memory_space<vmem>>
          %dma_wait3A_294 = tpu.memref_squeeze %dma_wait3A_293 : memref<1x40xi32, #tpu.memory_space<vmem>> -> memref<40xi32, #tpu.memory_space<vmem>>
          %dma_wait3A_295 = tpu.memref_slice %arg4[%add3A_290] : memref<640000xi32, #tpu.memory_space<hbm>> -> memref<40xi32, #tpu.memory_space<hbm>>
          %dma_wait3A_296 = arith.constant 0 : i32
          %dma_wait3A_297 = tpu.memref_slice %arg7[%dma_wait3A_291, %dma_wait3A_296] : memref<4x40xi32, #tpu.memory_space<vmem>> -> memref<1x40xi32, #tpu.memory_space<vmem>>
          %dma_wait3A_298 = tpu.memref_squeeze %dma_wait3A_297 : memref<1x40xi32, #tpu.memory_space<vmem>> -> memref<40xi32, #tpu.memory_space<vmem>>
          %dma_wait3A_299 = tpu.memref_slice %arg4[%add3A_290] : memref<640000xi32, #tpu.memory_space<hbm>> -> memref<40xi32, #tpu.memory_space<hbm>>
          tpu.wait_dma2 semaphore(%arg19 : memref<!tpu.dma_semaphore, #tpu.memory_space<semaphore_mem>>) src(%dma_wait3A_299 : memref<40xi32, #tpu.memory_space<hbm>>) dst(%dma_wait3A_298 : memref<40xi32, #tpu.memory_space<vmem>>)
          %add3A_300 = arith.constant 2 : i32
          %add3A_301 = arith.addi %add3A_193, %add3A_300 : i32
          %dma_start3A_302 = arith.constant 0 : i32
          %dma_start3A_303 = arith.constant 0 : i32
          %dma_start3A_304 = arith.constant 0 : i32
          %dma_start3A_305 = arith.constant 0 : i32
          %dma_start3A_306 = tpu.memref_slice %arg9[%dma_start3A_303, %dma_start3A_304, %dma_start3A_305] : memref<2x40x128xf32, #tpu.memory_space<vmem>> -> memref<1x40x128xf32, #tpu.memory_space<vmem>>
          %dma_start3A_307 = tpu.memref_squeeze %dma_start3A_306 : memref<1x40x128xf32, #tpu.memory_space<vmem>> -> memref<40x128xf32, #tpu.memory_space<vmem>>
          %dma_start3A_308 = arith.constant 0 : i32
          %dma_start3A_309 = tpu.memref_slice %arg7[%dma_start3A_302, %dma_start3A_308] : memref<4x40xi32, #tpu.memory_space<vmem>> -> memref<1x40xi32, #tpu.memory_space<vmem>>
          %dma_start3A_310 = tpu.memref_squeeze %dma_start3A_309 : memref<1x40xi32, #tpu.memory_space<vmem>> -> memref<40xi32, #tpu.memory_space<vmem>>
          %dma_start3A_311 = arith.constant 0 : i32
          %dma_start3A_312 = arith.constant 0 : i32
          %dma_start3A_313 = tpu.memref_slice %arg2[%dma_start3A_311, %dma_start3A_312] : memref<10000x128xf32, #tpu.memory_space<hbm>> -> memref<10000x128xf32, #tpu.memory_space<hbm>>
          tpu.enqueue_indirect_dma source(%dma_start3A_313 : memref<10000x128xf32, #tpu.memory_space<hbm>>) target(%dma_start3A_307 : memref<40x128xf32, #tpu.memory_space<vmem>>) offsets(%dma_start3A_310 : memref<40xi32, #tpu.memory_space<vmem>>) semaphore(%arg13 : memref<!tpu.dma_semaphore, #tpu.memory_space<semaphore_mem>>)
          %mul3A_314 = arith.constant 40 : i32
          %mul3A_315 = arith.muli %add3A_301, %mul3A_314 : i32
          %add3A_316 = arith.addi %mul3A_10, %mul3A_315 : i32
          %dma_start3A_317 = arith.constant 0 : i32
          %dma_start3A_318 = arith.constant 0 : i32
          %dma_start3A_319 = arith.constant 0 : i32
          %dma_start3A_320 = tpu.memref_slice %arg10[%dma_start3A_317, %dma_start3A_318, %dma_start3A_319] : memref<2x40x128xf32, #tpu.memory_space<vmem>> -> memref<1x40x128xf32, #tpu.memory_space<vmem>>
          %dma_start3A_321 = tpu.memref_squeeze %dma_start3A_320 : memref<1x40x128xf32, #tpu.memory_space<vmem>> -> memref<40x128xf32, #tpu.memory_space<vmem>>
          %dma_start3A_322 = arith.constant 0 : i32
          %dma_start3A_323 = tpu.memref_slice %arg3[%add3A_316, %dma_start3A_322] : memref<211200x128xf32, #tpu.memory_space<hbm>> -> memref<40x128xf32, #tpu.memory_space<hbm>>
          %dma_start3A_324 = arith.constant 0 : i32
          %dma_start3A_325 = arith.constant 0 : i32
          %dma_start3A_326 = tpu.memref_slice %arg10[%dma_start3A_317, %dma_start3A_324, %dma_start3A_325] : memref<2x40x128xf32, #tpu.memory_space<vmem>> -> memref<1x40x128xf32, #tpu.memory_space<vmem>>
          %dma_start3A_327 = tpu.memref_squeeze %dma_start3A_326 : memref<1x40x128xf32, #tpu.memory_space<vmem>> -> memref<40x128xf32, #tpu.memory_space<vmem>>
          %dma_start3A_328 = arith.constant 0 : i32
          %dma_start3A_329 = tpu.memref_slice %arg3[%add3A_316, %dma_start3A_328] : memref<211200x128xf32, #tpu.memory_space<hbm>> -> memref<40x128xf32, #tpu.memory_space<hbm>>
          tpu.enqueue_dma source(%dma_start3A_329 : memref<40x128xf32, #tpu.memory_space<hbm>>) target(%dma_start3A_327 : memref<40x128xf32, #tpu.memory_space<vmem>>) target_semaphore(%arg15 : memref<!tpu.dma_semaphore, #tpu.memory_space<semaphore_mem>>)
        } else {
        }
        %mul3A_260 = arith.constant 40 : i32
        %mul3A_261 = arith.muli %add3A_193, %mul3A_260 : i32
        %add3A_262 = arith.addi %add3A_8, %mul3A_261 : i32
        %dma_wait3A_263 = arith.constant 2 : i32
        %dma_wait3A_264 = arith.constant 0 : i32
        %dma_wait3A_265 = tpu.memref_slice %arg8[%dma_wait3A_263, %dma_wait3A_264] : memref<4x40xi32, #tpu.memory_space<vmem>> -> memref<1x40xi32, #tpu.memory_space<vmem>>
        %dma_wait3A_266 = tpu.memref_squeeze %dma_wait3A_265 : memref<1x40xi32, #tpu.memory_space<vmem>> -> memref<40xi32, #tpu.memory_space<vmem>>
        %dma_wait3A_267 = tpu.memref_slice %arg4[%add3A_262] : memref<640000xi32, #tpu.memory_space<hbm>> -> memref<40xi32, #tpu.memory_space<hbm>>
        %dma_wait3A_268 = arith.constant 0 : i32
        %dma_wait3A_269 = tpu.memref_slice %arg8[%dma_wait3A_263, %dma_wait3A_268] : memref<4x40xi32, #tpu.memory_space<vmem>> -> memref<1x40xi32, #tpu.memory_space<vmem>>
        %dma_wait3A_270 = tpu.memref_squeeze %dma_wait3A_269 : memref<1x40xi32, #tpu.memory_space<vmem>> -> memref<40xi32, #tpu.memory_space<vmem>>
        %dma_wait3A_271 = tpu.memref_slice %arg4[%add3A_262] : memref<640000xi32, #tpu.memory_space<hbm>> -> memref<40xi32, #tpu.memory_space<hbm>>
        tpu.wait_dma2 semaphore(%arg25 : memref<!tpu.dma_semaphore, #tpu.memory_space<semaphore_mem>>) src(%dma_wait3A_271 : memref<40xi32, #tpu.memory_space<hbm>>) dst(%dma_wait3A_270 : memref<40xi32, #tpu.memory_space<vmem>>)
        %dma_start3A_272 = arith.constant 0 : i32
        %dma_start3A_273 = arith.constant 2 : i32
        %dma_start3A_274 = arith.constant 0 : i32
        %dma_start3A_275 = arith.constant 0 : i32
        %dma_start3A_276 = tpu.memref_slice %arg11[%dma_start3A_272, %dma_start3A_274, %dma_start3A_275] : memref<2x40x128xf32, #tpu.memory_space<vmem>> -> memref<1x40x128xf32, #tpu.memory_space<vmem>>
        %dma_start3A_277 = tpu.memref_squeeze %dma_start3A_276 : memref<1x40x128xf32, #tpu.memory_space<vmem>> -> memref<40x128xf32, #tpu.memory_space<vmem>>
        %dma_start3A_278 = arith.constant 0 : i32
        %dma_start3A_279 = tpu.memref_slice %arg8[%dma_start3A_273, %dma_start3A_278] : memref<4x40xi32, #tpu.memory_space<vmem>> -> memref<1x40xi32, #tpu.memory_space<vmem>>
        %dma_start3A_280 = tpu.memref_squeeze %dma_start3A_279 : memref<1x40xi32, #tpu.memory_space<vmem>> -> memref<40xi32, #tpu.memory_space<vmem>>
        %dma_start3A_281 = arith.constant 0 : i32
        %dma_start3A_282 = arith.constant 0 : i32
        %dma_start3A_283 = tpu.memref_slice %arg12[%dma_start3A_281, %dma_start3A_282] : memref<10000x128xf32, #tpu.memory_space<vmem_shared>> -> memref<10000x128xf32, #tpu.memory_space<vmem_shared>>
        tpu.enqueue_indirect_dma source(%dma_start3A_277 : memref<40x128xf32, #tpu.memory_space<vmem>>) target(%dma_start3A_283 : memref<10000x128xf32, #tpu.memory_space<vmem_shared>>) offsets(%dma_start3A_280 : memref<40xi32, #tpu.memory_space<vmem>>) semaphore(%arg17 : memref<!tpu.dma_semaphore, #tpu.memory_space<semaphore_mem>>) {add = true}
      } else {
      }
      %mul3A_199 = arith.constant 4 : i32
      %mul3A_200 = arith.muli %scan3A_172, %mul3A_199 : i32
      %add3A_201 = arith.constant 3 : i32
      %add3A_202 = arith.addi %mul3A_200, %add3A_201 : i32
      %lt3A_203 = arith.constant 165 : i32
      %lt3A_204 = arith.cmpi slt, %add3A_202, %lt3A_203 : i32
      %convert_element_type3A_205 = arith.extui %lt3A_204 : i1 to i32
      %cond3A_206 = arith.constant 0 : i32
      %cond3A_207 = arith.cmpi ne, %convert_element_type3A_205, %cond3A_206 : i32
      scf.if %cond3A_207 {
        %dma_wait3A_208 = arith.constant 3 : i32
        %dma_wait3A_209 = arith.constant 1 : i32
        %dma_wait3A_210 = arith.constant 0 : i32
        %dma_wait3A_211 = arith.constant 0 : i32
        %dma_wait3A_212 = tpu.memref_slice %arg9[%dma_wait3A_209, %dma_wait3A_210, %dma_wait3A_211] : memref<2x40x128xf32, #tpu.memory_space<vmem>> -> memref<1x40x128xf32, #tpu.memory_space<vmem>>
        %dma_wait3A_213 = tpu.memref_squeeze %dma_wait3A_212 : memref<1x40x128xf32, #tpu.memory_space<vmem>> -> memref<40x128xf32, #tpu.memory_space<vmem>>
        %dma_wait3A_214 = arith.constant 0 : i32
        %dma_wait3A_215 = tpu.memref_slice %arg7[%dma_wait3A_208, %dma_wait3A_214] : memref<4x40xi32, #tpu.memory_space<vmem>> -> memref<1x40xi32, #tpu.memory_space<vmem>>
        %dma_wait3A_216 = tpu.memref_squeeze %dma_wait3A_215 : memref<1x40xi32, #tpu.memory_space<vmem>> -> memref<40xi32, #tpu.memory_space<vmem>>
        %dma_wait3A_217 = arith.constant 0 : i32
        %dma_wait3A_218 = arith.constant 0 : i32
        %dma_wait3A_219 = tpu.memref_slice %arg2[%dma_wait3A_217, %dma_wait3A_218] : memref<10000x128xf32, #tpu.memory_space<hbm>> -> memref<10000x128xf32, #tpu.memory_space<hbm>>
        tpu.wait_indirect_dma semaphore(%arg14 : memref<!tpu.dma_semaphore, #tpu.memory_space<semaphore_mem>>) src(%dma_wait3A_219 : memref<10000x128xf32, #tpu.memory_space<hbm>>) dst(%dma_wait3A_213 : memref<40x128xf32, #tpu.memory_space<vmem>>)
        %mul3A_220 = arith.constant 40 : i32
        %mul3A_221 = arith.muli %add3A_202, %mul3A_220 : i32
        %add3A_222 = arith.addi %mul3A_10, %mul3A_221 : i32
        %dma_wait3A_223 = arith.constant 1 : i32
        %dma_wait3A_224 = arith.constant 0 : i32
        %dma_wait3A_225 = arith.constant 0 : i32
        %dma_wait3A_226 = tpu.memref_slice %arg10[%dma_wait3A_223, %dma_wait3A_224, %dma_wait3A_225] : memref<2x40x128xf32, #tpu.memory_space<vmem>> -> memref<1x40x128xf32, #tpu.memory_space<vmem>>
        %dma_wait3A_227 = tpu.memref_squeeze %dma_wait3A_226 : memref<1x40x128xf32, #tpu.memory_space<vmem>> -> memref<40x128xf32, #tpu.memory_space<vmem>>
        %dma_wait3A_228 = arith.constant 0 : i32
        %dma_wait3A_229 = tpu.memref_slice %arg3[%add3A_222, %dma_wait3A_228] : memref<211200x128xf32, #tpu.memory_space<hbm>> -> memref<40x128xf32, #tpu.memory_space<hbm>>
        %dma_wait3A_230 = arith.constant 0 : i32
        %dma_wait3A_231 = arith.constant 0 : i32
        %dma_wait3A_232 = tpu.memref_slice %arg10[%dma_wait3A_223, %dma_wait3A_230, %dma_wait3A_231] : memref<2x40x128xf32, #tpu.memory_space<vmem>> -> memref<1x40x128xf32, #tpu.memory_space<vmem>>
        %dma_wait3A_233 = tpu.memref_squeeze %dma_wait3A_232 : memref<1x40x128xf32, #tpu.memory_space<vmem>> -> memref<40x128xf32, #tpu.memory_space<vmem>>
        %dma_wait3A_234 = arith.constant 0 : i32
        %dma_wait3A_235 = tpu.memref_slice %arg3[%add3A_222, %dma_wait3A_234] : memref<211200x128xf32, #tpu.memory_space<hbm>> -> memref<40x128xf32, #tpu.memory_space<hbm>>
        tpu.wait_dma2 semaphore(%arg16 : memref<!tpu.dma_semaphore, #tpu.memory_space<semaphore_mem>>) src(%dma_wait3A_235 : memref<40x128xf32, #tpu.memory_space<hbm>>) dst(%dma_wait3A_233 : memref<40x128xf32, #tpu.memory_space<vmem>>)
        %ge3A = arith.constant 2 : i32
        %ge3A_236 = arith.cmpi sge, %add3A_202, %ge3A : i32
        %convert_element_type3A_237 = arith.extui %ge3A_236 : i1 to i32
        %cond3A_238 = arith.constant 0 : i32
        %cond3A_239 = arith.cmpi ne, %convert_element_type3A_237, %cond3A_238 : i32
        scf.if %cond3A_239 {
          %dma_wait3A_284 = arith.constant 1 : i32
          %dma_wait3A_285 = arith.constant 1 : i32
          %dma_wait3A_286 = arith.constant 0 : i32
          %dma_wait3A_287 = arith.constant 0 : i32
          %dma_wait3A_288 = tpu.memref_slice %arg11[%dma_wait3A_284, %dma_wait3A_286, %dma_wait3A_287] : memref<2x40x128xf32, #tpu.memory_space<vmem>> -> memref<1x40x128xf32, #tpu.memory_space<vmem>>
          %dma_wait3A_289 = tpu.memref_squeeze %dma_wait3A_288 : memref<1x40x128xf32, #tpu.memory_space<vmem>> -> memref<40x128xf32, #tpu.memory_space<vmem>>
          %dma_wait3A_290 = arith.constant 0 : i32
          %dma_wait3A_291 = tpu.memref_slice %arg8[%dma_wait3A_285, %dma_wait3A_290] : memref<4x40xi32, #tpu.memory_space<vmem>> -> memref<1x40xi32, #tpu.memory_space<vmem>>
          %dma_wait3A_292 = tpu.memref_squeeze %dma_wait3A_291 : memref<1x40xi32, #tpu.memory_space<vmem>> -> memref<40xi32, #tpu.memory_space<vmem>>
          %dma_wait3A_293 = arith.constant 0 : i32
          %dma_wait3A_294 = arith.constant 0 : i32
          %dma_wait3A_295 = tpu.memref_slice %arg12[%dma_wait3A_293, %dma_wait3A_294] : memref<10000x128xf32, #tpu.memory_space<vmem_shared>> -> memref<10000x128xf32, #tpu.memory_space<vmem_shared>>
          tpu.wait_indirect_dma semaphore(%arg18 : memref<!tpu.dma_semaphore, #tpu.memory_space<semaphore_mem>>) src(%dma_wait3A_289 : memref<40x128xf32, #tpu.memory_space<vmem>>) dst(%dma_wait3A_295 : memref<10000x128xf32, #tpu.memory_space<vmem_shared>>)
        } else {
        }
        %add3A_240 = arith.constant 2 : i32
        %add3A_241 = arith.addi %add3A_202, %add3A_240 : i32
        %lt3A_242 = arith.constant 165 : i32
        %lt3A_243 = arith.cmpi slt, %add3A_241, %lt3A_242 : i32
        %convert_element_type3A_244 = arith.extui %lt3A_243 : i1 to i32
        %cond3A_245 = arith.constant 0 : i32
        %cond3A_246 = arith.cmpi ne, %convert_element_type3A_244, %cond3A_245 : i32
        scf.if %cond3A_246 {
          %add3A_284 = arith.constant 2 : i32
          %add3A_285 = arith.addi %add3A_202, %add3A_284 : i32
          %add3A_286 = arith.constant 320000 : i32
          %add3A_287 = arith.addi %add3A_286, %add3A_8 : i32
          %mul3A_288 = arith.constant 40 : i32
          %mul3A_289 = arith.muli %add3A_285, %mul3A_288 : i32
          %add3A_290 = arith.addi %add3A_287, %mul3A_289 : i32
          %dma_start3A_291 = arith.constant 1 : i32
          %dma_start3A_292 = arith.constant 0 : i32
          %dma_start3A_293 = tpu.memref_slice %arg7[%dma_start3A_291, %dma_start3A_292] : memref<4x40xi32, #tpu.memory_space<vmem>> -> memref<1x40xi32, #tpu.memory_space<vmem>>
          %dma_start3A_294 = tpu.memref_squeeze %dma_start3A_293 : memref<1x40xi32, #tpu.memory_space<vmem>> -> memref<40xi32, #tpu.memory_space<vmem>>
          %dma_start3A_295 = tpu.memref_slice %arg4[%add3A_290] : memref<640000xi32, #tpu.memory_space<hbm>> -> memref<40xi32, #tpu.memory_space<hbm>>
          %dma_start3A_296 = arith.constant 0 : i32
          %dma_start3A_297 = tpu.memref_slice %arg7[%dma_start3A_291, %dma_start3A_296] : memref<4x40xi32, #tpu.memory_space<vmem>> -> memref<1x40xi32, #tpu.memory_space<vmem>>
          %dma_start3A_298 = tpu.memref_squeeze %dma_start3A_297 : memref<1x40xi32, #tpu.memory_space<vmem>> -> memref<40xi32, #tpu.memory_space<vmem>>
          %dma_start3A_299 = tpu.memref_slice %arg4[%add3A_290] : memref<640000xi32, #tpu.memory_space<hbm>> -> memref<40xi32, #tpu.memory_space<hbm>>
          tpu.enqueue_dma source(%dma_start3A_299 : memref<40xi32, #tpu.memory_space<hbm>>) target(%dma_start3A_298 : memref<40xi32, #tpu.memory_space<vmem>>) target_semaphore(%arg20 : memref<!tpu.dma_semaphore, #tpu.memory_space<semaphore_mem>>)
          %mul3A_300 = arith.constant 40 : i32
          %mul3A_301 = arith.muli %add3A_285, %mul3A_300 : i32
          %add3A_302 = arith.addi %add3A_8, %mul3A_301 : i32
          %dma_start3A_303 = arith.constant 1 : i32
          %dma_start3A_304 = arith.constant 0 : i32
          %dma_start3A_305 = tpu.memref_slice %arg8[%dma_start3A_303, %dma_start3A_304] : memref<4x40xi32, #tpu.memory_space<vmem>> -> memref<1x40xi32, #tpu.memory_space<vmem>>
          %dma_start3A_306 = tpu.memref_squeeze %dma_start3A_305 : memref<1x40xi32, #tpu.memory_space<vmem>> -> memref<40xi32, #tpu.memory_space<vmem>>
          %dma_start3A_307 = tpu.memref_slice %arg4[%add3A_302] : memref<640000xi32, #tpu.memory_space<hbm>> -> memref<40xi32, #tpu.memory_space<hbm>>
          %dma_start3A_308 = arith.constant 0 : i32
          %dma_start3A_309 = tpu.memref_slice %arg8[%dma_start3A_303, %dma_start3A_308] : memref<4x40xi32, #tpu.memory_space<vmem>> -> memref<1x40xi32, #tpu.memory_space<vmem>>
          %dma_start3A_310 = tpu.memref_squeeze %dma_start3A_309 : memref<1x40xi32, #tpu.memory_space<vmem>> -> memref<40xi32, #tpu.memory_space<vmem>>
          %dma_start3A_311 = tpu.memref_slice %arg4[%add3A_302] : memref<640000xi32, #tpu.memory_space<hbm>> -> memref<40xi32, #tpu.memory_space<hbm>>
          tpu.enqueue_dma source(%dma_start3A_311 : memref<40xi32, #tpu.memory_space<hbm>>) target(%dma_start3A_310 : memref<40xi32, #tpu.memory_space<vmem>>) target_semaphore(%arg24 : memref<!tpu.dma_semaphore, #tpu.memory_space<semaphore_mem>>)
        } else {
        }
        %scan3A_247 = arith.constant 0 : i32
        %scan3A_248 = arith.constant 0 : i32
        %scan3A_249 = arith.constant 40 : i32
        %scan3A_250 = arith.addi %scan3A_248, %scan3A_249 : i32
        %scan3A_251 = arith.constant 1 : i32
        scf.for %scan3A_284 = %scan3A_248 to %scan3A_250 step %scan3A_251  : i32 {
          %get3A = arith.constant 1 : i32
          %get3A_285 = arith.index_cast %get3A : i32 to index
          %get3A_286 = arith.index_cast %scan3A_284 : i32 to index
          %get3A_287 = arith.constant 0 : index
          %get3A_288 = tpu.vector_load %arg9[%get3A_285, %get3A_286, %get3A_287] {strides = array<i32>} : memref<2x40x128xf32, #tpu.memory_space<vmem>>, vector<1x1x16xf32>,
          %get3A_289 = vector.shape_cast %get3A_288 : vector<1x1x16xf32> to vector<16xf32>
          %get3A_290 = arith.constant 1 : i32
          %get3A_291 = arith.index_cast %get3A_290 : i32 to index
          %get3A_292 = arith.index_cast %scan3A_284 : i32 to index
          %get3A_293 = arith.constant 0 : index
          %get3A_294 = tpu.vector_load %arg10[%get3A_291, %get3A_292, %get3A_293] {strides = array<i32>} : memref<2x40x128xf32, #tpu.memory_space<vmem>>, vector<1x1x16xf32>,
          %get3A_295 = vector.shape_cast %get3A_294 : vector<1x1x16xf32> to vector<16xf32>
          %mul3A_296 = arith.mulf %get3A_289, %get3A_295 : vector<16xf32>
          %swap3A = arith.constant 1 : i32
          %swap3A_297 = arith.index_cast %swap3A : i32 to index
          %swap3A_298 = arith.index_cast %scan3A_284 : i32 to index
          %swap3A_299 = arith.constant 0 : index
          %swap3A_300 = tpu.vector_load %arg11[%swap3A_297, %swap3A_298, %swap3A_299] {strides = array<i32>} : memref<2x40x128xf32, #tpu.memory_space<vmem>>, vector<1x1x16xf32>,
          %swap3A_301 = vector.shape_cast %swap3A_300 : vector<1x1x16xf32> to vector<16xf32>
          %swap3A_302 = vector.shape_cast %mul3A_296 : vector<16xf32> to vector<1x1x16xf32>
          tpu.vector_store %arg11[%swap3A_297, %swap3A_298, %swap3A_299], %swap3A_302 {strides = array<i32>} : memref<2x40x128xf32, #tpu.memory_space<vmem>>, vector<1x1x16xf32>,
          %get3A_303 = arith.constant 1 : i32
          %get3A_304 = arith.index_cast %get3A_303 : i32 to index
          %get3A_305 = arith.index_cast %scan3A_284 : i32 to index
          %get3A_306 = arith.constant 16 : index
          %get3A_307 = tpu.vector_load %arg9[%get3A_304, %get3A_305, %get3A_306] {strides = array<i32>} : memref<2x40x128xf32, #tpu.memory_space<vmem>>, vector<1x1x16xf32>,
          %get3A_308 = vector.shape_cast %get3A_307 : vector<1x1x16xf32> to vector<16xf32>
          %get3A_309 = arith.constant 1 : i32
          %get3A_310 = arith.index_cast %get3A_309 : i32 to index
          %get3A_311 = arith.index_cast %scan3A_284 : i32 to index
          %get3A_312 = arith.constant 16 : index
          %get3A_313 = tpu.vector_load %arg10[%get3A_310, %get3A_311, %get3A_312] {strides = array<i32>} : memref<2x40x128xf32, #tpu.memory_space<vmem>>, vector<1x1x16xf32>,
          %get3A_314 = vector.shape_cast %get3A_313 : vector<1x1x16xf32> to vector<16xf32>
          %mul3A_315 = arith.mulf %get3A_308, %get3A_314 : vector<16xf32>
          %swap3A_316 = arith.constant 1 : i32
          %swap3A_317 = arith.index_cast %swap3A_316 : i32 to index
          %swap3A_318 = arith.index_cast %scan3A_284 : i32 to index
          %swap3A_319 = arith.constant 16 : index
          %swap3A_320 = tpu.vector_load %arg11[%swap3A_317, %swap3A_318, %swap3A_319] {strides = array<i32>} : memref<2x40x128xf32, #tpu.memory_space<vmem>>, vector<1x1x16xf32>,
          %swap3A_321 = vector.shape_cast %swap3A_320 : vector<1x1x16xf32> to vector<16xf32>
          %swap3A_322 = vector.shape_cast %mul3A_315 : vector<16xf32> to vector<1x1x16xf32>
          tpu.vector_store %arg11[%swap3A_317, %swap3A_318, %swap3A_319], %swap3A_322 {strides = array<i32>} : memref<2x40x128xf32, #tpu.memory_space<vmem>>, vector<1x1x16xf32>,
          %get3A_323 = arith.constant 1 : i32
          %get3A_324 = arith.index_cast %get3A_323 : i32 to index
          %get3A_325 = arith.index_cast %scan3A_284 : i32 to index
          %get3A_326 = arith.constant 32 : index
          %get3A_327 = tpu.vector_load %arg9[%get3A_324, %get3A_325, %get3A_326] {strides = array<i32>} : memref<2x40x128xf32, #tpu.memory_space<vmem>>, vector<1x1x16xf32>,
          %get3A_328 = vector.shape_cast %get3A_327 : vector<1x1x16xf32> to vector<16xf32>
          %get3A_329 = arith.constant 1 : i32
          %get3A_330 = arith.index_cast %get3A_329 : i32 to index
          %get3A_331 = arith.index_cast %scan3A_284 : i32 to index
          %get3A_332 = arith.constant 32 : index
          %get3A_333 = tpu.vector_load %arg10[%get3A_330, %get3A_331, %get3A_332] {strides = array<i32>} : memref<2x40x128xf32, #tpu.memory_space<vmem>>, vector<1x1x16xf32>,
          %get3A_334 = vector.shape_cast %get3A_333 : vector<1x1x16xf32> to vector<16xf32>
          %mul3A_335 = arith.mulf %get3A_328, %get3A_334 : vector<16xf32>
          %swap3A_336 = arith.constant 1 : i32
          %swap3A_337 = arith.index_cast %swap3A_336 : i32 to index
          %swap3A_338 = arith.index_cast %scan3A_284 : i32 to index
          %swap3A_339 = arith.constant 32 : index
          %swap3A_340 = tpu.vector_load %arg11[%swap3A_337, %swap3A_338, %swap3A_339] {strides = array<i32>} : memref<2x40x128xf32, #tpu.memory_space<vmem>>, vector<1x1x16xf32>,
          %swap3A_341 = vector.shape_cast %swap3A_340 : vector<1x1x16xf32> to vector<16xf32>
          %swap3A_342 = vector.shape_cast %mul3A_335 : vector<16xf32> to vector<1x1x16xf32>
          tpu.vector_store %arg11[%swap3A_337, %swap3A_338, %swap3A_339], %swap3A_342 {strides = array<i32>} : memref<2x40x128xf32, #tpu.memory_space<vmem>>, vector<1x1x16xf32>,
          %get3A_343 = arith.constant 1 : i32
          %get3A_344 = arith.index_cast %get3A_343 : i32 to index
          %get3A_345 = arith.index_cast %scan3A_284 : i32 to index
          %get3A_346 = arith.constant 48 : index
          %get3A_347 = tpu.vector_load %arg9[%get3A_344, %get3A_345, %get3A_346] {strides = array<i32>} : memref<2x40x128xf32, #tpu.memory_space<vmem>>, vector<1x1x16xf32>,
          %get3A_348 = vector.shape_cast %get3A_347 : vector<1x1x16xf32> to vector<16xf32>
          %get3A_349 = arith.constant 1 : i32
          %get3A_350 = arith.index_cast %get3A_349 : i32 to index
          %get3A_351 = arith.index_cast %scan3A_284 : i32 to index
          %get3A_352 = arith.constant 48 : index
          %get3A_353 = tpu.vector_load %arg10[%get3A_350, %get3A_351, %get3A_352] {strides = array<i32>} : memref<2x40x128xf32, #tpu.memory_space<vmem>>, vector<1x1x16xf32>,
          %get3A_354 = vector.shape_cast %get3A_353 : vector<1x1x16xf32> to vector<16xf32>
          %mul3A_355 = arith.mulf %get3A_348, %get3A_354 : vector<16xf32>
          %swap3A_356 = arith.constant 1 : i32
          %swap3A_357 = arith.index_cast %swap3A_356 : i32 to index
          %swap3A_358 = arith.index_cast %scan3A_284 : i32 to index
          %swap3A_359 = arith.constant 48 : index
          %swap3A_360 = tpu.vector_load %arg11[%swap3A_357, %swap3A_358, %swap3A_359] {strides = array<i32>} : memref<2x40x128xf32, #tpu.memory_space<vmem>>, vector<1x1x16xf32>,
          %swap3A_361 = vector.shape_cast %swap3A_360 : vector<1x1x16xf32> to vector<16xf32>
          %swap3A_362 = vector.shape_cast %mul3A_355 : vector<16xf32> to vector<1x1x16xf32>
          tpu.vector_store %arg11[%swap3A_357, %swap3A_358, %swap3A_359], %swap3A_362 {strides = array<i32>} : memref<2x40x128xf32, #tpu.memory_space<vmem>>, vector<1x1x16xf32>,
          %get3A_363 = arith.constant 1 : i32
          %get3A_364 = arith.index_cast %get3A_363 : i32 to index
          %get3A_365 = arith.index_cast %scan3A_284 : i32 to index
          %get3A_366 = arith.constant 64 : index
          %get3A_367 = tpu.vector_load %arg9[%get3A_364, %get3A_365, %get3A_366] {strides = array<i32>} : memref<2x40x128xf32, #tpu.memory_space<vmem>>, vector<1x1x16xf32>,
          %get3A_368 = vector.shape_cast %get3A_367 : vector<1x1x16xf32> to vector<16xf32>
          %get3A_369 = arith.constant 1 : i32
          %get3A_370 = arith.index_cast %get3A_369 : i32 to index
          %get3A_371 = arith.index_cast %scan3A_284 : i32 to index
          %get3A_372 = arith.constant 64 : index
          %get3A_373 = tpu.vector_load %arg10[%get3A_370, %get3A_371, %get3A_372] {strides = array<i32>} : memref<2x40x128xf32, #tpu.memory_space<vmem>>, vector<1x1x16xf32>,
          %get3A_374 = vector.shape_cast %get3A_373 : vector<1x1x16xf32> to vector<16xf32>
          %mul3A_375 = arith.mulf %get3A_368, %get3A_374 : vector<16xf32>
          %swap3A_376 = arith.constant 1 : i32
          %swap3A_377 = arith.index_cast %swap3A_376 : i32 to index
          %swap3A_378 = arith.index_cast %scan3A_284 : i32 to index
          %swap3A_379 = arith.constant 64 : index
          %swap3A_380 = tpu.vector_load %arg11[%swap3A_377, %swap3A_378, %swap3A_379] {strides = array<i32>} : memref<2x40x128xf32, #tpu.memory_space<vmem>>, vector<1x1x16xf32>,
          %swap3A_381 = vector.shape_cast %swap3A_380 : vector<1x1x16xf32> to vector<16xf32>
          %swap3A_382 = vector.shape_cast %mul3A_375 : vector<16xf32> to vector<1x1x16xf32>
          tpu.vector_store %arg11[%swap3A_377, %swap3A_378, %swap3A_379], %swap3A_382 {strides = array<i32>} : memref<2x40x128xf32, #tpu.memory_space<vmem>>, vector<1x1x16xf32>,
          %get3A_383 = arith.constant 1 : i32
          %get3A_384 = arith.index_cast %get3A_383 : i32 to index
          %get3A_385 = arith.index_cast %scan3A_284 : i32 to index
          %get3A_386 = arith.constant 80 : index
          %get3A_387 = tpu.vector_load %arg9[%get3A_384, %get3A_385, %get3A_386] {strides = array<i32>} : memref<2x40x128xf32, #tpu.memory_space<vmem>>, vector<1x1x16xf32>,
          %get3A_388 = vector.shape_cast %get3A_387 : vector<1x1x16xf32> to vector<16xf32>
          %get3A_389 = arith.constant 1 : i32
          %get3A_390 = arith.index_cast %get3A_389 : i32 to index
          %get3A_391 = arith.index_cast %scan3A_284 : i32 to index
          %get3A_392 = arith.constant 80 : index
          %get3A_393 = tpu.vector_load %arg10[%get3A_390, %get3A_391, %get3A_392] {strides = array<i32>} : memref<2x40x128xf32, #tpu.memory_space<vmem>>, vector<1x1x16xf32>,
          %get3A_394 = vector.shape_cast %get3A_393 : vector<1x1x16xf32> to vector<16xf32>
          %mul3A_395 = arith.mulf %get3A_388, %get3A_394 : vector<16xf32>
          %swap3A_396 = arith.constant 1 : i32
          %swap3A_397 = arith.index_cast %swap3A_396 : i32 to index
          %swap3A_398 = arith.index_cast %scan3A_284 : i32 to index
          %swap3A_399 = arith.constant 80 : index
          %swap3A_400 = tpu.vector_load %arg11[%swap3A_397, %swap3A_398, %swap3A_399] {strides = array<i32>} : memref<2x40x128xf32, #tpu.memory_space<vmem>>, vector<1x1x16xf32>,
          %swap3A_401 = vector.shape_cast %swap3A_400 : vector<1x1x16xf32> to vector<16xf32>
          %swap3A_402 = vector.shape_cast %mul3A_395 : vector<16xf32> to vector<1x1x16xf32>
          tpu.vector_store %arg11[%swap3A_397, %swap3A_398, %swap3A_399], %swap3A_402 {strides = array<i32>} : memref<2x40x128xf32, #tpu.memory_space<vmem>>, vector<1x1x16xf32>,
          %get3A_403 = arith.constant 1 : i32
          %get3A_404 = arith.index_cast %get3A_403 : i32 to index
          %get3A_405 = arith.index_cast %scan3A_284 : i32 to index
          %get3A_406 = arith.constant 96 : index
          %get3A_407 = tpu.vector_load %arg9[%get3A_404, %get3A_405, %get3A_406] {strides = array<i32>} : memref<2x40x128xf32, #tpu.memory_space<vmem>>, vector<1x1x16xf32>,
          %get3A_408 = vector.shape_cast %get3A_407 : vector<1x1x16xf32> to vector<16xf32>
          %get3A_409 = arith.constant 1 : i32
          %get3A_410 = arith.index_cast %get3A_409 : i32 to index
          %get3A_411 = arith.index_cast %scan3A_284 : i32 to index
          %get3A_412 = arith.constant 96 : index
          %get3A_413 = tpu.vector_load %arg10[%get3A_410, %get3A_411, %get3A_412] {strides = array<i32>} : memref<2x40x128xf32, #tpu.memory_space<vmem>>, vector<1x1x16xf32>,
          %get3A_414 = vector.shape_cast %get3A_413 : vector<1x1x16xf32> to vector<16xf32>
          %mul3A_415 = arith.mulf %get3A_408, %get3A_414 : vector<16xf32>
          %swap3A_416 = arith.constant 1 : i32
          %swap3A_417 = arith.index_cast %swap3A_416 : i32 to index
          %swap3A_418 = arith.index_cast %scan3A_284 : i32 to index
          %swap3A_419 = arith.constant 96 : index
          %swap3A_420 = tpu.vector_load %arg11[%swap3A_417, %swap3A_418, %swap3A_419] {strides = array<i32>} : memref<2x40x128xf32, #tpu.memory_space<vmem>>, vector<1x1x16xf32>,
          %swap3A_421 = vector.shape_cast %swap3A_420 : vector<1x1x16xf32> to vector<16xf32>
          %swap3A_422 = vector.shape_cast %mul3A_415 : vector<16xf32> to vector<1x1x16xf32>
          tpu.vector_store %arg11[%swap3A_417, %swap3A_418, %swap3A_419], %swap3A_422 {strides = array<i32>} : memref<2x40x128xf32, #tpu.memory_space<vmem>>, vector<1x1x16xf32>,
          %get3A_423 = arith.constant 1 : i32
          %get3A_424 = arith.index_cast %get3A_423 : i32 to index
          %get3A_425 = arith.index_cast %scan3A_284 : i32 to index
          %get3A_426 = arith.constant 112 : index
          %get3A_427 = tpu.vector_load %arg9[%get3A_424, %get3A_425, %get3A_426] {strides = array<i32>} : memref<2x40x128xf32, #tpu.memory_space<vmem>>, vector<1x1x16xf32>,
          %get3A_428 = vector.shape_cast %get3A_427 : vector<1x1x16xf32> to vector<16xf32>
          %get3A_429 = arith.constant 1 : i32
          %get3A_430 = arith.index_cast %get3A_429 : i32 to index
          %get3A_431 = arith.index_cast %scan3A_284 : i32 to index
          %get3A_432 = arith.constant 112 : index
          %get3A_433 = tpu.vector_load %arg10[%get3A_430, %get3A_431, %get3A_432] {strides = array<i32>} : memref<2x40x128xf32, #tpu.memory_space<vmem>>, vector<1x1x16xf32>,
          %get3A_434 = vector.shape_cast %get3A_433 : vector<1x1x16xf32> to vector<16xf32>
          %mul3A_435 = arith.mulf %get3A_428, %get3A_434 : vector<16xf32>
          %swap3A_436 = arith.constant 1 : i32
          %swap3A_437 = arith.index_cast %swap3A_436 : i32 to index
          %swap3A_438 = arith.index_cast %scan3A_284 : i32 to index
          %swap3A_439 = arith.constant 112 : index
          %swap3A_440 = tpu.vector_load %arg11[%swap3A_437, %swap3A_438, %swap3A_439] {strides = array<i32>} : memref<2x40x128xf32, #tpu.memory_space<vmem>>, vector<1x1x16xf32>,
          %swap3A_441 = vector.shape_cast %swap3A_440 : vector<1x1x16xf32> to vector<16xf32>
          %swap3A_442 = vector.shape_cast %mul3A_435 : vector<16xf32> to vector<1x1x16xf32>
          tpu.vector_store %arg11[%swap3A_437, %swap3A_438, %swap3A_439], %swap3A_442 {strides = array<i32>} : memref<2x40x128xf32, #tpu.memory_space<vmem>>, vector<1x1x16xf32>,
        }
        %scan3A_252 = arith.constant 40 : i32
        %add3A_253 = arith.constant 2 : i32
        %add3A_254 = arith.addi %add3A_202, %add3A_253 : i32
        %lt3A_255 = arith.constant 165 : i32
        %lt3A_256 = arith.cmpi slt, %add3A_254, %lt3A_255 : i32
        %convert_element_type3A_257 = arith.extui %lt3A_256 : i1 to i32
        %cond3A_258 = arith.constant 0 : i32
        %cond3A_259 = arith.cmpi ne, %convert_element_type3A_257, %cond3A_258 : i32
        scf.if %cond3A_259 {
          %add3A_284 = arith.constant 2 : i32
          %add3A_285 = arith.addi %add3A_202, %add3A_284 : i32
          %add3A_286 = arith.constant 320000 : i32
          %add3A_287 = arith.addi %add3A_286, %add3A_8 : i32
          %mul3A_288 = arith.constant 40 : i32
          %mul3A_289 = arith.muli %add3A_285, %mul3A_288 : i32
          %add3A_290 = arith.addi %add3A_287, %mul3A_289 : i32
          %dma_wait3A_291 = arith.constant 1 : i32
          %dma_wait3A_292 = arith.constant 0 : i32
          %dma_wait3A_293 = tpu.memref_slice %arg7[%dma_wait3A_291, %dma_wait3A_292] : memref<4x40xi32, #tpu.memory_space<vmem>> -> memref<1x40xi32, #tpu.memory_space<vmem>>
          %dma_wait3A_294 = tpu.memref_squeeze %dma_wait3A_293 : memref<1x40xi32, #tpu.memory_space<vmem>> -> memref<40xi32, #tpu.memory_space<vmem>>
          %dma_wait3A_295 = tpu.memref_slice %arg4[%add3A_290] : memref<640000xi32, #tpu.memory_space<hbm>> -> memref<40xi32, #tpu.memory_space<hbm>>
          %dma_wait3A_296 = arith.constant 0 : i32
          %dma_wait3A_297 = tpu.memref_slice %arg7[%dma_wait3A_291, %dma_wait3A_296] : memref<4x40xi32, #tpu.memory_space<vmem>> -> memref<1x40xi32, #tpu.memory_space<vmem>>
          %dma_wait3A_298 = tpu.memref_squeeze %dma_wait3A_297 : memref<1x40xi32, #tpu.memory_space<vmem>> -> memref<40xi32, #tpu.memory_space<vmem>>
          %dma_wait3A_299 = tpu.memref_slice %arg4[%add3A_290] : memref<640000xi32, #tpu.memory_space<hbm>> -> memref<40xi32, #tpu.memory_space<hbm>>
          tpu.wait_dma2 semaphore(%arg20 : memref<!tpu.dma_semaphore, #tpu.memory_space<semaphore_mem>>) src(%dma_wait3A_299 : memref<40xi32, #tpu.memory_space<hbm>>) dst(%dma_wait3A_298 : memref<40xi32, #tpu.memory_space<vmem>>)
          %add3A_300 = arith.constant 2 : i32
          %add3A_301 = arith.addi %add3A_202, %add3A_300 : i32
          %dma_start3A_302 = arith.constant 1 : i32
          %dma_start3A_303 = arith.constant 1 : i32
          %dma_start3A_304 = arith.constant 0 : i32
          %dma_start3A_305 = arith.constant 0 : i32
          %dma_start3A_306 = tpu.memref_slice %arg9[%dma_start3A_303, %dma_start3A_304, %dma_start3A_305] : memref<2x40x128xf32, #tpu.memory_space<vmem>> -> memref<1x40x128xf32, #tpu.memory_space<vmem>>
          %dma_start3A_307 = tpu.memref_squeeze %dma_start3A_306 : memref<1x40x128xf32, #tpu.memory_space<vmem>> -> memref<40x128xf32, #tpu.memory_space<vmem>>
          %dma_start3A_308 = arith.constant 0 : i32
          %dma_start3A_309 = tpu.memref_slice %arg7[%dma_start3A_302, %dma_start3A_308] : memref<4x40xi32, #tpu.memory_space<vmem>> -> memref<1x40xi32, #tpu.memory_space<vmem>>
          %dma_start3A_310 = tpu.memref_squeeze %dma_start3A_309 : memref<1x40xi32, #tpu.memory_space<vmem>> -> memref<40xi32, #tpu.memory_space<vmem>>
          %dma_start3A_311 = arith.constant 0 : i32
          %dma_start3A_312 = arith.constant 0 : i32
          %dma_start3A_313 = tpu.memref_slice %arg2[%dma_start3A_311, %dma_start3A_312] : memref<10000x128xf32, #tpu.memory_space<hbm>> -> memref<10000x128xf32, #tpu.memory_space<hbm>>
          tpu.enqueue_indirect_dma source(%dma_start3A_313 : memref<10000x128xf32, #tpu.memory_space<hbm>>) target(%dma_start3A_307 : memref<40x128xf32, #tpu.memory_space<vmem>>) offsets(%dma_start3A_310 : memref<40xi32, #tpu.memory_space<vmem>>) semaphore(%arg14 : memref<!tpu.dma_semaphore, #tpu.memory_space<semaphore_mem>>)
          %mul3A_314 = arith.constant 40 : i32
          %mul3A_315 = arith.muli %add3A_301, %mul3A_314 : i32
          %add3A_316 = arith.addi %mul3A_10, %mul3A_315 : i32
          %dma_start3A_317 = arith.constant 1 : i32
          %dma_start3A_318 = arith.constant 0 : i32
          %dma_start3A_319 = arith.constant 0 : i32
          %dma_start3A_320 = tpu.memref_slice %arg10[%dma_start3A_317, %dma_start3A_318, %dma_start3A_319] : memref<2x40x128xf32, #tpu.memory_space<vmem>> -> memref<1x40x128xf32, #tpu.memory_space<vmem>>
          %dma_start3A_321 = tpu.memref_squeeze %dma_start3A_320 : memref<1x40x128xf32, #tpu.memory_space<vmem>> -> memref<40x128xf32, #tpu.memory_space<vmem>>
          %dma_start3A_322 = arith.constant 0 : i32
          %dma_start3A_323 = tpu.memref_slice %arg3[%add3A_316, %dma_start3A_322] : memref<211200x128xf32, #tpu.memory_space<hbm>> -> memref<40x128xf32, #tpu.memory_space<hbm>>
          %dma_start3A_324 = arith.constant 0 : i32
          %dma_start3A_325 = arith.constant 0 : i32
          %dma_start3A_326 = tpu.memref_slice %arg10[%dma_start3A_317, %dma_start3A_324, %dma_start3A_325] : memref<2x40x128xf32, #tpu.memory_space<vmem>> -> memref<1x40x128xf32, #tpu.memory_space<vmem>>
          %dma_start3A_327 = tpu.memref_squeeze %dma_start3A_326 : memref<1x40x128xf32, #tpu.memory_space<vmem>> -> memref<40x128xf32, #tpu.memory_space<vmem>>
          %dma_start3A_328 = arith.constant 0 : i32
          %dma_start3A_329 = tpu.memref_slice %arg3[%add3A_316, %dma_start3A_328] : memref<211200x128xf32, #tpu.memory_space<hbm>> -> memref<40x128xf32, #tpu.memory_space<hbm>>
          tpu.enqueue_dma source(%dma_start3A_329 : memref<40x128xf32, #tpu.memory_space<hbm>>) target(%dma_start3A_327 : memref<40x128xf32, #tpu.memory_space<vmem>>) target_semaphore(%arg16 : memref<!tpu.dma_semaphore, #tpu.memory_space<semaphore_mem>>)
        } else {
        }
        %mul3A_260 = arith.constant 40 : i32
        %mul3A_261 = arith.muli %add3A_202, %mul3A_260 : i32
        %add3A_262 = arith.addi %add3A_8, %mul3A_261 : i32
        %dma_wait3A_263 = arith.constant 3 : i32
        %dma_wait3A_264 = arith.constant 0 : i32
        %dma_wait3A_265 = tpu.memref_slice %arg8[%dma_wait3A_263, %dma_wait3A_264] : memref<4x40xi32, #tpu.memory_space<vmem>> -> memref<1x40xi32, #tpu.memory_space<vmem>>
        %dma_wait3A_266 = tpu.memref_squeeze %dma_wait3A_265 : memref<1x40xi32, #tpu.memory_space<vmem>> -> memref<40xi32, #tpu.memory_space<vmem>>
        %dma_wait3A_267 = tpu.memref_slice %arg4[%add3A_262] : memref<640000xi32, #tpu.memory_space<hbm>> -> memref<40xi32, #tpu.memory_space<hbm>>
        %dma_wait3A_268 = arith.constant 0 : i32
        %dma_wait3A_269 = tpu.memref_slice %arg8[%dma_wait3A_263, %dma_wait3A_268] : memref<4x40xi32, #tpu.memory_space<vmem>> -> memref<1x40xi32, #tpu.memory_space<vmem>>
        %dma_wait3A_270 = tpu.memref_squeeze %dma_wait3A_269 : memref<1x40xi32, #tpu.memory_space<vmem>> -> memref<40xi32, #tpu.memory_space<vmem>>
        %dma_wait3A_271 = tpu.memref_slice %arg4[%add3A_262] : memref<640000xi32, #tpu.memory_space<hbm>> -> memref<40xi32, #tpu.memory_space<hbm>>
        tpu.wait_dma2 semaphore(%arg26 : memref<!tpu.dma_semaphore, #tpu.memory_space<semaphore_mem>>) src(%dma_wait3A_271 : memref<40xi32, #tpu.memory_space<hbm>>) dst(%dma_wait3A_270 : memref<40xi32, #tpu.memory_space<vmem>>)
        %dma_start3A_272 = arith.constant 1 : i32
        %dma_start3A_273 = arith.constant 3 : i32
        %dma_start3A_274 = arith.constant 0 : i32
        %dma_start3A_275 = arith.constant 0 : i32
        %dma_start3A_276 = tpu.memref_slice %arg11[%dma_start3A_272, %dma_start3A_274, %dma_start3A_275] : memref<2x40x128xf32, #tpu.memory_space<vmem>> -> memref<1x40x128xf32, #tpu.memory_space<vmem>>
        %dma_start3A_277 = tpu.memref_squeeze %dma_start3A_276 : memref<1x40x128xf32, #tpu.memory_space<vmem>> -> memref<40x128xf32, #tpu.memory_space<vmem>>
        %dma_start3A_278 = arith.constant 0 : i32
        %dma_start3A_279 = tpu.memref_slice %arg8[%dma_start3A_273, %dma_start3A_278] : memref<4x40xi32, #tpu.memory_space<vmem>> -> memref<1x40xi32, #tpu.memory_space<vmem>>
        %dma_start3A_280 = tpu.memref_squeeze %dma_start3A_279 : memref<1x40xi32, #tpu.memory_space<vmem>> -> memref<40xi32, #tpu.memory_space<vmem>>
        %dma_start3A_281 = arith.constant 0 : i32
        %dma_start3A_282 = arith.constant 0 : i32
        %dma_start3A_283 = tpu.memref_slice %arg12[%dma_start3A_281, %dma_start3A_282] : memref<10000x128xf32, #tpu.memory_space<vmem_shared>> -> memref<10000x128xf32, #tpu.memory_space<vmem_shared>>
        tpu.enqueue_indirect_dma source(%dma_start3A_277 : memref<40x128xf32, #tpu.memory_space<vmem>>) target(%dma_start3A_283 : memref<10000x128xf32, #tpu.memory_space<vmem_shared>>) offsets(%dma_start3A_280 : memref<40xi32, #tpu.memory_space<vmem>>) semaphore(%arg18 : memref<!tpu.dma_semaphore, #tpu.memory_space<semaphore_mem>>) {add = true}
      } else {
      }
    }
    %scan3A_141 = arith.constant 42 : i32
    %dma_wait3A_142 = arith.constant 0 : i32
    %dma_wait3A_143 = arith.constant 3 : i32
    %dma_wait3A_144 = arith.constant 0 : i32
    %dma_wait3A_145 = arith.constant 0 : i32
    %dma_wait3A_146 = tpu.memref_slice %arg11[%dma_wait3A_142, %dma_wait3A_144, %dma_wait3A_145] : memref<2x40x128xf32, #tpu.memory_space<vmem>> -> memref<1x40x128xf32, #tpu.memory_space<vmem>>
    %dma_wait3A_147 = tpu.memref_squeeze %dma_wait3A_146 : memref<1x40x128xf32, #tpu.memory_space<vmem>> -> memref<40x128xf32, #tpu.memory_space<vmem>>
    %dma_wait3A_148 = arith.constant 0 : i32
    %dma_wait3A_149 = tpu.memref_slice %arg8[%dma_wait3A_143, %dma_wait3A_148] : memref<4x40xi32, #tpu.memory_space<vmem>> -> memref<1x40xi32, #tpu.memory_space<vmem>>
    %dma_wait3A_150 = tpu.memref_squeeze %dma_wait3A_149 : memref<1x40xi32, #tpu.memory_space<vmem>> -> memref<40xi32, #tpu.memory_space<vmem>>
    %dma_wait3A_151 = arith.constant 0 : i32
    %dma_wait3A_152 = arith.constant 0 : i32
    %dma_wait3A_153 = tpu.memref_slice %arg12[%dma_wait3A_151, %dma_wait3A_152] : memref<10000x128xf32, #tpu.memory_space<vmem_shared>> -> memref<10000x128xf32, #tpu.memory_space<vmem_shared>>
    tpu.wait_indirect_dma semaphore(%arg17 : memref<!tpu.dma_semaphore, #tpu.memory_space<semaphore_mem>>) src(%dma_wait3A_147 : memref<40x128xf32, #tpu.memory_space<vmem>>) dst(%dma_wait3A_153 : memref<10000x128xf32, #tpu.memory_space<vmem_shared>>)
    %dma_wait3A_154 = arith.constant 1 : i32
    %dma_wait3A_155 = arith.constant 0 : i32
    %dma_wait3A_156 = arith.constant 0 : i32
    %dma_wait3A_157 = arith.constant 0 : i32
    %dma_wait3A_158 = tpu.memref_slice %arg11[%dma_wait3A_154, %dma_wait3A_156, %dma_wait3A_157] : memref<2x40x128xf32, #tpu.memory_space<vmem>> -> memref<1x40x128xf32, #tpu.memory_space<vmem>>
    %dma_wait3A_159 = tpu.memref_squeeze %dma_wait3A_158 : memref<1x40x128xf32, #tpu.memory_space<vmem>> -> memref<40x128xf32, #tpu.memory_space<vmem>>
    %dma_wait3A_160 = arith.constant 0 : i32
    %dma_wait3A_161 = tpu.memref_slice %arg8[%dma_wait3A_155, %dma_wait3A_160] : memref<4x40xi32, #tpu.memory_space<vmem>> -> memref<1x40xi32, #tpu.memory_space<vmem>>
    %dma_wait3A_162 = tpu.memref_squeeze %dma_wait3A_161 : memref<1x40xi32, #tpu.memory_space<vmem>> -> memref<40xi32, #tpu.memory_space<vmem>>
    %dma_wait3A_163 = arith.constant 0 : i32
    %dma_wait3A_164 = arith.constant 0 : i32
    %dma_wait3A_165 = tpu.memref_slice %arg12[%dma_wait3A_163, %dma_wait3A_164] : memref<10000x128xf32, #tpu.memory_space<vmem_shared>> -> memref<10000x128xf32, #tpu.memory_space<vmem_shared>>
    tpu.wait_indirect_dma semaphore(%arg18 : memref<!tpu.dma_semaphore, #tpu.memory_space<semaphore_mem>>) src(%dma_wait3A_159 : memref<40x128xf32, #tpu.memory_space<vmem>>) dst(%dma_wait3A_165 : memref<10000x128xf32, #tpu.memory_space<vmem_shared>>)
    %barrier3A_166 = arith.constant 0 : index
    tpu.barrier barrier_id(%barrier3A_166)
    "tpu.region"() ({
      %run_scoped3A = tpu.sem_alloc : memref<!tpu.dma_semaphore, #tpu.memory_space<semaphore_mem>>
      %dma_start3A_172 = arith.constant 0 : i32
      %dma_start3A_173 = tpu.memref_slice %arg6[%arg0, %mul3A_2, %dma_start3A_172] : memref<2x10000x128xf32, #tpu.memory_space<hbm>> -> memref<1x624x128xf32, #tpu.memory_space<hbm>>
      %dma_start3A_174 = tpu.memref_squeeze %dma_start3A_173 : memref<1x624x128xf32, #tpu.memory_space<hbm>> -> memref<624x128xf32, #tpu.memory_space<hbm>>
      %dma_start3A_175 = arith.constant 0 : i32
      %dma_start3A_176 = tpu.memref_slice %arg12[%mul3A_2, %dma_start3A_175] : memref<10000x128xf32, #tpu.memory_space<vmem_shared>> -> memref<624x128xf32, #tpu.memory_space<vmem_shared>>
      tpu.enqueue_dma source(%dma_start3A_176 : memref<624x128xf32, #tpu.memory_space<vmem_shared>>) target(%dma_start3A_174 : memref<624x128xf32, #tpu.memory_space<hbm>>) target_semaphore(%run_scoped3A : memref<!tpu.dma_semaphore, #tpu.memory_space<semaphore_mem>>)
      %dma_wait3A_177 = arith.constant 0 : i32
      %dma_wait3A_178 = tpu.memref_slice %arg6[%arg0, %mul3A_2, %dma_wait3A_177] : memref<2x10000x128xf32, #tpu.memory_space<hbm>> -> memref<1x624x128xf32, #tpu.memory_space<hbm>>
      %dma_wait3A_179 = tpu.memref_squeeze %dma_wait3A_178 : memref<1x624x128xf32, #tpu.memory_space<hbm>> -> memref<624x128xf32, #tpu.memory_space<hbm>>
      %dma_wait3A_180 = arith.constant 0 : i32
      %dma_wait3A_181 = tpu.memref_slice %arg12[%mul3A_2, %dma_wait3A_180] : memref<10000x128xf32, #tpu.memory_space<vmem_shared>> -> memref<624x128xf32, #tpu.memory_space<vmem_shared>>
      tpu.wait_dma2 semaphore(%run_scoped3A : memref<!tpu.dma_semaphore, #tpu.memory_space<semaphore_mem>>) src(%dma_wait3A_181 : memref<624x128xf32, #tpu.memory_space<vmem_shared>>) dst(%dma_wait3A_179 : memref<624x128xf32, #tpu.memory_space<hbm>>)
      tpu.yield
    }) : () -> ()
    %eq3A_167 = arith.constant 15 : i32
    %eq3A_168 = arith.cmpi eq, %arg1, %eq3A_167 : i32
    %convert_element_type3A_169 = arith.extui %eq3A_168 : i1 to i32
    %cond3A_170 = arith.constant 0 : i32
    %cond3A_171 = arith.cmpi ne, %convert_element_type3A_169, %cond3A_170 : i32
    scf.if %cond3A_171 {
      "tpu.region"() ({
        %run_scoped3A = tpu.sem_alloc : memref<!tpu.dma_semaphore, #tpu.memory_space<semaphore_mem>>
        %dma_start3A_172 = arith.constant 9984 : i32
        %dma_start3A_173 = arith.constant 0 : i32
        %dma_start3A_174 = tpu.memref_slice %arg6[%arg0, %dma_start3A_172, %dma_start3A_173] : memref<2x10000x128xf32, #tpu.memory_space<hbm>> -> memref<1x16x128xf32, #tpu.memory_space<hbm>>
        %dma_start3A_175 = tpu.memref_squeeze %dma_start3A_174 : memref<1x16x128xf32, #tpu.memory_space<hbm>> -> memref<16x128xf32, #tpu.memory_space<hbm>>
        %dma_start3A_176 = arith.constant 9984 : i32
        %dma_start3A_177 = arith.constant 0 : i32
        %dma_start3A_178 = tpu.memref_slice %arg12[%dma_start3A_176, %dma_start3A_177] : memref<10000x128xf32, #tpu.memory_space<vmem_shared>> -> memref<16x128xf32, #tpu.memory_space<vmem_shared>>
        tpu.enqueue_dma source(%dma_start3A_178 : memref<16x128xf32, #tpu.memory_space<vmem_shared>>) target(%dma_start3A_175 : memref<16x128xf32, #tpu.memory_space<hbm>>) target_semaphore(%run_scoped3A : memref<!tpu.dma_semaphore, #tpu.memory_space<semaphore_mem>>)
        %dma_wait3A_179 = arith.constant 9984 : i32
        %dma_wait3A_180 = arith.constant 0 : i32
        %dma_wait3A_181 = tpu.memref_slice %arg6[%arg0, %dma_wait3A_179, %dma_wait3A_180] : memref<2x10000x128xf32, #tpu.memory_space<hbm>> -> memref<1x16x128xf32, #tpu.memory_space<hbm>>
        %dma_wait3A_182 = tpu.memref_squeeze %dma_wait3A_181 : memref<1x16x128xf32, #tpu.memory_space<hbm>> -> memref<16x128xf32, #tpu.memory_space<hbm>>
        %dma_wait3A_183 = arith.constant 9984 : i32
        %dma_wait3A_184 = arith.constant 0 : i32
        %dma_wait3A_185 = tpu.memref_slice %arg12[%dma_wait3A_183, %dma_wait3A_184] : memref<10000x128xf32, #tpu.memory_space<vmem_shared>> -> memref<16x128xf32, #tpu.memory_space<vmem_shared>>
        tpu.wait_dma2 semaphore(%run_scoped3A : memref<!tpu.dma_semaphore, #tpu.memory_space<semaphore_mem>>) src(%dma_wait3A_185 : memref<16x128xf32, #tpu.memory_space<vmem_shared>>) dst(%dma_wait3A_182 : memref<16x128xf32, #tpu.memory_space<hbm>>)
        tpu.yield
      }) : () -> ()
    } else {
    }
    return
  }
}

module attributes {stable_mosaic.version = 14 : i64} {
  func.func @_x_body(%arg0: memref<10000x128xf32, #tpu.memory_space<vmem>>, %arg1: memref<128x128xf32, #tpu.memory_space<vmem>>, %arg2: memref<10000x128xf32, #tpu.memory_space<vmem>>) attributes {dimension_semantics = [], scalar_prefetch = 0 : i64, scratch_operands = 0 : i64, tpu.core_type = #tpu.core_type<tc>} {
    %get3A = arith.constant 0 : index
    %get3A_0 = arith.constant 0 : index
    %get3A_1 = vector.load %arg0[%get3A, %get3A_0] : memref<10000x128xf32, #tpu.memory_space<vmem>>, vector<10000x128xf32>
    %get3A_2 = arith.constant 0 : index
    %get3A_3 = arith.constant 0 : index
    %get3A_4 = vector.load %arg1[%get3A_2, %get3A_3] : memref<128x128xf32, #tpu.memory_space<vmem>>, vector<128x128xf32>
    %dot_general3A = arith.constant dense<0.000000e+00> : vector<10000x128xf32>
    %dot_general3A_5 = tpu.matmul %get3A_1, %get3A_4, %dot_general3A {dimension_numbers = #tpu.dot_dimension_numbers<[1], [0], [0], [1], [0, 0, 1, 1], [], []>, transpose_lhs_hint = false} : vector<10000x128xf32>, vector<128x128xf32>, vector<10000x128xf32> -> vector<10000x128xf32>
    %swap3A = arith.constant 0 : index
    %swap3A_6 = arith.constant 0 : index
    %swap3A_7 = vector.load %arg2[%swap3A, %swap3A_6] : memref<10000x128xf32, #tpu.memory_space<vmem>>, vector<10000x128xf32>
    tpu.vector_store %arg2[%swap3A, %swap3A_6], %dot_general3A_5 {strides = array<i32>} : memref<10000x128xf32, #tpu.memory_space<vmem>>, vector<10000x128xf32>,
    return
  }
}

module attributes {stable_mosaic.version = 14 : i64} {
  func.func @_g_body(%arg0: i32, %arg1: memref<16x3200xf32, #tpu.memory_space<vmem>>, %arg2: memref<16x3200xf32, #tpu.memory_space<vmem>>, %arg3: memref<8x16xf32, #tpu.memory_space<vmem>>, %arg4: memref<128x8xf32, #tpu.memory_space<vmem>>, %arg5: memref<128x16xf32, #tpu.memory_space<vmem>>, %arg6: memref<128x128xf32, #tpu.memory_space<vmem>>, %arg7: memref<3200x128xf32, #tpu.memory_space<vmem>>) attributes {dimension_semantics = [#tpu.dimension_semantics<arbitrary>], iteration_bounds = array<i64: 34>, scalar_prefetch = 0 : i64, scratch_operands = 0 : i64, tpu.core_type = #tpu.core_type<tc>, window_params = [{transform_indices = @transform_0, window_bounds = array<i64: 16, 3200>}, {transform_indices = @transform_1, window_bounds = array<i64: 16, 3200>}, {pipeline_mode = #tpu.pipeline_mode<synchronous>, transform_indices = @transform_2, window_bounds = array<i64: 8, 16>}, {pipeline_mode = #tpu.pipeline_mode<synchronous>, transform_indices = @transform_3, window_bounds = array<i64: 128, 8>}, {pipeline_mode = #tpu.pipeline_mode<synchronous>, transform_indices = @transform_4, window_bounds = array<i64: 128, 16>}, {pipeline_mode = #tpu.pipeline_mode<synchronous>, transform_indices = @transform_5, window_bounds = array<i64: 128, 128>}, {transform_indices = @transform_6, window_bounds = array<i64: 3200, 128>}]} {
    %get3A = arith.constant 0 : index
    %get3A_0 = arith.constant 0 : index
    %get3A_1 = vector.load %arg3[%get3A, %get3A_0] : memref<8x16xf32, #tpu.memory_space<vmem>>, vector<8x16xf32>
    %get3A_2 = arith.constant 0 : index
    %get3A_3 = arith.constant 0 : index
    %get3A_4 = vector.load %arg1[%get3A_2, %get3A_3] : memref<16x3200xf32, #tpu.memory_space<vmem>>, vector<16x3200xf32>
    %dot_general3A = arith.constant dense<0.000000e+00> : vector<8x3200xf32>
    %dot_general3A_5 = tpu.matmul %get3A_1, %get3A_4, %dot_general3A {dimension_numbers = #tpu.dot_dimension_numbers<[1], [0], [0], [1], [0, 0, 1, 1], [], []>, transpose_lhs_hint = false} : vector<8x16xf32>, vector<16x3200xf32>, vector<8x3200xf32> -> vector<8x3200xf32>
    %max3A = arith.constant 0.000000e+00 : f32
    %max3A_6 = vector.broadcast %max3A : f32 to vector<8x3200xf32>
    %max3A_7 = arith.maximumf %dot_general3A_5, %max3A_6 : vector<8x3200xf32>
    %abs3A = math.absf %dot_general3A_5 : vector<8x3200xf32>
    %neg3A = arith.constant 0.000000e+00 : f32
    %neg3A_8 = vector.broadcast %neg3A : f32 to vector<8x3200xf32>
    %neg3A_9 = arith.subf %neg3A_8, %abs3A : vector<8x3200xf32>
    %exp3A = math.exp %neg3A_9 : vector<8x3200xf32>
    %add3A = arith.constant 1.000000e+00 : f32
    %add3A_10 = vector.broadcast %add3A : f32 to vector<8x3200xf32>
    %add3A_11 = arith.addf %add3A_10, %exp3A : vector<8x3200xf32>
    %log3A = math.log %add3A_11 : vector<8x3200xf32>
    %add3A_12 = arith.addf %max3A_7, %log3A : vector<8x3200xf32>
    %sub3A = arith.constant 0.693147182 : f32
    %sub3A_13 = vector.broadcast %sub3A : f32 to vector<8x3200xf32>
    %sub3A_14 = arith.subf %add3A_12, %sub3A_13 : vector<8x3200xf32>
    %get3A_15 = arith.constant 0 : index
    %get3A_16 = arith.constant 0 : index
    %get3A_17 = vector.load %arg4[%get3A_15, %get3A_16] : memref<128x8xf32, #tpu.memory_space<vmem>>, vector<128x8xf32>
    %dot_general3A_18 = arith.constant dense<0.000000e+00> : vector<128x3200xf32>
    %dot_general3A_19 = tpu.matmul %get3A_17, %sub3A_14, %dot_general3A_18 {dimension_numbers = #tpu.dot_dimension_numbers<[1], [0], [0], [1], [0, 0, 1, 1], [], []>, transpose_lhs_hint = false} : vector<128x8xf32>, vector<8x3200xf32>, vector<128x3200xf32> -> vector<128x3200xf32>
    %get3A_20 = arith.constant 0 : index
    %get3A_21 = arith.constant 0 : index
    %get3A_22 = vector.load %arg5[%get3A_20, %get3A_21] : memref<128x16xf32, #tpu.memory_space<vmem>>, vector<128x16xf32>
    %get3A_23 = arith.constant 0 : index
    %get3A_24 = arith.constant 0 : index
    %get3A_25 = vector.load %arg2[%get3A_23, %get3A_24] : memref<16x3200xf32, #tpu.memory_space<vmem>>, vector<16x3200xf32>
    %dot_general3A_26 = arith.constant dense<0.000000e+00> : vector<128x3200xf32>
    %dot_general3A_27 = tpu.matmul %get3A_22, %get3A_25, %dot_general3A_26 {dimension_numbers = #tpu.dot_dimension_numbers<[1], [0], [0], [1], [0, 0, 1, 1], [], []>, transpose_lhs_hint = false} : vector<128x16xf32>, vector<16x3200xf32>, vector<128x3200xf32> -> vector<128x3200xf32>
    %mul3A = arith.mulf %dot_general3A_19, %dot_general3A_27 : vector<128x3200xf32>
    %get3A_28 = arith.constant 0 : index
    %get3A_29 = arith.constant 0 : index
    %get3A_30 = vector.load %arg6[%get3A_28, %get3A_29] : memref<128x128xf32, #tpu.memory_space<vmem>>, vector<128x128xf32>
    %dot_general3A_31 = arith.constant dense<0.000000e+00> : vector<3200x128xf32>
    %dot_general3A_32 = tpu.matmul %mul3A, %get3A_30, %dot_general3A_31 {dimension_numbers = #tpu.dot_dimension_numbers<[0], [0], [1], [1], [0, 1, 1, 1], [], []>, transpose_lhs_hint = false} : vector<128x3200xf32>, vector<128x128xf32>, vector<3200x128xf32> -> vector<3200x128xf32>
    %swap3A = arith.constant 0 : index
    %swap3A_33 = arith.constant 0 : index
    %swap3A_34 = vector.load %arg7[%swap3A, %swap3A_33] : memref<3200x128xf32, #tpu.memory_space<vmem>>, vector<3200x128xf32>
    tpu.vector_store %arg7[%swap3A, %swap3A_33], %dot_general3A_32 {strides = array<i32>} : memref<3200x128xf32, #tpu.memory_space<vmem>>, vector<3200x128xf32>,
    return
  }
  func.func @transform_0(%arg0: i32) -> (i32, i32) {
    %add3A = arith.constant 0 : i32
    %add3A_0 = arith.addi %add3A, %arg0 : i32
    %c0_i32 = arith.constant 0 : i32
    %c0_i32_1 = arith.constant 0 : i32
    return %c0_i32, %add3A_0 : i32, i32
  }
  func.func @transform_1(%arg0: i32) -> (i32, i32) {
    %add3A = arith.constant 0 : i32
    %add3A_0 = arith.addi %add3A, %arg0 : i32
    %c0_i32 = arith.constant 0 : i32
    %c0_i32_1 = arith.constant 0 : i32
    return %c0_i32, %add3A_0 : i32, i32
  }
  func.func @transform_2(%arg0: i32) -> (i32, i32) {
    %c0_i32 = arith.constant 0 : i32
    %c0_i32_0 = arith.constant 0 : i32
    %c0_i32_1 = arith.constant 0 : i32
    return %c0_i32, %c0_i32_0 : i32, i32
  }
  func.func @transform_3(%arg0: i32) -> (i32, i32) {
    %c0_i32 = arith.constant 0 : i32
    %c0_i32_0 = arith.constant 0 : i32
    %c0_i32_1 = arith.constant 0 : i32
    return %c0_i32, %c0_i32_0 : i32, i32
  }
  func.func @transform_4(%arg0: i32) -> (i32, i32) {
    %c0_i32 = arith.constant 0 : i32
    %c0_i32_0 = arith.constant 0 : i32
    %c0_i32_1 = arith.constant 0 : i32
    return %c0_i32, %c0_i32_0 : i32, i32
  }
  func.func @transform_5(%arg0: i32) -> (i32, i32) {
    %c0_i32 = arith.constant 0 : i32
    %c0_i32_0 = arith.constant 0 : i32
    %c0_i32_1 = arith.constant 0 : i32
    return %c0_i32, %c0_i32_0 : i32, i32
  }
  func.func @transform_6(%arg0: i32) -> (i32, i32) {
    %c0_i32 = arith.constant 0 : i32
    %c0_i32_0 = arith.constant 0 : i32
    return %arg0, %c0_i32 : i32, i32
  }
}

module attributes {stable_mosaic.version = 14 : i64} {
  func.func @_g_body(%arg0: i32, %arg1: memref<16x3200xf32, #tpu.memory_space<vmem>>, %arg2: memref<16x3200xf32, #tpu.memory_space<vmem>>, %arg3: memref<8x16xf32, #tpu.memory_space<vmem>>, %arg4: memref<128x8xf32, #tpu.memory_space<vmem>>, %arg5: memref<128x16xf32, #tpu.memory_space<vmem>>, %arg6: memref<128x128xf32, #tpu.memory_space<vmem>>, %arg7: memref<3200x128xf32, #tpu.memory_space<vmem>>) attributes {dimension_semantics = [#tpu.dimension_semantics<arbitrary>], iteration_bounds = array<i64: 66>, scalar_prefetch = 0 : i64, scratch_operands = 0 : i64, tpu.core_type = #tpu.core_type<tc>, window_params = [{transform_indices = @transform_0, window_bounds = array<i64: 16, 3200>}, {transform_indices = @transform_1, window_bounds = array<i64: 16, 3200>}, {pipeline_mode = #tpu.pipeline_mode<synchronous>, transform_indices = @transform_2, window_bounds = array<i64: 8, 16>}, {pipeline_mode = #tpu.pipeline_mode<synchronous>, transform_indices = @transform_3, window_bounds = array<i64: 128, 8>}, {pipeline_mode = #tpu.pipeline_mode<synchronous>, transform_indices = @transform_4, window_bounds = array<i64: 128, 16>}, {pipeline_mode = #tpu.pipeline_mode<synchronous>, transform_indices = @transform_5, window_bounds = array<i64: 128, 128>}, {transform_indices = @transform_6, window_bounds = array<i64: 3200, 128>}]} {
    %get3A = arith.constant 0 : index
    %get3A_0 = arith.constant 0 : index
    %get3A_1 = vector.load %arg3[%get3A, %get3A_0] : memref<8x16xf32, #tpu.memory_space<vmem>>, vector<8x16xf32>
    %get3A_2 = arith.constant 0 : index
    %get3A_3 = arith.constant 0 : index
    %get3A_4 = vector.load %arg1[%get3A_2, %get3A_3] : memref<16x3200xf32, #tpu.memory_space<vmem>>, vector<16x3200xf32>
    %dot_general3A = arith.constant dense<0.000000e+00> : vector<8x3200xf32>
    %dot_general3A_5 = tpu.matmul %get3A_1, %get3A_4, %dot_general3A {dimension_numbers = #tpu.dot_dimension_numbers<[1], [0], [0], [1], [0, 0, 1, 1], [], []>, transpose_lhs_hint = false} : vector<8x16xf32>, vector<16x3200xf32>, vector<8x3200xf32> -> vector<8x3200xf32>
    %max3A = arith.constant 0.000000e+00 : f32
    %max3A_6 = vector.broadcast %max3A : f32 to vector<8x3200xf32>
    %max3A_7 = arith.maximumf %dot_general3A_5, %max3A_6 : vector<8x3200xf32>
    %abs3A = math.absf %dot_general3A_5 : vector<8x3200xf32>
    %neg3A = arith.constant 0.000000e+00 : f32
    %neg3A_8 = vector.broadcast %neg3A : f32 to vector<8x3200xf32>
    %neg3A_9 = arith.subf %neg3A_8, %abs3A : vector<8x3200xf32>
    %exp3A = math.exp %neg3A_9 : vector<8x3200xf32>
    %add3A = arith.constant 1.000000e+00 : f32
    %add3A_10 = vector.broadcast %add3A : f32 to vector<8x3200xf32>
    %add3A_11 = arith.addf %add3A_10, %exp3A : vector<8x3200xf32>
    %log3A = math.log %add3A_11 : vector<8x3200xf32>
    %add3A_12 = arith.addf %max3A_7, %log3A : vector<8x3200xf32>
    %sub3A = arith.constant 0.693147182 : f32
    %sub3A_13 = vector.broadcast %sub3A : f32 to vector<8x3200xf32>
    %sub3A_14 = arith.subf %add3A_12, %sub3A_13 : vector<8x3200xf32>
    %get3A_15 = arith.constant 0 : index
    %get3A_16 = arith.constant 0 : index
    %get3A_17 = vector.load %arg4[%get3A_15, %get3A_16] : memref<128x8xf32, #tpu.memory_space<vmem>>, vector<128x8xf32>
    %dot_general3A_18 = arith.constant dense<0.000000e+00> : vector<128x3200xf32>
    %dot_general3A_19 = tpu.matmul %get3A_17, %sub3A_14, %dot_general3A_18 {dimension_numbers = #tpu.dot_dimension_numbers<[1], [0], [0], [1], [0, 0, 1, 1], [], []>, transpose_lhs_hint = false} : vector<128x8xf32>, vector<8x3200xf32>, vector<128x3200xf32> -> vector<128x3200xf32>
    %get3A_20 = arith.constant 0 : index
    %get3A_21 = arith.constant 0 : index
    %get3A_22 = vector.load %arg5[%get3A_20, %get3A_21] : memref<128x16xf32, #tpu.memory_space<vmem>>, vector<128x16xf32>
    %get3A_23 = arith.constant 0 : index
    %get3A_24 = arith.constant 0 : index
    %get3A_25 = vector.load %arg2[%get3A_23, %get3A_24] : memref<16x3200xf32, #tpu.memory_space<vmem>>, vector<16x3200xf32>
    %dot_general3A_26 = arith.constant dense<0.000000e+00> : vector<128x3200xf32>
    %dot_general3A_27 = tpu.matmul %get3A_22, %get3A_25, %dot_general3A_26 {dimension_numbers = #tpu.dot_dimension_numbers<[1], [0], [0], [1], [0, 0, 1, 1], [], []>, transpose_lhs_hint = false} : vector<128x16xf32>, vector<16x3200xf32>, vector<128x3200xf32> -> vector<128x3200xf32>
    %mul3A = arith.mulf %dot_general3A_19, %dot_general3A_27 : vector<128x3200xf32>
    %get3A_28 = arith.constant 0 : index
    %get3A_29 = arith.constant 0 : index
    %get3A_30 = vector.load %arg6[%get3A_28, %get3A_29] : memref<128x128xf32, #tpu.memory_space<vmem>>, vector<128x128xf32>
    %dot_general3A_31 = arith.constant dense<0.000000e+00> : vector<3200x128xf32>
    %dot_general3A_32 = tpu.matmul %mul3A, %get3A_30, %dot_general3A_31 {dimension_numbers = #tpu.dot_dimension_numbers<[0], [0], [1], [1], [0, 1, 1, 1], [], []>, transpose_lhs_hint = false} : vector<128x3200xf32>, vector<128x128xf32>, vector<3200x128xf32> -> vector<3200x128xf32>
    %swap3A = arith.constant 0 : index
    %swap3A_33 = arith.constant 0 : index
    %swap3A_34 = vector.load %arg7[%swap3A, %swap3A_33] : memref<3200x128xf32, #tpu.memory_space<vmem>>, vector<3200x128xf32>
    tpu.vector_store %arg7[%swap3A, %swap3A_33], %dot_general3A_32 {strides = array<i32>} : memref<3200x128xf32, #tpu.memory_space<vmem>>, vector<3200x128xf32>,
    return
  }
  func.func @transform_0(%arg0: i32) -> (i32, i32) {
    %add3A = arith.constant 34 : i32
    %add3A_0 = arith.addi %add3A, %arg0 : i32
    %c0_i32 = arith.constant 0 : i32
    %c0_i32_1 = arith.constant 0 : i32
    return %c0_i32, %add3A_0 : i32, i32
  }
  func.func @transform_1(%arg0: i32) -> (i32, i32) {
    %add3A = arith.constant 34 : i32
    %add3A_0 = arith.addi %add3A, %arg0 : i32
    %c0_i32 = arith.constant 0 : i32
    %c0_i32_1 = arith.constant 0 : i32
    return %c0_i32, %add3A_0 : i32, i32
  }
  func.func @transform_2(%arg0: i32) -> (i32, i32) {
    %c0_i32 = arith.constant 0 : i32
    %c0_i32_0 = arith.constant 0 : i32
    %c0_i32_1 = arith.constant 0 : i32
    return %c0_i32, %c0_i32_0 : i32, i32
  }
  func.func @transform_3(%arg0: i32) -> (i32, i32) {
    %c0_i32 = arith.constant 0 : i32
    %c0_i32_0 = arith.constant 0 : i32
    %c0_i32_1 = arith.constant 0 : i32
    return %c0_i32, %c0_i32_0 : i32, i32
  }
  func.func @transform_4(%arg0: i32) -> (i32, i32) {
    %c0_i32 = arith.constant 0 : i32
    %c0_i32_0 = arith.constant 0 : i32
    %c0_i32_1 = arith.constant 0 : i32
    return %c0_i32, %c0_i32_0 : i32, i32
  }
  func.func @transform_5(%arg0: i32) -> (i32, i32) {
    %c0_i32 = arith.constant 0 : i32
    %c0_i32_0 = arith.constant 0 : i32
    %c0_i32_1 = arith.constant 0 : i32
    return %c0_i32, %c0_i32_0 : i32, i32
  }
  func.func @transform_6(%arg0: i32) -> (i32, i32) {
    %c0_i32 = arith.constant 0 : i32
    %c0_i32_0 = arith.constant 0 : i32
    return %arg0, %c0_i32 : i32, i32
  }
}

module attributes {stable_mosaic.version = 14 : i64} {
  func.func @_out_body(%arg0: memref<2x10000x128xf32, #tpu.memory_space<vmem>>, %arg1: memref<10000x128xf32, #tpu.memory_space<vmem>>, %arg2: memref<10000x1xf32, #tpu.memory_space<vmem>>, %arg3: memref<128x128xf32, #tpu.memory_space<vmem>>, %arg4: memref<128x128xf32, #tpu.memory_space<vmem>>, %arg5: memref<10000x128xf32, #tpu.memory_space<vmem>>) attributes {dimension_semantics = [], scalar_prefetch = 0 : i64, scratch_operands = 0 : i64, tpu.core_type = #tpu.core_type<tc>} {
    %get3A = arith.constant 0 : index
    %get3A_0 = arith.constant 0 : index
    %get3A_1 = arith.constant 0 : index
    %get3A_2 = vector.load %arg0[%get3A, %get3A_0, %get3A_1] : memref<2x10000x128xf32, #tpu.memory_space<vmem>>, vector<1x10000x128xf32>
    %get3A_3 = vector.shape_cast %get3A_2 : vector<1x10000x128xf32> to vector<10000x128xf32>
    %get3A_4 = arith.constant 1 : index
    %get3A_5 = arith.constant 0 : index
    %get3A_6 = arith.constant 0 : index
    %get3A_7 = vector.load %arg0[%get3A_4, %get3A_5, %get3A_6] : memref<2x10000x128xf32, #tpu.memory_space<vmem>>, vector<1x10000x128xf32>
    %get3A_8 = vector.shape_cast %get3A_7 : vector<1x10000x128xf32> to vector<10000x128xf32>
    %add3A = arith.addf %get3A_3, %get3A_8 : vector<10000x128xf32>
    %get3A_9 = arith.constant 0 : index
    %get3A_10 = arith.constant 0 : index
    %get3A_11 = vector.load %arg1[%get3A_9, %get3A_10] : memref<10000x128xf32, #tpu.memory_space<vmem>>, vector<10000x128xf32>
    %get3A_12 = arith.constant 0 : index
    %get3A_13 = arith.constant 0 : index
    %get3A_14 = vector.load %arg2[%get3A_12, %get3A_13] : memref<10000x1xf32, #tpu.memory_space<vmem>>, vector<10000x1xf32>
    %mul3A = vector.broadcast %get3A_14 : vector<10000x1xf32> to vector<10000x128xf32>
    %mul3A_15 = arith.mulf %get3A_11, %mul3A : vector<10000x128xf32>
    %get3A_16 = arith.constant 0 : index
    %get3A_17 = arith.constant 0 : index
    %get3A_18 = vector.load %arg4[%get3A_16, %get3A_17] : memref<128x128xf32, #tpu.memory_space<vmem>>, vector<128x128xf32>
    %dot_general3A = arith.constant dense<0.000000e+00> : vector<10000x128xf32>
    %dot_general3A_19 = tpu.matmul %mul3A_15, %get3A_18, %dot_general3A {dimension_numbers = #tpu.dot_dimension_numbers<[1], [0], [0], [1], [0, 0, 1, 1], [], []>, transpose_lhs_hint = false} : vector<10000x128xf32>, vector<128x128xf32>, vector<10000x128xf32> -> vector<10000x128xf32>
    %get3A_20 = arith.constant 0 : index
    %get3A_21 = arith.constant 0 : index
    %get3A_22 = vector.load %arg3[%get3A_20, %get3A_21] : memref<128x128xf32, #tpu.memory_space<vmem>>, vector<128x128xf32>
    %dot_general3A_23 = arith.constant dense<0.000000e+00> : vector<10000x128xf32>
    %dot_general3A_24 = tpu.matmul %add3A, %get3A_22, %dot_general3A_23 {dimension_numbers = #tpu.dot_dimension_numbers<[1], [0], [0], [1], [0, 0, 1, 1], [], []>, transpose_lhs_hint = false} : vector<10000x128xf32>, vector<128x128xf32>, vector<10000x128xf32> -> vector<10000x128xf32>
    %add3A_25 = arith.addf %dot_general3A_24, %dot_general3A_19 : vector<10000x128xf32>
    %swap3A = arith.constant 0 : index
    %swap3A_26 = arith.constant 0 : index
    %swap3A_27 = vector.load %arg5[%swap3A, %swap3A_26] : memref<10000x128xf32, #tpu.memory_space<vmem>>, vector<10000x128xf32>
    tpu.vector_store %arg5[%swap3A, %swap3A_26], %add3A_25 {strides = array<i32>} : memref<10000x128xf32, #tpu.memory_space<vmem>>, vector<10000x128xf32>,
    return
  }
}

</mosaic_0001>

<sc_bundles>
// kernel: kernel.11.cloned.1.call-start
scs
__scs_entry_jumppad:
0x0: {  	(pc) =	sbr.rel $0x88, $3  }
0x1: {  	(tag) =	ssettag $0x0;
	lr =	simm.s32 $0x1  }
0x2: {  	[smem:$0x3F97] =	sst lr;
	_ =	strace $0xD0000000  }
0x3: {  	_ = 	snop  }
0x4: {  	_ = 	snop  }
0x5: {  	_ = 	snop  }
0x6: {  	_ = 	snop  }
0x7: {  	_ = 	snop  }
__scs_overlays_trampoline_lowered:
0x8: {  	[smem:$0x3FA6] =	sst s0  }
0x9: {  	[smem:$0x3FA7] =	sst s1  }
0xa: {  	[smem:$0x3FA8] =	sst s2  }
0xb: {  	[smem:$0x3FA9] =	sst s3  }
0xc: {  	[smem:$0x3FAA] =	sst s4  }
0xd: {  	[smem:$0x3FAB] =	sst s5  }
0xe: {  	[smem:$0x3FAC] =	sst s6  }
0xf: {  	[smem:$0x3FAD] =	sst s7  }
0x10: {  	[smem:$0x3FAE] =	sst s8  }
0x11: {  	[smem:$0x3FAF] =	sst s9;
	s0 =	simm.s32 @!p0 $0x0  }
0x12: {  	s1 =	sld [smem:$0x3F95];
	s0 =	simm.s32 @p0 $0x1  }
0x13: {  	[smem:$0x3FB0] =	sst s0;
	s0 =	simm.s32 @!p1 $0x0  }
0x14: {  	s2 =	sld [smem:$0x3F94];
	s0 =	simm.s32 @p1 $0x1  }
0x15: {  	[smem:$0x3FB1] =	sst s0;
	s0 =	simm.s32 @!p2 $0x0  }
0x16: {  	s3 =	sld [smem:$0x3FDB];
	s0 =	simm.s32 @p2 $0x1  }
0x17: {  	s4 =	simm.s32 $0x1BF5;
	[smem:$0x3FB3] =	sst s0  }
0x18: {  	s0 =	sld [smem:$0x3F96];
	_ =	swait.ge [sflag:s4], $0x0  }
0x19: {  	s7 =	sld [smem:$0x3F97]  }
0x1a: {  	s8 =	sadd.s32 $0xFFFFE003, lr  }
0x1b: {  	s9 =	sadd.s32 $0xFFFFFEF7, lr;
	s5 =	simm.s32 $0xFFFFFFFF;
	p2 =	slt.u32 s8, $0xFFFFF086  }
0x1c: {  	p1 =	slt.u32 s9, $0xF7A;
	s5 =	simm.s32 @!p2 $0x0  }
0x1d: {  	s5 =	simm.s32 @p1 $0x1;
	p0 =	seq.s32 s7, s2  }
0x1e: {  	s7 =	smul.u32 @!p0 $0xF7A, s2;
	p2 =	seq.s32 @!p0 s5, $0x0  }
0x1f: {  	s9 =	smul.u32 $0xF7A, s1;
	s8 =	simm.s32 @!p0 $0x1BF5;
	p2 =	por !p2, p0  }
0x20: {  	[sflag:s8] =	ssyncset.s32 @!p0 $0xFFFFF086;
	s6 =	sadd.s32 @!p0 s3, s7;
	s7 =	simm.s32 @!p0 $0x108  }
0x21: {  	s3 =	sadd.s32 s3, s9;
	s6 =	sadd.s32 @!p0 $0x88, s6;
	s7 =	simm.s32 @p2 $0x1082  }
0x22: {  	[simem:s7], [sflag:s8] =	dma.local @!p0 [hbm:s6], $0xF7A  }
0x23: {  	s9 =	sor.u32 $0xD0000000, s2;
	s6 =	simm.s32 $0x108;
	_ =	swait.ge @!p0 [sflag:s8], $0x0  }
0x24: {  	s3 =	sadd.s32 $0x88, s3;
	s6 =	simm.s32 @!p1 $0x1082;
	[sflag:s4] =	ssyncset.s32 $0xFFFFF086  }
0x25: {  	[simem:s6], [sflag:s4] =	dma.local [hbm:s3], $0xF7A  }
0x26: {  	[smem:$0x3F97] =	sst s1;
	(tag) =	ssettag s2;
	_ =	strace s9  }
0x27: {  	s1 =	sld [smem:$0x3FA7]  }
0x28: {  	s2 =	sld [smem:$0x3FA8]  }
0x29: {  	s4 =	sld [smem:$0x3FAA]  }
0x2a: {  	p0 =	seq.s32 s5, $0x0;
	s5 =	sld [smem:$0x3FAB]  }
0x2b: {  	s6 =	sld [smem:$0x3FAC]  }
0x2c: {  	s7 =	sld [smem:$0x3FAD]  }
0x2d: {  	s3 =	simm.s32 $0x108;
	s8 =	sld [smem:$0x3FAE]  }
0x2e: {  	s3 =	simm.s32 @!p0 $0x1082;
	s9 =	sld [smem:$0x3FAF]  }
0x2f: {  	lr =	sadd.s32 s0, s3;
	s0 =	sld [smem:$0x3FA6]  }
0x30: {  	s3 =	sld [smem:$0x3FA9]  }
0x31: {  	[smem:$0x3FB2] =	sst s10  }
0x32: {  	s10 =	sld [smem:$0x3FB0];
	_ =	sdelay $0x3  }
0x33: {  	p0 =	seq.s32 s10, $0x1;
	s10 =	sld [smem:$0x3FB2];
	_ =	sdelay $0x3  }
0x34: {  	[smem:$0x3FB2] =	sst s10  }
0x35: {  	s10 =	sld [smem:$0x3FB1];
	_ =	sdelay $0x3  }
0x36: {  	p1 =	seq.s32 s10, $0x1;
	s10 =	sld [smem:$0x3FB2];
	_ =	sdelay $0x3  }
0x37: {  	[smem:$0x3FB2] =	sst s10  }
0x38: {  	s10 =	sld [smem:$0x3FB3]  }
0x39: {  	_ = 	snop;
	(pc) =	sbr.ind lr, $3  }
0x3a: {  	_ = 	snop  }
0x3b: {  	_ = 	snop  }
0x3c: {  	p2 =	seq.s32 s10, $0x1;
	s10 =	sld [smem:$0x3FB2]  }
0x3d: {  	_ =	shalt  }
0x3e: {  	_ =	shalt  }
0x3f: {  	_ =	shalt  }
0x40: {  	_ =	shalt  }
0x41: {  	_ =	shalt  }
0x42: {  	_ =	shalt  }
0x43: {  	_ =	shalt  }
0x44: {  	_ =	shalt  }
0x45: {  	_ =	shalt  }
0x46: {  	_ =	shalt  }
0x47: {  	_ =	shalt  }
0x48: {  	_ =	shalt  }
0x49: {  	_ =	shalt  }
0x4a: {  	_ =	shalt  }
0x4b: {  	_ =	shalt  }
0x4c: {  	_ =	shalt  }
0x4d: {  	_ =	shalt  }
0x4e: {  	_ =	shalt  }
0x4f: {  	_ =	shalt  }
0x50: {  	_ =	shalt  }
0x51: {  	_ =	shalt  }
0x52: {  	_ =	shalt  }
0x53: {  	_ =	shalt  }
0x54: {  	_ =	shalt  }
0x55: {  	_ =	shalt  }
0x56: {  	_ =	shalt  }
0x57: {  	_ =	shalt  }
0x58: {  	_ =	shalt  }
0x59: {  	_ =	shalt  }
0x5a: {  	_ =	shalt  }
0x5b: {  	_ =	shalt  }
0x5c: {  	_ =	shalt  }
0x5d: {  	_ =	shalt  }
0x5e: {  	_ =	shalt  }
0x5f: {  	_ =	shalt  }
0x60: {  	_ =	shalt  }
0x61: {  	_ =	shalt  }
0x62: {  	_ =	shalt  }
0x63: {  	_ =	shalt  }
0x64: {  	_ =	shalt  }
0x65: {  	_ =	shalt  }
0x66: {  	_ =	shalt  }
0x67: {  	_ =	shalt  }
0x68: {  	_ =	shalt  }
0x69: {  	_ =	shalt  }
0x6a: {  	_ =	shalt  }
0x6b: {  	_ =	shalt  }
0x6c: {  	_ =	shalt  }
0x6d: {  	_ =	shalt  }
0x6e: {  	_ =	shalt  }
0x6f: {  	_ =	shalt  }
0x70: {  	_ =	shalt  }
0x71: {  	_ =	shalt  }
0x72: {  	_ =	shalt  }
0x73: {  	_ =	shalt  }
0x74: {  	_ =	shalt  }
0x75: {  	_ =	shalt  }
0x76: {  	_ =	shalt  }
0x77: {  	_ =	shalt  }
0x78: {  	_ =	shalt  }
0x79: {  	_ =	shalt  }
0x7a: {  	_ =	shalt  }
0x7b: {  	_ =	shalt  }
0x7c: {  	_ =	shalt  }
0x7d: {  	_ =	shalt  }
0x7e: {  	_ =	shalt  }
0x7f: {  	_ =	shalt  }
0x80: {  	_ =	shalt  }
0x81: {  	_ =	shalt  }
0x82: {  	_ =	shalt  }
0x83: {  	_ =	shalt  }
0x84: {  	_ =	shalt  }
0x85: {  	_ =	shalt  }
0x86: {  	_ =	shalt  }
0x87: {  	_ =	shalt  }
.Lfunc_end0:
.L_simem_size_0:
called_computation.1_lowered:
.L_overlay_start_0:
0x88: {  	s2 =	sld [smem:$0x3FD9]  }
0x89: {  	s3 =	sld [smem:$0x3FFE];
	_ =	sdelay $0x1  }
0x8a: {  	s1 =	srdreg.scid  }
0x8b: {  	s0 =	sand.u32 $0x1, s1  }
0x8c: {  	s17 =	sshll.u32 s0, $0xA;
	s2 =	sadd.s32 s3, s2  }
0x8d: {  	s2 =	sadd.s32 s2, s17  }
0x8e: {  	[smem:$0x3FBE] =	sst s2  }
0x8f: {  	_ = 	snop  }
0x90: {  	s2 =	sld [smem:$0x3FD0];
	(tm) =	ssettm $0x1  }
0x91: {  	s18 =	sld [smem:$0x3FFB];
	_ =	sdelay $0x3  }
0x92: {  	_ =	strace s18  }
0x93: {  	s3 =	sld [smem:$0x3FFC];
	_ =	sdelay $0x3  }
0x94: {  	_ =	strace s3  }
0x95: {  	s3 =	sld [smem:$0x3FFD];
	_ =	sdelay $0x3  }
0x96: {  	_ =	strace s3  }
0x97: {  	_ =	strace $0x8FFFFFFF  }
0x98: {  	s19 =	sld [smem:$0x3FDB];
	_ =	sdelay $0x1  }
0x99: {  	s4 =	simm.s32 $_scs_section_size  }
0x9a: {  	s5 =	simm.s32 $_size__tile_overlayer_lowered;
	s6 =	simm.s32 $_tile_overlayer_lowered  }
0x9b: {  	s22 =	simm.s32 $0x1BFF;
	s21 =	sshll.u32 s6, $0x1;
	s3 =	sadd.s32 s4, s19  }
0x9c: {  	s7 =	simm.s32 $0x0;
	s20 =	sshll.u32 s5, $0x1;
	s5 =	sadd.s32 s21, s3  }
0x9d: {  	[timem:s7], [sflag:s22] =	dma.local [hbm:s5], s20  }
0x9e: {  	_ =	swait.ge [sflag:s22], s20  }
0x9f: {  	s4 =	ssub.s32 $0x0, s20;
	[sflag:s22] =	ssyncset.done $0x0  }
0xa0: {  	[sflag:s22] =	ssyncadd.s32 s4;
	_ =	sdelay $0x1  }
0xa1: {  	s23 =	simm.s32 $0x1B8B  }
0xa2: {  	_ =	swait.ge [sflag:s23], $0x1  }
0xa3: {  	[sflag:s23] =	ssyncset.done $0x0  }
0xa4: {  	s25 =	simm.s32 $0x1B8E;
	s24 =	sld [smem:$0x3FFE];
	[sflag:s23] =	ssyncadd.s32 $0xFFFFFFFF  }
0xa5: {  	s26 =	simm.s32 $execute0_lowered;
	[smem:$0x3FD2] =	sst s25  }
0xa6: {  	s5 =	sshll.u32 s26, $0x1;
	_ =	strace $0x80000049;
	[dreg:$0x1] =	wrdreg $0xFFFFFFFF  }
0xa7: {  	s28 =	simm.s32 $_size_execute0_lowered;
	s3 =	sadd.s32 s3, s5;
	[dreg:$0x0] =	wrdreg $0x0  }
0xa8: {  	s5 =	sshll.u32 s28, $0x1;
	[dreg:$0x2] =	wrdreg s3  }
0xa9: {  	[dreg:$0x3] =	wrdreg s5  }
0xaa: {  	[dreg:$0x4] =	wrdreg $0xC0  }
0xab: {  	_ =	task [dreg:s7], $0x5FFFF  }
0xac: {  	[dreg:$0x1] =	wrdreg $0xFFFFFFFF  }
0xad: {  	[dreg:$0x0] =	wrdreg $0x60  }
0xae: {  	[dreg:$0x2] =	wrdreg s2  }
0xaf: {  	[dreg:$0x3] =	wrdreg s24  }
0xb0: {  	[dreg:$0x4] =	wrdreg $0x7C000  }
0xb1: {  	[dreg:$0x5] =	wrdreg $0x9  }
0xb2: {  	_ =	task.clear_ibuf [dreg:s7], $0x6FFFF;
	_ =	strace $0x90000049  }
0xb3: {  	s29 =	simm.s32 $0x9;
	_ =	strace $0x8000004B  }
0xb4: {  	_ =	swait.ge [sflag:s29], $0x1  }
0xb5: {  	[sflag:s29] =	ssyncadd.s32 $0xFFFFFFFF  }
0xb6: {  	_ =	strace $0x9000004B  }
0xb7: {  	_ =	sfence  }
0xb8: {  	s30 =	sld [smem:$0x0];
	_ =	sdelay $0x2  }
0xb9: {  	s31 =	sshll.u32 s1, $0xD;
	s1 =	sshrl.u32 s1, $0x2  }
0xba: {  	s3 =	sand.u32 $0x4000, s31;
	s1 =	sadd.s32 s1, s30  }
0xbb: {  	s0 =	sor.u32 s3, s0;
	s1 =	sshll.u32 s1, $0x11  }
0xbc: {  	s0 =	sor.u32 s1, s0  }
0xbd: {  	s0 =	sadd.s32 $0x8F2B, s0  }
0xbe: {  	[sflag:s0] =	ssyncadd.remote.s32 $0x1  }
0xbf: {  	_ =	sfence.sel $0xFFFF  }
0xc0: {  	[dreg:$0x0] =	wrdreg $0xFFFFFFFF;
	(pc) =	sbr.abs _section_cstart, $3  }
0xc1: {  	[dreg:$0x1] =	wrdreg $0xFFFFFFFF  }
0xc2: {  	_ =	task.clear_ibuf [dreg:s7], $0x2FFFF;
	_ =	strace $0x9FFFFFFF  }
0xc3: {  	(tm) =	ssettm $0x7FFFFFFF  }
tec
execute0_lowered:
.L_overlay_start_1:
0x0: {  	(tag) =	ssettag $0x1  }
0x1: {  	s1 =	rddreg [dreg:$0x0]  }
0x2: {  	s0 =	rddreg [dreg:$0x1]  }
0x3: {  	s2 =	rddreg [dreg:$0x2];
	s4 =	simm.s32 $0x0;
	s3 =	srdreg.scid  }
0x4: {  	s16 =	stileid.u32;
	s28 =	simm.s32 $0x280;
	s30 =	simm.s32 $0x28  }
0x5: {  	s31 =	simm.s32 $0x1;
	[smem:$0x7FF] =	sst s4;
	s5 =	sadd.s32 $0x25AC00, s0  }
0x6: {  	s3 =	sand.u32 $0x1, s3;
	s7 =	smul.u32 $0x4E000, s16;
	s6 =	sadd.s32 $0x1E00, s0  }
0x7: {  	s10 =	sadd.s32 $0x20CA00, s0;
	s12 =	smul.u32 $0x13800, s16;
	s0 =	sadd.s32 $0x15800, s0  }
0x8: {  	s29 =	sshll.u32 s16, $0x1;
	s15 =	sshll.u32 s16, $0x6;
	s18 =	sadd.s32 $0x138000, s2  }
0x9: {  	p0 =	sne.s32 s16, $0xF;
	s16 =	simm.s32 $0x4;
	_ =	strace $0x8000004A  }
0xa: {  	s8 =	ssub.s32 $0x2, s3;
	s9 =	smul.u32 $0x138800, s3;
	s3 =	sor.u32 s3, s29  }
0xb: {  	[dreg:$0x7] =	wrdreg s18;
	s13 =	sshrl.u32 s7, $0x2;
	s7 =	smul.u32 $0x19C8, s3  }
0xc: {  	s18 =	simm.s32 $0xC;
	s11 =	sshrl.u32 s8, $0x1;
	s23 =	smul.u32 $0xCE400, s3  }
0xd: {  	s3 =	smul.u32 $0x19C80, s3;
	s8 =	ssub.s32 s8, s11;
	s14 =	sadd.s32 s12, s9  }
0xe: {  	s11 =	sadd.s32 s13, s2;
	s9 =	sshrl.u32 s9, $0x3;
	s14 =	sshrl.u32 s14, $0x3  }
0xf: {  	[dreg:$0x4] =	wrdreg s11;
	s12 =	sadd.s32 $0x68B00, s7;
	s9 =	sadd.s32 $0x27000, s9  }
0x10: {  	s13 =	sadd.s32 $0x1A900, s7;
	s22 =	sadd.s32 $0x68B28, s7;
	s11 =	sshrl.u32 s23, $0x3  }
0x11: {  	s3 =	sadd.s32 s5, s3;
	s29 =	smax.u32 s8, $0x1;
	s8 =	simm.s32 $0x2  }
0x12: {  	s23 =	simm.s32 $0xE;
	s17 =	sadd.s32 s10, s14;
	s19 =	sshrl.u32 s12, $0x3  }
0x13: {  	s10 =	sadd.s32 s10, s9;
	s21 =	sshrl.u32 s13, $0x3;
	[dreg:$0xd] =	wrdreg s3  }
0x14: {  	s25 =	sadd.s32 s5, s11;
	s26 =	sadd.s32 s0, s14;
	[dreg:$0x11] =	wrdreg s29  }
0x15: {  	s0 =	sadd.s32 s0, s9;
	s11 =	simm.s32 $0x300;
	[dreg:$0x5] =	wrdreg s17  }
0x16: {  	s14 =	simm.s32 $0xB;
	s17 =	sor.u32 $0x1C0F, s15;
	[dreg:$0x8] =	wrdreg s10  }
0x17: {  	s20 =	sadd.s32 s6, s19;
	s10 =	sadd.s32 s6, s21;
	[dreg:$0xf] =	wrdreg s26  }
0x18: {  	s15 =	sadd.s32 $0x1A928, s7;
	s3 =	sadd.s32 $0x280, s25;
	[dreg:$0x10] =	wrdreg s0  }
0x19: {  	s25 =	simm.s32 $0x200;
	s0 =	simm.s32 $0x3;
	s26 =	simm.s32 $0x380  }
0x1a: {  	s19 =	simm.s32 $0x6800;
	s21 =	simm.s32 $0xD;
	[dreg:$0x9] =	wrdreg s20  }
.Ltmp0:
0x1b: {  	[dreg:$0xa] =	wrdreg s10;
	s10 =	sshrl.u32 s22, $0x3;
	(pc) =	sbr.rel .LBB2_1-.Ltmp0, $4  }
0x1c: {  	s24 =	sshrl.u32 s15, $0x3;
	[dreg:$0xe] =	wrdreg s3;
	s15 =	simm.s32 $0x5400  }
0x1d: {  	s20 =	simm.s32 $0x5;
	[dreg:$0x6] =	wrdreg s17;
	s10 =	sadd.s32 s6, s10  }
0x1e: {  	s22 =	simm.s32 $0x6;
	[dreg:$0xb] =	wrdreg s10;
	s10 =	sadd.s32 s6, s24  }
0x1f: {  	s24 =	simm.s32 $0x0;
	[dreg:$0xc] =	wrdreg s10;
	s10 =	simm.s32 $0xF  }
.LBB2_21:
0x20: {  	_ =	swait.ge [sflag:s20], $0x1400  }
0x21: {  	[sflag:s20] =	ssyncset.done $0x0  }
0x22: {  	[sflag:s20] =	ssyncadd.s32 $0xFFFFEC00  }
0x23: {  	_ =	swait.ge [sflag:s22], $0x1400  }
0x24: {  	[sflag:s22] =	ssyncset.done $0x0  }
0x25: {  	[sflag:s22] =	ssyncadd.s32 $0xFFFFEC00  }
0x26: {  	[bflag:$0x0] =	sbarrier.arrive $0xFFFF  }
0x27: {  	s17 =	rddreg [dreg:$0x6]  }
0x28: {  	s3 =	rddreg [dreg:$0xf]  }
0x29: {  	s10 =	simm.s32 $0xF;
	s9 =	rddreg [dreg:$0x13]  }
0x2a: {  	[hbm:s3], [sflag:s17] =	dma.local [spmem:s9], $0x2700  }
0x2b: {  	_ =	swait.ge [sflag:s10], $0x2700  }
0x2c: {  	[sflag:s10] =	ssyncset.done $0x0;
	s3 =	rddreg [dreg:$0x10]  }
0x2d: {  	s9 =	rddreg [dreg:$0x14];
	[sflag:s10] =	ssyncadd.s32 $0xFFFFD900  }
0x2e: {  	[hbm:s3], [sflag:s17] =	dma.local @!p0 [spmem:s9], $0x100  }
0x2f: {  	s3 =	simm.s32 @!p0 $0xF  }
0x30: {  	_ =	swait.ge @!p0 [sflag:s3], $0x100  }
0x31: {  	s24 =	rddreg [dreg:$0x12]  }
0x32: {  	s29 =	rddreg [dreg:$0x11];
	s24 =	sadd.s32 $0x1, s24  }
0x33: {  	p1 =	sne.s32 s24, s29  }
.Ltmp1:
0x34: {  	_ = 	snop;
	(pc) =	sbr.rel @!p1 .LBB2_22-.Ltmp1, $3  }
0x35: {  	_ =	sdelay $0x1  }
0x36: {  	[sflag:s3] =	ssyncset.done @!p0 $0x0  }
0x37: {  	[sflag:s3] =	ssyncadd.s32 @!p0 $0xFFFFFF00  }
.LBB2_1:
0x38: {  	[dreg:$0x12] =	wrdreg s24  }
0x39: {  	s3 =	rddreg [dreg:$0x4]  }
0x3a: {  	s29 =	rddreg [dreg:$0x5];
	s9 =	sshrl.u32 s3, $0x3  }
0x3b: {  	[dreg:$0x13] =	wrdreg s9  }
0x3c: {  	[spmem:s9], [sflag:s17] =	dma.local [hbm:s29], $0x2700  }
0x3d: {  	_ =	swait.ge [sflag:s10], $0x2700  }
0x3e: {  	s3 =	rddreg [dreg:$0x7]  }
0x3f: {  	[sflag:s10] =	ssyncset.done $0x0;
	s9 =	sshrl.u32 @!p0 s3, $0x3;
	s3 =	rddreg [dreg:$0x8]  }
0x40: {  	[sflag:s10] =	ssyncadd.s32 $0xFFFFD900;
	[dreg:$0x14] =	wrdreg s9  }
0x41: {  	[spmem:s9], [sflag:s17] =	dma.local @!p0 [hbm:s3], $0x100  }
0x42: {  	s3 =	simm.s32 @!p0 $0xF  }
0x43: {  	_ =	swait.ge @!p0 [sflag:s3], $0x100  }
0x44: {  	[sflag:s3] =	ssyncset.done @!p0 $0x0  }
0x45: {  	s10 =	rddreg [dreg:$0x9];
	[sflag:s3] =	ssyncadd.s32 @!p0 $0xFFFFFF00  }
0x46: {  	[tilespmem:s4], [sflag:$0x7] =	stream.linear.gather [hbm4b:s10+s4], $0x28, $0x38;
	[tilespmem:$0x1B480] =	vst v63  }
0x47: {  	s17 =	rddreg [dreg:$0xa]  }
0x48: {  	[tilespmem:s25], [sflag:$0xB] =	stream.linear.gather [hbm4b:s17+s4], $0x28, $0x38;
	[tilespmem:$0x1B480] =	vst v63  }
0x49: {  	s9 =	simm.s32 $0x80;
	s24 =	rddreg [dreg:$0xb]  }
0x4a: {  	[tilespmem:s9], [sflag:$0x8] =	stream.linear.gather [hbm4b:s24+s4], $0x28, $0x38;
	[tilespmem:$0x1B480] =	vst v63  }
0x4b: {  	s29 =	rddreg [dreg:$0xc];
	s10 =	simm.s32 $0x7  }
0x4c: {  	[tilespmem:s28], [sflag:$0xC] =	stream.linear.gather [hbm4b:s29+s4], $0x28, $0x38;
	[tilespmem:$0x1B480] =	vst v63  }
0x4d: {  	_ =	swait.ge [sflag:s10], $0x28  }
0x4e: {  	[sflag:s10] =	ssyncset.done $0x0  }
0x4f: {  	s17 =	simm.s32 $0x400;
	[sflag:s10] =	ssyncadd.s32 $0xFFFFFFD8  }
0x50: {  	[tilespmem:s17], [sflag:$0x1] =	stream.indirect.gather [hbm4b:s1+s30], $0x80, s4, s30, $0xb8;
	[tilespmem:$0x1B480] =	vst v63  }
0x51: {  	s29 =	simm.s32 $0x2C00;
	s24 =	rddreg [dreg:$0xd];
	s10 =	simm.s32 $0x8  }
0x52: {  	[tilespmem:s29], [sflag:$0x3] =	stream.linear.gather [hbm4b:s24+s4], $0x1400, $0x38;
	[tilespmem:$0x1B480] =	vst v63  }
0x53: {  	_ =	swait.ge [sflag:s10], $0x28  }
0x54: {  	[sflag:s10] =	ssyncset.done $0x0  }
0x55: {  	s17 =	simm.s32 $0x1800;
	[sflag:s10] =	ssyncadd.s32 $0xFFFFFFD8  }
0x56: {  	[tilespmem:s17], [sflag:$0x2] =	stream.indirect.gather [hbm4b:s1+s30], $0x80, s9, s30, $0xb8;
	[tilespmem:$0x1B480] =	vst v63  }
.Ltmp2:
0x57: {  	_ = 	snop;
	(pc) =	sbr.rel .LBB2_2-.Ltmp2, $4  }
0x58: {  	s29 =	simm.s32 $0x4000;
	s24 =	rddreg [dreg:$0xe]  }
0x59: {  	[tilespmem:s29], [sflag:$0x4] =	stream.linear.gather [hbm4b:s24+s4], $0x1400, $0x38;
	[tilespmem:$0x1B480] =	vst v63  }
0x5a: {  	[bflag:$0x0] =	sbarrier.arrive $0xFFFF  }
0x5b: {  	s3 =	simm.s32 $0x0  }
.LBB2_20:
0x5c: {  	s3 =	sadd.s32 $0x1, s3  }
0x5d: {  	p1 =	sne.s32 s3, $0x2A  }
.Ltmp3:
0x5e: {  	_ = 	snop;
	(pc) =	sbr.rel @!p1 .LBB2_21-.Ltmp3, $1  }
0x5f: {  	_ =	sdelay $0x3  }
.LBB2_2:
0x60: {  	_ =	swait.ge [sflag:s31], $0x1400;
	s24 =	sshll.u32 s3, $0x2;
	p3 =	seq.s32 s3, $0x0  }
0x61: {  	[sflag:s31] =	ssyncset.done $0x0;
	s10 =	sor.u32 @!p3 $0x2, s24  }
0x62: {  	[sflag:s31] =	ssyncadd.s32 $0xFFFFEC00;
	p1 =	sgt.u32 @!p3 s10, $0xA4  }
0x63: {  	_ =	swait.ge [sflag:s0], $0x1400;
	p1 =	por p3, !p1  }
.Ltmp4:
0x64: {  	[sflag:s0] =	ssyncset.done $0x0;
	(pc) =	sbr.rel @!p1 .LBB2_4-.Ltmp4, $4  }
0x65: {  	s9 =	simm.s32 @!p3 $0x5;
	[sflag:s0] =	ssyncadd.s32 $0xFFFFEC00  }
0x66: {  	_ =	swait.ge @!p3 [sflag:s9], $0x1400  }
0x67: {  	[sflag:s9] =	ssyncset.done @!p3 $0x0  }
0x68: {  	p2 =	por @!p3 $0x0, $0x0;
	[sflag:s9] =	ssyncadd.s32 @!p3 $0xFFFFEC00  }
0x69: {  	s10 =	simm.s32 @p3 $0x2  }
0x6a: {  	s9 =	smul.u32 $0x28, s10;
	_ =	sdelay $0x1  }
0x6b: {  	s17 =	sadd.s32 s12, s9  }
0x6c: {  	s9 =	sadd.s32 s13, s9;
	s17 =	sshrl.u32 s17, $0x3  }
0x6d: {  	s29 =	simm.s32 $0x100;
	s9 =	sshrl.u32 s9, $0x3;
	s17 =	sadd.s32 s6, s17  }
0x6e: {  	[tilespmem:s29], [sflag:$0x9] =	stream.linear.gather [hbm4b:s17+s4], $0x28, $0x38;
	[tilespmem:$0x1B480] =	vst v63  }
0x6f: {  	p2 =	por $0x1, $0x1;
	s9 =	sadd.s32 s6, s9  }
0x70: {  	[tilespmem:s11], [sflag:$0xD] =	stream.linear.gather [hbm4b:s9+s4], $0x28, $0x38;
	[tilespmem:$0x1B480] =	vst v63  }
.LBB2_4:
0x71: {  	s17 =	simm.s32 $0x0  }
0x72: {  	v0 =	vld [tilespmem:s17+$0x470]  }
0x73: {  	v1 =	vld [tilespmem:s17+$0x2C70]  }
0x74: {  	v2 =	vld [tilespmem:s17+$0x400]  }
0x75: {  	v3 =	vld [tilespmem:s17+$0x2C00]  }
0x76: {  	v4 =	vld [tilespmem:s17+$0x410]  }
0x77: {  	v5 =	vld [tilespmem:s17+$0x2C10]  }
0x78: {  	v6 =	vld [tilespmem:s17+$0x420]  }
0x79: {  	v7 =	vld [tilespmem:s17+$0x430]  }
0x7a: {  	v0 =	vmul.f32 v1, v0;
	v1 =	vld [tilespmem:s17+$0x2C20]  }
0x7b: {  	v8 =	vld [tilespmem:s17+$0x2C30]  }
0x7c: {  	v9 =	vld [tilespmem:s17+$0x2C40];
	v2 =	vmul.f32 v3, v2  }
0x7d: {  	[tilespmem:s17+$0x5470] =	vst v0;
	v0 =	vmul.f32 v5, v4;
	v5 =	vld [tilespmem:s17+$0x440]  }
0x7e: {  	v3 =	vld [tilespmem:s17+$0x2C50];
	[tilespmem:s17+$0x5400] =	vst v2  }
0x7f: {  	v2 =	vld [tilespmem:s17+$0x450];
	[tilespmem:s17+$0x5410] =	vst v0;
	v0 =	vmul.f32 v1, v6  }
0x80: {  	v4 =	vld [tilespmem:s17+$0x2C60];
	v6 =	vmul.f32 v8, v7  }
0x81: {  	s29 =	simm.s32 $0x80;
	[tilespmem:s17+$0x5420] =	vst v0;
	v0 =	vld [tilespmem:s17+$0x460]  }
0x82: {  	s9 =	simm.s32 $0x400;
	v5 =	vmul.f32 v9, v5;
	v1 =	vld [tilespmem:s29+$0x470];
	[tilespmem:s17+$0x5430] =	vst v6  }
.LBB2_5:
0x83: {  	p1 =	sne.s32 s9, $0x4E00;
	v6 =	vld [tilespmem:s29+$0x2C70]  }
0x84: {  	v7 =	vld [tilespmem:s29+$0x400];
	[tilespmem:s17+$0x5440] =	vst v5;
	v2 =	vmul.f32 v3, v2  }
0x85: {  	v3 =	vld [tilespmem:s29+$0x2C00]  }
0x86: {  	v5 =	vld [tilespmem:s29+$0x410];
	[tilespmem:s17+$0x5450] =	vst v2;
	v0 =	vmul.f32 v4, v0  }
0x87: {  	v2 =	vld [tilespmem:s29+$0x2C10]  }
0x88: {  	v4 =	vld [tilespmem:s29+$0x420];
	v1 =	vmul.f32 v6, v1;
	[tilespmem:s17+$0x5460] =	vst v0;
	s17 =	smov.u32 s29  }
0x89: {  	v0 =	vld [tilespmem:s17+$0x2C20]  }
0x8a: {  	v3 =	vmul.f32 v3, v7;
	v6 =	vld [tilespmem:s17+$0x430];
	[tilespmem:s17+$0x5470] =	vst v1  }
0x8b: {  	v1 =	vld [tilespmem:s17+$0x2C30]  }
0x8c: {  	[tilespmem:s17+$0x5400] =	vst v3;
	v2 =	vmul.f32 v2, v5;
	v5 =	vld [tilespmem:s17+$0x440]  }
0x8d: {  	v7 =	vld [tilespmem:s17+$0x2C40]  }
.Ltmp5:
0x8e: {  	[tilespmem:s17+$0x5410] =	vst v2;
	v0 =	vmul.f32 v0, v4;
	v2 =	vld [tilespmem:s17+$0x450];
	(pc) =	sbr.rel @p1 .LBB2_5-.Ltmp5, $4  }
0x8f: {  	v3 =	vld [tilespmem:s17+$0x2C50]  }
0x90: {  	[tilespmem:s17+$0x5420] =	vst v0;
	v6 =	vmul.f32 v1, v6;
	v0 =	vld [tilespmem:s17+$0x460]  }
0x91: {  	s29 =	sshra.s32 s9, $0x2;
	v4 =	vld [tilespmem:s17+$0x2C60]  }
0x92: {  	s9 =	sadd.s32 $0x200, s9;
	v1 =	vld [tilespmem:s29+$0x470];
	[tilespmem:s17+$0x5430] =	vst v6;
	v5 =	vmul.f32 v7, v5  }
0x93: {  	v6 =	vld [tilespmem:s29+$0x2C70]  }
0x94: {  	v7 =	vld [tilespmem:s29+$0x400];
	[tilespmem:s17+$0x5440] =	vst v5;
	v2 =	vmul.f32 v3, v2  }
0x95: {  	v51 =	vld [tilespmem:s29+$0x2C00]  }
0x96: {  	v5 =	vld [tilespmem:s29+$0x410];
	[tilespmem:s17+$0x5450] =	vst v2;
	v0 =	vmul.f32 v4, v0  }
0x97: {  	v2 =	vld [tilespmem:s29+$0x2C10]  }
0x98: {  	v52 =	vld [tilespmem:s29+$0x420];
	[tilespmem:s17+$0x5460] =	vst v0  }
0x99: {  	v54 =	vld [tilespmem:s29+$0x2C20]  }
0x9a: {  	v55 =	vld [tilespmem:s29+$0x430]  }
0x9b: {  	v56 =	vld [tilespmem:s29+$0x2C30]  }
0x9c: {  	v57 =	vld [tilespmem:s29+$0x440]  }
0x9d: {  	v58 =	vld [tilespmem:s29+$0x2C40]  }
0x9e: {  	v59 =	vld [tilespmem:s29+$0x450]  }
0x9f: {  	v53 =	vmul.f32 v6, v1;
	v60 =	vld [tilespmem:s29+$0x2C50]  }
0xa0: {  	v61 =	vld [tilespmem:s29+$0x460];
	v3 =	vmul.f32 v51, v7  }
0xa1: {  	v62 =	vld [tilespmem:s29+$0x2C60];
	[tilespmem:s29+$0x5470] =	vst v53;
	v2 =	vmul.f32 v2, v5  }
0xa2: {  	[tilespmem:s29+$0x5400] =	vst v3;
	v1 =	vmul.f32 v54, v52  }
0xa3: {  	[tilespmem:s29+$0x5410] =	vst v2;
	v0 =	vmul.f32 v56, v55  }
0xa4: {  	v3 =	vmul.f32 v58, v57;
	[tilespmem:s29+$0x5420] =	vst v1  }
0xa5: {  	v63 =	vmul.f32 v60, v59;
	[tilespmem:s29+$0x5430] =	vst v0  }
0xa6: {  	[tilespmem:s29+$0x5440] =	vst v3;
	v1 =	vmul.f32 v62, v61  }
0xa7: {  	[tilespmem:s29+$0x5450] =	vst v63  }
0xa8: {  	s9 =	simm.s32 @p2 $0x9;
	[tilespmem:s29+$0x5460] =	vst v1  }
0xa9: {  	_ =	swait.ge @p2 [sflag:s9], $0x28  }
0xaa: {  	s10 =	smul.u32 @p2 $0x28, s10;
	s17 =	simm.s32 @p2 $0x100;
	[sflag:s9] =	ssyncset.done @p2 $0x0  }
0xab: {  	s29 =	simm.s32 @p2 $0x400;
	[sflag:s9] =	ssyncadd.s32 @p2 $0xFFFFFFD8;
	s9 =	simm.s32 @p2 $0x28  }
0xac: {  	[tilespmem:s29], [sflag:$0x1] =	stream.indirect.gather @p2 [hbm4b:s1+s9], $0x80, s17, s9, $0xb8;
	[tilespmem:$0x1B480] =	vst v63  }
0xad: {  	s9 =	sadd.s32 @p2 s7, s10  }
0xae: {  	p1 =	sgt.u32 s3, $0x28;
	s9 =	sshll.u32 @p2 s9, $0x4  }
0xaf: {  	s10 =	simm.s32 @p2 $0x0;
	s17 =	simm.s32 @p2 $0x2C00;
	s9 =	sadd.s32 @p2 s5, s9  }
0xb0: {  	[tilespmem:s17], [sflag:$0x3] =	stream.linear.gather @p2 [hbm4b:s9+s10], $0x1400, $0x38;
	[tilespmem:$0x1B480] =	vst v63  }
.Ltmp6:
0xb1: {  	_ = 	snop;
	(pc) =	sbr.rel @p1 .LBB2_12-.Ltmp6, $4  }
0xb2: {  	_ =	swait.ge [sflag:s14], $0x28  }
0xb3: {  	[sflag:s14] =	ssyncset.done $0x0  }
0xb4: {  	[sflag:s14] =	ssyncadd.s32 $0xFFFFFFD8  }
0xb5: {  	[spmem:s2] =	stream.indirect.scatter.add.f32 [tilespmem:s15], [sflag:$0x5], $0x80, s25, s30, $0xb8;
	[tilespmem:$0x1B480] =	vst v63  }
0xb6: {  	_ =	swait.ge [sflag:s8], $0x1400  }
0xb7: {  	s10 =	sor.u32 @!p3 $0x3, s24;
	[sflag:s8] =	ssyncset.done $0x0  }
0xb8: {  	p4 =	sgt.u32 @!p3 s10, $0xA4;
	[sflag:s8] =	ssyncadd.s32 $0xFFFFEC00  }
0xb9: {  	p5 =	por p3, !p4;
	_ =	swait.ge [sflag:s16], $0x1400  }
.Ltmp7:
0xba: {  	[sflag:s16] =	ssyncset.done $0x0;
	(pc) =	sbr.rel @!p5 .LBB2_9-.Ltmp7, $4  }
0xbb: {  	s9 =	simm.s32 @!p3 $0x6;
	[sflag:s16] =	ssyncadd.s32 $0xFFFFEC00  }
0xbc: {  	_ =	swait.ge @!p3 [sflag:s9], $0x1400  }
0xbd: {  	[sflag:s9] =	ssyncset.done @!p3 $0x0  }
0xbe: {  	p4 =	por @!p3 $0x0, $0x0;
	[sflag:s9] =	ssyncadd.s32 @!p3 $0xFFFFEC00  }
0xbf: {  	s10 =	simm.s32 @p3 $0x3  }
0xc0: {  	s9 =	smul.u32 $0x28, s10;
	_ =	sdelay $0x1  }
0xc1: {  	s17 =	sadd.s32 s12, s9  }
0xc2: {  	s9 =	sadd.s32 s13, s9;
	s17 =	sshrl.u32 s17, $0x3  }
0xc3: {  	s29 =	simm.s32 $0x180;
	s9 =	sshrl.u32 s9, $0x3;
	s17 =	sadd.s32 s6, s17  }
0xc4: {  	[tilespmem:s29], [sflag:$0xA] =	stream.linear.gather [hbm4b:s17+s4], $0x28, $0x38;
	[tilespmem:$0x1B480] =	vst v63  }
0xc5: {  	p4 =	por $0x1, $0x1;
	s9 =	sadd.s32 s6, s9  }
0xc6: {  	[tilespmem:s26], [sflag:$0xE] =	stream.linear.gather [hbm4b:s9+s4], $0x28, $0x38;
	[tilespmem:$0x1B480] =	vst v63  }
.LBB2_9:
0xc7: {  	s17 =	simm.s32 $0x0  }
0xc8: {  	v0 =	vld [tilespmem:s17+$0x1870]  }
0xc9: {  	v1 =	vld [tilespmem:s17+$0x4070]  }
0xca: {  	v2 =	vld [tilespmem:s17+$0x1800]  }
0xcb: {  	v3 =	vld [tilespmem:s17+$0x4000]  }
0xcc: {  	v4 =	vld [tilespmem:s17+$0x1810]  }
0xcd: {  	v5 =	vld [tilespmem:s17+$0x4010]  }
0xce: {  	v6 =	vld [tilespmem:s17+$0x1820]  }
0xcf: {  	v7 =	vld [tilespmem:s17+$0x1830]  }
0xd0: {  	v0 =	vmul.f32 v1, v0;
	v1 =	vld [tilespmem:s17+$0x4020]  }
0xd1: {  	v8 =	vld [tilespmem:s17+$0x4030]  }
0xd2: {  	v9 =	vld [tilespmem:s17+$0x4040];
	v2 =	vmul.f32 v3, v2  }
0xd3: {  	[tilespmem:s17+$0x6870] =	vst v0;
	v0 =	vmul.f32 v5, v4;
	v5 =	vld [tilespmem:s17+$0x1840]  }
0xd4: {  	v3 =	vld [tilespmem:s17+$0x4050];
	[tilespmem:s17+$0x6800] =	vst v2  }
0xd5: {  	v2 =	vld [tilespmem:s17+$0x1850];
	[tilespmem:s17+$0x6810] =	vst v0;
	v0 =	vmul.f32 v1, v6  }
0xd6: {  	v4 =	vld [tilespmem:s17+$0x4060];
	v6 =	vmul.f32 v8, v7  }
0xd7: {  	s29 =	simm.s32 $0x80;
	[tilespmem:s17+$0x6820] =	vst v0;
	v0 =	vld [tilespmem:s17+$0x1860]  }
0xd8: {  	s9 =	simm.s32 $0x400;
	v5 =	vmul.f32 v9, v5;
	v1 =	vld [tilespmem:s29+$0x1870];
	[tilespmem:s17+$0x6830] =	vst v6  }
.LBB2_10:
0xd9: {  	p3 =	sne.s32 s9, $0x4E00;
	v6 =	vld [tilespmem:s29+$0x4070]  }
0xda: {  	v7 =	vld [tilespmem:s29+$0x1800];
	[tilespmem:s17+$0x6840] =	vst v5;
	v2 =	vmul.f32 v3, v2  }
0xdb: {  	v3 =	vld [tilespmem:s29+$0x4000]  }
0xdc: {  	v5 =	vld [tilespmem:s29+$0x1810];
	[tilespmem:s17+$0x6850] =	vst v2;
	v0 =	vmul.f32 v4, v0  }
0xdd: {  	v2 =	vld [tilespmem:s29+$0x4010]  }
0xde: {  	v4 =	vld [tilespmem:s29+$0x1820];
	v1 =	vmul.f32 v6, v1;
	[tilespmem:s17+$0x6860] =	vst v0;
	s17 =	smov.u32 s29  }
0xdf: {  	v0 =	vld [tilespmem:s17+$0x4020]  }
0xe0: {  	v3 =	vmul.f32 v3, v7;
	v6 =	vld [tilespmem:s17+$0x1830];
	[tilespmem:s17+$0x6870] =	vst v1  }
0xe1: {  	v1 =	vld [tilespmem:s17+$0x4030]  }
0xe2: {  	[tilespmem:s17+$0x6800] =	vst v3;
	v2 =	vmul.f32 v2, v5;
	v5 =	vld [tilespmem:s17+$0x1840]  }
0xe3: {  	v7 =	vld [tilespmem:s17+$0x4040]  }
.Ltmp8:
0xe4: {  	[tilespmem:s17+$0x6810] =	vst v2;
	v0 =	vmul.f32 v0, v4;
	v2 =	vld [tilespmem:s17+$0x1850];
	(pc) =	sbr.rel @p3 .LBB2_10-.Ltmp8, $4  }
0xe5: {  	v3 =	vld [tilespmem:s17+$0x4050]  }
0xe6: {  	[tilespmem:s17+$0x6820] =	vst v0;
	v6 =	vmul.f32 v1, v6;
	v0 =	vld [tilespmem:s17+$0x1860]  }
0xe7: {  	s29 =	sshra.s32 s9, $0x2;
	v4 =	vld [tilespmem:s17+$0x4060]  }
0xe8: {  	s9 =	sadd.s32 $0x200, s9;
	v1 =	vld [tilespmem:s29+$0x1870];
	[tilespmem:s17+$0x6830] =	vst v6;
	v5 =	vmul.f32 v7, v5  }
0xe9: {  	v6 =	vld [tilespmem:s29+$0x4070]  }
0xea: {  	v7 =	vld [tilespmem:s29+$0x1800];
	[tilespmem:s17+$0x6840] =	vst v5;
	v2 =	vmul.f32 v3, v2  }
0xeb: {  	v51 =	vld [tilespmem:s29+$0x4000]  }
0xec: {  	v5 =	vld [tilespmem:s29+$0x1810];
	[tilespmem:s17+$0x6850] =	vst v2;
	v0 =	vmul.f32 v4, v0  }
0xed: {  	v2 =	vld [tilespmem:s29+$0x4010]  }
0xee: {  	v52 =	vld [tilespmem:s29+$0x1820];
	[tilespmem:s17+$0x6860] =	vst v0  }
0xef: {  	v54 =	vld [tilespmem:s29+$0x4020]  }
0xf0: {  	v55 =	vld [tilespmem:s29+$0x1830]  }
0xf1: {  	v56 =	vld [tilespmem:s29+$0x4030]  }
0xf2: {  	v57 =	vld [tilespmem:s29+$0x1840]  }
0xf3: {  	v58 =	vld [tilespmem:s29+$0x4040]  }
0xf4: {  	v59 =	vld [tilespmem:s29+$0x1850]  }
0xf5: {  	v53 =	vmul.f32 v6, v1;
	v60 =	vld [tilespmem:s29+$0x4050]  }
0xf6: {  	v61 =	vld [tilespmem:s29+$0x1860];
	v3 =	vmul.f32 v51, v7  }
0xf7: {  	v62 =	vld [tilespmem:s29+$0x4060];
	[tilespmem:s29+$0x6870] =	vst v53;
	v2 =	vmul.f32 v2, v5  }
0xf8: {  	[tilespmem:s29+$0x6800] =	vst v3;
	v1 =	vmul.f32 v54, v52  }
0xf9: {  	[tilespmem:s29+$0x6810] =	vst v2;
	v0 =	vmul.f32 v56, v55  }
0xfa: {  	v3 =	vmul.f32 v58, v57;
	[tilespmem:s29+$0x6820] =	vst v1  }
0xfb: {  	v63 =	vmul.f32 v60, v59;
	[tilespmem:s29+$0x6830] =	vst v0  }
0xfc: {  	[tilespmem:s29+$0x6840] =	vst v3;
	v1 =	vmul.f32 v62, v61  }
0xfd: {  	[tilespmem:s29+$0x6850] =	vst v63  }
0xfe: {  	s9 =	simm.s32 @p4 $0xA;
	[tilespmem:s29+$0x6860] =	vst v1  }
0xff: {  	_ =	swait.ge @p4 [sflag:s9], $0x28  }
0x100: {  	s10 =	smul.u32 @p4 $0x28, s10;
	s17 =	simm.s32 @p4 $0x180;
	[sflag:s9] =	ssyncset.done @p4 $0x0  }
0x101: {  	s29 =	simm.s32 @p4 $0x1800;
	[sflag:s9] =	ssyncadd.s32 @p4 $0xFFFFFFD8;
	s9 =	simm.s32 @p4 $0x28  }
0x102: {  	[tilespmem:s29], [sflag:$0x2] =	stream.indirect.gather @p4 [hbm4b:s1+s9], $0x80, s17, s9, $0xb8;
	[tilespmem:$0x1B480] =	vst v63  }
0x103: {  	s9 =	sadd.s32 @p4 s7, s10  }
0x104: {  	s9 =	sshll.u32 @p4 s9, $0x4  }
0x105: {  	s10 =	simm.s32 @p4 $0x0;
	s17 =	simm.s32 @p4 $0x4000;
	s9 =	sadd.s32 @p4 s5, s9  }
0x106: {  	[tilespmem:s17], [sflag:$0x4] =	stream.linear.gather @p4 [hbm4b:s9+s10], $0x1400, $0x38;
	[tilespmem:$0x1B480] =	vst v63  }
0x107: {  	_ =	swait.ge [sflag:s18], $0x28  }
0x108: {  	[sflag:s18] =	ssyncset.done $0x0  }
0x109: {  	[sflag:s18] =	ssyncadd.s32 $0xFFFFFFD8  }
0x10a: {  	[spmem:s2] =	stream.indirect.scatter.add.f32 [tilespmem:s19], [sflag:$0x6], $0x80, s28, s30, $0xb8;
	[tilespmem:$0x1B480] =	vst v63  }
.LBB2_12:
.Ltmp9:
0x10b: {  	(pc) =	sbr.rel @!p2 .LBB2_16-.Ltmp9, $1  }
0x10c: {  	_ =	sdelay $0x3  }
0x10d: {  	_ =	swait.ge [sflag:s31], $0x1400  }
0x10e: {  	[sflag:s31] =	ssyncset.done $0x0  }
0x10f: {  	[sflag:s31] =	ssyncadd.s32 $0xFFFFEC00  }
0x110: {  	s9 =	sadd.s32 $0x4, s24;
	p2 =	seq.s32 s3, $0x29;
	_ =	swait.ge [sflag:s0], $0x1400  }
0x111: {  	s10 =	smul.u32 @!p2 $0x28, s9;
	[sflag:s0] =	ssyncset.done $0x0  }
0x112: {  	[sflag:s0] =	ssyncadd.s32 $0xFFFFEC00  }
0x113: {  	s9 =	sadd.s32 @!p2 s12, s10;
	_ =	swait.ge [sflag:s20], $0x1400  }
0x114: {  	s9 =	sshrl.u32 @!p2 s9, $0x3;
	[sflag:s20] =	ssyncset.done $0x0  }
0x115: {  	s17 =	simm.s32 @!p2 $0x0;
	s9 =	sadd.s32 @!p2 s6, s9;
	[sflag:s20] =	ssyncadd.s32 $0xFFFFEC00  }
0x116: {  	[tilespmem:s17], [sflag:$0x7] =	stream.linear.gather @!p2 [hbm4b:s9+s17], $0x28, $0x38;
	[tilespmem:$0x1B480] =	vst v63  }
0x117: {  	s9 =	sadd.s32 @!p2 s13, s10  }
0x118: {  	s9 =	sshrl.u32 @!p2 s9, $0x3  }
0x119: {  	s29 =	simm.s32 @!p2 $0x200;
	s9 =	sadd.s32 @!p2 s6, s9  }
0x11a: {  	[tilespmem:s29], [sflag:$0xB] =	stream.linear.gather @!p2 [hbm4b:s9+s17], $0x28, $0x38;
	[tilespmem:$0x1B480] =	vst v63  }
0x11b: {  	s17 =	simm.s32 $0x0  }
0x11c: {  	v0 =	vld [tilespmem:s17+$0x470]  }
0x11d: {  	v1 =	vld [tilespmem:s17+$0x2C70]  }
0x11e: {  	v2 =	vld [tilespmem:s17+$0x400]  }
0x11f: {  	v3 =	vld [tilespmem:s17+$0x2C00]  }
0x120: {  	v4 =	vld [tilespmem:s17+$0x410]  }
0x121: {  	v5 =	vld [tilespmem:s17+$0x2C10]  }
0x122: {  	v6 =	vld [tilespmem:s17+$0x420]  }
0x123: {  	v7 =	vld [tilespmem:s17+$0x430]  }
0x124: {  	v0 =	vmul.f32 v1, v0;
	v1 =	vld [tilespmem:s17+$0x2C20]  }
0x125: {  	v8 =	vld [tilespmem:s17+$0x2C30]  }
0x126: {  	v9 =	vld [tilespmem:s17+$0x2C40];
	v2 =	vmul.f32 v3, v2  }
0x127: {  	[tilespmem:s17+$0x5470] =	vst v0;
	v0 =	vmul.f32 v5, v4;
	v5 =	vld [tilespmem:s17+$0x440]  }
0x128: {  	v3 =	vld [tilespmem:s17+$0x2C50];
	[tilespmem:s17+$0x5400] =	vst v2  }
0x129: {  	v2 =	vld [tilespmem:s17+$0x450];
	[tilespmem:s17+$0x5410] =	vst v0;
	v0 =	vmul.f32 v1, v6  }
0x12a: {  	v4 =	vld [tilespmem:s17+$0x2C60];
	v6 =	vmul.f32 v8, v7  }
0x12b: {  	s29 =	simm.s32 $0x80;
	[tilespmem:s17+$0x5420] =	vst v0;
	v0 =	vld [tilespmem:s17+$0x460]  }
0x12c: {  	s9 =	simm.s32 $0x400;
	v5 =	vmul.f32 v9, v5;
	v1 =	vld [tilespmem:s29+$0x470];
	[tilespmem:s17+$0x5430] =	vst v6  }
.LBB2_14:
0x12d: {  	p3 =	sne.s32 s9, $0x4E00;
	v6 =	vld [tilespmem:s29+$0x2C70]  }
0x12e: {  	v7 =	vld [tilespmem:s29+$0x400];
	[tilespmem:s17+$0x5440] =	vst v5;
	v2 =	vmul.f32 v3, v2  }
0x12f: {  	v3 =	vld [tilespmem:s29+$0x2C00]  }
0x130: {  	v5 =	vld [tilespmem:s29+$0x410];
	[tilespmem:s17+$0x5450] =	vst v2;
	v0 =	vmul.f32 v4, v0  }
0x131: {  	v2 =	vld [tilespmem:s29+$0x2C10]  }
0x132: {  	v4 =	vld [tilespmem:s29+$0x420];
	v1 =	vmul.f32 v6, v1;
	[tilespmem:s17+$0x5460] =	vst v0;
	s17 =	smov.u32 s29  }
0x133: {  	v0 =	vld [tilespmem:s17+$0x2C20]  }
0x134: {  	v3 =	vmul.f32 v3, v7;
	v6 =	vld [tilespmem:s17+$0x430];
	[tilespmem:s17+$0x5470] =	vst v1  }
0x135: {  	v1 =	vld [tilespmem:s17+$0x2C30]  }
0x136: {  	[tilespmem:s17+$0x5400] =	vst v3;
	v2 =	vmul.f32 v2, v5;
	v5 =	vld [tilespmem:s17+$0x440]  }
0x137: {  	v7 =	vld [tilespmem:s17+$0x2C40]  }
.Ltmp10:
0x138: {  	[tilespmem:s17+$0x5410] =	vst v2;
	v0 =	vmul.f32 v0, v4;
	v2 =	vld [tilespmem:s17+$0x450];
	(pc) =	sbr.rel @p3 .LBB2_14-.Ltmp10, $4  }
0x139: {  	v3 =	vld [tilespmem:s17+$0x2C50]  }
0x13a: {  	[tilespmem:s17+$0x5420] =	vst v0;
	v6 =	vmul.f32 v1, v6;
	v0 =	vld [tilespmem:s17+$0x460]  }
0x13b: {  	s29 =	sshra.s32 s9, $0x2;
	v4 =	vld [tilespmem:s17+$0x2C60]  }
0x13c: {  	s9 =	sadd.s32 $0x200, s9;
	v1 =	vld [tilespmem:s29+$0x470];
	[tilespmem:s17+$0x5430] =	vst v6;
	v5 =	vmul.f32 v7, v5  }
0x13d: {  	v6 =	vld [tilespmem:s29+$0x2C70]  }
0x13e: {  	v7 =	vld [tilespmem:s29+$0x400];
	[tilespmem:s17+$0x5440] =	vst v5;
	v2 =	vmul.f32 v3, v2  }
0x13f: {  	v51 =	vld [tilespmem:s29+$0x2C00]  }
0x140: {  	v5 =	vld [tilespmem:s29+$0x410];
	[tilespmem:s17+$0x5450] =	vst v2;
	v0 =	vmul.f32 v4, v0  }
0x141: {  	v2 =	vld [tilespmem:s29+$0x2C10]  }
0x142: {  	v52 =	vld [tilespmem:s29+$0x420];
	[tilespmem:s17+$0x5460] =	vst v0  }
0x143: {  	v54 =	vld [tilespmem:s29+$0x2C20]  }
0x144: {  	v55 =	vld [tilespmem:s29+$0x430]  }
0x145: {  	v56 =	vld [tilespmem:s29+$0x2C30]  }
0x146: {  	v57 =	vld [tilespmem:s29+$0x440]  }
0x147: {  	v58 =	vld [tilespmem:s29+$0x2C40]  }
0x148: {  	v59 =	vld [tilespmem:s29+$0x450]  }
0x149: {  	v53 =	vmul.f32 v6, v1;
	v60 =	vld [tilespmem:s29+$0x2C50]  }
0x14a: {  	v61 =	vld [tilespmem:s29+$0x460];
	v3 =	vmul.f32 v51, v7  }
0x14b: {  	v62 =	vld [tilespmem:s29+$0x2C60];
	[tilespmem:s29+$0x5470] =	vst v53;
	v2 =	vmul.f32 v2, v5  }
0x14c: {  	[tilespmem:s29+$0x5400] =	vst v3;
	v1 =	vmul.f32 v54, v52  }
0x14d: {  	[tilespmem:s29+$0x5410] =	vst v2;
	v0 =	vmul.f32 v56, v55  }
0x14e: {  	v3 =	vmul.f32 v58, v57;
	[tilespmem:s29+$0x5420] =	vst v1  }
0x14f: {  	v63 =	vmul.f32 v60, v59;
	[tilespmem:s29+$0x5430] =	vst v0  }
0x150: {  	[tilespmem:s29+$0x5440] =	vst v3;
	v1 =	vmul.f32 v62, v61  }
0x151: {  	[tilespmem:s29+$0x5450] =	vst v63  }
0x152: {  	s9 =	simm.s32 @!p2 $0x7;
	[tilespmem:s29+$0x5460] =	vst v1  }
0x153: {  	_ =	swait.ge @!p2 [sflag:s9], $0x28  }
0x154: {  	s17 =	simm.s32 @!p2 $0x0;
	[sflag:s9] =	ssyncset.done @!p2 $0x0  }
0x155: {  	s29 =	simm.s32 @!p2 $0x400;
	[sflag:s9] =	ssyncadd.s32 @!p2 $0xFFFFFFD8;
	s9 =	simm.s32 @!p2 $0x28  }
0x156: {  	[tilespmem:s29], [sflag:$0x1] =	stream.indirect.gather @!p2 [hbm4b:s1+s9], $0x80, s17, s9, $0xb8;
	[tilespmem:$0x1B480] =	vst v63  }
0x157: {  	s9 =	sadd.s32 @!p2 s7, s10  }
0x158: {  	s9 =	sshll.u32 @!p2 s9, $0x4  }
0x159: {  	s10 =	simm.s32 @!p2 $0x2C00;
	s9 =	sadd.s32 @!p2 s5, s9  }
0x15a: {  	[tilespmem:s10], [sflag:$0x3] =	stream.linear.gather @!p2 [hbm4b:s9+s17], $0x1400, $0x38;
	[tilespmem:$0x1B480] =	vst v63  }
0x15b: {  	_ =	swait.ge [sflag:s21], $0x28  }
0x15c: {  	[sflag:s21] =	ssyncset.done $0x0  }
0x15d: {  	[sflag:s21] =	ssyncadd.s32 $0xFFFFFFD8  }
0x15e: {  	[spmem:s2] =	stream.indirect.scatter.add.f32 [tilespmem:s15], [sflag:$0x5], $0x80, s11, s30, $0xb8;
	[tilespmem:$0x1B480] =	vst v63  }
.LBB2_16:
.Ltmp11:
0x15f: {  	(pc) =	sbr.rel @p1 .LBB2_20-.Ltmp11, $1  }
0x160: {  	_ =	sdelay $0x3  }
0x161: {  	_ =	swait.ge [sflag:s8], $0x1400  }
0x162: {  	[sflag:s8] =	ssyncset.done $0x0  }
0x163: {  	[sflag:s8] =	ssyncadd.s32 $0xFFFFEC00  }
0x164: {  	s9 =	sadd.s32 $0x5, s24;
	p1 =	seq.s32 s3, $0x28;
	_ =	swait.ge [sflag:s16], $0x1400  }
0x165: {  	s10 =	smul.u32 @!p1 $0x28, s9;
	[sflag:s16] =	ssyncset.done $0x0  }
0x166: {  	[sflag:s16] =	ssyncadd.s32 $0xFFFFEC00  }
0x167: {  	s9 =	sadd.s32 @!p1 s12, s10;
	_ =	swait.ge [sflag:s22], $0x1400  }
0x168: {  	s17 =	simm.s32 @!p1 $0x0;
	s9 =	sshrl.u32 @!p1 s9, $0x3;
	[sflag:s22] =	ssyncset.done $0x0  }
0x169: {  	s24 =	simm.s32 @!p1 $0x80;
	s9 =	sadd.s32 @!p1 s6, s9;
	[sflag:s22] =	ssyncadd.s32 $0xFFFFEC00  }
0x16a: {  	[tilespmem:s24], [sflag:$0x8] =	stream.linear.gather @!p1 [hbm4b:s9+s17], $0x28, $0x38;
	[tilespmem:$0x1B480] =	vst v63  }
0x16b: {  	s9 =	sadd.s32 @!p1 s13, s10  }
0x16c: {  	s9 =	sshrl.u32 @!p1 s9, $0x3  }
0x16d: {  	s24 =	simm.s32 @!p1 $0x280;
	s9 =	sadd.s32 @!p1 s6, s9  }
0x16e: {  	[tilespmem:s24], [sflag:$0xC] =	stream.linear.gather @!p1 [hbm4b:s9+s17], $0x28, $0x38;
	[tilespmem:$0x1B480] =	vst v63  }
0x16f: {  	s17 =	simm.s32 $0x0  }
0x170: {  	v0 =	vld [tilespmem:s17+$0x1870]  }
0x171: {  	v1 =	vld [tilespmem:s17+$0x4070]  }
0x172: {  	v2 =	vld [tilespmem:s17+$0x1800]  }
0x173: {  	v3 =	vld [tilespmem:s17+$0x4000]  }
0x174: {  	v4 =	vld [tilespmem:s17+$0x1810]  }
0x175: {  	v5 =	vld [tilespmem:s17+$0x4010]  }
0x176: {  	v6 =	vld [tilespmem:s17+$0x1820]  }
0x177: {  	v7 =	vld [tilespmem:s17+$0x1830]  }
0x178: {  	v0 =	vmul.f32 v1, v0;
	v1 =	vld [tilespmem:s17+$0x4020]  }
0x179: {  	v8 =	vld [tilespmem:s17+$0x4030]  }
0x17a: {  	v9 =	vld [tilespmem:s17+$0x4040];
	v2 =	vmul.f32 v3, v2  }
0x17b: {  	[tilespmem:s17+$0x6870] =	vst v0;
	v0 =	vmul.f32 v5, v4;
	v5 =	vld [tilespmem:s17+$0x1840]  }
0x17c: {  	v3 =	vld [tilespmem:s17+$0x4050];
	[tilespmem:s17+$0x6800] =	vst v2  }
0x17d: {  	v2 =	vld [tilespmem:s17+$0x1850];
	[tilespmem:s17+$0x6810] =	vst v0;
	v0 =	vmul.f32 v1, v6  }
0x17e: {  	v4 =	vld [tilespmem:s17+$0x4060];
	v6 =	vmul.f32 v8, v7  }
0x17f: {  	s24 =	simm.s32 $0x80;
	[tilespmem:s17+$0x6820] =	vst v0;
	v0 =	vld [tilespmem:s17+$0x1860]  }
0x180: {  	s9 =	simm.s32 $0x400;
	v5 =	vmul.f32 v9, v5;
	v1 =	vld [tilespmem:s24+$0x1870];
	[tilespmem:s17+$0x6830] =	vst v6  }
.LBB2_18:
0x181: {  	p2 =	sne.s32 s9, $0x4E00;
	v6 =	vld [tilespmem:s24+$0x4070]  }
0x182: {  	v7 =	vld [tilespmem:s24+$0x1800];
	[tilespmem:s17+$0x6840] =	vst v5;
	v2 =	vmul.f32 v3, v2  }
0x183: {  	v3 =	vld [tilespmem:s24+$0x4000]  }
0x184: {  	v5 =	vld [tilespmem:s24+$0x1810];
	[tilespmem:s17+$0x6850] =	vst v2;
	v0 =	vmul.f32 v4, v0  }
0x185: {  	v2 =	vld [tilespmem:s24+$0x4010]  }
0x186: {  	v4 =	vld [tilespmem:s24+$0x1820];
	v1 =	vmul.f32 v6, v1;
	[tilespmem:s17+$0x6860] =	vst v0;
	s17 =	smov.u32 s24  }
0x187: {  	v0 =	vld [tilespmem:s17+$0x4020]  }
0x188: {  	v3 =	vmul.f32 v3, v7;
	v6 =	vld [tilespmem:s17+$0x1830];
	[tilespmem:s17+$0x6870] =	vst v1  }
0x189: {  	v1 =	vld [tilespmem:s17+$0x4030]  }
0x18a: {  	[tilespmem:s17+$0x6800] =	vst v3;
	v2 =	vmul.f32 v2, v5;
	v5 =	vld [tilespmem:s17+$0x1840]  }
0x18b: {  	v7 =	vld [tilespmem:s17+$0x4040]  }
.Ltmp12:
0x18c: {  	[tilespmem:s17+$0x6810] =	vst v2;
	v0 =	vmul.f32 v0, v4;
	v2 =	vld [tilespmem:s17+$0x1850];
	(pc) =	sbr.rel @p2 .LBB2_18-.Ltmp12, $4  }
0x18d: {  	v3 =	vld [tilespmem:s17+$0x4050]  }
0x18e: {  	[tilespmem:s17+$0x6820] =	vst v0;
	v6 =	vmul.f32 v1, v6;
	v0 =	vld [tilespmem:s17+$0x1860]  }
0x18f: {  	s24 =	sshra.s32 s9, $0x2;
	v4 =	vld [tilespmem:s17+$0x4060]  }
0x190: {  	s9 =	sadd.s32 $0x200, s9;
	v1 =	vld [tilespmem:s24+$0x1870];
	[tilespmem:s17+$0x6830] =	vst v6;
	v5 =	vmul.f32 v7, v5  }
0x191: {  	v6 =	vld [tilespmem:s24+$0x4070]  }
0x192: {  	v7 =	vld [tilespmem:s24+$0x1800];
	[tilespmem:s17+$0x6840] =	vst v5;
	v2 =	vmul.f32 v3, v2  }
0x193: {  	v51 =	vld [tilespmem:s24+$0x4000]  }
0x194: {  	v5 =	vld [tilespmem:s24+$0x1810];
	[tilespmem:s17+$0x6850] =	vst v2;
	v0 =	vmul.f32 v4, v0  }
0x195: {  	v2 =	vld [tilespmem:s24+$0x4010]  }
0x196: {  	v52 =	vld [tilespmem:s24+$0x1820];
	[tilespmem:s17+$0x6860] =	vst v0  }
0x197: {  	v54 =	vld [tilespmem:s24+$0x4020]  }
0x198: {  	v55 =	vld [tilespmem:s24+$0x1830]  }
0x199: {  	v56 =	vld [tilespmem:s24+$0x4030]  }
0x19a: {  	v57 =	vld [tilespmem:s24+$0x1840]  }
0x19b: {  	v58 =	vld [tilespmem:s24+$0x4040]  }
0x19c: {  	v59 =	vld [tilespmem:s24+$0x1850]  }
0x19d: {  	v53 =	vmul.f32 v6, v1;
	v60 =	vld [tilespmem:s24+$0x4050]  }
0x19e: {  	v61 =	vld [tilespmem:s24+$0x1860];
	v3 =	vmul.f32 v51, v7  }
0x19f: {  	v62 =	vld [tilespmem:s24+$0x4060];
	[tilespmem:s24+$0x6870] =	vst v53;
	v2 =	vmul.f32 v2, v5  }
0x1a0: {  	[tilespmem:s24+$0x6800] =	vst v3;
	v1 =	vmul.f32 v54, v52  }
0x1a1: {  	[tilespmem:s24+$0x6810] =	vst v2;
	v0 =	vmul.f32 v56, v55  }
0x1a2: {  	v3 =	vmul.f32 v58, v57;
	[tilespmem:s24+$0x6820] =	vst v1  }
0x1a3: {  	v63 =	vmul.f32 v60, v59;
	[tilespmem:s24+$0x6830] =	vst v0  }
0x1a4: {  	[tilespmem:s24+$0x6840] =	vst v3;
	v1 =	vmul.f32 v62, v61  }
0x1a5: {  	[tilespmem:s24+$0x6850] =	vst v63  }
0x1a6: {  	s9 =	simm.s32 @!p1 $0x8;
	[tilespmem:s24+$0x6860] =	vst v1  }
0x1a7: {  	_ =	swait.ge @!p1 [sflag:s9], $0x28  }
0x1a8: {  	s17 =	simm.s32 @!p1 $0x80;
	[sflag:s9] =	ssyncset.done @!p1 $0x0  }
0x1a9: {  	s24 =	simm.s32 @!p1 $0x1800;
	[sflag:s9] =	ssyncadd.s32 @!p1 $0xFFFFFFD8;
	s9 =	simm.s32 @!p1 $0x28  }
0x1aa: {  	[tilespmem:s24], [sflag:$0x2] =	stream.indirect.gather @!p1 [hbm4b:s1+s9], $0x80, s17, s9, $0xb8;
	[tilespmem:$0x1B480] =	vst v63  }
0x1ab: {  	s9 =	sadd.s32 @!p1 s7, s10  }
0x1ac: {  	s9 =	sshll.u32 @!p1 s9, $0x4  }
0x1ad: {  	s10 =	simm.s32 @!p1 $0x0;
	s17 =	simm.s32 @!p1 $0x4000;
	s9 =	sadd.s32 @!p1 s5, s9  }
0x1ae: {  	[tilespmem:s17], [sflag:$0x4] =	stream.linear.gather @!p1 [hbm4b:s9+s10], $0x1400, $0x38;
	[tilespmem:$0x1B480] =	vst v63  }
.Ltmp13:
0x1af: {  	_ = 	snop;
	(pc) =	sbr.rel .LBB2_20-.Ltmp13, $4  }
0x1b0: {  	_ =	swait.ge [sflag:s23], $0x28  }
0x1b1: {  	[sflag:s23] =	ssyncset.done $0x0  }
0x1b2: {  	[sflag:s23] =	ssyncadd.s32 $0xFFFFFFD8  }
0x1b3: {  	[spmem:s2] =	stream.indirect.scatter.add.f32 [tilespmem:s19], [sflag:$0x6], $0x80, s26, s30, $0xb8;
	[tilespmem:$0x1B480] =	vst v63  }
.LBB2_22:
0x1b4: {  	_ =	sfence.sel $0x180000  }
0x1b5: {  	[bflag:$0x0] =	sbarrier.arrive $0xFFFF  }
0x1b6: {  	_ =	strace $0x9000004A  }
0x1b7: {  	s0 =	stileid.u32;
	[bflag:$0x2] =	sbarrier.arrive $0xFFFF  }
0x1b8: {  	p0 =	sne.s32 s0, $0x0;
	s0 =	rddreg [dreg:$0x3]  }
0x1b9: {  	s0 =	sadd.s32 @!p0 $0x100000, s0  }
0x1ba: {  	[sflag:s0] =	ssyncadd.tile.s32 @!p0 $0x1;
	_ =	shalt  }
.Lfunc_end2:
_tile_overlayer_lowered:
.L_overlay_start_2:
0x1bb: {  	(tag) =	ssettag $0x2  }
0x1bc: {  	s0 =	rddreg [dreg:$0x0];
	s2 =	stileid.u32  }
0x1bd: {  	s1 =	rddreg [dreg:$0x1];
	p0 =	sne.s32 s2, $0x0  }
0x1be: {  	s3 =	rddreg [dreg:$0x2];
	[bflag:$0x3] =	sbarrier.arrive $0xFFFF;
	s2 =	simm.s32 @!p0 $0x1C0F  }
0x1bf: {  	[timem:s3], [sflag:s2] =	dma.local @!p0 [hbm:s0], s1  }
0x1c0: {  	s0 =	simm.s32 @!p0 $0xF  }
0x1c1: {  	_ =	swait.ge @!p0 [sflag:s0], s1  }
0x1c2: {  	s1 =	ssub.s32 @!p0 $0x0, s1;
	[sflag:s0] =	ssyncset.done @!p0 $0x0  }
0x1c3: {  	[sflag:s0] =	ssyncadd.s32 @!p0 s1  }
0x1c4: {  	[bflag:$0x3] =	sbarrier.arrive $0xFFFF  }
0x1c5: {  	_ =	shalt  }

// kernel: kernel.8.cloned.1.call-start
scs
__scs_entry_jumppad:
0x0: {  	(pc) =	sbr.rel $0x88, $3  }
0x1: {  	(tag) =	ssettag $0x0;
	lr =	simm.s32 $0x1  }
0x2: {  	[smem:$0x3F97] =	sst lr;
	_ =	strace $0xD0000000  }
0x3: {  	_ = 	snop  }
0x4: {  	_ = 	snop  }
0x5: {  	_ = 	snop  }
0x6: {  	_ = 	snop  }
0x7: {  	_ = 	snop  }
__scs_overlays_trampoline_lowered:
0x8: {  	[smem:$0x3FA6] =	sst s0  }
0x9: {  	[smem:$0x3FA7] =	sst s1  }
0xa: {  	[smem:$0x3FA8] =	sst s2  }
0xb: {  	[smem:$0x3FA9] =	sst s3  }
0xc: {  	[smem:$0x3FAA] =	sst s4  }
0xd: {  	[smem:$0x3FAB] =	sst s5  }
0xe: {  	[smem:$0x3FAC] =	sst s6  }
0xf: {  	[smem:$0x3FAD] =	sst s7  }
0x10: {  	[smem:$0x3FAE] =	sst s8  }
0x11: {  	[smem:$0x3FAF] =	sst s9;
	s0 =	simm.s32 @!p0 $0x0  }
0x12: {  	s1 =	sld [smem:$0x3F95];
	s0 =	simm.s32 @p0 $0x1  }
0x13: {  	[smem:$0x3FB0] =	sst s0;
	s0 =	simm.s32 @!p1 $0x0  }
0x14: {  	s2 =	sld [smem:$0x3F94];
	s0 =	simm.s32 @p1 $0x1  }
0x15: {  	[smem:$0x3FB1] =	sst s0;
	s0 =	simm.s32 @!p2 $0x0  }
0x16: {  	s3 =	sld [smem:$0x3FDB];
	s0 =	simm.s32 @p2 $0x1  }
0x17: {  	s4 =	simm.s32 $0x1BF5;
	[smem:$0x3FB3] =	sst s0  }
0x18: {  	s0 =	sld [smem:$0x3F96];
	_ =	swait.ge [sflag:s4], $0x0  }
0x19: {  	s7 =	sld [smem:$0x3F97]  }
0x1a: {  	s8 =	sadd.s32 $0xFFFFE003, lr  }
0x1b: {  	s9 =	sadd.s32 $0xFFFFFEF7, lr;
	s5 =	simm.s32 $0xFFFFFFFF;
	p2 =	slt.u32 s8, $0xFFFFF086  }
0x1c: {  	p1 =	slt.u32 s9, $0xF7A;
	s5 =	simm.s32 @!p2 $0x0  }
0x1d: {  	s5 =	simm.s32 @p1 $0x1;
	p0 =	seq.s32 s7, s2  }
0x1e: {  	s7 =	smul.u32 @!p0 $0xF7A, s2;
	p2 =	seq.s32 @!p0 s5, $0x0  }
0x1f: {  	s9 =	smul.u32 $0xF7A, s1;
	s8 =	simm.s32 @!p0 $0x1BF5;
	p2 =	por !p2, p0  }
0x20: {  	[sflag:s8] =	ssyncset.s32 @!p0 $0xFFFFF086;
	s6 =	sadd.s32 @!p0 s3, s7;
	s7 =	simm.s32 @!p0 $0x108  }
0x21: {  	s3 =	sadd.s32 s3, s9;
	s6 =	sadd.s32 @!p0 $0x88, s6;
	s7 =	simm.s32 @p2 $0x1082  }
0x22: {  	[simem:s7], [sflag:s8] =	dma.local @!p0 [hbm:s6], $0xF7A  }
0x23: {  	s9 =	sor.u32 $0xD0000000, s2;
	s6 =	simm.s32 $0x108;
	_ =	swait.ge @!p0 [sflag:s8], $0x0  }
0x24: {  	s3 =	sadd.s32 $0x88, s3;
	s6 =	simm.s32 @!p1 $0x1082;
	[sflag:s4] =	ssyncset.s32 $0xFFFFF086  }
0x25: {  	[simem:s6], [sflag:s4] =	dma.local [hbm:s3], $0xF7A  }
0x26: {  	[smem:$0x3F97] =	sst s1;
	(tag) =	ssettag s2;
	_ =	strace s9  }
0x27: {  	s1 =	sld [smem:$0x3FA7]  }
0x28: {  	s2 =	sld [smem:$0x3FA8]  }
0x29: {  	s4 =	sld [smem:$0x3FAA]  }
0x2a: {  	p0 =	seq.s32 s5, $0x0;
	s5 =	sld [smem:$0x3FAB]  }
0x2b: {  	s6 =	sld [smem:$0x3FAC]  }
0x2c: {  	s7 =	sld [smem:$0x3FAD]  }
0x2d: {  	s3 =	simm.s32 $0x108;
	s8 =	sld [smem:$0x3FAE]  }
0x2e: {  	s3 =	simm.s32 @!p0 $0x1082;
	s9 =	sld [smem:$0x3FAF]  }
0x2f: {  	lr =	sadd.s32 s0, s3;
	s0 =	sld [smem:$0x3FA6]  }
0x30: {  	s3 =	sld [smem:$0x3FA9]  }
0x31: {  	[smem:$0x3FB2] =	sst s10  }
0x32: {  	s10 =	sld [smem:$0x3FB0];
	_ =	sdelay $0x3  }
0x33: {  	p0 =	seq.s32 s10, $0x1;
	s10 =	sld [smem:$0x3FB2];
	_ =	sdelay $0x3  }
0x34: {  	[smem:$0x3FB2] =	sst s10  }
0x35: {  	s10 =	sld [smem:$0x3FB1];
	_ =	sdelay $0x3  }
0x36: {  	p1 =	seq.s32 s10, $0x1;
	s10 =	sld [smem:$0x3FB2];
	_ =	sdelay $0x3  }
0x37: {  	[smem:$0x3FB2] =	sst s10  }
0x38: {  	s10 =	sld [smem:$0x3FB3]  }
0x39: {  	_ = 	snop;
	(pc) =	sbr.ind lr, $3  }
0x3a: {  	_ = 	snop  }
0x3b: {  	_ = 	snop  }
0x3c: {  	p2 =	seq.s32 s10, $0x1;
	s10 =	sld [smem:$0x3FB2]  }
0x3d: {  	_ =	shalt  }
0x3e: {  	_ =	shalt  }
0x3f: {  	_ =	shalt  }
0x40: {  	_ =	shalt  }
0x41: {  	_ =	shalt  }
0x42: {  	_ =	shalt  }
0x43: {  	_ =	shalt  }
0x44: {  	_ =	shalt  }
0x45: {  	_ =	shalt  }
0x46: {  	_ =	shalt  }
0x47: {  	_ =	shalt  }
0x48: {  	_ =	shalt  }
0x49: {  	_ =	shalt  }
0x4a: {  	_ =	shalt  }
0x4b: {  	_ =	shalt  }
0x4c: {  	_ =	shalt  }
0x4d: {  	_ =	shalt  }
0x4e: {  	_ =	shalt  }
0x4f: {  	_ =	shalt  }
0x50: {  	_ =	shalt  }
0x51: {  	_ =	shalt  }
0x52: {  	_ =	shalt  }
0x53: {  	_ =	shalt  }
0x54: {  	_ =	shalt  }
0x55: {  	_ =	shalt  }
0x56: {  	_ =	shalt  }
0x57: {  	_ =	shalt  }
0x58: {  	_ =	shalt  }
0x59: {  	_ =	shalt  }
0x5a: {  	_ =	shalt  }
0x5b: {  	_ =	shalt  }
0x5c: {  	_ =	shalt  }
0x5d: {  	_ =	shalt  }
0x5e: {  	_ =	shalt  }
0x5f: {  	_ =	shalt  }
0x60: {  	_ =	shalt  }
0x61: {  	_ =	shalt  }
0x62: {  	_ =	shalt  }
0x63: {  	_ =	shalt  }
0x64: {  	_ =	shalt  }
0x65: {  	_ =	shalt  }
0x66: {  	_ =	shalt  }
0x67: {  	_ =	shalt  }
0x68: {  	_ =	shalt  }
0x69: {  	_ =	shalt  }
0x6a: {  	_ =	shalt  }
0x6b: {  	_ =	shalt  }
0x6c: {  	_ =	shalt  }
0x6d: {  	_ =	shalt  }
0x6e: {  	_ =	shalt  }
0x6f: {  	_ =	shalt  }
0x70: {  	_ =	shalt  }
0x71: {  	_ =	shalt  }
0x72: {  	_ =	shalt  }
0x73: {  	_ =	shalt  }
0x74: {  	_ =	shalt  }
0x75: {  	_ =	shalt  }
0x76: {  	_ =	shalt  }
0x77: {  	_ =	shalt  }
0x78: {  	_ =	shalt  }
0x79: {  	_ =	shalt  }
0x7a: {  	_ =	shalt  }
0x7b: {  	_ =	shalt  }
0x7c: {  	_ =	shalt  }
0x7d: {  	_ =	shalt  }
0x7e: {  	_ =	shalt  }
0x7f: {  	_ =	shalt  }
0x80: {  	_ =	shalt  }
0x81: {  	_ =	shalt  }
0x82: {  	_ =	shalt  }
0x83: {  	_ =	shalt  }
0x84: {  	_ =	shalt  }
0x85: {  	_ =	shalt  }
0x86: {  	_ =	shalt  }
0x87: {  	_ =	shalt  }
.Lfunc_end0:
.L_simem_size_0:
called_computation_lowered:
.L_overlay_start_0:
0x88: {  	s2 =	sld [smem:$0x3FD9]  }
0x89: {  	s3 =	sld [smem:$0x3FFE];
	_ =	sdelay $0x1  }
0x8a: {  	s1 =	srdreg.scid  }
0x8b: {  	s0 =	sand.u32 $0x1, s1  }
0x8c: {  	s17 =	sshll.u32 s0, $0xA;
	s2 =	sadd.s32 s3, s2  }
0x8d: {  	s2 =	sadd.s32 s2, s17  }
0x8e: {  	[smem:$0x3FBE] =	sst s2  }
0x8f: {  	_ = 	snop  }
0x90: {  	s2 =	sld [smem:$0x3FD0];
	(tm) =	ssettm $0x1  }
0x91: {  	s18 =	sld [smem:$0x3FFB];
	_ =	sdelay $0x3  }
0x92: {  	_ =	strace s18  }
0x93: {  	s3 =	sld [smem:$0x3FFC];
	_ =	sdelay $0x3  }
0x94: {  	_ =	strace s3  }
0x95: {  	s3 =	sld [smem:$0x3FFD];
	_ =	sdelay $0x3  }
0x96: {  	_ =	strace s3  }
0x97: {  	_ =	strace $0x8FFFFFFF  }
0x98: {  	s19 =	sld [smem:$0x3FDB];
	_ =	sdelay $0x1  }
0x99: {  	s4 =	simm.s32 $_scs_section_size  }
0x9a: {  	s5 =	simm.s32 $_size__tile_overlayer_lowered;
	s6 =	simm.s32 $_tile_overlayer_lowered  }
0x9b: {  	s22 =	simm.s32 $0x1BFF;
	s21 =	sshll.u32 s6, $0x1;
	s3 =	sadd.s32 s4, s19  }
0x9c: {  	s7 =	simm.s32 $0x0;
	s20 =	sshll.u32 s5, $0x1;
	s5 =	sadd.s32 s21, s3  }
0x9d: {  	[timem:s7], [sflag:s22] =	dma.local [hbm:s5], s20  }
0x9e: {  	_ =	swait.ge [sflag:s22], s20  }
0x9f: {  	s4 =	ssub.s32 $0x0, s20;
	[sflag:s22] =	ssyncset.done $0x0  }
0xa0: {  	[sflag:s22] =	ssyncadd.s32 s4;
	_ =	sdelay $0x1  }
0xa1: {  	s23 =	simm.s32 $0x1B8B  }
0xa2: {  	_ =	swait.ge [sflag:s23], $0x1  }
0xa3: {  	[sflag:s23] =	ssyncset.done $0x0  }
0xa4: {  	s25 =	simm.s32 $0x1B8E;
	s24 =	sld [smem:$0x3FFE];
	[sflag:s23] =	ssyncadd.s32 $0xFFFFFFFF  }
0xa5: {  	s26 =	simm.s32 $execute0_lowered;
	[smem:$0x3FD2] =	sst s25  }
0xa6: {  	s5 =	sshll.u32 s26, $0x1;
	_ =	strace $0x80000046;
	[dreg:$0x1] =	wrdreg $0xFFFFFFFF  }
0xa7: {  	s28 =	simm.s32 $_size_execute0_lowered;
	s3 =	sadd.s32 s3, s5;
	[dreg:$0x0] =	wrdreg $0x0  }
0xa8: {  	s5 =	sshll.u32 s28, $0x1;
	[dreg:$0x2] =	wrdreg s3  }
0xa9: {  	[dreg:$0x3] =	wrdreg s5  }
0xaa: {  	[dreg:$0x4] =	wrdreg $0xC0  }
0xab: {  	_ =	task [dreg:s7], $0x5FFFF  }
0xac: {  	[dreg:$0x1] =	wrdreg $0xFFFFFFFF  }
0xad: {  	[dreg:$0x0] =	wrdreg $0x60  }
0xae: {  	[dreg:$0x2] =	wrdreg s2  }
0xaf: {  	[dreg:$0x3] =	wrdreg s24  }
0xb0: {  	[dreg:$0x4] =	wrdreg $0x7C000  }
0xb1: {  	[dreg:$0x5] =	wrdreg $0x9  }
0xb2: {  	_ =	task.clear_ibuf [dreg:s7], $0x6FFFF;
	_ =	strace $0x90000046  }
0xb3: {  	s29 =	simm.s32 $0x9;
	_ =	strace $0x80000048  }
0xb4: {  	_ =	swait.ge [sflag:s29], $0x1  }
0xb5: {  	[sflag:s29] =	ssyncadd.s32 $0xFFFFFFFF  }
0xb6: {  	_ =	strace $0x90000048  }
0xb7: {  	_ =	sfence  }
0xb8: {  	s30 =	sld [smem:$0x0];
	_ =	sdelay $0x2  }
0xb9: {  	s31 =	sshll.u32 s1, $0xD;
	s1 =	sshrl.u32 s1, $0x2  }
0xba: {  	s3 =	sand.u32 $0x4000, s31;
	s1 =	sadd.s32 s1, s30  }
0xbb: {  	s0 =	sor.u32 s3, s0;
	s1 =	sshll.u32 s1, $0x11  }
0xbc: {  	s0 =	sor.u32 s1, s0  }
0xbd: {  	s0 =	sadd.s32 $0x8F2B, s0  }
0xbe: {  	[sflag:s0] =	ssyncadd.remote.s32 $0x1  }
0xbf: {  	_ =	sfence.sel $0xFFFF  }
0xc0: {  	[dreg:$0x0] =	wrdreg $0xFFFFFFFF;
	(pc) =	sbr.abs _section_cstart, $3  }
0xc1: {  	[dreg:$0x1] =	wrdreg $0xFFFFFFFF  }
0xc2: {  	_ =	task.clear_ibuf [dreg:s7], $0x2FFFF;
	_ =	strace $0x9FFFFFFF  }
0xc3: {  	(tm) =	ssettm $0x7FFFFFFF  }
tec
execute0_lowered:
.L_overlay_start_1:
0x0: {  	(tag) =	ssettag $0x1  }
0x1: {  	s1 =	rddreg [dreg:$0x0]  }
0x2: {  	s0 =	rddreg [dreg:$0x1]  }
0x3: {  	s2 =	rddreg [dreg:$0x2]  }
0x4: {  	s4 =	simm.s32 $0x0;
	s3 =	srdreg.scid;
	s15 =	stileid.u32  }
0x5: {  	s29 =	simm.s32 $0x28;
	s31 =	simm.s32 $0x1;
	s30 =	simm.s32 $0x2  }
0x6: {  	[smem:$0x7FF] =	sst s4;
	s5 =	sadd.s32 $0x15800, s0;
	s3 =	sand.u32 $0x1, s3  }
0x7: {  	s7 =	smul.u32 $0x4E000, s15;
	s6 =	sadd.s32 $0x1E00, s0;
	s10 =	sadd.s32 $0x1BE800, s0  }
0x8: {  	s12 =	smul.u32 $0x13800, s15;
	s0 =	sadd.s32 $0x20CA00, s0;
	s25 =	sshll.u32 s15, $0x1  }
0x9: {  	s17 =	sshll.u32 s15, $0x6;
	s18 =	sadd.s32 $0x138000, s2;
	p0 =	sne.s32 s15, $0xF  }
0xa: {  	s15 =	simm.s32 $0xF;
	_ =	strace $0x80000047;
	s8 =	ssub.s32 $0x2, s3  }
0xb: {  	s9 =	smul.u32 $0x138800, s3;
	s3 =	sor.u32 s3, s25;
	s22 =	sor.u32 $0x1C0F, s17  }
0xc: {  	[dreg:$0x7] =	wrdreg s18;
	s17 =	simm.s32 $0x6800;
	s18 =	simm.s32 $0x5  }
0xd: {  	s11 =	sshrl.u32 s8, $0x1;
	s7 =	sshrl.u32 s7, $0x2;
	[dreg:$0x6] =	wrdreg s22  }
0xe: {  	s13 =	ssub.s32 s8, s11;
	s26 =	sadd.s32 s12, s9;
	s8 =	smul.u32 $0xD48, s3  }
0xf: {  	s7 =	sadd.s32 s7, s2;
	s9 =	sshrl.u32 s9, $0x3;
	s3 =	smul.u32 $0xD480, s3  }
0x10: {  	[dreg:$0x4] =	wrdreg s7;
	s28 =	sshrl.u32 s26, $0x3;
	s9 =	sadd.s32 $0x27000, s9  }
0x11: {  	s7 =	simm.s32 $0x100;
	s16 =	sadd.s32 s10, s28;
	s11 =	sadd.s32 $0x4E200, s8  }
0x12: {  	s10 =	sadd.s32 s10, s9;
	s20 =	sshrl.u32 s8, $0x3;
	s21 =	sadd.s32 $0x4E228, s8  }
0x13: {  	s14 =	sadd.s32 $0x28, s8;
	s3 =	sadd.s32 s5, s3;
	[dreg:$0x5] =	wrdreg s16  }
0x14: {  	s26 =	sadd.s32 s0, s28;
	s0 =	sadd.s32 s0, s9;
	[dreg:$0x8] =	wrdreg s10  }
0x15: {  	s28 =	smax.u32 s13, $0x1;
	s9 =	simm.s32 $0x300;
	[dreg:$0xd] =	wrdreg s3  }
0x16: {  	s13 =	simm.s32 $0x5400;
	s19 =	sshrl.u32 s11, $0x3;
	[dreg:$0xf] =	wrdreg s26  }
0x17: {  	s12 =	sshrl.u32 s21, $0x3;
	s24 =	sshrl.u32 s14, $0x3;
	[dreg:$0x10] =	wrdreg s0  }
0x18: {  	s25 =	sshll.u32 s14, $0x4;
	[dreg:$0x11] =	wrdreg s28;
	s26 =	simm.s32 $0x280  }
0x19: {  	s14 =	simm.s32 $0x4;
	s16 =	simm.s32 $0xC;
	s21 =	simm.s32 $0xE  }
0x1a: {  	s10 =	sadd.s32 s6, s19;
	s23 =	sadd.s32 s6, s12;
	s3 =	sadd.s32 s5, s25  }
.Ltmp0:
0x1b: {  	s12 =	simm.s32 $0xB;
	[dreg:$0x9] =	wrdreg s10;
	(pc) =	sbr.rel .LBB2_1-.Ltmp0, $4  }
0x1c: {  	s25 =	simm.s32 $0x380;
	s19 =	simm.s32 $0xD;
	[dreg:$0xb] =	wrdreg s23  }
0x1d: {  	s10 =	sadd.s32 s6, s20;
	[dreg:$0xe] =	wrdreg s3;
	s3 =	simm.s32 $0x3  }
0x1e: {  	s20 =	simm.s32 $0x6;
	[dreg:$0xa] =	wrdreg s10;
	s10 =	sadd.s32 s6, s24  }
0x1f: {  	s23 =	simm.s32 $0x0;
	s24 =	simm.s32 $0x200;
	[dreg:$0xc] =	wrdreg s10  }
.LBB2_21:
0x20: {  	_ =	swait.ge [sflag:s18], $0x1400  }
0x21: {  	[sflag:s18] =	ssyncset.done $0x0  }
0x22: {  	[sflag:s18] =	ssyncadd.s32 $0xFFFFEC00  }
0x23: {  	_ =	swait.ge [sflag:s20], $0x1400  }
0x24: {  	[sflag:s20] =	ssyncset.done $0x0  }
0x25: {  	[sflag:s20] =	ssyncadd.s32 $0xFFFFEC00  }
0x26: {  	[bflag:$0x0] =	sbarrier.arrive $0xFFFF  }
0x27: {  	s22 =	rddreg [dreg:$0x6]  }
0x28: {  	s0 =	rddreg [dreg:$0xf]  }
0x29: {  	s15 =	simm.s32 $0xF;
	s10 =	rddreg [dreg:$0x13]  }
0x2a: {  	[hbm:s0], [sflag:s22] =	dma.local [spmem:s10], $0x2700  }
0x2b: {  	_ =	swait.ge [sflag:s15], $0x2700  }
0x2c: {  	[sflag:s15] =	ssyncset.done $0x0;
	s0 =	rddreg [dreg:$0x10]  }
0x2d: {  	s10 =	rddreg [dreg:$0x14];
	[sflag:s15] =	ssyncadd.s32 $0xFFFFD900  }
0x2e: {  	[hbm:s0], [sflag:s22] =	dma.local @!p0 [spmem:s10], $0x100  }
0x2f: {  	s0 =	simm.s32 @!p0 $0xF  }
0x30: {  	_ =	swait.ge @!p0 [sflag:s0], $0x100  }
0x31: {  	s23 =	rddreg [dreg:$0x12]  }
0x32: {  	s28 =	rddreg [dreg:$0x11];
	s23 =	sadd.s32 $0x1, s23  }
0x33: {  	p1 =	sne.s32 s23, s28  }
.Ltmp1:
0x34: {  	_ = 	snop;
	(pc) =	sbr.rel @!p1 .LBB2_22-.Ltmp1, $3  }
0x35: {  	_ =	sdelay $0x1  }
0x36: {  	[sflag:s0] =	ssyncset.done @!p0 $0x0  }
0x37: {  	[sflag:s0] =	ssyncadd.s32 @!p0 $0xFFFFFF00  }
.LBB2_1:
0x38: {  	[dreg:$0x12] =	wrdreg s23  }
0x39: {  	s0 =	rddreg [dreg:$0x4]  }
0x3a: {  	s28 =	rddreg [dreg:$0x5];
	s10 =	sshrl.u32 s0, $0x3  }
0x3b: {  	[dreg:$0x13] =	wrdreg s10  }
0x3c: {  	[spmem:s10], [sflag:s22] =	dma.local [hbm:s28], $0x2700  }
0x3d: {  	_ =	swait.ge [sflag:s15], $0x2700  }
0x3e: {  	s0 =	rddreg [dreg:$0x7]  }
0x3f: {  	[sflag:s15] =	ssyncset.done $0x0;
	s10 =	sshrl.u32 @!p0 s0, $0x3;
	s0 =	rddreg [dreg:$0x8]  }
0x40: {  	[sflag:s15] =	ssyncadd.s32 $0xFFFFD900;
	[dreg:$0x14] =	wrdreg s10  }
0x41: {  	[spmem:s10], [sflag:s22] =	dma.local @!p0 [hbm:s0], $0x100  }
0x42: {  	s0 =	simm.s32 @!p0 $0xF  }
0x43: {  	_ =	swait.ge @!p0 [sflag:s0], $0x100  }
0x44: {  	[sflag:s0] =	ssyncset.done @!p0 $0x0  }
0x45: {  	s15 =	rddreg [dreg:$0x9];
	[sflag:s0] =	ssyncadd.s32 @!p0 $0xFFFFFF00  }
0x46: {  	[tilespmem:s4], [sflag:$0x7] =	stream.linear.gather [hbm4b:s15+s4], $0x28, $0x38;
	[tilespmem:$0x1B480] =	vst v63  }
0x47: {  	s22 =	rddreg [dreg:$0xa]  }
0x48: {  	[tilespmem:s24], [sflag:$0xB] =	stream.linear.gather [hbm4b:s22+s4], $0x28, $0x38;
	[tilespmem:$0x1B480] =	vst v63  }
0x49: {  	s10 =	simm.s32 $0x80;
	s23 =	rddreg [dreg:$0xb]  }
0x4a: {  	[tilespmem:s10], [sflag:$0x8] =	stream.linear.gather [hbm4b:s23+s4], $0x28, $0x38;
	[tilespmem:$0x1B480] =	vst v63  }
0x4b: {  	s28 =	rddreg [dreg:$0xc];
	s15 =	simm.s32 $0x7  }
0x4c: {  	[tilespmem:s26], [sflag:$0xC] =	stream.linear.gather [hbm4b:s28+s4], $0x28, $0x38;
	[tilespmem:$0x1B480] =	vst v63  }
0x4d: {  	_ =	swait.ge [sflag:s15], $0x28  }
0x4e: {  	[sflag:s15] =	ssyncset.done $0x0  }
0x4f: {  	s22 =	simm.s32 $0x400;
	[sflag:s15] =	ssyncadd.s32 $0xFFFFFFD8  }
0x50: {  	[tilespmem:s22], [sflag:$0x1] =	stream.indirect.gather [hbm4b:s1+s29], $0x80, s4, s29, $0xb8;
	[tilespmem:$0x1B480] =	vst v63  }
0x51: {  	s28 =	simm.s32 $0x2C00;
	s23 =	rddreg [dreg:$0xd];
	s15 =	simm.s32 $0x8  }
0x52: {  	[tilespmem:s28], [sflag:$0x3] =	stream.linear.gather [hbm4b:s23+s4], $0x1400, $0x38;
	[tilespmem:$0x1B480] =	vst v63  }
0x53: {  	_ =	swait.ge [sflag:s15], $0x28  }
0x54: {  	[sflag:s15] =	ssyncset.done $0x0  }
0x55: {  	s22 =	simm.s32 $0x1800;
	[sflag:s15] =	ssyncadd.s32 $0xFFFFFFD8  }
0x56: {  	[tilespmem:s22], [sflag:$0x2] =	stream.indirect.gather [hbm4b:s1+s29], $0x80, s10, s29, $0xb8;
	[tilespmem:$0x1B480] =	vst v63  }
.Ltmp2:
0x57: {  	_ = 	snop;
	(pc) =	sbr.rel .LBB2_2-.Ltmp2, $4  }
0x58: {  	s28 =	simm.s32 $0x4000;
	s23 =	rddreg [dreg:$0xe]  }
0x59: {  	[tilespmem:s28], [sflag:$0x4] =	stream.linear.gather [hbm4b:s23+s4], $0x1400, $0x38;
	[tilespmem:$0x1B480] =	vst v63  }
0x5a: {  	[bflag:$0x0] =	sbarrier.arrive $0xFFFF  }
0x5b: {  	s23 =	simm.s32 $0x0  }
.LBB2_20:
0x5c: {  	s23 =	sadd.s32 $0x1, s23  }
0x5d: {  	p1 =	sne.s32 s23, $0x16  }
.Ltmp3:
0x5e: {  	_ = 	snop;
	(pc) =	sbr.rel @!p1 .LBB2_21-.Ltmp3, $1  }
0x5f: {  	_ =	sdelay $0x3  }
.LBB2_2:
0x60: {  	_ =	swait.ge [sflag:s31], $0x1400;
	s28 =	sshll.u32 s23, $0x2;
	p3 =	seq.s32 s23, $0x0  }
0x61: {  	[sflag:s31] =	ssyncset.done $0x0;
	s0 =	sor.u32 @!p3 $0x2, s28  }
0x62: {  	[sflag:s31] =	ssyncadd.s32 $0xFFFFEC00;
	p1 =	sgt.u32 @!p3 s0, $0x54  }
0x63: {  	_ =	swait.ge [sflag:s3], $0x1400;
	p1 =	por p3, !p1  }
.Ltmp4:
0x64: {  	[sflag:s3] =	ssyncset.done $0x0;
	(pc) =	sbr.rel @!p1 .LBB2_4-.Ltmp4, $4  }
0x65: {  	s10 =	simm.s32 @!p3 $0x5;
	[sflag:s3] =	ssyncadd.s32 $0xFFFFEC00  }
0x66: {  	_ =	swait.ge @!p3 [sflag:s10], $0x1400  }
0x67: {  	[sflag:s10] =	ssyncset.done @!p3 $0x0  }
0x68: {  	p2 =	por @!p3 $0x0, $0x0;
	[sflag:s10] =	ssyncadd.s32 @!p3 $0xFFFFEC00  }
0x69: {  	s0 =	simm.s32 @p3 $0x2  }
0x6a: {  	s10 =	smul.u32 $0x28, s0;
	_ =	sdelay $0x1  }
0x6b: {  	s15 =	sadd.s32 s11, s10  }
0x6c: {  	s10 =	sadd.s32 s8, s10;
	s15 =	sshrl.u32 s15, $0x3  }
0x6d: {  	s10 =	sshrl.u32 s10, $0x3;
	s15 =	sadd.s32 s6, s15  }
0x6e: {  	[tilespmem:s7], [sflag:$0x9] =	stream.linear.gather [hbm4b:s15+s4], $0x28, $0x38;
	[tilespmem:$0x1B480] =	vst v63  }
0x6f: {  	p2 =	por $0x1, $0x1;
	s10 =	sadd.s32 s6, s10  }
0x70: {  	[tilespmem:s9], [sflag:$0xD] =	stream.linear.gather [hbm4b:s10+s4], $0x28, $0x38;
	[tilespmem:$0x1B480] =	vst v63  }
.LBB2_4:
0x71: {  	s10 =	simm.s32 $0x0  }
0x72: {  	v0 =	vld [tilespmem:s10+$0x470]  }
0x73: {  	v1 =	vld [tilespmem:s10+$0x2C70]  }
0x74: {  	v2 =	vld [tilespmem:s10+$0x400]  }
0x75: {  	v3 =	vld [tilespmem:s10+$0x2C00]  }
0x76: {  	v4 =	vld [tilespmem:s10+$0x410]  }
0x77: {  	v5 =	vld [tilespmem:s10+$0x2C10]  }
0x78: {  	v6 =	vld [tilespmem:s10+$0x420]  }
0x79: {  	v7 =	vld [tilespmem:s10+$0x430]  }
0x7a: {  	v0 =	vmul.f32 v1, v0;
	v1 =	vld [tilespmem:s10+$0x2C20]  }
0x7b: {  	v8 =	vld [tilespmem:s10+$0x2C30]  }
0x7c: {  	v9 =	vld [tilespmem:s10+$0x2C40];
	v2 =	vmul.f32 v3, v2  }
0x7d: {  	[tilespmem:s10+$0x5470] =	vst v0;
	v0 =	vmul.f32 v5, v4;
	v5 =	vld [tilespmem:s10+$0x440]  }
0x7e: {  	v3 =	vld [tilespmem:s10+$0x2C50];
	[tilespmem:s10+$0x5400] =	vst v2  }
0x7f: {  	v2 =	vld [tilespmem:s10+$0x450];
	[tilespmem:s10+$0x5410] =	vst v0;
	v0 =	vmul.f32 v1, v6  }
0x80: {  	v4 =	vld [tilespmem:s10+$0x2C60];
	v6 =	vmul.f32 v8, v7  }
0x81: {  	s15 =	simm.s32 $0x80;
	[tilespmem:s10+$0x5420] =	vst v0;
	v0 =	vld [tilespmem:s10+$0x460]  }
0x82: {  	s22 =	simm.s32 $0x400;
	v5 =	vmul.f32 v9, v5;
	v1 =	vld [tilespmem:s15+$0x470];
	[tilespmem:s10+$0x5430] =	vst v6  }
.LBB2_5:
0x83: {  	p1 =	sne.s32 s22, $0x4E00;
	v6 =	vld [tilespmem:s15+$0x2C70]  }
0x84: {  	v7 =	vld [tilespmem:s15+$0x400];
	[tilespmem:s10+$0x5440] =	vst v5;
	v2 =	vmul.f32 v3, v2  }
0x85: {  	v3 =	vld [tilespmem:s15+$0x2C00]  }
0x86: {  	v5 =	vld [tilespmem:s15+$0x410];
	[tilespmem:s10+$0x5450] =	vst v2;
	v0 =	vmul.f32 v4, v0  }
0x87: {  	v2 =	vld [tilespmem:s15+$0x2C10]  }
0x88: {  	v4 =	vld [tilespmem:s15+$0x420];
	v1 =	vmul.f32 v6, v1;
	[tilespmem:s10+$0x5460] =	vst v0;
	s10 =	smov.u32 s15  }
0x89: {  	v0 =	vld [tilespmem:s10+$0x2C20]  }
0x8a: {  	v3 =	vmul.f32 v3, v7;
	v6 =	vld [tilespmem:s10+$0x430];
	[tilespmem:s10+$0x5470] =	vst v1  }
0x8b: {  	v1 =	vld [tilespmem:s10+$0x2C30]  }
0x8c: {  	[tilespmem:s10+$0x5400] =	vst v3;
	v2 =	vmul.f32 v2, v5;
	v5 =	vld [tilespmem:s10+$0x440]  }
0x8d: {  	v7 =	vld [tilespmem:s10+$0x2C40]  }
.Ltmp5:
0x8e: {  	[tilespmem:s10+$0x5410] =	vst v2;
	v0 =	vmul.f32 v0, v4;
	v2 =	vld [tilespmem:s10+$0x450];
	(pc) =	sbr.rel @p1 .LBB2_5-.Ltmp5, $4  }
0x8f: {  	v3 =	vld [tilespmem:s10+$0x2C50]  }
0x90: {  	[tilespmem:s10+$0x5420] =	vst v0;
	v6 =	vmul.f32 v1, v6;
	v0 =	vld [tilespmem:s10+$0x460]  }
0x91: {  	s15 =	sshra.s32 s22, $0x2;
	v4 =	vld [tilespmem:s10+$0x2C60]  }
0x92: {  	s22 =	sadd.s32 $0x200, s22;
	v1 =	vld [tilespmem:s15+$0x470];
	[tilespmem:s10+$0x5430] =	vst v6;
	v5 =	vmul.f32 v7, v5  }
0x93: {  	v6 =	vld [tilespmem:s15+$0x2C70]  }
0x94: {  	v7 =	vld [tilespmem:s15+$0x400];
	[tilespmem:s10+$0x5440] =	vst v5;
	v2 =	vmul.f32 v3, v2  }
0x95: {  	v51 =	vld [tilespmem:s15+$0x2C00]  }
0x96: {  	v5 =	vld [tilespmem:s15+$0x410];
	[tilespmem:s10+$0x5450] =	vst v2;
	v0 =	vmul.f32 v4, v0  }
0x97: {  	v2 =	vld [tilespmem:s15+$0x2C10]  }
0x98: {  	v52 =	vld [tilespmem:s15+$0x420];
	[tilespmem:s10+$0x5460] =	vst v0  }
0x99: {  	v54 =	vld [tilespmem:s15+$0x2C20]  }
0x9a: {  	v55 =	vld [tilespmem:s15+$0x430]  }
0x9b: {  	v56 =	vld [tilespmem:s15+$0x2C30]  }
0x9c: {  	v57 =	vld [tilespmem:s15+$0x440]  }
0x9d: {  	v58 =	vld [tilespmem:s15+$0x2C40]  }
0x9e: {  	v59 =	vld [tilespmem:s15+$0x450]  }
0x9f: {  	v53 =	vmul.f32 v6, v1;
	v60 =	vld [tilespmem:s15+$0x2C50]  }
0xa0: {  	v61 =	vld [tilespmem:s15+$0x460];
	v3 =	vmul.f32 v51, v7  }
0xa1: {  	v62 =	vld [tilespmem:s15+$0x2C60];
	[tilespmem:s15+$0x5470] =	vst v53;
	v2 =	vmul.f32 v2, v5  }
0xa2: {  	[tilespmem:s15+$0x5400] =	vst v3;
	v1 =	vmul.f32 v54, v52  }
0xa3: {  	[tilespmem:s15+$0x5410] =	vst v2;
	v0 =	vmul.f32 v56, v55  }
0xa4: {  	v3 =	vmul.f32 v58, v57;
	[tilespmem:s15+$0x5420] =	vst v1  }
0xa5: {  	v63 =	vmul.f32 v60, v59;
	[tilespmem:s15+$0x5430] =	vst v0  }
0xa6: {  	[tilespmem:s15+$0x5440] =	vst v3;
	v1 =	vmul.f32 v62, v61  }
0xa7: {  	s0 =	smul.u32 @p2 $0x28, s0;
	[tilespmem:s15+$0x5450] =	vst v63  }
0xa8: {  	s10 =	simm.s32 @p2 $0x9;
	[tilespmem:s15+$0x5460] =	vst v1  }
0xa9: {  	s22 =	simm.s32 @p2 $0x400;
	s0 =	sadd.s32 @p2 s8, s0;
	_ =	swait.ge @p2 [sflag:s10], $0x28  }
0xaa: {  	p1 =	sgt.u32 s23, $0x14;
	s0 =	sshll.u32 @p2 s0, $0x4;
	[sflag:s10] =	ssyncset.done @p2 $0x0  }
0xab: {  	s15 =	simm.s32 @p2 $0x100;
	[sflag:s10] =	ssyncadd.s32 @p2 $0xFFFFFFD8;
	s10 =	simm.s32 @p2 $0x28  }
0xac: {  	[tilespmem:s22], [sflag:$0x1] =	stream.indirect.gather @p2 [hbm4b:s1+s10], $0x80, s15, s10, $0xb8;
	[tilespmem:$0x1B480] =	vst v63  }
0xad: {  	s0 =	sadd.s32 @p2 s5, s0;
	s10 =	simm.s32 @p2 $0x0;
	s15 =	simm.s32 @p2 $0x2C00  }
0xae: {  	[tilespmem:s15], [sflag:$0x3] =	stream.linear.gather @p2 [hbm4b:s0+s10], $0x1400, $0x38;
	[tilespmem:$0x1B480] =	vst v63  }
.Ltmp6:
0xaf: {  	_ = 	snop;
	(pc) =	sbr.rel @p1 .LBB2_12-.Ltmp6, $4  }
0xb0: {  	_ =	swait.ge [sflag:s12], $0x28  }
0xb1: {  	[sflag:s12] =	ssyncset.done $0x0  }
0xb2: {  	[sflag:s12] =	ssyncadd.s32 $0xFFFFFFD8  }
0xb3: {  	[spmem:s2] =	stream.indirect.scatter.add.f32 [tilespmem:s13], [sflag:$0x5], $0x80, s24, s29, $0xb8;
	[tilespmem:$0x1B480] =	vst v63  }
0xb4: {  	_ =	swait.ge [sflag:s30], $0x1400  }
0xb5: {  	s0 =	sor.u32 @!p3 $0x3, s28;
	[sflag:s30] =	ssyncset.done $0x0  }
0xb6: {  	p4 =	sgt.u32 @!p3 s0, $0x54;
	[sflag:s30] =	ssyncadd.s32 $0xFFFFEC00  }
0xb7: {  	p5 =	por p3, !p4;
	_ =	swait.ge [sflag:s14], $0x1400  }
.Ltmp7:
0xb8: {  	[sflag:s14] =	ssyncset.done $0x0;
	(pc) =	sbr.rel @!p5 .LBB2_9-.Ltmp7, $4  }
0xb9: {  	s10 =	simm.s32 @!p3 $0x6;
	[sflag:s14] =	ssyncadd.s32 $0xFFFFEC00  }
0xba: {  	_ =	swait.ge @!p3 [sflag:s10], $0x1400  }
0xbb: {  	[sflag:s10] =	ssyncset.done @!p3 $0x0  }
0xbc: {  	p4 =	por @!p3 $0x0, $0x0;
	[sflag:s10] =	ssyncadd.s32 @!p3 $0xFFFFEC00  }
0xbd: {  	s0 =	simm.s32 @p3 $0x3  }
0xbe: {  	s10 =	smul.u32 $0x28, s0;
	_ =	sdelay $0x1  }
0xbf: {  	s15 =	sadd.s32 s11, s10  }
0xc0: {  	s10 =	sadd.s32 s8, s10;
	s15 =	sshrl.u32 s15, $0x3  }
0xc1: {  	s22 =	simm.s32 $0x180;
	s10 =	sshrl.u32 s10, $0x3;
	s15 =	sadd.s32 s6, s15  }
0xc2: {  	[tilespmem:s22], [sflag:$0xA] =	stream.linear.gather [hbm4b:s15+s4], $0x28, $0x38;
	[tilespmem:$0x1B480] =	vst v63  }
0xc3: {  	p4 =	por $0x1, $0x1;
	s10 =	sadd.s32 s6, s10  }
0xc4: {  	[tilespmem:s25], [sflag:$0xE] =	stream.linear.gather [hbm4b:s10+s4], $0x28, $0x38;
	[tilespmem:$0x1B480] =	vst v63  }
.LBB2_9:
0xc5: {  	s10 =	simm.s32 $0x0  }
0xc6: {  	v0 =	vld [tilespmem:s10+$0x1870]  }
0xc7: {  	v1 =	vld [tilespmem:s10+$0x4070]  }
0xc8: {  	v2 =	vld [tilespmem:s10+$0x1800]  }
0xc9: {  	v3 =	vld [tilespmem:s10+$0x4000]  }
0xca: {  	v4 =	vld [tilespmem:s10+$0x1810]  }
0xcb: {  	v5 =	vld [tilespmem:s10+$0x4010]  }
0xcc: {  	v6 =	vld [tilespmem:s10+$0x1820]  }
0xcd: {  	v7 =	vld [tilespmem:s10+$0x1830]  }
0xce: {  	v0 =	vmul.f32 v1, v0;
	v1 =	vld [tilespmem:s10+$0x4020]  }
0xcf: {  	v8 =	vld [tilespmem:s10+$0x4030]  }
0xd0: {  	v9 =	vld [tilespmem:s10+$0x4040];
	v2 =	vmul.f32 v3, v2  }
0xd1: {  	[tilespmem:s10+$0x6870] =	vst v0;
	v0 =	vmul.f32 v5, v4;
	v5 =	vld [tilespmem:s10+$0x1840]  }
0xd2: {  	v3 =	vld [tilespmem:s10+$0x4050];
	[tilespmem:s10+$0x6800] =	vst v2  }
0xd3: {  	v2 =	vld [tilespmem:s10+$0x1850];
	[tilespmem:s10+$0x6810] =	vst v0;
	v0 =	vmul.f32 v1, v6  }
0xd4: {  	v4 =	vld [tilespmem:s10+$0x4060];
	v6 =	vmul.f32 v8, v7  }
0xd5: {  	s15 =	simm.s32 $0x80;
	[tilespmem:s10+$0x6820] =	vst v0;
	v0 =	vld [tilespmem:s10+$0x1860]  }
0xd6: {  	s22 =	simm.s32 $0x400;
	v5 =	vmul.f32 v9, v5;
	v1 =	vld [tilespmem:s15+$0x1870];
	[tilespmem:s10+$0x6830] =	vst v6  }
.LBB2_10:
0xd7: {  	p3 =	sne.s32 s22, $0x4E00;
	v6 =	vld [tilespmem:s15+$0x4070]  }
0xd8: {  	v7 =	vld [tilespmem:s15+$0x1800];
	[tilespmem:s10+$0x6840] =	vst v5;
	v2 =	vmul.f32 v3, v2  }
0xd9: {  	v3 =	vld [tilespmem:s15+$0x4000]  }
0xda: {  	v5 =	vld [tilespmem:s15+$0x1810];
	[tilespmem:s10+$0x6850] =	vst v2;
	v0 =	vmul.f32 v4, v0  }
0xdb: {  	v2 =	vld [tilespmem:s15+$0x4010]  }
0xdc: {  	v4 =	vld [tilespmem:s15+$0x1820];
	v1 =	vmul.f32 v6, v1;
	[tilespmem:s10+$0x6860] =	vst v0;
	s10 =	smov.u32 s15  }
0xdd: {  	v0 =	vld [tilespmem:s10+$0x4020]  }
0xde: {  	v3 =	vmul.f32 v3, v7;
	v6 =	vld [tilespmem:s10+$0x1830];
	[tilespmem:s10+$0x6870] =	vst v1  }
0xdf: {  	v1 =	vld [tilespmem:s10+$0x4030]  }
0xe0: {  	[tilespmem:s10+$0x6800] =	vst v3;
	v2 =	vmul.f32 v2, v5;
	v5 =	vld [tilespmem:s10+$0x1840]  }
0xe1: {  	v7 =	vld [tilespmem:s10+$0x4040]  }
.Ltmp8:
0xe2: {  	[tilespmem:s10+$0x6810] =	vst v2;
	v0 =	vmul.f32 v0, v4;
	v2 =	vld [tilespmem:s10+$0x1850];
	(pc) =	sbr.rel @p3 .LBB2_10-.Ltmp8, $4  }
0xe3: {  	v3 =	vld [tilespmem:s10+$0x4050]  }
0xe4: {  	[tilespmem:s10+$0x6820] =	vst v0;
	v6 =	vmul.f32 v1, v6;
	v0 =	vld [tilespmem:s10+$0x1860]  }
0xe5: {  	s15 =	sshra.s32 s22, $0x2;
	v4 =	vld [tilespmem:s10+$0x4060]  }
0xe6: {  	s22 =	sadd.s32 $0x200, s22;
	v1 =	vld [tilespmem:s15+$0x1870];
	[tilespmem:s10+$0x6830] =	vst v6;
	v5 =	vmul.f32 v7, v5  }
0xe7: {  	v6 =	vld [tilespmem:s15+$0x4070]  }
0xe8: {  	v7 =	vld [tilespmem:s15+$0x1800];
	[tilespmem:s10+$0x6840] =	vst v5;
	v2 =	vmul.f32 v3, v2  }
0xe9: {  	v51 =	vld [tilespmem:s15+$0x4000]  }
0xea: {  	v5 =	vld [tilespmem:s15+$0x1810];
	[tilespmem:s10+$0x6850] =	vst v2;
	v0 =	vmul.f32 v4, v0  }
0xeb: {  	v2 =	vld [tilespmem:s15+$0x4010]  }
0xec: {  	v52 =	vld [tilespmem:s15+$0x1820];
	[tilespmem:s10+$0x6860] =	vst v0  }
0xed: {  	v54 =	vld [tilespmem:s15+$0x4020]  }
0xee: {  	v55 =	vld [tilespmem:s15+$0x1830]  }
0xef: {  	v56 =	vld [tilespmem:s15+$0x4030]  }
0xf0: {  	v57 =	vld [tilespmem:s15+$0x1840]  }
0xf1: {  	v58 =	vld [tilespmem:s15+$0x4040]  }
0xf2: {  	v59 =	vld [tilespmem:s15+$0x1850]  }
0xf3: {  	v53 =	vmul.f32 v6, v1;
	v60 =	vld [tilespmem:s15+$0x4050]  }
0xf4: {  	v61 =	vld [tilespmem:s15+$0x1860];
	v3 =	vmul.f32 v51, v7  }
0xf5: {  	v62 =	vld [tilespmem:s15+$0x4060];
	[tilespmem:s15+$0x6870] =	vst v53;
	v2 =	vmul.f32 v2, v5  }
0xf6: {  	[tilespmem:s15+$0x6800] =	vst v3;
	v1 =	vmul.f32 v54, v52  }
0xf7: {  	[tilespmem:s15+$0x6810] =	vst v2;
	v0 =	vmul.f32 v56, v55  }
0xf8: {  	v3 =	vmul.f32 v58, v57;
	[tilespmem:s15+$0x6820] =	vst v1  }
0xf9: {  	v63 =	vmul.f32 v60, v59;
	[tilespmem:s15+$0x6830] =	vst v0  }
0xfa: {  	[tilespmem:s15+$0x6840] =	vst v3;
	v1 =	vmul.f32 v62, v61  }
0xfb: {  	s0 =	smul.u32 @p4 $0x28, s0;
	[tilespmem:s15+$0x6850] =	vst v63  }
0xfc: {  	s10 =	simm.s32 @p4 $0xA;
	[tilespmem:s15+$0x6860] =	vst v1  }
0xfd: {  	s0 =	sadd.s32 @p4 s8, s0;
	_ =	swait.ge @p4 [sflag:s10], $0x28  }
0xfe: {  	s22 =	simm.s32 @p4 $0x1800;
	s0 =	sshll.u32 @p4 s0, $0x4;
	[sflag:s10] =	ssyncset.done @p4 $0x0  }
0xff: {  	s15 =	simm.s32 @p4 $0x180;
	[sflag:s10] =	ssyncadd.s32 @p4 $0xFFFFFFD8;
	s10 =	simm.s32 @p4 $0x28  }
0x100: {  	[tilespmem:s22], [sflag:$0x2] =	stream.indirect.gather @p4 [hbm4b:s1+s10], $0x80, s15, s10, $0xb8;
	[tilespmem:$0x1B480] =	vst v63  }
0x101: {  	s0 =	sadd.s32 @p4 s5, s0;
	s10 =	simm.s32 @p4 $0x0;
	s15 =	simm.s32 @p4 $0x4000  }
0x102: {  	[tilespmem:s15], [sflag:$0x4] =	stream.linear.gather @p4 [hbm4b:s0+s10], $0x1400, $0x38;
	[tilespmem:$0x1B480] =	vst v63  }
0x103: {  	_ =	swait.ge [sflag:s16], $0x28  }
0x104: {  	[sflag:s16] =	ssyncset.done $0x0  }
0x105: {  	[sflag:s16] =	ssyncadd.s32 $0xFFFFFFD8  }
0x106: {  	[spmem:s2] =	stream.indirect.scatter.add.f32 [tilespmem:s17], [sflag:$0x6], $0x80, s26, s29, $0xb8;
	[tilespmem:$0x1B480] =	vst v63  }
.LBB2_12:
.Ltmp9:
0x107: {  	(pc) =	sbr.rel @!p2 .LBB2_16-.Ltmp9, $1  }
0x108: {  	_ =	sdelay $0x3  }
0x109: {  	_ =	swait.ge [sflag:s31], $0x1400  }
0x10a: {  	[sflag:s31] =	ssyncset.done $0x0  }
0x10b: {  	[sflag:s31] =	ssyncadd.s32 $0xFFFFEC00  }
0x10c: {  	s0 =	sadd.s32 $0x4, s28;
	p2 =	seq.s32 s23, $0x15;
	_ =	swait.ge [sflag:s3], $0x1400  }
0x10d: {  	s0 =	smul.u32 @!p2 $0x28, s0;
	[sflag:s3] =	ssyncset.done $0x0  }
0x10e: {  	[sflag:s3] =	ssyncadd.s32 $0xFFFFEC00  }
0x10f: {  	s10 =	sadd.s32 @!p2 s11, s0;
	_ =	swait.ge [sflag:s18], $0x1400  }
0x110: {  	s15 =	simm.s32 @!p2 $0x0;
	s10 =	sshrl.u32 @!p2 s10, $0x3;
	[sflag:s18] =	ssyncset.done $0x0  }
0x111: {  	s0 =	sadd.s32 @!p2 s8, s0;
	s10 =	sadd.s32 @!p2 s6, s10;
	[sflag:s18] =	ssyncadd.s32 $0xFFFFEC00  }
0x112: {  	[tilespmem:s15], [sflag:$0x7] =	stream.linear.gather @!p2 [hbm4b:s10+s15], $0x28, $0x38;
	[tilespmem:$0x1B480] =	vst v63  }
0x113: {  	s10 =	sshrl.u32 @!p2 s0, $0x3  }
0x114: {  	s22 =	simm.s32 @!p2 $0x200;
	s10 =	sadd.s32 @!p2 s6, s10  }
0x115: {  	[tilespmem:s22], [sflag:$0xB] =	stream.linear.gather @!p2 [hbm4b:s10+s15], $0x28, $0x38;
	[tilespmem:$0x1B480] =	vst v63  }
0x116: {  	s10 =	simm.s32 $0x0  }
0x117: {  	v0 =	vld [tilespmem:s10+$0x470]  }
0x118: {  	v1 =	vld [tilespmem:s10+$0x2C70]  }
0x119: {  	v2 =	vld [tilespmem:s10+$0x400]  }
0x11a: {  	v3 =	vld [tilespmem:s10+$0x2C00]  }
0x11b: {  	v4 =	vld [tilespmem:s10+$0x410]  }
0x11c: {  	v5 =	vld [tilespmem:s10+$0x2C10]  }
0x11d: {  	v6 =	vld [tilespmem:s10+$0x420]  }
0x11e: {  	v7 =	vld [tilespmem:s10+$0x430]  }
0x11f: {  	v0 =	vmul.f32 v1, v0;
	v1 =	vld [tilespmem:s10+$0x2C20]  }
0x120: {  	v8 =	vld [tilespmem:s10+$0x2C30]  }
0x121: {  	v9 =	vld [tilespmem:s10+$0x2C40];
	v2 =	vmul.f32 v3, v2  }
0x122: {  	[tilespmem:s10+$0x5470] =	vst v0;
	v0 =	vmul.f32 v5, v4;
	v5 =	vld [tilespmem:s10+$0x440]  }
0x123: {  	v3 =	vld [tilespmem:s10+$0x2C50];
	[tilespmem:s10+$0x5400] =	vst v2  }
0x124: {  	v2 =	vld [tilespmem:s10+$0x450];
	[tilespmem:s10+$0x5410] =	vst v0;
	v0 =	vmul.f32 v1, v6  }
0x125: {  	v4 =	vld [tilespmem:s10+$0x2C60];
	v6 =	vmul.f32 v8, v7  }
0x126: {  	s15 =	simm.s32 $0x80;
	[tilespmem:s10+$0x5420] =	vst v0;
	v0 =	vld [tilespmem:s10+$0x460]  }
0x127: {  	s22 =	simm.s32 $0x400;
	v5 =	vmul.f32 v9, v5;
	v1 =	vld [tilespmem:s15+$0x470];
	[tilespmem:s10+$0x5430] =	vst v6  }
.LBB2_14:
0x128: {  	p3 =	sne.s32 s22, $0x4E00;
	v6 =	vld [tilespmem:s15+$0x2C70]  }
0x129: {  	v7 =	vld [tilespmem:s15+$0x400];
	[tilespmem:s10+$0x5440] =	vst v5;
	v2 =	vmul.f32 v3, v2  }
0x12a: {  	v3 =	vld [tilespmem:s15+$0x2C00]  }
0x12b: {  	v5 =	vld [tilespmem:s15+$0x410];
	[tilespmem:s10+$0x5450] =	vst v2;
	v0 =	vmul.f32 v4, v0  }
0x12c: {  	v2 =	vld [tilespmem:s15+$0x2C10]  }
0x12d: {  	v4 =	vld [tilespmem:s15+$0x420];
	v1 =	vmul.f32 v6, v1;
	[tilespmem:s10+$0x5460] =	vst v0;
	s10 =	smov.u32 s15  }
0x12e: {  	v0 =	vld [tilespmem:s10+$0x2C20]  }
0x12f: {  	v3 =	vmul.f32 v3, v7;
	v6 =	vld [tilespmem:s10+$0x430];
	[tilespmem:s10+$0x5470] =	vst v1  }
0x130: {  	v1 =	vld [tilespmem:s10+$0x2C30]  }
0x131: {  	[tilespmem:s10+$0x5400] =	vst v3;
	v2 =	vmul.f32 v2, v5;
	v5 =	vld [tilespmem:s10+$0x440]  }
0x132: {  	v7 =	vld [tilespmem:s10+$0x2C40]  }
.Ltmp10:
0x133: {  	[tilespmem:s10+$0x5410] =	vst v2;
	v0 =	vmul.f32 v0, v4;
	v2 =	vld [tilespmem:s10+$0x450];
	(pc) =	sbr.rel @p3 .LBB2_14-.Ltmp10, $4  }
0x134: {  	v3 =	vld [tilespmem:s10+$0x2C50]  }
0x135: {  	[tilespmem:s10+$0x5420] =	vst v0;
	v6 =	vmul.f32 v1, v6;
	v0 =	vld [tilespmem:s10+$0x460]  }
0x136: {  	s15 =	sshra.s32 s22, $0x2;
	v4 =	vld [tilespmem:s10+$0x2C60]  }
0x137: {  	s22 =	sadd.s32 $0x200, s22;
	v1 =	vld [tilespmem:s15+$0x470];
	[tilespmem:s10+$0x5430] =	vst v6;
	v5 =	vmul.f32 v7, v5  }
0x138: {  	v6 =	vld [tilespmem:s15+$0x2C70]  }
0x139: {  	v7 =	vld [tilespmem:s15+$0x400];
	[tilespmem:s10+$0x5440] =	vst v5;
	v2 =	vmul.f32 v3, v2  }
0x13a: {  	v51 =	vld [tilespmem:s15+$0x2C00]  }
0x13b: {  	v5 =	vld [tilespmem:s15+$0x410];
	[tilespmem:s10+$0x5450] =	vst v2;
	v0 =	vmul.f32 v4, v0  }
0x13c: {  	v2 =	vld [tilespmem:s15+$0x2C10]  }
0x13d: {  	v52 =	vld [tilespmem:s15+$0x420];
	[tilespmem:s10+$0x5460] =	vst v0  }
0x13e: {  	v54 =	vld [tilespmem:s15+$0x2C20]  }
0x13f: {  	v55 =	vld [tilespmem:s15+$0x430]  }
0x140: {  	v56 =	vld [tilespmem:s15+$0x2C30]  }
0x141: {  	v57 =	vld [tilespmem:s15+$0x440]  }
0x142: {  	v58 =	vld [tilespmem:s15+$0x2C40]  }
0x143: {  	v59 =	vld [tilespmem:s15+$0x450]  }
0x144: {  	v53 =	vmul.f32 v6, v1;
	v60 =	vld [tilespmem:s15+$0x2C50]  }
0x145: {  	v61 =	vld [tilespmem:s15+$0x460];
	v3 =	vmul.f32 v51, v7  }
0x146: {  	v62 =	vld [tilespmem:s15+$0x2C60];
	[tilespmem:s15+$0x5470] =	vst v53;
	v2 =	vmul.f32 v2, v5  }
0x147: {  	[tilespmem:s15+$0x5400] =	vst v3;
	v1 =	vmul.f32 v54, v52  }
0x148: {  	[tilespmem:s15+$0x5410] =	vst v2;
	v0 =	vmul.f32 v56, v55  }
0x149: {  	v3 =	vmul.f32 v58, v57;
	[tilespmem:s15+$0x5420] =	vst v1  }
0x14a: {  	v63 =	vmul.f32 v60, v59;
	[tilespmem:s15+$0x5430] =	vst v0  }
0x14b: {  	[tilespmem:s15+$0x5440] =	vst v3;
	v1 =	vmul.f32 v62, v61  }
0x14c: {  	[tilespmem:s15+$0x5450] =	vst v63  }
0x14d: {  	s10 =	simm.s32 @!p2 $0x7;
	[tilespmem:s15+$0x5460] =	vst v1  }
0x14e: {  	_ =	swait.ge @!p2 [sflag:s10], $0x28  }
0x14f: {  	s22 =	simm.s32 @!p2 $0x400;
	s0 =	sshll.u32 @!p2 s0, $0x4;
	[sflag:s10] =	ssyncset.done @!p2 $0x0  }
0x150: {  	s15 =	simm.s32 @!p2 $0x0;
	[sflag:s10] =	ssyncadd.s32 @!p2 $0xFFFFFFD8;
	s10 =	simm.s32 @!p2 $0x28  }
0x151: {  	[tilespmem:s22], [sflag:$0x1] =	stream.indirect.gather @!p2 [hbm4b:s1+s10], $0x80, s15, s10, $0xb8;
	[tilespmem:$0x1B480] =	vst v63  }
0x152: {  	s0 =	sadd.s32 @!p2 s5, s0;
	s10 =	simm.s32 @!p2 $0x2C00  }
0x153: {  	[tilespmem:s10], [sflag:$0x3] =	stream.linear.gather @!p2 [hbm4b:s0+s15], $0x1400, $0x38;
	[tilespmem:$0x1B480] =	vst v63  }
0x154: {  	_ =	swait.ge [sflag:s19], $0x28  }
0x155: {  	[sflag:s19] =	ssyncset.done $0x0  }
0x156: {  	[sflag:s19] =	ssyncadd.s32 $0xFFFFFFD8  }
0x157: {  	[spmem:s2] =	stream.indirect.scatter.add.f32 [tilespmem:s13], [sflag:$0x5], $0x80, s9, s29, $0xb8;
	[tilespmem:$0x1B480] =	vst v63  }
.LBB2_16:
.Ltmp11:
0x158: {  	(pc) =	sbr.rel @p1 .LBB2_20-.Ltmp11, $1  }
0x159: {  	_ =	sdelay $0x3  }
0x15a: {  	_ =	swait.ge [sflag:s30], $0x1400  }
0x15b: {  	[sflag:s30] =	ssyncset.done $0x0  }
0x15c: {  	[sflag:s30] =	ssyncadd.s32 $0xFFFFEC00  }
0x15d: {  	s0 =	sadd.s32 $0x5, s28;
	p1 =	seq.s32 s23, $0x14;
	_ =	swait.ge [sflag:s14], $0x1400  }
0x15e: {  	s0 =	smul.u32 @!p1 $0x28, s0;
	[sflag:s14] =	ssyncset.done $0x0  }
0x15f: {  	[sflag:s14] =	ssyncadd.s32 $0xFFFFEC00  }
0x160: {  	s15 =	simm.s32 @!p1 $0x0;
	s10 =	sadd.s32 @!p1 s11, s0;
	_ =	swait.ge [sflag:s20], $0x1400  }
0x161: {  	s22 =	simm.s32 @!p1 $0x80;
	s10 =	sshrl.u32 @!p1 s10, $0x3;
	[sflag:s20] =	ssyncset.done $0x0  }
0x162: {  	s0 =	sadd.s32 @!p1 s8, s0;
	s10 =	sadd.s32 @!p1 s6, s10;
	[sflag:s20] =	ssyncadd.s32 $0xFFFFEC00  }
0x163: {  	[tilespmem:s22], [sflag:$0x8] =	stream.linear.gather @!p1 [hbm4b:s10+s15], $0x28, $0x38;
	[tilespmem:$0x1B480] =	vst v63  }
0x164: {  	s10 =	sshrl.u32 @!p1 s0, $0x3  }
0x165: {  	s22 =	simm.s32 @!p1 $0x280;
	s10 =	sadd.s32 @!p1 s6, s10  }
0x166: {  	[tilespmem:s22], [sflag:$0xC] =	stream.linear.gather @!p1 [hbm4b:s10+s15], $0x28, $0x38;
	[tilespmem:$0x1B480] =	vst v63  }
0x167: {  	s10 =	simm.s32 $0x0  }
0x168: {  	v0 =	vld [tilespmem:s10+$0x1870]  }
0x169: {  	v1 =	vld [tilespmem:s10+$0x4070]  }
0x16a: {  	v2 =	vld [tilespmem:s10+$0x1800]  }
0x16b: {  	v3 =	vld [tilespmem:s10+$0x4000]  }
0x16c: {  	v4 =	vld [tilespmem:s10+$0x1810]  }
0x16d: {  	v5 =	vld [tilespmem:s10+$0x4010]  }
0x16e: {  	v6 =	vld [tilespmem:s10+$0x1820]  }
0x16f: {  	v7 =	vld [tilespmem:s10+$0x1830]  }
0x170: {  	v0 =	vmul.f32 v1, v0;
	v1 =	vld [tilespmem:s10+$0x4020]  }
0x171: {  	v8 =	vld [tilespmem:s10+$0x4030]  }
0x172: {  	v9 =	vld [tilespmem:s10+$0x4040];
	v2 =	vmul.f32 v3, v2  }
0x173: {  	[tilespmem:s10+$0x6870] =	vst v0;
	v0 =	vmul.f32 v5, v4;
	v5 =	vld [tilespmem:s10+$0x1840]  }
0x174: {  	v3 =	vld [tilespmem:s10+$0x4050];
	[tilespmem:s10+$0x6800] =	vst v2  }
0x175: {  	v2 =	vld [tilespmem:s10+$0x1850];
	[tilespmem:s10+$0x6810] =	vst v0;
	v0 =	vmul.f32 v1, v6  }
0x176: {  	v4 =	vld [tilespmem:s10+$0x4060];
	v6 =	vmul.f32 v8, v7  }
0x177: {  	s15 =	simm.s32 $0x80;
	[tilespmem:s10+$0x6820] =	vst v0;
	v0 =	vld [tilespmem:s10+$0x1860]  }
0x178: {  	s22 =	simm.s32 $0x400;
	v5 =	vmul.f32 v9, v5;
	v1 =	vld [tilespmem:s15+$0x1870];
	[tilespmem:s10+$0x6830] =	vst v6  }
.LBB2_18:
0x179: {  	p2 =	sne.s32 s22, $0x4E00;
	v6 =	vld [tilespmem:s15+$0x4070]  }
0x17a: {  	v7 =	vld [tilespmem:s15+$0x1800];
	[tilespmem:s10+$0x6840] =	vst v5;
	v2 =	vmul.f32 v3, v2  }
0x17b: {  	v3 =	vld [tilespmem:s15+$0x4000]  }
0x17c: {  	v5 =	vld [tilespmem:s15+$0x1810];
	[tilespmem:s10+$0x6850] =	vst v2;
	v0 =	vmul.f32 v4, v0  }
0x17d: {  	v2 =	vld [tilespmem:s15+$0x4010]  }
0x17e: {  	v4 =	vld [tilespmem:s15+$0x1820];
	v1 =	vmul.f32 v6, v1;
	[tilespmem:s10+$0x6860] =	vst v0;
	s10 =	smov.u32 s15  }
0x17f: {  	v0 =	vld [tilespmem:s10+$0x4020]  }
0x180: {  	v3 =	vmul.f32 v3, v7;
	v6 =	vld [tilespmem:s10+$0x1830];
	[tilespmem:s10+$0x6870] =	vst v1  }
0x181: {  	v1 =	vld [tilespmem:s10+$0x4030]  }
0x182: {  	[tilespmem:s10+$0x6800] =	vst v3;
	v2 =	vmul.f32 v2, v5;
	v5 =	vld [tilespmem:s10+$0x1840]  }
0x183: {  	v7 =	vld [tilespmem:s10+$0x4040]  }
.Ltmp12:
0x184: {  	[tilespmem:s10+$0x6810] =	vst v2;
	v0 =	vmul.f32 v0, v4;
	v2 =	vld [tilespmem:s10+$0x1850];
	(pc) =	sbr.rel @p2 .LBB2_18-.Ltmp12, $4  }
0x185: {  	v3 =	vld [tilespmem:s10+$0x4050]  }
0x186: {  	[tilespmem:s10+$0x6820] =	vst v0;
	v6 =	vmul.f32 v1, v6;
	v0 =	vld [tilespmem:s10+$0x1860]  }
0x187: {  	s15 =	sshra.s32 s22, $0x2;
	v4 =	vld [tilespmem:s10+$0x4060]  }
0x188: {  	s22 =	sadd.s32 $0x200, s22;
	v1 =	vld [tilespmem:s15+$0x1870];
	[tilespmem:s10+$0x6830] =	vst v6;
	v5 =	vmul.f32 v7, v5  }
0x189: {  	v6 =	vld [tilespmem:s15+$0x4070]  }
0x18a: {  	v7 =	vld [tilespmem:s15+$0x1800];
	[tilespmem:s10+$0x6840] =	vst v5;
	v2 =	vmul.f32 v3, v2  }
0x18b: {  	v51 =	vld [tilespmem:s15+$0x4000]  }
0x18c: {  	v5 =	vld [tilespmem:s15+$0x1810];
	[tilespmem:s10+$0x6850] =	vst v2;
	v0 =	vmul.f32 v4, v0  }
0x18d: {  	v2 =	vld [tilespmem:s15+$0x4010]  }
0x18e: {  	v52 =	vld [tilespmem:s15+$0x1820];
	[tilespmem:s10+$0x6860] =	vst v0  }
0x18f: {  	v54 =	vld [tilespmem:s15+$0x4020]  }
0x190: {  	v55 =	vld [tilespmem:s15+$0x1830]  }
0x191: {  	v56 =	vld [tilespmem:s15+$0x4030]  }
0x192: {  	v57 =	vld [tilespmem:s15+$0x1840]  }
0x193: {  	v58 =	vld [tilespmem:s15+$0x4040]  }
0x194: {  	v59 =	vld [tilespmem:s15+$0x1850]  }
0x195: {  	v53 =	vmul.f32 v6, v1;
	v60 =	vld [tilespmem:s15+$0x4050]  }
0x196: {  	v61 =	vld [tilespmem:s15+$0x1860];
	v3 =	vmul.f32 v51, v7  }
0x197: {  	v62 =	vld [tilespmem:s15+$0x4060];
	[tilespmem:s15+$0x6870] =	vst v53;
	v2 =	vmul.f32 v2, v5  }
0x198: {  	[tilespmem:s15+$0x6800] =	vst v3;
	v1 =	vmul.f32 v54, v52  }
0x199: {  	[tilespmem:s15+$0x6810] =	vst v2;
	v0 =	vmul.f32 v56, v55  }
0x19a: {  	v3 =	vmul.f32 v58, v57;
	[tilespmem:s15+$0x6820] =	vst v1  }
0x19b: {  	v63 =	vmul.f32 v60, v59;
	[tilespmem:s15+$0x6830] =	vst v0  }
0x19c: {  	[tilespmem:s15+$0x6840] =	vst v3;
	v1 =	vmul.f32 v62, v61  }
0x19d: {  	[tilespmem:s15+$0x6850] =	vst v63  }
0x19e: {  	s10 =	simm.s32 @!p1 $0x8;
	[tilespmem:s15+$0x6860] =	vst v1  }
0x19f: {  	_ =	swait.ge @!p1 [sflag:s10], $0x28  }
0x1a0: {  	s22 =	simm.s32 @!p1 $0x1800;
	s0 =	sshll.u32 @!p1 s0, $0x4;
	[sflag:s10] =	ssyncset.done @!p1 $0x0  }
0x1a1: {  	s15 =	simm.s32 @!p1 $0x80;
	[sflag:s10] =	ssyncadd.s32 @!p1 $0xFFFFFFD8;
	s10 =	simm.s32 @!p1 $0x28  }
0x1a2: {  	[tilespmem:s22], [sflag:$0x2] =	stream.indirect.gather @!p1 [hbm4b:s1+s10], $0x80, s15, s10, $0xb8;
	[tilespmem:$0x1B480] =	vst v63  }
0x1a3: {  	s0 =	sadd.s32 @!p1 s5, s0;
	s10 =	simm.s32 @!p1 $0x0;
	s15 =	simm.s32 @!p1 $0x4000  }
0x1a4: {  	[tilespmem:s15], [sflag:$0x4] =	stream.linear.gather @!p1 [hbm4b:s0+s10], $0x1400, $0x38;
	[tilespmem:$0x1B480] =	vst v63  }
.Ltmp13:
0x1a5: {  	_ = 	snop;
	(pc) =	sbr.rel .LBB2_20-.Ltmp13, $4  }
0x1a6: {  	_ =	swait.ge [sflag:s21], $0x28  }
0x1a7: {  	[sflag:s21] =	ssyncset.done $0x0  }
0x1a8: {  	[sflag:s21] =	ssyncadd.s32 $0xFFFFFFD8  }
0x1a9: {  	[spmem:s2] =	stream.indirect.scatter.add.f32 [tilespmem:s17], [sflag:$0x6], $0x80, s25, s29, $0xb8;
	[tilespmem:$0x1B480] =	vst v63  }
.LBB2_22:
0x1aa: {  	_ =	sfence.sel $0x180000  }
0x1ab: {  	[bflag:$0x0] =	sbarrier.arrive $0xFFFF  }
0x1ac: {  	_ =	strace $0x90000047  }
0x1ad: {  	s0 =	stileid.u32;
	[bflag:$0x2] =	sbarrier.arrive $0xFFFF  }
0x1ae: {  	p0 =	sne.s32 s0, $0x0;
	s0 =	rddreg [dreg:$0x3]  }
0x1af: {  	s0 =	sadd.s32 @!p0 $0x100000, s0  }
0x1b0: {  	[sflag:s0] =	ssyncadd.tile.s32 @!p0 $0x1;
	_ =	shalt  }
.Lfunc_end2:
_tile_overlayer_lowered:
.L_overlay_start_2:
0x1b1: {  	(tag) =	ssettag $0x2  }
0x1b2: {  	s0 =	rddreg [dreg:$0x0];
	s2 =	stileid.u32  }
0x1b3: {  	s1 =	rddreg [dreg:$0x1];
	p0 =	sne.s32 s2, $0x0  }
0x1b4: {  	s3 =	rddreg [dreg:$0x2];
	[bflag:$0x3] =	sbarrier.arrive $0xFFFF;
	s2 =	simm.s32 @!p0 $0x1C0F  }
0x1b5: {  	[timem:s3], [sflag:s2] =	dma.local @!p0 [hbm:s0], s1  }
0x1b6: {  	s0 =	simm.s32 @!p0 $0xF  }
0x1b7: {  	_ =	swait.ge @!p0 [sflag:s0], s1  }
0x1b8: {  	s1 =	ssub.s32 @!p0 $0x0, s1;
	[sflag:s0] =	ssyncset.done @!p0 $0x0  }
0x1b9: {  	[sflag:s0] =	ssyncadd.s32 @!p0 s1  }
0x1ba: {  	[bflag:$0x3] =	sbarrier.arrive $0xFFFF  }
0x1bb: {  	_ =	shalt  }

</sc_bundles>
